<compile_context>
chip_gen: v7x
topology: tpu7x:2x2x1
jax: 0.10.2.dev20260603
libtpu: 0.0.44.dev20260713+nightly
codegen_flags: <defaults>
</compile_context>

<pallas_src>
import functools

import jax
import jax.numpy as jnp
from jax import lax
from jax.experimental import pallas as pl
from jax.experimental.pallas import tpu as pltpu
from jax.experimental.pallas import tpu_sc as plsc

N = 10000
E = 320000
EH = E
D_IN = 128
D_NODE = 128
D_EATTR = 4
D_EDGE = 64
N_TYPES = 17

NC = 2
NS = 16
NW = NC * NS

C = 80
CPW = EH // C // NW
GRP = 5
CS = 40
CPWS = EH // CS // NW
GRPS = 5

NPAD = 10240
RPT = NPAD // NS

BN = 2000
BE = 5000

F32 = jnp.float32


def _dot(a, b):
    return jnp.dot(a, b, preferred_element_type=F32)


_dot_hi = _dot
_dot3 = _dot


def _mesh():
    return plsc.VectorSubcoreMesh(core_axis_name="c", subcore_axis_name="s")


def _sc_gather(UV1, UV2, src, dst, half):

    @functools.partial(
        pl.kernel,
        out_type=[jax.ShapeDtypeStruct((EH, D_NODE), F32),
                  jax.ShapeDtypeStruct((EH, D_NODE), F32)],
        mesh=_mesh(),
        scratch_types=(
            [pltpu.VMEM((GRP * C,), jnp.int32), pltpu.VMEM((GRP * C,), jnp.int32)]
            + [pltpu.VMEM((C, D_NODE), F32) for _ in range(2 * GRP)]
            + [pltpu.SemaphoreType.DMA, pltpu.SemaphoreType.DMA,
               pltpu.SemaphoreType.DMA]
        ),
    )
    def k(u_hbm, v_hbm, src_hbm, dst_hbm, g1_hbm, g2_hbm, *rest):
        src_v, dst_v = rest[0], rest[1]
        bufs = rest[2:2 + 2 * GRP]
        isem, gsem, wsem = rest[2 + 2 * GRP:]
        wid = lax.axis_index("s") * NC + lax.axis_index("c")
        ebase = half * EH + wid * CPW * C

        def group(g, carry):
            e0 = ebase + g * (GRP * C)
            o0 = e0 - half * EH
            hi0 = pltpu.async_copy(src_hbm.at[pl.ds(e0, GRP * C)], src_v, isem)
            hi1 = pltpu.async_copy(dst_hbm.at[pl.ds(e0, GRP * C)], dst_v, isem)
            hi0.wait()
            hi1.wait()
            hs = []
            for b in range(GRP):
                iu = src_v.at[pl.ds(b * C, C)]
                iv = dst_v.at[pl.ds(b * C, C)]
                hs.append(pltpu.async_copy(u_hbm.at[iu], bufs[2 * b], gsem))
                hs.append(pltpu.async_copy(v_hbm.at[iv], bufs[2 * b + 1], gsem))
            for h in hs:
                h.wait()
            ws = []
            for b in range(GRP):
                row0 = o0 + b * C
                ws.append(pltpu.async_copy(bufs[2 * b], g1_hbm.at[pl.ds(row0, C)], wsem))
                ws.append(pltpu.async_copy(bufs[2 * b + 1], g2_hbm.at[pl.ds(row0, C)], wsem))
            for h in ws:
                h.wait()
            return carry

        lax.fori_loop(0, CPW // GRP, group, 0)

    return k(UV1, UV2, src, dst)


def _sc_scatter(e_feat, dst, zeros_init, half):

    @functools.partial(
        pl.kernel,
        out_type=jax.ShapeDtypeStruct((NC, NPAD, D_NODE), F32),
        mesh=_mesh(),
        scratch_types=(
            [pltpu.VMEM((CS,), jnp.int32) for _ in range(GRPS)]
            + [pltpu.VMEM((GRPS * CS, D_NODE), F32),
               pltpu.VMEM_SHARED((NPAD, D_NODE), F32),
               pltpu.SemaphoreType.DMA, pltpu.SemaphoreType.DMA]
        ),
    )
    def k(e_hbm, dst_hbm, z_hbm, out_hbm, *rest):
        idxbufs = rest[:GRPS]
        dbuf, acc_sh = rest[GRPS], rest[GRPS + 1]
        isem, ssem = rest[GRPS + 2], rest[GRPS + 3]
        c = lax.axis_index("c")
        s = lax.axis_index("s")
        wid = s * NC + c
        obase = wid * CPWS * CS
        ibase = half * EH + obase
        pltpu.sync_copy(z_hbm.at[pl.ds(s * RPT, RPT)], acc_sh.at[pl.ds(s * RPT, RPT)])
        plsc.subcore_barrier()

        def group(g, carry):
            o0 = obase + g * (GRPS * CS)
            i0 = ibase + g * (GRPS * CS)
            his = [pltpu.async_copy(dst_hbm.at[pl.ds(i0 + b * CS, CS)], idxbufs[b], isem)
                   for b in range(GRPS)]
            pltpu.sync_copy(e_hbm.at[pl.ds(o0, GRPS * CS)], dbuf)
            for h in his:
                h.wait()
            hs = []
            for b in range(GRPS):
                hs.append(pltpu.async_copy(
                    dbuf.at[pl.ds(b * CS, CS)], acc_sh.at[idxbufs[b]], ssem,
                    add=True))
            for h in hs:
                h.wait()
            return carry

        lax.fori_loop(0, CPWS // GRPS, group, 0)
        plsc.subcore_barrier()
        pltpu.sync_copy(acc_sh.at[pl.ds(s * RPT, RPT)],
                        out_hbm.at[c, pl.ds(s * RPT, RPT)])

    return k(e_feat, dst, zeros_init)


def _full(shape):
    nd = len(shape)
    return pl.BlockSpec(shape, lambda i, _n=nd: (0,) * _n)


def _tc_embed(x, nt, Wst, bst, W1sd, W1ds):
    def body(x_ref, nt_ref, wst_ref, bst_ref, w1s_ref, w1d_ref,
             nf_ref, u_ref, v_ref):
        xb = x_ref[...]
        ntb = nt_ref[...]
        acc = jnp.zeros((BN, D_NODE), F32)
        for t in range(N_TYPES):
            yt = _dot_hi(xb, wst_ref[t]) + bst_ref[t][None]
            acc = acc + jnp.where(ntb == t, yt, 0.0)
        nf_ref[...] = acc
        u_ref[...] = _dot_hi(acc, w1s_ref[...])
        v_ref[...] = _dot_hi(acc, w1d_ref[...])

    return pl.pallas_call(
        body,
        grid=(N // BN,),
        in_specs=[
            pl.BlockSpec((BN, D_IN), lambda i: (i, 0)),
            pl.BlockSpec((BN, 1), lambda i: (i, 0)),
            _full((N_TYPES, D_IN, D_NODE)),
            _full((N_TYPES, D_NODE)),
            _full((D_NODE, D_NODE)),
            _full((D_NODE, D_NODE)),
        ],
        out_specs=[
            pl.BlockSpec((BN, D_NODE), lambda i: (i, 0)),
            pl.BlockSpec((BN, D_NODE), lambda i: (i, 0)),
            pl.BlockSpec((BN, D_NODE), lambda i: (i, 0)),
        ],
        out_shape=[
            jax.ShapeDtypeStruct((N, D_NODE), F32),
            jax.ShapeDtypeStruct((N, D_NODE), F32),
            jax.ShapeDtypeStruct((N, D_NODE), F32),
        ],
    )(x, nt, Wst, bst, W1sd, W1ds)


def _tc_edge1(G1, G2, ea, We, be, W1e_p, b1_p, W2_pp, b2_p):
    def body(g1_ref, g2_ref, ea_ref, we_ref, be_ref, w1e_ref, b1_ref,
             w2_ref, b2_ref, e_ref):
        ef = _dot(ea_ref[...], we_ref[...]) + be_ref[...]
        p = _dot(ef, w1e_ref[...])
        h = jnp.maximum(g1_ref[...] + g2_ref[...] + p + b1_ref[...], 0.0)
        e_ref[...] = _dot(h, w2_ref[...]) + b2_ref[...]

    return pl.pallas_call(
        body,
        grid=(EH // BE,),
        in_specs=[
            pl.BlockSpec((BE, D_NODE), lambda i: (i, 0)),
            pl.BlockSpec((BE, D_NODE), lambda i: (i, 0)),
            pl.BlockSpec((BE, D_EATTR), lambda i: (i, 0)),
            _full((D_EATTR, D_EDGE)),
            _full((1, D_EDGE)),
            _full((D_EDGE, D_NODE)),
            _full((1, D_NODE)),
            _full((D_NODE, D_NODE)),
            _full((1, D_NODE)),
        ],
        out_specs=pl.BlockSpec((BE, D_NODE), lambda i: (i, 0)),
        out_shape=jax.ShapeDtypeStruct((EH, D_NODE), F32),
    )(G1, G2, ea, We, be, W1e_p, b1_p, W2_pp, b2_p)


def _tc_edge2(G1, G2, ep, W1e_pp, b1_p, W2_pp, b2_p, Wec1_p, bec1, Wec2, bec2):
    def body(g1_ref, g2_ref, ep_ref, w1e_ref, b1_ref, w2_ref, b2_ref,
             wec1_ref, bec1_ref, wec2_ref, bec2_ref, e_ref, pe_ref):
        p = _dot3(ep_ref[...], w1e_ref[...])
        h = jnp.maximum(g1_ref[...] + g2_ref[...] + p + b1_ref[...], 0.0)
        e_new = _dot3(h, w2_ref[...]) + b2_ref[...]
        e_ref[...] = e_new
        t = jnp.maximum(_dot(e_new, wec1_ref[...]) + bec1_ref[...], 0.0)
        pe_ref[...] = _dot(t, wec2_ref[...]) + bec2_ref[...]

    return pl.pallas_call(
        body,
        grid=(EH // BE,),
        in_specs=[
            pl.BlockSpec((BE, D_NODE), lambda i: (i, 0)),
            pl.BlockSpec((BE, D_NODE), lambda i: (i, 0)),
            pl.BlockSpec((BE, D_NODE), lambda i: (i, 0)),
            _full((D_NODE, D_NODE)),
            _full((1, D_NODE)),
            _full((D_NODE, D_NODE)),
            _full((1, D_NODE)),
            _full((D_NODE, 32)),
            _full((1, 32)),
            _full((32, 1)),
            _full((1, 1)),
        ],
        out_specs=[
            pl.BlockSpec((BE, D_NODE), lambda i: (i, 0)),
            pl.BlockSpec((BE, 1), lambda i: (i, 0)),
        ],
        out_shape=[
            jax.ShapeDtypeStruct((EH, D_NODE), F32),
            jax.ShapeDtypeStruct((EH, 1), F32),
        ],
    )(G1, G2, ep, W1e_pp, b1_p, W2_pp, b2_p, Wec1_p, bec1, Wec2, bec2)


def _tc_edge3(G1, G2, ep, W1e_pp, b1_p, W2_pp, b2_p):
    def body(g1_ref, g2_ref, ep_ref, w1e_ref, b1_ref, w2_ref, b2_ref,
             e_ref, e64_ref):
        p = _dot3(ep_ref[...], w1e_ref[...])
        h = jnp.maximum(g1_ref[...] + g2_ref[...] + p + b1_ref[...], 0.0)
        e_new = _dot3(h, w2_ref[...]) + b2_ref[...]
        e_ref[...] = e_new
        e64_ref[...] = e_new[:, :D_EDGE]

    return pl.pallas_call(
        body,
        grid=(EH // BE,),
        in_specs=[
            pl.BlockSpec((BE, D_NODE), lambda i: (i, 0)),
            pl.BlockSpec((BE, D_NODE), lambda i: (i, 0)),
            pl.BlockSpec((BE, D_NODE), lambda i: (i, 0)),
            _full((D_NODE, D_NODE)),
            _full((1, D_NODE)),
            _full((D_NODE, D_NODE)),
            _full((1, D_NODE)),
        ],
        out_specs=[
            pl.BlockSpec((BE, D_NODE), lambda i: (i, 0)),
            pl.BlockSpec((BE, D_EDGE), lambda i: (i, 0)),
        ],
        out_shape=[
            jax.ShapeDtypeStruct((EH, D_NODE), F32),
            jax.ShapeDtypeStruct((EH, D_EDGE), F32),
        ],
    )(G1, G2, ep, W1e_pp, b1_p, W2_pp, b2_p)


def _tc_node(nf, aggs, WnA, WnB_p, bn, W1sd, W1ds):
    def body(nf_ref, a0_ref, a1_ref,
             wna_ref, wnb_ref, bn_ref, w1s_ref, w1d_ref,
             o_ref, u_ref, v_ref):
        agg = a0_ref[...] + a1_ref[...]
        nn = _dot_hi(nf_ref[...], wna_ref[...]) + _dot_hi(agg, wnb_ref[...]) + bn_ref[...]
        o_ref[...] = nn
        u_ref[...] = _dot_hi(nn, w1s_ref[...])
        v_ref[...] = _dot_hi(nn, w1d_ref[...])

    aspec = pl.BlockSpec((BN, D_NODE), lambda i: (i, 0))
    return pl.pallas_call(
        body,
        grid=(N // BN,),
        in_specs=[aspec, aspec, aspec,
                  _full((D_NODE, D_NODE)),
                  _full((D_NODE, D_NODE)),
                  _full((1, D_NODE)),
                  _full((D_NODE, D_NODE)),
                  _full((D_NODE, D_NODE))],
        out_specs=[aspec, aspec, aspec],
        out_shape=[
            jax.ShapeDtypeStruct((N, D_NODE), F32),
            jax.ShapeDtypeStruct((N, D_NODE), F32),
            jax.ShapeDtypeStruct((N, D_NODE), F32),
        ],
    )(nf, aggs[0], aggs[1], WnA, WnB_p, bn, W1sd, W1ds)


def _tc_node3(nf, aggs, WnA, WnB_p, bn, Wnc1, bnc1, Wnc2, bnc2, Wc1, bc1, Wc2, bc2):
    def body(nf_ref, a0_ref, a1_ref, wna_ref, wnb_ref, bn_ref,
             wnc1_ref, bnc1_ref, wnc2_ref, bnc2_ref,
             wc1_ref, bc1_ref, wc2_ref, bc2_ref,
             o_ref, pn_ref, pc_ref):
        agg = a0_ref[...] + a1_ref[...]
        nn = _dot_hi(nf_ref[...], wna_ref[...]) + _dot_hi(agg, wnb_ref[...]) + bn_ref[...]
        o_ref[...] = nn
        t1 = jnp.maximum(_dot_hi(nn, wnc1_ref[...]) + bnc1_ref[...], 0.0)
        pn_ref[...] = _dot_hi(t1, wnc2_ref[...]) + bnc2_ref[...]
        t2 = jnp.maximum(_dot_hi(nn, wc1_ref[...]) + bc1_ref[...], 0.0)
        pc_ref[...] = _dot_hi(t2, wc2_ref[...]) + bc2_ref[...]

    aspec = pl.BlockSpec((BN, D_NODE), lambda i: (i, 0))
    return pl.pallas_call(
        body,
        grid=(N // BN,),
        in_specs=[aspec, aspec, aspec,
                  _full((D_NODE, D_NODE)),
                  _full((D_NODE, D_NODE)),
                  _full((1, D_NODE)),
                  _full((D_NODE, 32)),
                  _full((1, 32)),
                  _full((32, 1)),
                  _full((1, 1)),
                  _full((D_NODE, 32)),
                  _full((1, 32)),
                  _full((32, 8)),
                  _full((1, 8))],
        out_specs=[aspec,
                   pl.BlockSpec((BN, 1), lambda i: (i, 0)),
                   pl.BlockSpec((BN, 8), lambda i: (i, 0))],
        out_shape=[
            jax.ShapeDtypeStruct((N, D_NODE), F32),
            jax.ShapeDtypeStruct((N, 1), F32),
            jax.ShapeDtypeStruct((N, 8), F32),
        ],
    )(nf, aggs[0], aggs[1], WnA, WnB_p, bn,
      Wnc1, bnc1, Wnc2, bnc2, Wc1, bc1, Wc2, bc2)


def kernel(x, edge_attr, edge_index, node_types, params):
    src = edge_index[0]
    dst = edge_index[1]
    nt = node_types.reshape(N, 1)

    Wst = jnp.stack([p[0][0] for p in params['node_mlps']])
    bst = jnp.stack([p[0][1] for p in params['node_mlps']])
    We, be = params['edge_emb'][0]
    (W1, b1), (W2, b2) = params['mp_edge']
    Wn, bn = params['mp_node'][0]
    (Wec1, bec1), (Wec2, bec2) = params['edge_cls']
    (Wnc1, bnc1), (Wnc2, bnc2) = params['node_cls']
    (Wc1, bc1), (Wc2, bc2) = params['cls']

    W1s, W1d, W1e = W1[:D_NODE], W1[D_NODE:2 * D_NODE], W1[2 * D_NODE:]
    WnA, WnB = Wn[:D_NODE], Wn[D_NODE:]
    r1 = lambda v: v.reshape(1, -1)

    zc = jnp.zeros((D_EDGE, D_EDGE), F32)
    zr = jnp.zeros((D_EDGE,), F32)
    W1sd = jnp.concatenate([W1s, W1d], axis=1)
    W1ds = jnp.concatenate([W1d, W1s], axis=1)
    W1e_p = jnp.concatenate([W1e, zc], axis=1)
    W1e_pp = jnp.concatenate([W1e_p, jnp.zeros((D_EDGE, D_NODE), F32)], axis=0)
    W2_pp = jnp.concatenate(
        [jnp.concatenate([W2, zc], axis=1),
         jnp.zeros((D_EDGE, D_NODE), F32)], axis=0)
    b1_p = jnp.concatenate([b1, zr])
    b2_p = jnp.concatenate([b2, zr])
    WnB_p = jnp.concatenate([WnB, jnp.zeros((D_EDGE, D_NODE), F32)], axis=0)
    Wec1_p = jnp.concatenate([Wec1, jnp.zeros((D_EDGE, 32), F32)], axis=0)

    zeros_init = jnp.zeros((NPAD, D_NODE), F32)
    ea0, ea1 = edge_attr[:EH], edge_attr[EH:]

    nf, U, V = _tc_embed(x, nt, Wst, bst, W1sd, W1ds)

    G1, G2 = _sc_gather(U, V, src, dst, 0)
    e1 = _tc_edge1(G1, G2, edge_attr, We, r1(be), W1e_p, r1(b1_p), W2_pp, r1(b2_p))
    p = _sc_scatter(e1, dst, zeros_init, 0)
    aggs = (p[0, :N], p[1, :N])
    nf, U, V = _tc_node(nf, aggs, WnA, WnB_p, r1(bn), W1sd, W1ds)

    G1, G2 = _sc_gather(U, V, src, dst, 0)
    e2, pe = _tc_edge2(G1, G2, e1, W1e_pp, r1(b1_p), W2_pp, r1(b2_p),
                       Wec1_p, r1(bec1), Wec2, r1(bec2))
    p = _sc_scatter(e2, dst, zeros_init, 0)
    aggs = (p[0, :N], p[1, :N])
    nf, U, V = _tc_node(nf, aggs, WnA, WnB_p, r1(bn), W1sd, W1ds)

    G1, G2 = _sc_gather(U, V, src, dst, 0)
    e3, e3_64 = _tc_edge3(G1, G2, e2, W1e_pp, r1(b1_p), W2_pp, r1(b2_p))
    p = _sc_scatter(e3, dst, zeros_init, 0)
    aggs = (p[0, :N], p[1, :N])
    nf3, pn, pc = _tc_node3(nf, aggs, WnA, WnB_p, r1(bn),
                            Wnc1, r1(bnc1), Wnc2, r1(bnc2),
                            Wc1, r1(bc1), Wc2, r1(bc2))

    return (pe.reshape(E), pn.reshape(N), pc, nf3, e3_64)

# --- scband reference (transcript-rebuilt; emitter-appended) ---
"""Pipeline reference for scband-node-classification-mpntype-based-79568564126389 (READ-ONLY COPY).

The authoritative reference and input builder live on the scoring server;
editing this copy changes nothing except your own understanding.
"""

import jax, jax.numpy as jnp
import numpy as np

N = 10000
E = 320000
D_IN = 128
D_NODE = 128
D_EATTR = 4
D_EDGE = 64
N_TYPES = 17
EDGE_STEPS = 2
NODE_STEPS = 1


def _make_mlp_params(key, sizes):
    params = []
    for i in range(len(sizes) - 1):
        key, k = jax.random.split(key)
        W = jax.random.normal(k, (sizes[i], sizes[i + 1]), dtype=jnp.float32) * (1.0 / np.sqrt(sizes[i]))
        b = jnp.zeros((sizes[i + 1],), dtype=jnp.float32)
        params.append((W, b))
    return params


def _mlp(params, x, end_with_relu=False):
    n = len(params)
    for i, (W, b) in enumerate(params):
        x = x @ W + b
        if i < n - 1 or end_with_relu:
            x = jax.nn.relu(x)
    return x


def _build_params(key):
    node_mlps = [_make_mlp_params(jax.random.fold_in(key, 100 + i), [D_IN, D_NODE]) for i in range(N_TYPES)]
    return {
        'node_mlps': node_mlps,
        'edge_emb': _make_mlp_params(jax.random.fold_in(key, 1), [D_EATTR, D_EDGE]),
        'mp_edge': _make_mlp_params(jax.random.fold_in(key, 2), [2 * D_NODE + D_EDGE, 64, D_EDGE]),
        'mp_node': _make_mlp_params(jax.random.fold_in(key, 3), [D_NODE + D_EDGE, D_NODE]),
        'edge_cls': _make_mlp_params(jax.random.fold_in(key, 4), [D_EDGE, 32, 1]),
        'node_cls': _make_mlp_params(jax.random.fold_in(key, 5), [D_NODE, 32, 1]),
        'cls': _make_mlp_params(jax.random.fold_in(key, 6), [D_NODE, 32, 8]),
    }


def setup_inputs(seed: int = 0):
    key = jax.random.key(seed)
    ks = jax.random.split(key, 4)
    x = jax.random.normal(ks[0], (N, D_IN), dtype=jnp.float32)
    edge_attr = jax.random.normal(ks[1], (E, D_EATTR), dtype=jnp.float32)
    edge_index = jax.random.randint(ks[2], (2, E), 0, N, dtype=jnp.int32)
    node_types = jax.random.randint(ks[3], (N,), 0, N_TYPES, dtype=jnp.int32)
    params = _build_params(jax.random.fold_in(key, 7))
    return {'x': x, 'edge_attr': edge_attr, 'edge_index': edge_index, 'node_types': node_types, 'params': params}


def _node_embedding(params, x, node_types):
    # NodeMlpType: out[node_types == i] = mlp_i(x[node_types == i]); masks are a disjoint
    # partition of rows, so masked sum over all 17 type-MLPs is mathematically identical.
    out = jnp.zeros((x.shape[0], D_NODE), dtype=jnp.float32)
    for i in range(N_TYPES):
        mask = (node_types == i)[:, None].astype(x.dtype)
        out = out + mask * _mlp(params['node_mlps'][i], x)
    return out


def _mp_layer(params, node_f, edge_f, edge_index):
    src = edge_index[0]
    dst = edge_index[1]
    e_in = jnp.concatenate([node_f[src], node_f[dst], edge_f], axis=1)
    e_new = _mlp(params['mp_edge'], e_in)
    agg = jax.ops.segment_sum(e_new, dst, num_segments=node_f.shape[0])
    n_new = _mlp(params['mp_node'], jnp.concatenate([node_f, agg], axis=1))
    return n_new, e_new


def reference(x, edge_attr, edge_index, node_types, params):
    node_features = _node_embedding(params, x, node_types)
    edge_features = _mlp(params['edge_emb'], edge_attr)
    for _ in range(EDGE_STEPS):
        node_features, edge_features = _mp_layer(params, node_features, edge_features, edge_index)
    pred_edge = _mlp(params['edge_cls'], edge_features).squeeze(-1)
    for _ in range(NODE_STEPS):
        node_features, edge_features = _mp_layer(params, node_features, edge_features, edge_index)
    pred_node = _mlp(params['node_cls'], node_features).squeeze(-1)
    pred_class = _mlp(params['cls'], node_features)
    return (pred_edge, pred_node, pred_class, node_features, edge_features)

if __name__ == "__main__":
    import jax
    _d = setup_inputs()
    print(jax.jit(kernel)(*tuple(_d.values())))

</pallas_src>

<mosaic_0001>
#map = affine_map<(d0, d1) -> (0, 0)>
#map1 = affine_map<(d0, d1) -> (0)>
module attributes {stable_mosaic.version = 14 : i64} {
  func.func @k(%arg0: i32, %arg1: i32, %arg2: memref<10000x128xf32, #tpu.memory_space<hbm>>, %arg3: memref<10000x128xf32, #tpu.memory_space<hbm>>, %arg4: memref<320000xi32, #tpu.memory_space<hbm>>, %arg5: memref<320000xi32, #tpu.memory_space<hbm>>, %arg6: memref<320000x128xf32, #tpu.memory_space<hbm>>, %arg7: memref<320000x128xf32, #tpu.memory_space<hbm>>, %arg8: memref<400xi32, #tpu.memory_space<vmem>>, %arg9: memref<400xi32, #tpu.memory_space<vmem>>, %arg10: memref<80x128xf32, #tpu.memory_space<vmem>>, %arg11: memref<80x128xf32, #tpu.memory_space<vmem>>, %arg12: memref<80x128xf32, #tpu.memory_space<vmem>>, %arg13: memref<80x128xf32, #tpu.memory_space<vmem>>, %arg14: memref<80x128xf32, #tpu.memory_space<vmem>>, %arg15: memref<80x128xf32, #tpu.memory_space<vmem>>, %arg16: memref<80x128xf32, #tpu.memory_space<vmem>>, %arg17: memref<80x128xf32, #tpu.memory_space<vmem>>, %arg18: memref<80x128xf32, #tpu.memory_space<vmem>>, %arg19: memref<80x128xf32, #tpu.memory_space<vmem>>, %arg20: memref<!tpu.dma_semaphore, #tpu.memory_space<semaphore_mem>>, %arg21: memref<!tpu.dma_semaphore, #tpu.memory_space<semaphore_mem>>, %arg22: memref<!tpu.dma_semaphore, #tpu.memory_space<semaphore_mem>>) attributes {dimension_semantics = [#tpu.dimension_semantics<core_parallel>, #tpu.dimension_semantics<subcore_parallel>], iteration_bounds = array<i64: 2, 16>, scalar_prefetch = 0 : i64, scratch_operands = 15 : i64, tpu.core_type = #tpu.core_type<sc_vector_subcore>, window_params = [{transform_indices = #map}, {transform_indices = #map}, {transform_indices = #map1}, {transform_indices = #map1}, {transform_indices = #map}, {transform_indices = #map}]} {
    %mul3A = arith.constant 2 : i32
    %mul3A_0 = arith.muli %arg1, %mul3A : i32
    %add3A = arith.addi %mul3A_0, %arg0 : i32
    %mul3A_1 = arith.constant 125 : i32
    %mul3A_2 = arith.muli %add3A, %mul3A_1 : i32
    %mul3A_3 = arith.constant 80 : i32
    %mul3A_4 = arith.muli %mul3A_2, %mul3A_3 : i32
    %add3A_5 = arith.constant 0 : i32
    %add3A_6 = arith.addi %add3A_5, %mul3A_4 : i32
    %scan3A = arith.constant 0 : i32
    %scan3A_7 = arith.constant 0 : i32
    %scan3A_8 = arith.constant 25 : i32
    %scan3A_9 = arith.addi %scan3A_7, %scan3A_8 : i32
    %scan3A_10 = arith.constant 1 : i32
    scf.for %scan3A_12 = %scan3A_7 to %scan3A_9 step %scan3A_10  : i32 {
      %mul3A_13 = arith.constant 400 : i32
      %mul3A_14 = arith.muli %scan3A_12, %mul3A_13 : i32
      %add3A_15 = arith.addi %add3A_6, %mul3A_14 : i32
      %sub3A = arith.constant 0 : i32
      %sub3A_16 = arith.subi %add3A_15, %sub3A : i32
      %dma_start3A = tpu.memref_slice %arg4[%add3A_15] : memref<320000xi32, #tpu.memory_space<hbm>> -> memref<400xi32, #tpu.memory_space<hbm>>
      %dma_start3A_17 = tpu.memref_slice %arg4[%add3A_15] : memref<320000xi32, #tpu.memory_space<hbm>> -> memref<400xi32, #tpu.memory_space<hbm>>
      tpu.enqueue_dma source(%dma_start3A_17 : memref<400xi32, #tpu.memory_space<hbm>>) target(%arg8 : memref<400xi32, #tpu.memory_space<vmem>>) target_semaphore(%arg20 : memref<!tpu.dma_semaphore, #tpu.memory_space<semaphore_mem>>)
      %dma_start3A_18 = tpu.memref_slice %arg5[%add3A_15] : memref<320000xi32, #tpu.memory_space<hbm>> -> memref<400xi32, #tpu.memory_space<hbm>>
      %dma_start3A_19 = tpu.memref_slice %arg5[%add3A_15] : memref<320000xi32, #tpu.memory_space<hbm>> -> memref<400xi32, #tpu.memory_space<hbm>>
      tpu.enqueue_dma source(%dma_start3A_19 : memref<400xi32, #tpu.memory_space<hbm>>) target(%arg9 : memref<400xi32, #tpu.memory_space<vmem>>) target_semaphore(%arg20 : memref<!tpu.dma_semaphore, #tpu.memory_space<semaphore_mem>>)
      %dma_wait3A = tpu.memref_slice %arg4[%add3A_15] : memref<320000xi32, #tpu.memory_space<hbm>> -> memref<400xi32, #tpu.memory_space<hbm>>
      %dma_wait3A_20 = tpu.memref_slice %arg4[%add3A_15] : memref<320000xi32, #tpu.memory_space<hbm>> -> memref<400xi32, #tpu.memory_space<hbm>>
      tpu.wait_dma2 semaphore(%arg20 : memref<!tpu.dma_semaphore, #tpu.memory_space<semaphore_mem>>) src(%dma_wait3A_20 : memref<400xi32, #tpu.memory_space<hbm>>) dst(%arg8 : memref<400xi32, #tpu.memory_space<vmem>>)
      %dma_wait3A_21 = tpu.memref_slice %arg5[%add3A_15] : memref<320000xi32, #tpu.memory_space<hbm>> -> memref<400xi32, #tpu.memory_space<hbm>>
      %dma_wait3A_22 = tpu.memref_slice %arg5[%add3A_15] : memref<320000xi32, #tpu.memory_space<hbm>> -> memref<400xi32, #tpu.memory_space<hbm>>
      tpu.wait_dma2 semaphore(%arg20 : memref<!tpu.dma_semaphore, #tpu.memory_space<semaphore_mem>>) src(%dma_wait3A_22 : memref<400xi32, #tpu.memory_space<hbm>>) dst(%arg9 : memref<400xi32, #tpu.memory_space<vmem>>)
      %dma_start3A_23 = arith.constant 0 : i32
      %dma_start3A_24 = tpu.memref_slice %arg8[%dma_start3A_23] : memref<400xi32, #tpu.memory_space<vmem>> -> memref<80xi32, #tpu.memory_space<vmem>>
      %dma_start3A_25 = arith.constant 0 : i32
      %dma_start3A_26 = arith.constant 0 : i32
      %dma_start3A_27 = tpu.memref_slice %arg2[%dma_start3A_25, %dma_start3A_26] : memref<10000x128xf32, #tpu.memory_space<hbm>> -> memref<10000x128xf32, #tpu.memory_space<hbm>>
      tpu.enqueue_indirect_dma source(%dma_start3A_27 : memref<10000x128xf32, #tpu.memory_space<hbm>>) target(%arg10 : memref<80x128xf32, #tpu.memory_space<vmem>>) offsets(%dma_start3A_24 : memref<80xi32, #tpu.memory_space<vmem>>) semaphore(%arg21 : memref<!tpu.dma_semaphore, #tpu.memory_space<semaphore_mem>>)
      %dma_start3A_28 = arith.constant 0 : i32
      %dma_start3A_29 = tpu.memref_slice %arg9[%dma_start3A_28] : memref<400xi32, #tpu.memory_space<vmem>> -> memref<80xi32, #tpu.memory_space<vmem>>
      %dma_start3A_30 = arith.constant 0 : i32
      %dma_start3A_31 = arith.constant 0 : i32
      %dma_start3A_32 = tpu.memref_slice %arg3[%dma_start3A_30, %dma_start3A_31] : memref<10000x128xf32, #tpu.memory_space<hbm>> -> memref<10000x128xf32, #tpu.memory_space<hbm>>
      tpu.enqueue_indirect_dma source(%dma_start3A_32 : memref<10000x128xf32, #tpu.memory_space<hbm>>) target(%arg11 : memref<80x128xf32, #tpu.memory_space<vmem>>) offsets(%dma_start3A_29 : memref<80xi32, #tpu.memory_space<vmem>>) semaphore(%arg21 : memref<!tpu.dma_semaphore, #tpu.memory_space<semaphore_mem>>)
      %dma_start3A_33 = arith.constant 80 : i32
      %dma_start3A_34 = tpu.memref_slice %arg8[%dma_start3A_33] : memref<400xi32, #tpu.memory_space<vmem>> -> memref<80xi32, #tpu.memory_space<vmem>>
      %dma_start3A_35 = arith.constant 0 : i32
      %dma_start3A_36 = arith.constant 0 : i32
      %dma_start3A_37 = tpu.memref_slice %arg2[%dma_start3A_35, %dma_start3A_36] : memref<10000x128xf32, #tpu.memory_space<hbm>> -> memref<10000x128xf32, #tpu.memory_space<hbm>>
      tpu.enqueue_indirect_dma source(%dma_start3A_37 : memref<10000x128xf32, #tpu.memory_space<hbm>>) target(%arg12 : memref<80x128xf32, #tpu.memory_space<vmem>>) offsets(%dma_start3A_34 : memref<80xi32, #tpu.memory_space<vmem>>) semaphore(%arg21 : memref<!tpu.dma_semaphore, #tpu.memory_space<semaphore_mem>>)
      %dma_start3A_38 = arith.constant 80 : i32
      %dma_start3A_39 = tpu.memref_slice %arg9[%dma_start3A_38] : memref<400xi32, #tpu.memory_space<vmem>> -> memref<80xi32, #tpu.memory_space<vmem>>
      %dma_start3A_40 = arith.constant 0 : i32
      %dma_start3A_41 = arith.constant 0 : i32
      %dma_start3A_42 = tpu.memref_slice %arg3[%dma_start3A_40, %dma_start3A_41] : memref<10000x128xf32, #tpu.memory_space<hbm>> -> memref<10000x128xf32, #tpu.memory_space<hbm>>
      tpu.enqueue_indirect_dma source(%dma_start3A_42 : memref<10000x128xf32, #tpu.memory_space<hbm>>) target(%arg13 : memref<80x128xf32, #tpu.memory_space<vmem>>) offsets(%dma_start3A_39 : memref<80xi32, #tpu.memory_space<vmem>>) semaphore(%arg21 : memref<!tpu.dma_semaphore, #tpu.memory_space<semaphore_mem>>)
      %dma_start3A_43 = arith.constant 160 : i32
      %dma_start3A_44 = tpu.memref_slice %arg8[%dma_start3A_43] : memref<400xi32, #tpu.memory_space<vmem>> -> memref<80xi32, #tpu.memory_space<vmem>>
      %dma_start3A_45 = arith.constant 0 : i32
      %dma_start3A_46 = arith.constant 0 : i32
      %dma_start3A_47 = tpu.memref_slice %arg2[%dma_start3A_45, %dma_start3A_46] : memref<10000x128xf32, #tpu.memory_space<hbm>> -> memref<10000x128xf32, #tpu.memory_space<hbm>>
      tpu.enqueue_indirect_dma source(%dma_start3A_47 : memref<10000x128xf32, #tpu.memory_space<hbm>>) target(%arg14 : memref<80x128xf32, #tpu.memory_space<vmem>>) offsets(%dma_start3A_44 : memref<80xi32, #tpu.memory_space<vmem>>) semaphore(%arg21 : memref<!tpu.dma_semaphore, #tpu.memory_space<semaphore_mem>>)
      %dma_start3A_48 = arith.constant 160 : i32
      %dma_start3A_49 = tpu.memref_slice %arg9[%dma_start3A_48] : memref<400xi32, #tpu.memory_space<vmem>> -> memref<80xi32, #tpu.memory_space<vmem>>
      %dma_start3A_50 = arith.constant 0 : i32
      %dma_start3A_51 = arith.constant 0 : i32
      %dma_start3A_52 = tpu.memref_slice %arg3[%dma_start3A_50, %dma_start3A_51] : memref<10000x128xf32, #tpu.memory_space<hbm>> -> memref<10000x128xf32, #tpu.memory_space<hbm>>
      tpu.enqueue_indirect_dma source(%dma_start3A_52 : memref<10000x128xf32, #tpu.memory_space<hbm>>) target(%arg15 : memref<80x128xf32, #tpu.memory_space<vmem>>) offsets(%dma_start3A_49 : memref<80xi32, #tpu.memory_space<vmem>>) semaphore(%arg21 : memref<!tpu.dma_semaphore, #tpu.memory_space<semaphore_mem>>)
      %dma_start3A_53 = arith.constant 240 : i32
      %dma_start3A_54 = tpu.memref_slice %arg8[%dma_start3A_53] : memref<400xi32, #tpu.memory_space<vmem>> -> memref<80xi32, #tpu.memory_space<vmem>>
      %dma_start3A_55 = arith.constant 0 : i32
      %dma_start3A_56 = arith.constant 0 : i32
      %dma_start3A_57 = tpu.memref_slice %arg2[%dma_start3A_55, %dma_start3A_56] : memref<10000x128xf32, #tpu.memory_space<hbm>> -> memref<10000x128xf32, #tpu.memory_space<hbm>>
      tpu.enqueue_indirect_dma source(%dma_start3A_57 : memref<10000x128xf32, #tpu.memory_space<hbm>>) target(%arg16 : memref<80x128xf32, #tpu.memory_space<vmem>>) offsets(%dma_start3A_54 : memref<80xi32, #tpu.memory_space<vmem>>) semaphore(%arg21 : memref<!tpu.dma_semaphore, #tpu.memory_space<semaphore_mem>>)
      %dma_start3A_58 = arith.constant 240 : i32
      %dma_start3A_59 = tpu.memref_slice %arg9[%dma_start3A_58] : memref<400xi32, #tpu.memory_space<vmem>> -> memref<80xi32, #tpu.memory_space<vmem>>
      %dma_start3A_60 = arith.constant 0 : i32
      %dma_start3A_61 = arith.constant 0 : i32
      %dma_start3A_62 = tpu.memref_slice %arg3[%dma_start3A_60, %dma_start3A_61] : memref<10000x128xf32, #tpu.memory_space<hbm>> -> memref<10000x128xf32, #tpu.memory_space<hbm>>
      tpu.enqueue_indirect_dma source(%dma_start3A_62 : memref<10000x128xf32, #tpu.memory_space<hbm>>) target(%arg17 : memref<80x128xf32, #tpu.memory_space<vmem>>) offsets(%dma_start3A_59 : memref<80xi32, #tpu.memory_space<vmem>>) semaphore(%arg21 : memref<!tpu.dma_semaphore, #tpu.memory_space<semaphore_mem>>)
      %dma_start3A_63 = arith.constant 320 : i32
      %dma_start3A_64 = tpu.memref_slice %arg8[%dma_start3A_63] : memref<400xi32, #tpu.memory_space<vmem>> -> memref<80xi32, #tpu.memory_space<vmem>>
      %dma_start3A_65 = arith.constant 0 : i32
      %dma_start3A_66 = arith.constant 0 : i32
      %dma_start3A_67 = tpu.memref_slice %arg2[%dma_start3A_65, %dma_start3A_66] : memref<10000x128xf32, #tpu.memory_space<hbm>> -> memref<10000x128xf32, #tpu.memory_space<hbm>>
      tpu.enqueue_indirect_dma source(%dma_start3A_67 : memref<10000x128xf32, #tpu.memory_space<hbm>>) target(%arg18 : memref<80x128xf32, #tpu.memory_space<vmem>>) offsets(%dma_start3A_64 : memref<80xi32, #tpu.memory_space<vmem>>) semaphore(%arg21 : memref<!tpu.dma_semaphore, #tpu.memory_space<semaphore_mem>>)
      %dma_start3A_68 = arith.constant 320 : i32
      %dma_start3A_69 = tpu.memref_slice %arg9[%dma_start3A_68] : memref<400xi32, #tpu.memory_space<vmem>> -> memref<80xi32, #tpu.memory_space<vmem>>
      %dma_start3A_70 = arith.constant 0 : i32
      %dma_start3A_71 = arith.constant 0 : i32
      %dma_start3A_72 = tpu.memref_slice %arg3[%dma_start3A_70, %dma_start3A_71] : memref<10000x128xf32, #tpu.memory_space<hbm>> -> memref<10000x128xf32, #tpu.memory_space<hbm>>
      tpu.enqueue_indirect_dma source(%dma_start3A_72 : memref<10000x128xf32, #tpu.memory_space<hbm>>) target(%arg19 : memref<80x128xf32, #tpu.memory_space<vmem>>) offsets(%dma_start3A_69 : memref<80xi32, #tpu.memory_space<vmem>>) semaphore(%arg21 : memref<!tpu.dma_semaphore, #tpu.memory_space<semaphore_mem>>)
      %dma_wait3A_73 = arith.constant 0 : i32
      %dma_wait3A_74 = tpu.memref_slice %arg8[%dma_wait3A_73] : memref<400xi32, #tpu.memory_space<vmem>> -> memref<80xi32, #tpu.memory_space<vmem>>
      %dma_wait3A_75 = arith.constant 0 : i32
      %dma_wait3A_76 = arith.constant 0 : i32
      %dma_wait3A_77 = tpu.memref_slice %arg2[%dma_wait3A_75, %dma_wait3A_76] : memref<10000x128xf32, #tpu.memory_space<hbm>> -> memref<10000x128xf32, #tpu.memory_space<hbm>>
      tpu.wait_indirect_dma semaphore(%arg21 : memref<!tpu.dma_semaphore, #tpu.memory_space<semaphore_mem>>) src(%dma_wait3A_77 : memref<10000x128xf32, #tpu.memory_space<hbm>>) dst(%arg10 : memref<80x128xf32, #tpu.memory_space<vmem>>)
      %dma_wait3A_78 = arith.constant 0 : i32
      %dma_wait3A_79 = tpu.memref_slice %arg9[%dma_wait3A_78] : memref<400xi32, #tpu.memory_space<vmem>> -> memref<80xi32, #tpu.memory_space<vmem>>
      %dma_wait3A_80 = arith.constant 0 : i32
      %dma_wait3A_81 = arith.constant 0 : i32
      %dma_wait3A_82 = tpu.memref_slice %arg3[%dma_wait3A_80, %dma_wait3A_81] : memref<10000x128xf32, #tpu.memory_space<hbm>> -> memref<10000x128xf32, #tpu.memory_space<hbm>>
      tpu.wait_indirect_dma semaphore(%arg21 : memref<!tpu.dma_semaphore, #tpu.memory_space<semaphore_mem>>) src(%dma_wait3A_82 : memref<10000x128xf32, #tpu.memory_space<hbm>>) dst(%arg11 : memref<80x128xf32, #tpu.memory_space<vmem>>)
      %dma_wait3A_83 = arith.constant 80 : i32
      %dma_wait3A_84 = tpu.memref_slice %arg8[%dma_wait3A_83] : memref<400xi32, #tpu.memory_space<vmem>> -> memref<80xi32, #tpu.memory_space<vmem>>
      %dma_wait3A_85 = arith.constant 0 : i32
      %dma_wait3A_86 = arith.constant 0 : i32
      %dma_wait3A_87 = tpu.memref_slice %arg2[%dma_wait3A_85, %dma_wait3A_86] : memref<10000x128xf32, #tpu.memory_space<hbm>> -> memref<10000x128xf32, #tpu.memory_space<hbm>>
      tpu.wait_indirect_dma semaphore(%arg21 : memref<!tpu.dma_semaphore, #tpu.memory_space<semaphore_mem>>) src(%dma_wait3A_87 : memref<10000x128xf32, #tpu.memory_space<hbm>>) dst(%arg12 : memref<80x128xf32, #tpu.memory_space<vmem>>)
      %dma_wait3A_88 = arith.constant 80 : i32
      %dma_wait3A_89 = tpu.memref_slice %arg9[%dma_wait3A_88] : memref<400xi32, #tpu.memory_space<vmem>> -> memref<80xi32, #tpu.memory_space<vmem>>
      %dma_wait3A_90 = arith.constant 0 : i32
      %dma_wait3A_91 = arith.constant 0 : i32
      %dma_wait3A_92 = tpu.memref_slice %arg3[%dma_wait3A_90, %dma_wait3A_91] : memref<10000x128xf32, #tpu.memory_space<hbm>> -> memref<10000x128xf32, #tpu.memory_space<hbm>>
      tpu.wait_indirect_dma semaphore(%arg21 : memref<!tpu.dma_semaphore, #tpu.memory_space<semaphore_mem>>) src(%dma_wait3A_92 : memref<10000x128xf32, #tpu.memory_space<hbm>>) dst(%arg13 : memref<80x128xf32, #tpu.memory_space<vmem>>)
      %dma_wait3A_93 = arith.constant 160 : i32
      %dma_wait3A_94 = tpu.memref_slice %arg8[%dma_wait3A_93] : memref<400xi32, #tpu.memory_space<vmem>> -> memref<80xi32, #tpu.memory_space<vmem>>
      %dma_wait3A_95 = arith.constant 0 : i32
      %dma_wait3A_96 = arith.constant 0 : i32
      %dma_wait3A_97 = tpu.memref_slice %arg2[%dma_wait3A_95, %dma_wait3A_96] : memref<10000x128xf32, #tpu.memory_space<hbm>> -> memref<10000x128xf32, #tpu.memory_space<hbm>>
      tpu.wait_indirect_dma semaphore(%arg21 : memref<!tpu.dma_semaphore, #tpu.memory_space<semaphore_mem>>) src(%dma_wait3A_97 : memref<10000x128xf32, #tpu.memory_space<hbm>>) dst(%arg14 : memref<80x128xf32, #tpu.memory_space<vmem>>)
      %dma_wait3A_98 = arith.constant 160 : i32
      %dma_wait3A_99 = tpu.memref_slice %arg9[%dma_wait3A_98] : memref<400xi32, #tpu.memory_space<vmem>> -> memref<80xi32, #tpu.memory_space<vmem>>
      %dma_wait3A_100 = arith.constant 0 : i32
      %dma_wait3A_101 = arith.constant 0 : i32
      %dma_wait3A_102 = tpu.memref_slice %arg3[%dma_wait3A_100, %dma_wait3A_101] : memref<10000x128xf32, #tpu.memory_space<hbm>> -> memref<10000x128xf32, #tpu.memory_space<hbm>>
      tpu.wait_indirect_dma semaphore(%arg21 : memref<!tpu.dma_semaphore, #tpu.memory_space<semaphore_mem>>) src(%dma_wait3A_102 : memref<10000x128xf32, #tpu.memory_space<hbm>>) dst(%arg15 : memref<80x128xf32, #tpu.memory_space<vmem>>)
      %dma_wait3A_103 = arith.constant 240 : i32
      %dma_wait3A_104 = tpu.memref_slice %arg8[%dma_wait3A_103] : memref<400xi32, #tpu.memory_space<vmem>> -> memref<80xi32, #tpu.memory_space<vmem>>
      %dma_wait3A_105 = arith.constant 0 : i32
      %dma_wait3A_106 = arith.constant 0 : i32
      %dma_wait3A_107 = tpu.memref_slice %arg2[%dma_wait3A_105, %dma_wait3A_106] : memref<10000x128xf32, #tpu.memory_space<hbm>> -> memref<10000x128xf32, #tpu.memory_space<hbm>>
      tpu.wait_indirect_dma semaphore(%arg21 : memref<!tpu.dma_semaphore, #tpu.memory_space<semaphore_mem>>) src(%dma_wait3A_107 : memref<10000x128xf32, #tpu.memory_space<hbm>>) dst(%arg16 : memref<80x128xf32, #tpu.memory_space<vmem>>)
      %dma_wait3A_108 = arith.constant 240 : i32
      %dma_wait3A_109 = tpu.memref_slice %arg9[%dma_wait3A_108] : memref<400xi32, #tpu.memory_space<vmem>> -> memref<80xi32, #tpu.memory_space<vmem>>
      %dma_wait3A_110 = arith.constant 0 : i32
      %dma_wait3A_111 = arith.constant 0 : i32
      %dma_wait3A_112 = tpu.memref_slice %arg3[%dma_wait3A_110, %dma_wait3A_111] : memref<10000x128xf32, #tpu.memory_space<hbm>> -> memref<10000x128xf32, #tpu.memory_space<hbm>>
      tpu.wait_indirect_dma semaphore(%arg21 : memref<!tpu.dma_semaphore, #tpu.memory_space<semaphore_mem>>) src(%dma_wait3A_112 : memref<10000x128xf32, #tpu.memory_space<hbm>>) dst(%arg17 : memref<80x128xf32, #tpu.memory_space<vmem>>)
      %dma_wait3A_113 = arith.constant 320 : i32
      %dma_wait3A_114 = tpu.memref_slice %arg8[%dma_wait3A_113] : memref<400xi32, #tpu.memory_space<vmem>> -> memref<80xi32, #tpu.memory_space<vmem>>
      %dma_wait3A_115 = arith.constant 0 : i32
      %dma_wait3A_116 = arith.constant 0 : i32
      %dma_wait3A_117 = tpu.memref_slice %arg2[%dma_wait3A_115, %dma_wait3A_116] : memref<10000x128xf32, #tpu.memory_space<hbm>> -> memref<10000x128xf32, #tpu.memory_space<hbm>>
      tpu.wait_indirect_dma semaphore(%arg21 : memref<!tpu.dma_semaphore, #tpu.memory_space<semaphore_mem>>) src(%dma_wait3A_117 : memref<10000x128xf32, #tpu.memory_space<hbm>>) dst(%arg18 : memref<80x128xf32, #tpu.memory_space<vmem>>)
      %dma_wait3A_118 = arith.constant 320 : i32
      %dma_wait3A_119 = tpu.memref_slice %arg9[%dma_wait3A_118] : memref<400xi32, #tpu.memory_space<vmem>> -> memref<80xi32, #tpu.memory_space<vmem>>
      %dma_wait3A_120 = arith.constant 0 : i32
      %dma_wait3A_121 = arith.constant 0 : i32
      %dma_wait3A_122 = tpu.memref_slice %arg3[%dma_wait3A_120, %dma_wait3A_121] : memref<10000x128xf32, #tpu.memory_space<hbm>> -> memref<10000x128xf32, #tpu.memory_space<hbm>>
      tpu.wait_indirect_dma semaphore(%arg21 : memref<!tpu.dma_semaphore, #tpu.memory_space<semaphore_mem>>) src(%dma_wait3A_122 : memref<10000x128xf32, #tpu.memory_space<hbm>>) dst(%arg19 : memref<80x128xf32, #tpu.memory_space<vmem>>)
      %add3A_123 = arith.constant 0 : i32
      %add3A_124 = arith.addi %sub3A_16, %add3A_123 : i32
      %dma_start3A_125 = arith.constant 0 : i32
      %dma_start3A_126 = tpu.memref_slice %arg6[%add3A_124, %dma_start3A_125] : memref<320000x128xf32, #tpu.memory_space<hbm>> -> memref<80x128xf32, #tpu.memory_space<hbm>>
      %dma_start3A_127 = arith.constant 0 : i32
      %dma_start3A_128 = tpu.memref_slice %arg6[%add3A_124, %dma_start3A_127] : memref<320000x128xf32, #tpu.memory_space<hbm>> -> memref<80x128xf32, #tpu.memory_space<hbm>>
      tpu.enqueue_dma source(%arg10 : memref<80x128xf32, #tpu.memory_space<vmem>>) target(%dma_start3A_128 : memref<80x128xf32, #tpu.memory_space<hbm>>) target_semaphore(%arg22 : memref<!tpu.dma_semaphore, #tpu.memory_space<semaphore_mem>>)
      %dma_start3A_129 = arith.constant 0 : i32
      %dma_start3A_130 = tpu.memref_slice %arg7[%add3A_124, %dma_start3A_129] : memref<320000x128xf32, #tpu.memory_space<hbm>> -> memref<80x128xf32, #tpu.memory_space<hbm>>
      %dma_start3A_131 = arith.constant 0 : i32
      %dma_start3A_132 = tpu.memref_slice %arg7[%add3A_124, %dma_start3A_131] : memref<320000x128xf32, #tpu.memory_space<hbm>> -> memref<80x128xf32, #tpu.memory_space<hbm>>
      tpu.enqueue_dma source(%arg11 : memref<80x128xf32, #tpu.memory_space<vmem>>) target(%dma_start3A_132 : memref<80x128xf32, #tpu.memory_space<hbm>>) target_semaphore(%arg22 : memref<!tpu.dma_semaphore, #tpu.memory_space<semaphore_mem>>)
      %add3A_133 = arith.constant 80 : i32
      %add3A_134 = arith.addi %sub3A_16, %add3A_133 : i32
      %dma_start3A_135 = arith.constant 0 : i32
      %dma_start3A_136 = tpu.memref_slice %arg6[%add3A_134, %dma_start3A_135] : memref<320000x128xf32, #tpu.memory_space<hbm>> -> memref<80x128xf32, #tpu.memory_space<hbm>>
      %dma_start3A_137 = arith.constant 0 : i32
      %dma_start3A_138 = tpu.memref_slice %arg6[%add3A_134, %dma_start3A_137] : memref<320000x128xf32, #tpu.memory_space<hbm>> -> memref<80x128xf32, #tpu.memory_space<hbm>>
      tpu.enqueue_dma source(%arg12 : memref<80x128xf32, #tpu.memory_space<vmem>>) target(%dma_start3A_138 : memref<80x128xf32, #tpu.memory_space<hbm>>) target_semaphore(%arg22 : memref<!tpu.dma_semaphore, #tpu.memory_space<semaphore_mem>>)
      %dma_start3A_139 = arith.constant 0 : i32
      %dma_start3A_140 = tpu.memref_slice %arg7[%add3A_134, %dma_start3A_139] : memref<320000x128xf32, #tpu.memory_space<hbm>> -> memref<80x128xf32, #tpu.memory_space<hbm>>
      %dma_start3A_141 = arith.constant 0 : i32
      %dma_start3A_142 = tpu.memref_slice %arg7[%add3A_134, %dma_start3A_141] : memref<320000x128xf32, #tpu.memory_space<hbm>> -> memref<80x128xf32, #tpu.memory_space<hbm>>
      tpu.enqueue_dma source(%arg13 : memref<80x128xf32, #tpu.memory_space<vmem>>) target(%dma_start3A_142 : memref<80x128xf32, #tpu.memory_space<hbm>>) target_semaphore(%arg22 : memref<!tpu.dma_semaphore, #tpu.memory_space<semaphore_mem>>)
      %add3A_143 = arith.constant 160 : i32
      %add3A_144 = arith.addi %sub3A_16, %add3A_143 : i32
      %dma_start3A_145 = arith.constant 0 : i32
      %dma_start3A_146 = tpu.memref_slice %arg6[%add3A_144, %dma_start3A_145] : memref<320000x128xf32, #tpu.memory_space<hbm>> -> memref<80x128xf32, #tpu.memory_space<hbm>>
      %dma_start3A_147 = arith.constant 0 : i32
      %dma_start3A_148 = tpu.memref_slice %arg6[%add3A_144, %dma_start3A_147] : memref<320000x128xf32, #tpu.memory_space<hbm>> -> memref<80x128xf32, #tpu.memory_space<hbm>>
      tpu.enqueue_dma source(%arg14 : memref<80x128xf32, #tpu.memory_space<vmem>>) target(%dma_start3A_148 : memref<80x128xf32, #tpu.memory_space<hbm>>) target_semaphore(%arg22 : memref<!tpu.dma_semaphore, #tpu.memory_space<semaphore_mem>>)
      %dma_start3A_149 = arith.constant 0 : i32
      %dma_start3A_150 = tpu.memref_slice %arg7[%add3A_144, %dma_start3A_149] : memref<320000x128xf32, #tpu.memory_space<hbm>> -> memref<80x128xf32, #tpu.memory_space<hbm>>
      %dma_start3A_151 = arith.constant 0 : i32
      %dma_start3A_152 = tpu.memref_slice %arg7[%add3A_144, %dma_start3A_151] : memref<320000x128xf32, #tpu.memory_space<hbm>> -> memref<80x128xf32, #tpu.memory_space<hbm>>
      tpu.enqueue_dma source(%arg15 : memref<80x128xf32, #tpu.memory_space<vmem>>) target(%dma_start3A_152 : memref<80x128xf32, #tpu.memory_space<hbm>>) target_semaphore(%arg22 : memref<!tpu.dma_semaphore, #tpu.memory_space<semaphore_mem>>)
      %add3A_153 = arith.constant 240 : i32
      %add3A_154 = arith.addi %sub3A_16, %add3A_153 : i32
      %dma_start3A_155 = arith.constant 0 : i32
      %dma_start3A_156 = tpu.memref_slice %arg6[%add3A_154, %dma_start3A_155] : memref<320000x128xf32, #tpu.memory_space<hbm>> -> memref<80x128xf32, #tpu.memory_space<hbm>>
      %dma_start3A_157 = arith.constant 0 : i32
      %dma_start3A_158 = tpu.memref_slice %arg6[%add3A_154, %dma_start3A_157] : memref<320000x128xf32, #tpu.memory_space<hbm>> -> memref<80x128xf32, #tpu.memory_space<hbm>>
      tpu.enqueue_dma source(%arg16 : memref<80x128xf32, #tpu.memory_space<vmem>>) target(%dma_start3A_158 : memref<80x128xf32, #tpu.memory_space<hbm>>) target_semaphore(%arg22 : memref<!tpu.dma_semaphore, #tpu.memory_space<semaphore_mem>>)
      %dma_start3A_159 = arith.constant 0 : i32
      %dma_start3A_160 = tpu.memref_slice %arg7[%add3A_154, %dma_start3A_159] : memref<320000x128xf32, #tpu.memory_space<hbm>> -> memref<80x128xf32, #tpu.memory_space<hbm>>
      %dma_start3A_161 = arith.constant 0 : i32
      %dma_start3A_162 = tpu.memref_slice %arg7[%add3A_154, %dma_start3A_161] : memref<320000x128xf32, #tpu.memory_space<hbm>> -> memref<80x128xf32, #tpu.memory_space<hbm>>
      tpu.enqueue_dma source(%arg17 : memref<80x128xf32, #tpu.memory_space<vmem>>) target(%dma_start3A_162 : memref<80x128xf32, #tpu.memory_space<hbm>>) target_semaphore(%arg22 : memref<!tpu.dma_semaphore, #tpu.memory_space<semaphore_mem>>)
      %add3A_163 = arith.constant 320 : i32
      %add3A_164 = arith.addi %sub3A_16, %add3A_163 : i32
      %dma_start3A_165 = arith.constant 0 : i32
      %dma_start3A_166 = tpu.memref_slice %arg6[%add3A_164, %dma_start3A_165] : memref<320000x128xf32, #tpu.memory_space<hbm>> -> memref<80x128xf32, #tpu.memory_space<hbm>>
      %dma_start3A_167 = arith.constant 0 : i32
      %dma_start3A_168 = tpu.memref_slice %arg6[%add3A_164, %dma_start3A_167] : memref<320000x128xf32, #tpu.memory_space<hbm>> -> memref<80x128xf32, #tpu.memory_space<hbm>>
      tpu.enqueue_dma source(%arg18 : memref<80x128xf32, #tpu.memory_space<vmem>>) target(%dma_start3A_168 : memref<80x128xf32, #tpu.memory_space<hbm>>) target_semaphore(%arg22 : memref<!tpu.dma_semaphore, #tpu.memory_space<semaphore_mem>>)
      %dma_start3A_169 = arith.constant 0 : i32
      %dma_start3A_170 = tpu.memref_slice %arg7[%add3A_164, %dma_start3A_169] : memref<320000x128xf32, #tpu.memory_space<hbm>> -> memref<80x128xf32, #tpu.memory_space<hbm>>
      %dma_start3A_171 = arith.constant 0 : i32
      %dma_start3A_172 = tpu.memref_slice %arg7[%add3A_164, %dma_start3A_171] : memref<320000x128xf32, #tpu.memory_space<hbm>> -> memref<80x128xf32, #tpu.memory_space<hbm>>
      tpu.enqueue_dma source(%arg19 : memref<80x128xf32, #tpu.memory_space<vmem>>) target(%dma_start3A_172 : memref<80x128xf32, #tpu.memory_space<hbm>>) target_semaphore(%arg22 : memref<!tpu.dma_semaphore, #tpu.memory_space<semaphore_mem>>)
      %dma_wait3A_173 = arith.constant 0 : i32
      %dma_wait3A_174 = tpu.memref_slice %arg6[%add3A_124, %dma_wait3A_173] : memref<320000x128xf32, #tpu.memory_space<hbm>> -> memref<80x128xf32, #tpu.memory_space<hbm>>
      %dma_wait3A_175 = arith.constant 0 : i32
      %dma_wait3A_176 = tpu.memref_slice %arg6[%add3A_124, %dma_wait3A_175] : memref<320000x128xf32, #tpu.memory_space<hbm>> -> memref<80x128xf32, #tpu.memory_space<hbm>>
      tpu.wait_dma2 semaphore(%arg22 : memref<!tpu.dma_semaphore, #tpu.memory_space<semaphore_mem>>) src(%arg10 : memref<80x128xf32, #tpu.memory_space<vmem>>) dst(%dma_wait3A_176 : memref<80x128xf32, #tpu.memory_space<hbm>>)
      %dma_wait3A_177 = arith.constant 0 : i32
      %dma_wait3A_178 = tpu.memref_slice %arg7[%add3A_124, %dma_wait3A_177] : memref<320000x128xf32, #tpu.memory_space<hbm>> -> memref<80x128xf32, #tpu.memory_space<hbm>>
      %dma_wait3A_179 = arith.constant 0 : i32
      %dma_wait3A_180 = tpu.memref_slice %arg7[%add3A_124, %dma_wait3A_179] : memref<320000x128xf32, #tpu.memory_space<hbm>> -> memref<80x128xf32, #tpu.memory_space<hbm>>
      tpu.wait_dma2 semaphore(%arg22 : memref<!tpu.dma_semaphore, #tpu.memory_space<semaphore_mem>>) src(%arg11 : memref<80x128xf32, #tpu.memory_space<vmem>>) dst(%dma_wait3A_180 : memref<80x128xf32, #tpu.memory_space<hbm>>)
      %dma_wait3A_181 = arith.constant 0 : i32
      %dma_wait3A_182 = tpu.memref_slice %arg6[%add3A_134, %dma_wait3A_181] : memref<320000x128xf32, #tpu.memory_space<hbm>> -> memref<80x128xf32, #tpu.memory_space<hbm>>
      %dma_wait3A_183 = arith.constant 0 : i32
      %dma_wait3A_184 = tpu.memref_slice %arg6[%add3A_134, %dma_wait3A_183] : memref<320000x128xf32, #tpu.memory_space<hbm>> -> memref<80x128xf32, #tpu.memory_space<hbm>>
      tpu.wait_dma2 semaphore(%arg22 : memref<!tpu.dma_semaphore, #tpu.memory_space<semaphore_mem>>) src(%arg12 : memref<80x128xf32, #tpu.memory_space<vmem>>) dst(%dma_wait3A_184 : memref<80x128xf32, #tpu.memory_space<hbm>>)
      %dma_wait3A_185 = arith.constant 0 : i32
      %dma_wait3A_186 = tpu.memref_slice %arg7[%add3A_134, %dma_wait3A_185] : memref<320000x128xf32, #tpu.memory_space<hbm>> -> memref<80x128xf32, #tpu.memory_space<hbm>>
      %dma_wait3A_187 = arith.constant 0 : i32
      %dma_wait3A_188 = tpu.memref_slice %arg7[%add3A_134, %dma_wait3A_187] : memref<320000x128xf32, #tpu.memory_space<hbm>> -> memref<80x128xf32, #tpu.memory_space<hbm>>
      tpu.wait_dma2 semaphore(%arg22 : memref<!tpu.dma_semaphore, #tpu.memory_space<semaphore_mem>>) src(%arg13 : memref<80x128xf32, #tpu.memory_space<vmem>>) dst(%dma_wait3A_188 : memref<80x128xf32, #tpu.memory_space<hbm>>)
      %dma_wait3A_189 = arith.constant 0 : i32
      %dma_wait3A_190 = tpu.memref_slice %arg6[%add3A_144, %dma_wait3A_189] : memref<320000x128xf32, #tpu.memory_space<hbm>> -> memref<80x128xf32, #tpu.memory_space<hbm>>
      %dma_wait3A_191 = arith.constant 0 : i32
      %dma_wait3A_192 = tpu.memref_slice %arg6[%add3A_144, %dma_wait3A_191] : memref<320000x128xf32, #tpu.memory_space<hbm>> -> memref<80x128xf32, #tpu.memory_space<hbm>>
      tpu.wait_dma2 semaphore(%arg22 : memref<!tpu.dma_semaphore, #tpu.memory_space<semaphore_mem>>) src(%arg14 : memref<80x128xf32, #tpu.memory_space<vmem>>) dst(%dma_wait3A_192 : memref<80x128xf32, #tpu.memory_space<hbm>>)
      %dma_wait3A_193 = arith.constant 0 : i32
      %dma_wait3A_194 = tpu.memref_slice %arg7[%add3A_144, %dma_wait3A_193] : memref<320000x128xf32, #tpu.memory_space<hbm>> -> memref<80x128xf32, #tpu.memory_space<hbm>>
      %dma_wait3A_195 = arith.constant 0 : i32
      %dma_wait3A_196 = tpu.memref_slice %arg7[%add3A_144, %dma_wait3A_195] : memref<320000x128xf32, #tpu.memory_space<hbm>> -> memref<80x128xf32, #tpu.memory_space<hbm>>
      tpu.wait_dma2 semaphore(%arg22 : memref<!tpu.dma_semaphore, #tpu.memory_space<semaphore_mem>>) src(%arg15 : memref<80x128xf32, #tpu.memory_space<vmem>>) dst(%dma_wait3A_196 : memref<80x128xf32, #tpu.memory_space<hbm>>)
      %dma_wait3A_197 = arith.constant 0 : i32
      %dma_wait3A_198 = tpu.memref_slice %arg6[%add3A_154, %dma_wait3A_197] : memref<320000x128xf32, #tpu.memory_space<hbm>> -> memref<80x128xf32, #tpu.memory_space<hbm>>
      %dma_wait3A_199 = arith.constant 0 : i32
      %dma_wait3A_200 = tpu.memref_slice %arg6[%add3A_154, %dma_wait3A_199] : memref<320000x128xf32, #tpu.memory_space<hbm>> -> memref<80x128xf32, #tpu.memory_space<hbm>>
      tpu.wait_dma2 semaphore(%arg22 : memref<!tpu.dma_semaphore, #tpu.memory_space<semaphore_mem>>) src(%arg16 : memref<80x128xf32, #tpu.memory_space<vmem>>) dst(%dma_wait3A_200 : memref<80x128xf32, #tpu.memory_space<hbm>>)
      %dma_wait3A_201 = arith.constant 0 : i32
      %dma_wait3A_202 = tpu.memref_slice %arg7[%add3A_154, %dma_wait3A_201] : memref<320000x128xf32, #tpu.memory_space<hbm>> -> memref<80x128xf32, #tpu.memory_space<hbm>>
      %dma_wait3A_203 = arith.constant 0 : i32
      %dma_wait3A_204 = tpu.memref_slice %arg7[%add3A_154, %dma_wait3A_203] : memref<320000x128xf32, #tpu.memory_space<hbm>> -> memref<80x128xf32, #tpu.memory_space<hbm>>
      tpu.wait_dma2 semaphore(%arg22 : memref<!tpu.dma_semaphore, #tpu.memory_space<semaphore_mem>>) src(%arg17 : memref<80x128xf32, #tpu.memory_space<vmem>>) dst(%dma_wait3A_204 : memref<80x128xf32, #tpu.memory_space<hbm>>)
      %dma_wait3A_205 = arith.constant 0 : i32
      %dma_wait3A_206 = tpu.memref_slice %arg6[%add3A_164, %dma_wait3A_205] : memref<320000x128xf32, #tpu.memory_space<hbm>> -> memref<80x128xf32, #tpu.memory_space<hbm>>
      %dma_wait3A_207 = arith.constant 0 : i32
      %dma_wait3A_208 = tpu.memref_slice %arg6[%add3A_164, %dma_wait3A_207] : memref<320000x128xf32, #tpu.memory_space<hbm>> -> memref<80x128xf32, #tpu.memory_space<hbm>>
      tpu.wait_dma2 semaphore(%arg22 : memref<!tpu.dma_semaphore, #tpu.memory_space<semaphore_mem>>) src(%arg18 : memref<80x128xf32, #tpu.memory_space<vmem>>) dst(%dma_wait3A_208 : memref<80x128xf32, #tpu.memory_space<hbm>>)
      %dma_wait3A_209 = arith.constant 0 : i32
      %dma_wait3A_210 = tpu.memref_slice %arg7[%add3A_164, %dma_wait3A_209] : memref<320000x128xf32, #tpu.memory_space<hbm>> -> memref<80x128xf32, #tpu.memory_space<hbm>>
      %dma_wait3A_211 = arith.constant 0 : i32
      %dma_wait3A_212 = tpu.memref_slice %arg7[%add3A_164, %dma_wait3A_211] : memref<320000x128xf32, #tpu.memory_space<hbm>> -> memref<80x128xf32, #tpu.memory_space<hbm>>
      tpu.wait_dma2 semaphore(%arg22 : memref<!tpu.dma_semaphore, #tpu.memory_space<semaphore_mem>>) src(%arg19 : memref<80x128xf32, #tpu.memory_space<vmem>>) dst(%dma_wait3A_212 : memref<80x128xf32, #tpu.memory_space<hbm>>)
    }
    %scan3A_11 = arith.constant 25 : i32
    return
  }
}

#map = affine_map<(d0, d1) -> (0, 0)>
#map1 = affine_map<(d0, d1) -> (0)>
module attributes {stable_mosaic.version = 14 : i64} {
  func.func @k(%arg0: i32, %arg1: i32, %arg2: memref<10000x128xf32, #tpu.memory_space<hbm>>, %arg3: memref<10000x128xf32, #tpu.memory_space<hbm>>, %arg4: memref<320000xi32, #tpu.memory_space<hbm>>, %arg5: memref<320000xi32, #tpu.memory_space<hbm>>, %arg6: memref<320000x128xf32, #tpu.memory_space<hbm>>, %arg7: memref<320000x128xf32, #tpu.memory_space<hbm>>, %arg8: memref<400xi32, #tpu.memory_space<vmem>>, %arg9: memref<400xi32, #tpu.memory_space<vmem>>, %arg10: memref<80x128xf32, #tpu.memory_space<vmem>>, %arg11: memref<80x128xf32, #tpu.memory_space<vmem>>, %arg12: memref<80x128xf32, #tpu.memory_space<vmem>>, %arg13: memref<80x128xf32, #tpu.memory_space<vmem>>, %arg14: memref<80x128xf32, #tpu.memory_space<vmem>>, %arg15: memref<80x128xf32, #tpu.memory_space<vmem>>, %arg16: memref<80x128xf32, #tpu.memory_space<vmem>>, %arg17: memref<80x128xf32, #tpu.memory_space<vmem>>, %arg18: memref<80x128xf32, #tpu.memory_space<vmem>>, %arg19: memref<80x128xf32, #tpu.memory_space<vmem>>, %arg20: memref<!tpu.dma_semaphore, #tpu.memory_space<semaphore_mem>>, %arg21: memref<!tpu.dma_semaphore, #tpu.memory_space<semaphore_mem>>, %arg22: memref<!tpu.dma_semaphore, #tpu.memory_space<semaphore_mem>>) attributes {dimension_semantics = [#tpu.dimension_semantics<core_parallel>, #tpu.dimension_semantics<subcore_parallel>], iteration_bounds = array<i64: 2, 16>, scalar_prefetch = 0 : i64, scratch_operands = 15 : i64, tpu.core_type = #tpu.core_type<sc_vector_subcore>, window_params = [{transform_indices = #map}, {transform_indices = #map}, {transform_indices = #map1}, {transform_indices = #map1}, {transform_indices = #map}, {transform_indices = #map}]} {
    %mul3A = arith.constant 2 : i32
    %mul3A_0 = arith.muli %arg1, %mul3A : i32
    %add3A = arith.addi %mul3A_0, %arg0 : i32
    %mul3A_1 = arith.constant 125 : i32
    %mul3A_2 = arith.muli %add3A, %mul3A_1 : i32
    %mul3A_3 = arith.constant 80 : i32
    %mul3A_4 = arith.muli %mul3A_2, %mul3A_3 : i32
    %add3A_5 = arith.constant 0 : i32
    %add3A_6 = arith.addi %add3A_5, %mul3A_4 : i32
    %scan3A = arith.constant 0 : i32
    %scan3A_7 = arith.constant 0 : i32
    %scan3A_8 = arith.constant 25 : i32
    %scan3A_9 = arith.addi %scan3A_7, %scan3A_8 : i32
    %scan3A_10 = arith.constant 1 : i32
    scf.for %scan3A_12 = %scan3A_7 to %scan3A_9 step %scan3A_10  : i32 {
      %mul3A_13 = arith.constant 400 : i32
      %mul3A_14 = arith.muli %scan3A_12, %mul3A_13 : i32
      %add3A_15 = arith.addi %add3A_6, %mul3A_14 : i32
      %sub3A = arith.constant 0 : i32
      %sub3A_16 = arith.subi %add3A_15, %sub3A : i32
      %dma_start3A = tpu.memref_slice %arg4[%add3A_15] : memref<320000xi32, #tpu.memory_space<hbm>> -> memref<400xi32, #tpu.memory_space<hbm>>
      %dma_start3A_17 = tpu.memref_slice %arg4[%add3A_15] : memref<320000xi32, #tpu.memory_space<hbm>> -> memref<400xi32, #tpu.memory_space<hbm>>
      tpu.enqueue_dma source(%dma_start3A_17 : memref<400xi32, #tpu.memory_space<hbm>>) target(%arg8 : memref<400xi32, #tpu.memory_space<vmem>>) target_semaphore(%arg20 : memref<!tpu.dma_semaphore, #tpu.memory_space<semaphore_mem>>)
      %dma_start3A_18 = tpu.memref_slice %arg5[%add3A_15] : memref<320000xi32, #tpu.memory_space<hbm>> -> memref<400xi32, #tpu.memory_space<hbm>>
      %dma_start3A_19 = tpu.memref_slice %arg5[%add3A_15] : memref<320000xi32, #tpu.memory_space<hbm>> -> memref<400xi32, #tpu.memory_space<hbm>>
      tpu.enqueue_dma source(%dma_start3A_19 : memref<400xi32, #tpu.memory_space<hbm>>) target(%arg9 : memref<400xi32, #tpu.memory_space<vmem>>) target_semaphore(%arg20 : memref<!tpu.dma_semaphore, #tpu.memory_space<semaphore_mem>>)
      %dma_wait3A = tpu.memref_slice %arg4[%add3A_15] : memref<320000xi32, #tpu.memory_space<hbm>> -> memref<400xi32, #tpu.memory_space<hbm>>
      %dma_wait3A_20 = tpu.memref_slice %arg4[%add3A_15] : memref<320000xi32, #tpu.memory_space<hbm>> -> memref<400xi32, #tpu.memory_space<hbm>>
      tpu.wait_dma2 semaphore(%arg20 : memref<!tpu.dma_semaphore, #tpu.memory_space<semaphore_mem>>) src(%dma_wait3A_20 : memref<400xi32, #tpu.memory_space<hbm>>) dst(%arg8 : memref<400xi32, #tpu.memory_space<vmem>>)
      %dma_wait3A_21 = tpu.memref_slice %arg5[%add3A_15] : memref<320000xi32, #tpu.memory_space<hbm>> -> memref<400xi32, #tpu.memory_space<hbm>>
      %dma_wait3A_22 = tpu.memref_slice %arg5[%add3A_15] : memref<320000xi32, #tpu.memory_space<hbm>> -> memref<400xi32, #tpu.memory_space<hbm>>
      tpu.wait_dma2 semaphore(%arg20 : memref<!tpu.dma_semaphore, #tpu.memory_space<semaphore_mem>>) src(%dma_wait3A_22 : memref<400xi32, #tpu.memory_space<hbm>>) dst(%arg9 : memref<400xi32, #tpu.memory_space<vmem>>)
      %dma_start3A_23 = arith.constant 0 : i32
      %dma_start3A_24 = tpu.memref_slice %arg8[%dma_start3A_23] : memref<400xi32, #tpu.memory_space<vmem>> -> memref<80xi32, #tpu.memory_space<vmem>>
      %dma_start3A_25 = arith.constant 0 : i32
      %dma_start3A_26 = arith.constant 0 : i32
      %dma_start3A_27 = tpu.memref_slice %arg2[%dma_start3A_25, %dma_start3A_26] : memref<10000x128xf32, #tpu.memory_space<hbm>> -> memref<10000x128xf32, #tpu.memory_space<hbm>>
      tpu.enqueue_indirect_dma source(%dma_start3A_27 : memref<10000x128xf32, #tpu.memory_space<hbm>>) target(%arg10 : memref<80x128xf32, #tpu.memory_space<vmem>>) offsets(%dma_start3A_24 : memref<80xi32, #tpu.memory_space<vmem>>) semaphore(%arg21 : memref<!tpu.dma_semaphore, #tpu.memory_space<semaphore_mem>>)
      %dma_start3A_28 = arith.constant 0 : i32
      %dma_start3A_29 = tpu.memref_slice %arg9[%dma_start3A_28] : memref<400xi32, #tpu.memory_space<vmem>> -> memref<80xi32, #tpu.memory_space<vmem>>
      %dma_start3A_30 = arith.constant 0 : i32
      %dma_start3A_31 = arith.constant 0 : i32
      %dma_start3A_32 = tpu.memref_slice %arg3[%dma_start3A_30, %dma_start3A_31] : memref<10000x128xf32, #tpu.memory_space<hbm>> -> memref<10000x128xf32, #tpu.memory_space<hbm>>
      tpu.enqueue_indirect_dma source(%dma_start3A_32 : memref<10000x128xf32, #tpu.memory_space<hbm>>) target(%arg11 : memref<80x128xf32, #tpu.memory_space<vmem>>) offsets(%dma_start3A_29 : memref<80xi32, #tpu.memory_space<vmem>>) semaphore(%arg21 : memref<!tpu.dma_semaphore, #tpu.memory_space<semaphore_mem>>)
      %dma_start3A_33 = arith.constant 80 : i32
      %dma_start3A_34 = tpu.memref_slice %arg8[%dma_start3A_33] : memref<400xi32, #tpu.memory_space<vmem>> -> memref<80xi32, #tpu.memory_space<vmem>>
      %dma_start3A_35 = arith.constant 0 : i32
      %dma_start3A_36 = arith.constant 0 : i32
      %dma_start3A_37 = tpu.memref_slice %arg2[%dma_start3A_35, %dma_start3A_36] : memref<10000x128xf32, #tpu.memory_space<hbm>> -> memref<10000x128xf32, #tpu.memory_space<hbm>>
      tpu.enqueue_indirect_dma source(%dma_start3A_37 : memref<10000x128xf32, #tpu.memory_space<hbm>>) target(%arg12 : memref<80x128xf32, #tpu.memory_space<vmem>>) offsets(%dma_start3A_34 : memref<80xi32, #tpu.memory_space<vmem>>) semaphore(%arg21 : memref<!tpu.dma_semaphore, #tpu.memory_space<semaphore_mem>>)
      %dma_start3A_38 = arith.constant 80 : i32
      %dma_start3A_39 = tpu.memref_slice %arg9[%dma_start3A_38] : memref<400xi32, #tpu.memory_space<vmem>> -> memref<80xi32, #tpu.memory_space<vmem>>
      %dma_start3A_40 = arith.constant 0 : i32
      %dma_start3A_41 = arith.constant 0 : i32
      %dma_start3A_42 = tpu.memref_slice %arg3[%dma_start3A_40, %dma_start3A_41] : memref<10000x128xf32, #tpu.memory_space<hbm>> -> memref<10000x128xf32, #tpu.memory_space<hbm>>
      tpu.enqueue_indirect_dma source(%dma_start3A_42 : memref<10000x128xf32, #tpu.memory_space<hbm>>) target(%arg13 : memref<80x128xf32, #tpu.memory_space<vmem>>) offsets(%dma_start3A_39 : memref<80xi32, #tpu.memory_space<vmem>>) semaphore(%arg21 : memref<!tpu.dma_semaphore, #tpu.memory_space<semaphore_mem>>)
      %dma_start3A_43 = arith.constant 160 : i32
      %dma_start3A_44 = tpu.memref_slice %arg8[%dma_start3A_43] : memref<400xi32, #tpu.memory_space<vmem>> -> memref<80xi32, #tpu.memory_space<vmem>>
      %dma_start3A_45 = arith.constant 0 : i32
      %dma_start3A_46 = arith.constant 0 : i32
      %dma_start3A_47 = tpu.memref_slice %arg2[%dma_start3A_45, %dma_start3A_46] : memref<10000x128xf32, #tpu.memory_space<hbm>> -> memref<10000x128xf32, #tpu.memory_space<hbm>>
      tpu.enqueue_indirect_dma source(%dma_start3A_47 : memref<10000x128xf32, #tpu.memory_space<hbm>>) target(%arg14 : memref<80x128xf32, #tpu.memory_space<vmem>>) offsets(%dma_start3A_44 : memref<80xi32, #tpu.memory_space<vmem>>) semaphore(%arg21 : memref<!tpu.dma_semaphore, #tpu.memory_space<semaphore_mem>>)
      %dma_start3A_48 = arith.constant 160 : i32
      %dma_start3A_49 = tpu.memref_slice %arg9[%dma_start3A_48] : memref<400xi32, #tpu.memory_space<vmem>> -> memref<80xi32, #tpu.memory_space<vmem>>
      %dma_start3A_50 = arith.constant 0 : i32
      %dma_start3A_51 = arith.constant 0 : i32
      %dma_start3A_52 = tpu.memref_slice %arg3[%dma_start3A_50, %dma_start3A_51] : memref<10000x128xf32, #tpu.memory_space<hbm>> -> memref<10000x128xf32, #tpu.memory_space<hbm>>
      tpu.enqueue_indirect_dma source(%dma_start3A_52 : memref<10000x128xf32, #tpu.memory_space<hbm>>) target(%arg15 : memref<80x128xf32, #tpu.memory_space<vmem>>) offsets(%dma_start3A_49 : memref<80xi32, #tpu.memory_space<vmem>>) semaphore(%arg21 : memref<!tpu.dma_semaphore, #tpu.memory_space<semaphore_mem>>)
      %dma_start3A_53 = arith.constant 240 : i32
      %dma_start3A_54 = tpu.memref_slice %arg8[%dma_start3A_53] : memref<400xi32, #tpu.memory_space<vmem>> -> memref<80xi32, #tpu.memory_space<vmem>>
      %dma_start3A_55 = arith.constant 0 : i32
      %dma_start3A_56 = arith.constant 0 : i32
      %dma_start3A_57 = tpu.memref_slice %arg2[%dma_start3A_55, %dma_start3A_56] : memref<10000x128xf32, #tpu.memory_space<hbm>> -> memref<10000x128xf32, #tpu.memory_space<hbm>>
      tpu.enqueue_indirect_dma source(%dma_start3A_57 : memref<10000x128xf32, #tpu.memory_space<hbm>>) target(%arg16 : memref<80x128xf32, #tpu.memory_space<vmem>>) offsets(%dma_start3A_54 : memref<80xi32, #tpu.memory_space<vmem>>) semaphore(%arg21 : memref<!tpu.dma_semaphore, #tpu.memory_space<semaphore_mem>>)
      %dma_start3A_58 = arith.constant 240 : i32
      %dma_start3A_59 = tpu.memref_slice %arg9[%dma_start3A_58] : memref<400xi32, #tpu.memory_space<vmem>> -> memref<80xi32, #tpu.memory_space<vmem>>
      %dma_start3A_60 = arith.constant 0 : i32
      %dma_start3A_61 = arith.constant 0 : i32
      %dma_start3A_62 = tpu.memref_slice %arg3[%dma_start3A_60, %dma_start3A_61] : memref<10000x128xf32, #tpu.memory_space<hbm>> -> memref<10000x128xf32, #tpu.memory_space<hbm>>
      tpu.enqueue_indirect_dma source(%dma_start3A_62 : memref<10000x128xf32, #tpu.memory_space<hbm>>) target(%arg17 : memref<80x128xf32, #tpu.memory_space<vmem>>) offsets(%dma_start3A_59 : memref<80xi32, #tpu.memory_space<vmem>>) semaphore(%arg21 : memref<!tpu.dma_semaphore, #tpu.memory_space<semaphore_mem>>)
      %dma_start3A_63 = arith.constant 320 : i32
      %dma_start3A_64 = tpu.memref_slice %arg8[%dma_start3A_63] : memref<400xi32, #tpu.memory_space<vmem>> -> memref<80xi32, #tpu.memory_space<vmem>>
      %dma_start3A_65 = arith.constant 0 : i32
      %dma_start3A_66 = arith.constant 0 : i32
      %dma_start3A_67 = tpu.memref_slice %arg2[%dma_start3A_65, %dma_start3A_66] : memref<10000x128xf32, #tpu.memory_space<hbm>> -> memref<10000x128xf32, #tpu.memory_space<hbm>>
      tpu.enqueue_indirect_dma source(%dma_start3A_67 : memref<10000x128xf32, #tpu.memory_space<hbm>>) target(%arg18 : memref<80x128xf32, #tpu.memory_space<vmem>>) offsets(%dma_start3A_64 : memref<80xi32, #tpu.memory_space<vmem>>) semaphore(%arg21 : memref<!tpu.dma_semaphore, #tpu.memory_space<semaphore_mem>>)
      %dma_start3A_68 = arith.constant 320 : i32
      %dma_start3A_69 = tpu.memref_slice %arg9[%dma_start3A_68] : memref<400xi32, #tpu.memory_space<vmem>> -> memref<80xi32, #tpu.memory_space<vmem>>
      %dma_start3A_70 = arith.constant 0 : i32
      %dma_start3A_71 = arith.constant 0 : i32
      %dma_start3A_72 = tpu.memref_slice %arg3[%dma_start3A_70, %dma_start3A_71] : memref<10000x128xf32, #tpu.memory_space<hbm>> -> memref<10000x128xf32, #tpu.memory_space<hbm>>
      tpu.enqueue_indirect_dma source(%dma_start3A_72 : memref<10000x128xf32, #tpu.memory_space<hbm>>) target(%arg19 : memref<80x128xf32, #tpu.memory_space<vmem>>) offsets(%dma_start3A_69 : memref<80xi32, #tpu.memory_space<vmem>>) semaphore(%arg21 : memref<!tpu.dma_semaphore, #tpu.memory_space<semaphore_mem>>)
      %dma_wait3A_73 = arith.constant 0 : i32
      %dma_wait3A_74 = tpu.memref_slice %arg8[%dma_wait3A_73] : memref<400xi32, #tpu.memory_space<vmem>> -> memref<80xi32, #tpu.memory_space<vmem>>
      %dma_wait3A_75 = arith.constant 0 : i32
      %dma_wait3A_76 = arith.constant 0 : i32
      %dma_wait3A_77 = tpu.memref_slice %arg2[%dma_wait3A_75, %dma_wait3A_76] : memref<10000x128xf32, #tpu.memory_space<hbm>> -> memref<10000x128xf32, #tpu.memory_space<hbm>>
      tpu.wait_indirect_dma semaphore(%arg21 : memref<!tpu.dma_semaphore, #tpu.memory_space<semaphore_mem>>) src(%dma_wait3A_77 : memref<10000x128xf32, #tpu.memory_space<hbm>>) dst(%arg10 : memref<80x128xf32, #tpu.memory_space<vmem>>)
      %dma_wait3A_78 = arith.constant 0 : i32
      %dma_wait3A_79 = tpu.memref_slice %arg9[%dma_wait3A_78] : memref<400xi32, #tpu.memory_space<vmem>> -> memref<80xi32, #tpu.memory_space<vmem>>
      %dma_wait3A_80 = arith.constant 0 : i32
      %dma_wait3A_81 = arith.constant 0 : i32
      %dma_wait3A_82 = tpu.memref_slice %arg3[%dma_wait3A_80, %dma_wait3A_81] : memref<10000x128xf32, #tpu.memory_space<hbm>> -> memref<10000x128xf32, #tpu.memory_space<hbm>>
      tpu.wait_indirect_dma semaphore(%arg21 : memref<!tpu.dma_semaphore, #tpu.memory_space<semaphore_mem>>) src(%dma_wait3A_82 : memref<10000x128xf32, #tpu.memory_space<hbm>>) dst(%arg11 : memref<80x128xf32, #tpu.memory_space<vmem>>)
      %dma_wait3A_83 = arith.constant 80 : i32
      %dma_wait3A_84 = tpu.memref_slice %arg8[%dma_wait3A_83] : memref<400xi32, #tpu.memory_space<vmem>> -> memref<80xi32, #tpu.memory_space<vmem>>
      %dma_wait3A_85 = arith.constant 0 : i32
      %dma_wait3A_86 = arith.constant 0 : i32
      %dma_wait3A_87 = tpu.memref_slice %arg2[%dma_wait3A_85, %dma_wait3A_86] : memref<10000x128xf32, #tpu.memory_space<hbm>> -> memref<10000x128xf32, #tpu.memory_space<hbm>>
      tpu.wait_indirect_dma semaphore(%arg21 : memref<!tpu.dma_semaphore, #tpu.memory_space<semaphore_mem>>) src(%dma_wait3A_87 : memref<10000x128xf32, #tpu.memory_space<hbm>>) dst(%arg12 : memref<80x128xf32, #tpu.memory_space<vmem>>)
      %dma_wait3A_88 = arith.constant 80 : i32
      %dma_wait3A_89 = tpu.memref_slice %arg9[%dma_wait3A_88] : memref<400xi32, #tpu.memory_space<vmem>> -> memref<80xi32, #tpu.memory_space<vmem>>
      %dma_wait3A_90 = arith.constant 0 : i32
      %dma_wait3A_91 = arith.constant 0 : i32
      %dma_wait3A_92 = tpu.memref_slice %arg3[%dma_wait3A_90, %dma_wait3A_91] : memref<10000x128xf32, #tpu.memory_space<hbm>> -> memref<10000x128xf32, #tpu.memory_space<hbm>>
      tpu.wait_indirect_dma semaphore(%arg21 : memref<!tpu.dma_semaphore, #tpu.memory_space<semaphore_mem>>) src(%dma_wait3A_92 : memref<10000x128xf32, #tpu.memory_space<hbm>>) dst(%arg13 : memref<80x128xf32, #tpu.memory_space<vmem>>)
      %dma_wait3A_93 = arith.constant 160 : i32
      %dma_wait3A_94 = tpu.memref_slice %arg8[%dma_wait3A_93] : memref<400xi32, #tpu.memory_space<vmem>> -> memref<80xi32, #tpu.memory_space<vmem>>
      %dma_wait3A_95 = arith.constant 0 : i32
      %dma_wait3A_96 = arith.constant 0 : i32
      %dma_wait3A_97 = tpu.memref_slice %arg2[%dma_wait3A_95, %dma_wait3A_96] : memref<10000x128xf32, #tpu.memory_space<hbm>> -> memref<10000x128xf32, #tpu.memory_space<hbm>>
      tpu.wait_indirect_dma semaphore(%arg21 : memref<!tpu.dma_semaphore, #tpu.memory_space<semaphore_mem>>) src(%dma_wait3A_97 : memref<10000x128xf32, #tpu.memory_space<hbm>>) dst(%arg14 : memref<80x128xf32, #tpu.memory_space<vmem>>)
      %dma_wait3A_98 = arith.constant 160 : i32
      %dma_wait3A_99 = tpu.memref_slice %arg9[%dma_wait3A_98] : memref<400xi32, #tpu.memory_space<vmem>> -> memref<80xi32, #tpu.memory_space<vmem>>
      %dma_wait3A_100 = arith.constant 0 : i32
      %dma_wait3A_101 = arith.constant 0 : i32
      %dma_wait3A_102 = tpu.memref_slice %arg3[%dma_wait3A_100, %dma_wait3A_101] : memref<10000x128xf32, #tpu.memory_space<hbm>> -> memref<10000x128xf32, #tpu.memory_space<hbm>>
      tpu.wait_indirect_dma semaphore(%arg21 : memref<!tpu.dma_semaphore, #tpu.memory_space<semaphore_mem>>) src(%dma_wait3A_102 : memref<10000x128xf32, #tpu.memory_space<hbm>>) dst(%arg15 : memref<80x128xf32, #tpu.memory_space<vmem>>)
      %dma_wait3A_103 = arith.constant 240 : i32
      %dma_wait3A_104 = tpu.memref_slice %arg8[%dma_wait3A_103] : memref<400xi32, #tpu.memory_space<vmem>> -> memref<80xi32, #tpu.memory_space<vmem>>
      %dma_wait3A_105 = arith.constant 0 : i32
      %dma_wait3A_106 = arith.constant 0 : i32
      %dma_wait3A_107 = tpu.memref_slice %arg2[%dma_wait3A_105, %dma_wait3A_106] : memref<10000x128xf32, #tpu.memory_space<hbm>> -> memref<10000x128xf32, #tpu.memory_space<hbm>>
      tpu.wait_indirect_dma semaphore(%arg21 : memref<!tpu.dma_semaphore, #tpu.memory_space<semaphore_mem>>) src(%dma_wait3A_107 : memref<10000x128xf32, #tpu.memory_space<hbm>>) dst(%arg16 : memref<80x128xf32, #tpu.memory_space<vmem>>)
      %dma_wait3A_108 = arith.constant 240 : i32
      %dma_wait3A_109 = tpu.memref_slice %arg9[%dma_wait3A_108] : memref<400xi32, #tpu.memory_space<vmem>> -> memref<80xi32, #tpu.memory_space<vmem>>
      %dma_wait3A_110 = arith.constant 0 : i32
      %dma_wait3A_111 = arith.constant 0 : i32
      %dma_wait3A_112 = tpu.memref_slice %arg3[%dma_wait3A_110, %dma_wait3A_111] : memref<10000x128xf32, #tpu.memory_space<hbm>> -> memref<10000x128xf32, #tpu.memory_space<hbm>>
      tpu.wait_indirect_dma semaphore(%arg21 : memref<!tpu.dma_semaphore, #tpu.memory_space<semaphore_mem>>) src(%dma_wait3A_112 : memref<10000x128xf32, #tpu.memory_space<hbm>>) dst(%arg17 : memref<80x128xf32, #tpu.memory_space<vmem>>)
      %dma_wait3A_113 = arith.constant 320 : i32
      %dma_wait3A_114 = tpu.memref_slice %arg8[%dma_wait3A_113] : memref<400xi32, #tpu.memory_space<vmem>> -> memref<80xi32, #tpu.memory_space<vmem>>
      %dma_wait3A_115 = arith.constant 0 : i32
      %dma_wait3A_116 = arith.constant 0 : i32
      %dma_wait3A_117 = tpu.memref_slice %arg2[%dma_wait3A_115, %dma_wait3A_116] : memref<10000x128xf32, #tpu.memory_space<hbm>> -> memref<10000x128xf32, #tpu.memory_space<hbm>>
      tpu.wait_indirect_dma semaphore(%arg21 : memref<!tpu.dma_semaphore, #tpu.memory_space<semaphore_mem>>) src(%dma_wait3A_117 : memref<10000x128xf32, #tpu.memory_space<hbm>>) dst(%arg18 : memref<80x128xf32, #tpu.memory_space<vmem>>)
      %dma_wait3A_118 = arith.constant 320 : i32
      %dma_wait3A_119 = tpu.memref_slice %arg9[%dma_wait3A_118] : memref<400xi32, #tpu.memory_space<vmem>> -> memref<80xi32, #tpu.memory_space<vmem>>
      %dma_wait3A_120 = arith.constant 0 : i32
      %dma_wait3A_121 = arith.constant 0 : i32
      %dma_wait3A_122 = tpu.memref_slice %arg3[%dma_wait3A_120, %dma_wait3A_121] : memref<10000x128xf32, #tpu.memory_space<hbm>> -> memref<10000x128xf32, #tpu.memory_space<hbm>>
      tpu.wait_indirect_dma semaphore(%arg21 : memref<!tpu.dma_semaphore, #tpu.memory_space<semaphore_mem>>) src(%dma_wait3A_122 : memref<10000x128xf32, #tpu.memory_space<hbm>>) dst(%arg19 : memref<80x128xf32, #tpu.memory_space<vmem>>)
      %add3A_123 = arith.constant 0 : i32
      %add3A_124 = arith.addi %sub3A_16, %add3A_123 : i32
      %dma_start3A_125 = arith.constant 0 : i32
      %dma_start3A_126 = tpu.memref_slice %arg6[%add3A_124, %dma_start3A_125] : memref<320000x128xf32, #tpu.memory_space<hbm>> -> memref<80x128xf32, #tpu.memory_space<hbm>>
      %dma_start3A_127 = arith.constant 0 : i32
      %dma_start3A_128 = tpu.memref_slice %arg6[%add3A_124, %dma_start3A_127] : memref<320000x128xf32, #tpu.memory_space<hbm>> -> memref<80x128xf32, #tpu.memory_space<hbm>>
      tpu.enqueue_dma source(%arg10 : memref<80x128xf32, #tpu.memory_space<vmem>>) target(%dma_start3A_128 : memref<80x128xf32, #tpu.memory_space<hbm>>) target_semaphore(%arg22 : memref<!tpu.dma_semaphore, #tpu.memory_space<semaphore_mem>>)
      %dma_start3A_129 = arith.constant 0 : i32
      %dma_start3A_130 = tpu.memref_slice %arg7[%add3A_124, %dma_start3A_129] : memref<320000x128xf32, #tpu.memory_space<hbm>> -> memref<80x128xf32, #tpu.memory_space<hbm>>
      %dma_start3A_131 = arith.constant 0 : i32
      %dma_start3A_132 = tpu.memref_slice %arg7[%add3A_124, %dma_start3A_131] : memref<320000x128xf32, #tpu.memory_space<hbm>> -> memref<80x128xf32, #tpu.memory_space<hbm>>
      tpu.enqueue_dma source(%arg11 : memref<80x128xf32, #tpu.memory_space<vmem>>) target(%dma_start3A_132 : memref<80x128xf32, #tpu.memory_space<hbm>>) target_semaphore(%arg22 : memref<!tpu.dma_semaphore, #tpu.memory_space<semaphore_mem>>)
      %add3A_133 = arith.constant 80 : i32
      %add3A_134 = arith.addi %sub3A_16, %add3A_133 : i32
      %dma_start3A_135 = arith.constant 0 : i32
      %dma_start3A_136 = tpu.memref_slice %arg6[%add3A_134, %dma_start3A_135] : memref<320000x128xf32, #tpu.memory_space<hbm>> -> memref<80x128xf32, #tpu.memory_space<hbm>>
      %dma_start3A_137 = arith.constant 0 : i32
      %dma_start3A_138 = tpu.memref_slice %arg6[%add3A_134, %dma_start3A_137] : memref<320000x128xf32, #tpu.memory_space<hbm>> -> memref<80x128xf32, #tpu.memory_space<hbm>>
      tpu.enqueue_dma source(%arg12 : memref<80x128xf32, #tpu.memory_space<vmem>>) target(%dma_start3A_138 : memref<80x128xf32, #tpu.memory_space<hbm>>) target_semaphore(%arg22 : memref<!tpu.dma_semaphore, #tpu.memory_space<semaphore_mem>>)
      %dma_start3A_139 = arith.constant 0 : i32
      %dma_start3A_140 = tpu.memref_slice %arg7[%add3A_134, %dma_start3A_139] : memref<320000x128xf32, #tpu.memory_space<hbm>> -> memref<80x128xf32, #tpu.memory_space<hbm>>
      %dma_start3A_141 = arith.constant 0 : i32
      %dma_start3A_142 = tpu.memref_slice %arg7[%add3A_134, %dma_start3A_141] : memref<320000x128xf32, #tpu.memory_space<hbm>> -> memref<80x128xf32, #tpu.memory_space<hbm>>
      tpu.enqueue_dma source(%arg13 : memref<80x128xf32, #tpu.memory_space<vmem>>) target(%dma_start3A_142 : memref<80x128xf32, #tpu.memory_space<hbm>>) target_semaphore(%arg22 : memref<!tpu.dma_semaphore, #tpu.memory_space<semaphore_mem>>)
      %add3A_143 = arith.constant 160 : i32
      %add3A_144 = arith.addi %sub3A_16, %add3A_143 : i32
      %dma_start3A_145 = arith.constant 0 : i32
      %dma_start3A_146 = tpu.memref_slice %arg6[%add3A_144, %dma_start3A_145] : memref<320000x128xf32, #tpu.memory_space<hbm>> -> memref<80x128xf32, #tpu.memory_space<hbm>>
      %dma_start3A_147 = arith.constant 0 : i32
      %dma_start3A_148 = tpu.memref_slice %arg6[%add3A_144, %dma_start3A_147] : memref<320000x128xf32, #tpu.memory_space<hbm>> -> memref<80x128xf32, #tpu.memory_space<hbm>>
      tpu.enqueue_dma source(%arg14 : memref<80x128xf32, #tpu.memory_space<vmem>>) target(%dma_start3A_148 : memref<80x128xf32, #tpu.memory_space<hbm>>) target_semaphore(%arg22 : memref<!tpu.dma_semaphore, #tpu.memory_space<semaphore_mem>>)
      %dma_start3A_149 = arith.constant 0 : i32
      %dma_start3A_150 = tpu.memref_slice %arg7[%add3A_144, %dma_start3A_149] : memref<320000x128xf32, #tpu.memory_space<hbm>> -> memref<80x128xf32, #tpu.memory_space<hbm>>
      %dma_start3A_151 = arith.constant 0 : i32
      %dma_start3A_152 = tpu.memref_slice %arg7[%add3A_144, %dma_start3A_151] : memref<320000x128xf32, #tpu.memory_space<hbm>> -> memref<80x128xf32, #tpu.memory_space<hbm>>
      tpu.enqueue_dma source(%arg15 : memref<80x128xf32, #tpu.memory_space<vmem>>) target(%dma_start3A_152 : memref<80x128xf32, #tpu.memory_space<hbm>>) target_semaphore(%arg22 : memref<!tpu.dma_semaphore, #tpu.memory_space<semaphore_mem>>)
      %add3A_153 = arith.constant 240 : i32
      %add3A_154 = arith.addi %sub3A_16, %add3A_153 : i32
      %dma_start3A_155 = arith.constant 0 : i32
      %dma_start3A_156 = tpu.memref_slice %arg6[%add3A_154, %dma_start3A_155] : memref<320000x128xf32, #tpu.memory_space<hbm>> -> memref<80x128xf32, #tpu.memory_space<hbm>>
      %dma_start3A_157 = arith.constant 0 : i32
      %dma_start3A_158 = tpu.memref_slice %arg6[%add3A_154, %dma_start3A_157] : memref<320000x128xf32, #tpu.memory_space<hbm>> -> memref<80x128xf32, #tpu.memory_space<hbm>>
      tpu.enqueue_dma source(%arg16 : memref<80x128xf32, #tpu.memory_space<vmem>>) target(%dma_start3A_158 : memref<80x128xf32, #tpu.memory_space<hbm>>) target_semaphore(%arg22 : memref<!tpu.dma_semaphore, #tpu.memory_space<semaphore_mem>>)
      %dma_start3A_159 = arith.constant 0 : i32
      %dma_start3A_160 = tpu.memref_slice %arg7[%add3A_154, %dma_start3A_159] : memref<320000x128xf32, #tpu.memory_space<hbm>> -> memref<80x128xf32, #tpu.memory_space<hbm>>
      %dma_start3A_161 = arith.constant 0 : i32
      %dma_start3A_162 = tpu.memref_slice %arg7[%add3A_154, %dma_start3A_161] : memref<320000x128xf32, #tpu.memory_space<hbm>> -> memref<80x128xf32, #tpu.memory_space<hbm>>
      tpu.enqueue_dma source(%arg17 : memref<80x128xf32, #tpu.memory_space<vmem>>) target(%dma_start3A_162 : memref<80x128xf32, #tpu.memory_space<hbm>>) target_semaphore(%arg22 : memref<!tpu.dma_semaphore, #tpu.memory_space<semaphore_mem>>)
      %add3A_163 = arith.constant 320 : i32
      %add3A_164 = arith.addi %sub3A_16, %add3A_163 : i32
      %dma_start3A_165 = arith.constant 0 : i32
      %dma_start3A_166 = tpu.memref_slice %arg6[%add3A_164, %dma_start3A_165] : memref<320000x128xf32, #tpu.memory_space<hbm>> -> memref<80x128xf32, #tpu.memory_space<hbm>>
      %dma_start3A_167 = arith.constant 0 : i32
      %dma_start3A_168 = tpu.memref_slice %arg6[%add3A_164, %dma_start3A_167] : memref<320000x128xf32, #tpu.memory_space<hbm>> -> memref<80x128xf32, #tpu.memory_space<hbm>>
      tpu.enqueue_dma source(%arg18 : memref<80x128xf32, #tpu.memory_space<vmem>>) target(%dma_start3A_168 : memref<80x128xf32, #tpu.memory_space<hbm>>) target_semaphore(%arg22 : memref<!tpu.dma_semaphore, #tpu.memory_space<semaphore_mem>>)
      %dma_start3A_169 = arith.constant 0 : i32
      %dma_start3A_170 = tpu.memref_slice %arg7[%add3A_164, %dma_start3A_169] : memref<320000x128xf32, #tpu.memory_space<hbm>> -> memref<80x128xf32, #tpu.memory_space<hbm>>
      %dma_start3A_171 = arith.constant 0 : i32
      %dma_start3A_172 = tpu.memref_slice %arg7[%add3A_164, %dma_start3A_171] : memref<320000x128xf32, #tpu.memory_space<hbm>> -> memref<80x128xf32, #tpu.memory_space<hbm>>
      tpu.enqueue_dma source(%arg19 : memref<80x128xf32, #tpu.memory_space<vmem>>) target(%dma_start3A_172 : memref<80x128xf32, #tpu.memory_space<hbm>>) target_semaphore(%arg22 : memref<!tpu.dma_semaphore, #tpu.memory_space<semaphore_mem>>)
      %dma_wait3A_173 = arith.constant 0 : i32
      %dma_wait3A_174 = tpu.memref_slice %arg6[%add3A_124, %dma_wait3A_173] : memref<320000x128xf32, #tpu.memory_space<hbm>> -> memref<80x128xf32, #tpu.memory_space<hbm>>
      %dma_wait3A_175 = arith.constant 0 : i32
      %dma_wait3A_176 = tpu.memref_slice %arg6[%add3A_124, %dma_wait3A_175] : memref<320000x128xf32, #tpu.memory_space<hbm>> -> memref<80x128xf32, #tpu.memory_space<hbm>>
      tpu.wait_dma2 semaphore(%arg22 : memref<!tpu.dma_semaphore, #tpu.memory_space<semaphore_mem>>) src(%arg10 : memref<80x128xf32, #tpu.memory_space<vmem>>) dst(%dma_wait3A_176 : memref<80x128xf32, #tpu.memory_space<hbm>>)
      %dma_wait3A_177 = arith.constant 0 : i32
      %dma_wait3A_178 = tpu.memref_slice %arg7[%add3A_124, %dma_wait3A_177] : memref<320000x128xf32, #tpu.memory_space<hbm>> -> memref<80x128xf32, #tpu.memory_space<hbm>>
      %dma_wait3A_179 = arith.constant 0 : i32
      %dma_wait3A_180 = tpu.memref_slice %arg7[%add3A_124, %dma_wait3A_179] : memref<320000x128xf32, #tpu.memory_space<hbm>> -> memref<80x128xf32, #tpu.memory_space<hbm>>
      tpu.wait_dma2 semaphore(%arg22 : memref<!tpu.dma_semaphore, #tpu.memory_space<semaphore_mem>>) src(%arg11 : memref<80x128xf32, #tpu.memory_space<vmem>>) dst(%dma_wait3A_180 : memref<80x128xf32, #tpu.memory_space<hbm>>)
      %dma_wait3A_181 = arith.constant 0 : i32
      %dma_wait3A_182 = tpu.memref_slice %arg6[%add3A_134, %dma_wait3A_181] : memref<320000x128xf32, #tpu.memory_space<hbm>> -> memref<80x128xf32, #tpu.memory_space<hbm>>
      %dma_wait3A_183 = arith.constant 0 : i32
      %dma_wait3A_184 = tpu.memref_slice %arg6[%add3A_134, %dma_wait3A_183] : memref<320000x128xf32, #tpu.memory_space<hbm>> -> memref<80x128xf32, #tpu.memory_space<hbm>>
      tpu.wait_dma2 semaphore(%arg22 : memref<!tpu.dma_semaphore, #tpu.memory_space<semaphore_mem>>) src(%arg12 : memref<80x128xf32, #tpu.memory_space<vmem>>) dst(%dma_wait3A_184 : memref<80x128xf32, #tpu.memory_space<hbm>>)
      %dma_wait3A_185 = arith.constant 0 : i32
      %dma_wait3A_186 = tpu.memref_slice %arg7[%add3A_134, %dma_wait3A_185] : memref<320000x128xf32, #tpu.memory_space<hbm>> -> memref<80x128xf32, #tpu.memory_space<hbm>>
      %dma_wait3A_187 = arith.constant 0 : i32
      %dma_wait3A_188 = tpu.memref_slice %arg7[%add3A_134, %dma_wait3A_187] : memref<320000x128xf32, #tpu.memory_space<hbm>> -> memref<80x128xf32, #tpu.memory_space<hbm>>
      tpu.wait_dma2 semaphore(%arg22 : memref<!tpu.dma_semaphore, #tpu.memory_space<semaphore_mem>>) src(%arg13 : memref<80x128xf32, #tpu.memory_space<vmem>>) dst(%dma_wait3A_188 : memref<80x128xf32, #tpu.memory_space<hbm>>)
      %dma_wait3A_189 = arith.constant 0 : i32
      %dma_wait3A_190 = tpu.memref_slice %arg6[%add3A_144, %dma_wait3A_189] : memref<320000x128xf32, #tpu.memory_space<hbm>> -> memref<80x128xf32, #tpu.memory_space<hbm>>
      %dma_wait3A_191 = arith.constant 0 : i32
      %dma_wait3A_192 = tpu.memref_slice %arg6[%add3A_144, %dma_wait3A_191] : memref<320000x128xf32, #tpu.memory_space<hbm>> -> memref<80x128xf32, #tpu.memory_space<hbm>>
      tpu.wait_dma2 semaphore(%arg22 : memref<!tpu.dma_semaphore, #tpu.memory_space<semaphore_mem>>) src(%arg14 : memref<80x128xf32, #tpu.memory_space<vmem>>) dst(%dma_wait3A_192 : memref<80x128xf32, #tpu.memory_space<hbm>>)
      %dma_wait3A_193 = arith.constant 0 : i32
      %dma_wait3A_194 = tpu.memref_slice %arg7[%add3A_144, %dma_wait3A_193] : memref<320000x128xf32, #tpu.memory_space<hbm>> -> memref<80x128xf32, #tpu.memory_space<hbm>>
      %dma_wait3A_195 = arith.constant 0 : i32
      %dma_wait3A_196 = tpu.memref_slice %arg7[%add3A_144, %dma_wait3A_195] : memref<320000x128xf32, #tpu.memory_space<hbm>> -> memref<80x128xf32, #tpu.memory_space<hbm>>
      tpu.wait_dma2 semaphore(%arg22 : memref<!tpu.dma_semaphore, #tpu.memory_space<semaphore_mem>>) src(%arg15 : memref<80x128xf32, #tpu.memory_space<vmem>>) dst(%dma_wait3A_196 : memref<80x128xf32, #tpu.memory_space<hbm>>)
      %dma_wait3A_197 = arith.constant 0 : i32
      %dma_wait3A_198 = tpu.memref_slice %arg6[%add3A_154, %dma_wait3A_197] : memref<320000x128xf32, #tpu.memory_space<hbm>> -> memref<80x128xf32, #tpu.memory_space<hbm>>
      %dma_wait3A_199 = arith.constant 0 : i32
      %dma_wait3A_200 = tpu.memref_slice %arg6[%add3A_154, %dma_wait3A_199] : memref<320000x128xf32, #tpu.memory_space<hbm>> -> memref<80x128xf32, #tpu.memory_space<hbm>>
      tpu.wait_dma2 semaphore(%arg22 : memref<!tpu.dma_semaphore, #tpu.memory_space<semaphore_mem>>) src(%arg16 : memref<80x128xf32, #tpu.memory_space<vmem>>) dst(%dma_wait3A_200 : memref<80x128xf32, #tpu.memory_space<hbm>>)
      %dma_wait3A_201 = arith.constant 0 : i32
      %dma_wait3A_202 = tpu.memref_slice %arg7[%add3A_154, %dma_wait3A_201] : memref<320000x128xf32, #tpu.memory_space<hbm>> -> memref<80x128xf32, #tpu.memory_space<hbm>>
      %dma_wait3A_203 = arith.constant 0 : i32
      %dma_wait3A_204 = tpu.memref_slice %arg7[%add3A_154, %dma_wait3A_203] : memref<320000x128xf32, #tpu.memory_space<hbm>> -> memref<80x128xf32, #tpu.memory_space<hbm>>
      tpu.wait_dma2 semaphore(%arg22 : memref<!tpu.dma_semaphore, #tpu.memory_space<semaphore_mem>>) src(%arg17 : memref<80x128xf32, #tpu.memory_space<vmem>>) dst(%dma_wait3A_204 : memref<80x128xf32, #tpu.memory_space<hbm>>)
      %dma_wait3A_205 = arith.constant 0 : i32
      %dma_wait3A_206 = tpu.memref_slice %arg6[%add3A_164, %dma_wait3A_205] : memref<320000x128xf32, #tpu.memory_space<hbm>> -> memref<80x128xf32, #tpu.memory_space<hbm>>
      %dma_wait3A_207 = arith.constant 0 : i32
      %dma_wait3A_208 = tpu.memref_slice %arg6[%add3A_164, %dma_wait3A_207] : memref<320000x128xf32, #tpu.memory_space<hbm>> -> memref<80x128xf32, #tpu.memory_space<hbm>>
      tpu.wait_dma2 semaphore(%arg22 : memref<!tpu.dma_semaphore, #tpu.memory_space<semaphore_mem>>) src(%arg18 : memref<80x128xf32, #tpu.memory_space<vmem>>) dst(%dma_wait3A_208 : memref<80x128xf32, #tpu.memory_space<hbm>>)
      %dma_wait3A_209 = arith.constant 0 : i32
      %dma_wait3A_210 = tpu.memref_slice %arg7[%add3A_164, %dma_wait3A_209] : memref<320000x128xf32, #tpu.memory_space<hbm>> -> memref<80x128xf32, #tpu.memory_space<hbm>>
      %dma_wait3A_211 = arith.constant 0 : i32
      %dma_wait3A_212 = tpu.memref_slice %arg7[%add3A_164, %dma_wait3A_211] : memref<320000x128xf32, #tpu.memory_space<hbm>> -> memref<80x128xf32, #tpu.memory_space<hbm>>
      tpu.wait_dma2 semaphore(%arg22 : memref<!tpu.dma_semaphore, #tpu.memory_space<semaphore_mem>>) src(%arg19 : memref<80x128xf32, #tpu.memory_space<vmem>>) dst(%dma_wait3A_212 : memref<80x128xf32, #tpu.memory_space<hbm>>)
    }
    %scan3A_11 = arith.constant 25 : i32
    return
  }
}

#map = affine_map<(d0, d1) -> (0, 0)>
#map1 = affine_map<(d0, d1) -> (0)>
#map2 = affine_map<(d0, d1) -> (0, 0, 0)>
module attributes {stable_mosaic.version = 14 : i64} {
  func.func @k(%arg0: i32, %arg1: i32, %arg2: memref<320000x128xf32, #tpu.memory_space<hbm>>, %arg3: memref<320000xi32, #tpu.memory_space<hbm>>, %arg4: memref<10240x128xf32, #tpu.memory_space<hbm>>, %arg5: memref<2x10240x128xf32, #tpu.memory_space<hbm>>, %arg6: memref<40xi32, #tpu.memory_space<vmem>>, %arg7: memref<40xi32, #tpu.memory_space<vmem>>, %arg8: memref<40xi32, #tpu.memory_space<vmem>>, %arg9: memref<40xi32, #tpu.memory_space<vmem>>, %arg10: memref<40xi32, #tpu.memory_space<vmem>>, %arg11: memref<200x128xf32, #tpu.memory_space<vmem>>, %arg12: memref<10240x128xf32, #tpu.memory_space<vmem_shared>>, %arg13: memref<!tpu.dma_semaphore, #tpu.memory_space<semaphore_mem>>, %arg14: memref<!tpu.dma_semaphore, #tpu.memory_space<semaphore_mem>>) attributes {dimension_semantics = [#tpu.dimension_semantics<core_parallel>, #tpu.dimension_semantics<subcore_parallel>], iteration_bounds = array<i64: 2, 16>, scalar_prefetch = 0 : i64, scratch_operands = 9 : i64, tpu.core_type = #tpu.core_type<sc_vector_subcore>, window_params = [{transform_indices = #map}, {transform_indices = #map1}, {transform_indices = #map}, {transform_indices = #map2}]} {
    %mul3A = arith.constant 2 : i32
    %mul3A_0 = arith.muli %arg1, %mul3A : i32
    %add3A = arith.addi %mul3A_0, %arg0 : i32
    %mul3A_1 = arith.constant 250 : i32
    %mul3A_2 = arith.muli %add3A, %mul3A_1 : i32
    %mul3A_3 = arith.constant 40 : i32
    %mul3A_4 = arith.muli %mul3A_2, %mul3A_3 : i32
    %add3A_5 = arith.constant 0 : i32
    %add3A_6 = arith.addi %add3A_5, %mul3A_4 : i32
    %mul3A_7 = arith.constant 640 : i32
    %mul3A_8 = arith.muli %arg1, %mul3A_7 : i32
    %mul3A_9 = arith.constant 640 : i32
    %mul3A_10 = arith.muli %arg1, %mul3A_9 : i32
    "tpu.region"() ({
      %run_scoped3A = tpu.sem_alloc : memref<!tpu.dma_semaphore, #tpu.memory_space<semaphore_mem>>
      %dma_start3A = arith.constant 0 : i32
      %dma_start3A_21 = tpu.memref_slice %arg12[%mul3A_10, %dma_start3A] : memref<10240x128xf32, #tpu.memory_space<vmem_shared>> -> memref<640x128xf32, #tpu.memory_space<vmem_shared>>
      %dma_start3A_22 = arith.constant 0 : i32
      %dma_start3A_23 = tpu.memref_slice %arg4[%mul3A_8, %dma_start3A_22] : memref<10240x128xf32, #tpu.memory_space<hbm>> -> memref<640x128xf32, #tpu.memory_space<hbm>>
      tpu.enqueue_dma source(%dma_start3A_23 : memref<640x128xf32, #tpu.memory_space<hbm>>) target(%dma_start3A_21 : memref<640x128xf32, #tpu.memory_space<vmem_shared>>) target_semaphore(%run_scoped3A : memref<!tpu.dma_semaphore, #tpu.memory_space<semaphore_mem>>)
      %dma_wait3A = arith.constant 0 : i32
      %dma_wait3A_24 = tpu.memref_slice %arg12[%mul3A_10, %dma_wait3A] : memref<10240x128xf32, #tpu.memory_space<vmem_shared>> -> memref<640x128xf32, #tpu.memory_space<vmem_shared>>
      %dma_wait3A_25 = arith.constant 0 : i32
      %dma_wait3A_26 = tpu.memref_slice %arg4[%mul3A_8, %dma_wait3A_25] : memref<10240x128xf32, #tpu.memory_space<hbm>> -> memref<640x128xf32, #tpu.memory_space<hbm>>
      tpu.wait_dma2 semaphore(%run_scoped3A : memref<!tpu.dma_semaphore, #tpu.memory_space<semaphore_mem>>) src(%dma_wait3A_26 : memref<640x128xf32, #tpu.memory_space<hbm>>) dst(%dma_wait3A_24 : memref<640x128xf32, #tpu.memory_space<vmem_shared>>)
      tpu.yield
    }) : () -> ()
    %barrier3A = arith.constant 0 : index
    tpu.barrier barrier_id(%barrier3A)
    %scan3A = arith.constant 0 : i32
    %scan3A_11 = arith.constant 0 : i32
    %scan3A_12 = arith.constant 50 : i32
    %scan3A_13 = arith.addi %scan3A_11, %scan3A_12 : i32
    %scan3A_14 = arith.constant 1 : i32
    scf.for %scan3A_21 = %scan3A_11 to %scan3A_13 step %scan3A_14  : i32 {
      %mul3A_22 = arith.constant 200 : i32
      %mul3A_23 = arith.muli %scan3A_21, %mul3A_22 : i32
      %add3A_24 = arith.addi %mul3A_4, %mul3A_23 : i32
      %mul3A_25 = arith.constant 200 : i32
      %mul3A_26 = arith.muli %scan3A_21, %mul3A_25 : i32
      %add3A_27 = arith.addi %add3A_6, %mul3A_26 : i32
      %add3A_28 = arith.constant 0 : i32
      %add3A_29 = arith.addi %add3A_27, %add3A_28 : i32
      %dma_start3A = tpu.memref_slice %arg3[%add3A_29] : memref<320000xi32, #tpu.memory_space<hbm>> -> memref<40xi32, #tpu.memory_space<hbm>>
      %dma_start3A_30 = tpu.memref_slice %arg3[%add3A_29] : memref<320000xi32, #tpu.memory_space<hbm>> -> memref<40xi32, #tpu.memory_space<hbm>>
      tpu.enqueue_dma source(%dma_start3A_30 : memref<40xi32, #tpu.memory_space<hbm>>) target(%arg6 : memref<40xi32, #tpu.memory_space<vmem>>) target_semaphore(%arg13 : memref<!tpu.dma_semaphore, #tpu.memory_space<semaphore_mem>>)
      %add3A_31 = arith.constant 40 : i32
      %add3A_32 = arith.addi %add3A_27, %add3A_31 : i32
      %dma_start3A_33 = tpu.memref_slice %arg3[%add3A_32] : memref<320000xi32, #tpu.memory_space<hbm>> -> memref<40xi32, #tpu.memory_space<hbm>>
      %dma_start3A_34 = tpu.memref_slice %arg3[%add3A_32] : memref<320000xi32, #tpu.memory_space<hbm>> -> memref<40xi32, #tpu.memory_space<hbm>>
      tpu.enqueue_dma source(%dma_start3A_34 : memref<40xi32, #tpu.memory_space<hbm>>) target(%arg7 : memref<40xi32, #tpu.memory_space<vmem>>) target_semaphore(%arg13 : memref<!tpu.dma_semaphore, #tpu.memory_space<semaphore_mem>>)
      %add3A_35 = arith.constant 80 : i32
      %add3A_36 = arith.addi %add3A_27, %add3A_35 : i32
      %dma_start3A_37 = tpu.memref_slice %arg3[%add3A_36] : memref<320000xi32, #tpu.memory_space<hbm>> -> memref<40xi32, #tpu.memory_space<hbm>>
      %dma_start3A_38 = tpu.memref_slice %arg3[%add3A_36] : memref<320000xi32, #tpu.memory_space<hbm>> -> memref<40xi32, #tpu.memory_space<hbm>>
      tpu.enqueue_dma source(%dma_start3A_38 : memref<40xi32, #tpu.memory_space<hbm>>) target(%arg8 : memref<40xi32, #tpu.memory_space<vmem>>) target_semaphore(%arg13 : memref<!tpu.dma_semaphore, #tpu.memory_space<semaphore_mem>>)
      %add3A_39 = arith.constant 120 : i32
      %add3A_40 = arith.addi %add3A_27, %add3A_39 : i32
      %dma_start3A_41 = tpu.memref_slice %arg3[%add3A_40] : memref<320000xi32, #tpu.memory_space<hbm>> -> memref<40xi32, #tpu.memory_space<hbm>>
      %dma_start3A_42 = tpu.memref_slice %arg3[%add3A_40] : memref<320000xi32, #tpu.memory_space<hbm>> -> memref<40xi32, #tpu.memory_space<hbm>>
      tpu.enqueue_dma source(%dma_start3A_42 : memref<40xi32, #tpu.memory_space<hbm>>) target(%arg9 : memref<40xi32, #tpu.memory_space<vmem>>) target_semaphore(%arg13 : memref<!tpu.dma_semaphore, #tpu.memory_space<semaphore_mem>>)
      %add3A_43 = arith.constant 160 : i32
      %add3A_44 = arith.addi %add3A_27, %add3A_43 : i32
      %dma_start3A_45 = tpu.memref_slice %arg3[%add3A_44] : memref<320000xi32, #tpu.memory_space<hbm>> -> memref<40xi32, #tpu.memory_space<hbm>>
      %dma_start3A_46 = tpu.memref_slice %arg3[%add3A_44] : memref<320000xi32, #tpu.memory_space<hbm>> -> memref<40xi32, #tpu.memory_space<hbm>>
      tpu.enqueue_dma source(%dma_start3A_46 : memref<40xi32, #tpu.memory_space<hbm>>) target(%arg10 : memref<40xi32, #tpu.memory_space<vmem>>) target_semaphore(%arg13 : memref<!tpu.dma_semaphore, #tpu.memory_space<semaphore_mem>>)
      "tpu.region"() ({
        %run_scoped3A = tpu.sem_alloc : memref<!tpu.dma_semaphore, #tpu.memory_space<semaphore_mem>>
        %dma_start3A_116 = arith.constant 0 : i32
        %dma_start3A_117 = tpu.memref_slice %arg2[%add3A_24, %dma_start3A_116] : memref<320000x128xf32, #tpu.memory_space<hbm>> -> memref<200x128xf32, #tpu.memory_space<hbm>>
        %dma_start3A_118 = arith.constant 0 : i32
        %dma_start3A_119 = tpu.memref_slice %arg2[%add3A_24, %dma_start3A_118] : memref<320000x128xf32, #tpu.memory_space<hbm>> -> memref<200x128xf32, #tpu.memory_space<hbm>>
        tpu.enqueue_dma source(%dma_start3A_119 : memref<200x128xf32, #tpu.memory_space<hbm>>) target(%arg11 : memref<200x128xf32, #tpu.memory_space<vmem>>) target_semaphore(%run_scoped3A : memref<!tpu.dma_semaphore, #tpu.memory_space<semaphore_mem>>)
        %dma_wait3A_120 = arith.constant 0 : i32
        %dma_wait3A_121 = tpu.memref_slice %arg2[%add3A_24, %dma_wait3A_120] : memref<320000x128xf32, #tpu.memory_space<hbm>> -> memref<200x128xf32, #tpu.memory_space<hbm>>
        %dma_wait3A_122 = arith.constant 0 : i32
        %dma_wait3A_123 = tpu.memref_slice %arg2[%add3A_24, %dma_wait3A_122] : memref<320000x128xf32, #tpu.memory_space<hbm>> -> memref<200x128xf32, #tpu.memory_space<hbm>>
        tpu.wait_dma2 semaphore(%run_scoped3A : memref<!tpu.dma_semaphore, #tpu.memory_space<semaphore_mem>>) src(%dma_wait3A_123 : memref<200x128xf32, #tpu.memory_space<hbm>>) dst(%arg11 : memref<200x128xf32, #tpu.memory_space<vmem>>)
        tpu.yield
      }) : () -> ()
      %dma_wait3A = tpu.memref_slice %arg3[%add3A_29] : memref<320000xi32, #tpu.memory_space<hbm>> -> memref<40xi32, #tpu.memory_space<hbm>>
      %dma_wait3A_47 = tpu.memref_slice %arg3[%add3A_29] : memref<320000xi32, #tpu.memory_space<hbm>> -> memref<40xi32, #tpu.memory_space<hbm>>
      tpu.wait_dma2 semaphore(%arg13 : memref<!tpu.dma_semaphore, #tpu.memory_space<semaphore_mem>>) src(%dma_wait3A_47 : memref<40xi32, #tpu.memory_space<hbm>>) dst(%arg6 : memref<40xi32, #tpu.memory_space<vmem>>)
      %dma_wait3A_48 = tpu.memref_slice %arg3[%add3A_32] : memref<320000xi32, #tpu.memory_space<hbm>> -> memref<40xi32, #tpu.memory_space<hbm>>
      %dma_wait3A_49 = tpu.memref_slice %arg3[%add3A_32] : memref<320000xi32, #tpu.memory_space<hbm>> -> memref<40xi32, #tpu.memory_space<hbm>>
      tpu.wait_dma2 semaphore(%arg13 : memref<!tpu.dma_semaphore, #tpu.memory_space<semaphore_mem>>) src(%dma_wait3A_49 : memref<40xi32, #tpu.memory_space<hbm>>) dst(%arg7 : memref<40xi32, #tpu.memory_space<vmem>>)
      %dma_wait3A_50 = tpu.memref_slice %arg3[%add3A_36] : memref<320000xi32, #tpu.memory_space<hbm>> -> memref<40xi32, #tpu.memory_space<hbm>>
      %dma_wait3A_51 = tpu.memref_slice %arg3[%add3A_36] : memref<320000xi32, #tpu.memory_space<hbm>> -> memref<40xi32, #tpu.memory_space<hbm>>
      tpu.wait_dma2 semaphore(%arg13 : memref<!tpu.dma_semaphore, #tpu.memory_space<semaphore_mem>>) src(%dma_wait3A_51 : memref<40xi32, #tpu.memory_space<hbm>>) dst(%arg8 : memref<40xi32, #tpu.memory_space<vmem>>)
      %dma_wait3A_52 = tpu.memref_slice %arg3[%add3A_40] : memref<320000xi32, #tpu.memory_space<hbm>> -> memref<40xi32, #tpu.memory_space<hbm>>
      %dma_wait3A_53 = tpu.memref_slice %arg3[%add3A_40] : memref<320000xi32, #tpu.memory_space<hbm>> -> memref<40xi32, #tpu.memory_space<hbm>>
      tpu.wait_dma2 semaphore(%arg13 : memref<!tpu.dma_semaphore, #tpu.memory_space<semaphore_mem>>) src(%dma_wait3A_53 : memref<40xi32, #tpu.memory_space<hbm>>) dst(%arg9 : memref<40xi32, #tpu.memory_space<vmem>>)
      %dma_wait3A_54 = tpu.memref_slice %arg3[%add3A_44] : memref<320000xi32, #tpu.memory_space<hbm>> -> memref<40xi32, #tpu.memory_space<hbm>>
      %dma_wait3A_55 = tpu.memref_slice %arg3[%add3A_44] : memref<320000xi32, #tpu.memory_space<hbm>> -> memref<40xi32, #tpu.memory_space<hbm>>
      tpu.wait_dma2 semaphore(%arg13 : memref<!tpu.dma_semaphore, #tpu.memory_space<semaphore_mem>>) src(%dma_wait3A_55 : memref<40xi32, #tpu.memory_space<hbm>>) dst(%arg10 : memref<40xi32, #tpu.memory_space<vmem>>)
      %dma_start3A_56 = arith.constant 0 : i32
      %dma_start3A_57 = arith.constant 0 : i32
      %dma_start3A_58 = tpu.memref_slice %arg11[%dma_start3A_56, %dma_start3A_57] : memref<200x128xf32, #tpu.memory_space<vmem>> -> memref<40x128xf32, #tpu.memory_space<vmem>>
      %dma_start3A_59 = arith.constant 0 : i32
      %dma_start3A_60 = arith.constant 0 : i32
      %dma_start3A_61 = tpu.memref_slice %arg12[%dma_start3A_59, %dma_start3A_60] : memref<10240x128xf32, #tpu.memory_space<vmem_shared>> -> memref<10240x128xf32, #tpu.memory_space<vmem_shared>>
      tpu.enqueue_indirect_dma source(%dma_start3A_58 : memref<40x128xf32, #tpu.memory_space<vmem>>) target(%dma_start3A_61 : memref<10240x128xf32, #tpu.memory_space<vmem_shared>>) offsets(%arg6 : memref<40xi32, #tpu.memory_space<vmem>>) semaphore(%arg14 : memref<!tpu.dma_semaphore, #tpu.memory_space<semaphore_mem>>) {add = true}
      %dma_start3A_62 = arith.constant 40 : i32
      %dma_start3A_63 = arith.constant 0 : i32
      %dma_start3A_64 = tpu.memref_slice %arg11[%dma_start3A_62, %dma_start3A_63] : memref<200x128xf32, #tpu.memory_space<vmem>> -> memref<40x128xf32, #tpu.memory_space<vmem>>
      %dma_start3A_65 = arith.constant 0 : i32
      %dma_start3A_66 = arith.constant 0 : i32
      %dma_start3A_67 = tpu.memref_slice %arg12[%dma_start3A_65, %dma_start3A_66] : memref<10240x128xf32, #tpu.memory_space<vmem_shared>> -> memref<10240x128xf32, #tpu.memory_space<vmem_shared>>
      tpu.enqueue_indirect_dma source(%dma_start3A_64 : memref<40x128xf32, #tpu.memory_space<vmem>>) target(%dma_start3A_67 : memref<10240x128xf32, #tpu.memory_space<vmem_shared>>) offsets(%arg7 : memref<40xi32, #tpu.memory_space<vmem>>) semaphore(%arg14 : memref<!tpu.dma_semaphore, #tpu.memory_space<semaphore_mem>>) {add = true}
      %dma_start3A_68 = arith.constant 80 : i32
      %dma_start3A_69 = arith.constant 0 : i32
      %dma_start3A_70 = tpu.memref_slice %arg11[%dma_start3A_68, %dma_start3A_69] : memref<200x128xf32, #tpu.memory_space<vmem>> -> memref<40x128xf32, #tpu.memory_space<vmem>>
      %dma_start3A_71 = arith.constant 0 : i32
      %dma_start3A_72 = arith.constant 0 : i32
      %dma_start3A_73 = tpu.memref_slice %arg12[%dma_start3A_71, %dma_start3A_72] : memref<10240x128xf32, #tpu.memory_space<vmem_shared>> -> memref<10240x128xf32, #tpu.memory_space<vmem_shared>>
      tpu.enqueue_indirect_dma source(%dma_start3A_70 : memref<40x128xf32, #tpu.memory_space<vmem>>) target(%dma_start3A_73 : memref<10240x128xf32, #tpu.memory_space<vmem_shared>>) offsets(%arg8 : memref<40xi32, #tpu.memory_space<vmem>>) semaphore(%arg14 : memref<!tpu.dma_semaphore, #tpu.memory_space<semaphore_mem>>) {add = true}
      %dma_start3A_74 = arith.constant 120 : i32
      %dma_start3A_75 = arith.constant 0 : i32
      %dma_start3A_76 = tpu.memref_slice %arg11[%dma_start3A_74, %dma_start3A_75] : memref<200x128xf32, #tpu.memory_space<vmem>> -> memref<40x128xf32, #tpu.memory_space<vmem>>
      %dma_start3A_77 = arith.constant 0 : i32
      %dma_start3A_78 = arith.constant 0 : i32
      %dma_start3A_79 = tpu.memref_slice %arg12[%dma_start3A_77, %dma_start3A_78] : memref<10240x128xf32, #tpu.memory_space<vmem_shared>> -> memref<10240x128xf32, #tpu.memory_space<vmem_shared>>
      tpu.enqueue_indirect_dma source(%dma_start3A_76 : memref<40x128xf32, #tpu.memory_space<vmem>>) target(%dma_start3A_79 : memref<10240x128xf32, #tpu.memory_space<vmem_shared>>) offsets(%arg9 : memref<40xi32, #tpu.memory_space<vmem>>) semaphore(%arg14 : memref<!tpu.dma_semaphore, #tpu.memory_space<semaphore_mem>>) {add = true}
      %dma_start3A_80 = arith.constant 160 : i32
      %dma_start3A_81 = arith.constant 0 : i32
      %dma_start3A_82 = tpu.memref_slice %arg11[%dma_start3A_80, %dma_start3A_81] : memref<200x128xf32, #tpu.memory_space<vmem>> -> memref<40x128xf32, #tpu.memory_space<vmem>>
      %dma_start3A_83 = arith.constant 0 : i32
      %dma_start3A_84 = arith.constant 0 : i32
      %dma_start3A_85 = tpu.memref_slice %arg12[%dma_start3A_83, %dma_start3A_84] : memref<10240x128xf32, #tpu.memory_space<vmem_shared>> -> memref<10240x128xf32, #tpu.memory_space<vmem_shared>>
      tpu.enqueue_indirect_dma source(%dma_start3A_82 : memref<40x128xf32, #tpu.memory_space<vmem>>) target(%dma_start3A_85 : memref<10240x128xf32, #tpu.memory_space<vmem_shared>>) offsets(%arg10 : memref<40xi32, #tpu.memory_space<vmem>>) semaphore(%arg14 : memref<!tpu.dma_semaphore, #tpu.memory_space<semaphore_mem>>) {add = true}
      %dma_wait3A_86 = arith.constant 0 : i32
      %dma_wait3A_87 = arith.constant 0 : i32
      %dma_wait3A_88 = tpu.memref_slice %arg11[%dma_wait3A_86, %dma_wait3A_87] : memref<200x128xf32, #tpu.memory_space<vmem>> -> memref<40x128xf32, #tpu.memory_space<vmem>>
      %dma_wait3A_89 = arith.constant 0 : i32
      %dma_wait3A_90 = arith.constant 0 : i32
      %dma_wait3A_91 = tpu.memref_slice %arg12[%dma_wait3A_89, %dma_wait3A_90] : memref<10240x128xf32, #tpu.memory_space<vmem_shared>> -> memref<10240x128xf32, #tpu.memory_space<vmem_shared>>
      tpu.wait_indirect_dma semaphore(%arg14 : memref<!tpu.dma_semaphore, #tpu.memory_space<semaphore_mem>>) src(%dma_wait3A_88 : memref<40x128xf32, #tpu.memory_space<vmem>>) dst(%dma_wait3A_91 : memref<10240x128xf32, #tpu.memory_space<vmem_shared>>)
      %dma_wait3A_92 = arith.constant 40 : i32
      %dma_wait3A_93 = arith.constant 0 : i32
      %dma_wait3A_94 = tpu.memref_slice %arg11[%dma_wait3A_92, %dma_wait3A_93] : memref<200x128xf32, #tpu.memory_space<vmem>> -> memref<40x128xf32, #tpu.memory_space<vmem>>
      %dma_wait3A_95 = arith.constant 0 : i32
      %dma_wait3A_96 = arith.constant 0 : i32
      %dma_wait3A_97 = tpu.memref_slice %arg12[%dma_wait3A_95, %dma_wait3A_96] : memref<10240x128xf32, #tpu.memory_space<vmem_shared>> -> memref<10240x128xf32, #tpu.memory_space<vmem_shared>>
      tpu.wait_indirect_dma semaphore(%arg14 : memref<!tpu.dma_semaphore, #tpu.memory_space<semaphore_mem>>) src(%dma_wait3A_94 : memref<40x128xf32, #tpu.memory_space<vmem>>) dst(%dma_wait3A_97 : memref<10240x128xf32, #tpu.memory_space<vmem_shared>>)
      %dma_wait3A_98 = arith.constant 80 : i32
      %dma_wait3A_99 = arith.constant 0 : i32
      %dma_wait3A_100 = tpu.memref_slice %arg11[%dma_wait3A_98, %dma_wait3A_99] : memref<200x128xf32, #tpu.memory_space<vmem>> -> memref<40x128xf32, #tpu.memory_space<vmem>>
      %dma_wait3A_101 = arith.constant 0 : i32
      %dma_wait3A_102 = arith.constant 0 : i32
      %dma_wait3A_103 = tpu.memref_slice %arg12[%dma_wait3A_101, %dma_wait3A_102] : memref<10240x128xf32, #tpu.memory_space<vmem_shared>> -> memref<10240x128xf32, #tpu.memory_space<vmem_shared>>
      tpu.wait_indirect_dma semaphore(%arg14 : memref<!tpu.dma_semaphore, #tpu.memory_space<semaphore_mem>>) src(%dma_wait3A_100 : memref<40x128xf32, #tpu.memory_space<vmem>>) dst(%dma_wait3A_103 : memref<10240x128xf32, #tpu.memory_space<vmem_shared>>)
      %dma_wait3A_104 = arith.constant 120 : i32
      %dma_wait3A_105 = arith.constant 0 : i32
      %dma_wait3A_106 = tpu.memref_slice %arg11[%dma_wait3A_104, %dma_wait3A_105] : memref<200x128xf32, #tpu.memory_space<vmem>> -> memref<40x128xf32, #tpu.memory_space<vmem>>
      %dma_wait3A_107 = arith.constant 0 : i32
      %dma_wait3A_108 = arith.constant 0 : i32
      %dma_wait3A_109 = tpu.memref_slice %arg12[%dma_wait3A_107, %dma_wait3A_108] : memref<10240x128xf32, #tpu.memory_space<vmem_shared>> -> memref<10240x128xf32, #tpu.memory_space<vmem_shared>>
      tpu.wait_indirect_dma semaphore(%arg14 : memref<!tpu.dma_semaphore, #tpu.memory_space<semaphore_mem>>) src(%dma_wait3A_106 : memref<40x128xf32, #tpu.memory_space<vmem>>) dst(%dma_wait3A_109 : memref<10240x128xf32, #tpu.memory_space<vmem_shared>>)
      %dma_wait3A_110 = arith.constant 160 : i32
      %dma_wait3A_111 = arith.constant 0 : i32
      %dma_wait3A_112 = tpu.memref_slice %arg11[%dma_wait3A_110, %dma_wait3A_111] : memref<200x128xf32, #tpu.memory_space<vmem>> -> memref<40x128xf32, #tpu.memory_space<vmem>>
      %dma_wait3A_113 = arith.constant 0 : i32
      %dma_wait3A_114 = arith.constant 0 : i32
      %dma_wait3A_115 = tpu.memref_slice %arg12[%dma_wait3A_113, %dma_wait3A_114] : memref<10240x128xf32, #tpu.memory_space<vmem_shared>> -> memref<10240x128xf32, #tpu.memory_space<vmem_shared>>
      tpu.wait_indirect_dma semaphore(%arg14 : memref<!tpu.dma_semaphore, #tpu.memory_space<semaphore_mem>>) src(%dma_wait3A_112 : memref<40x128xf32, #tpu.memory_space<vmem>>) dst(%dma_wait3A_115 : memref<10240x128xf32, #tpu.memory_space<vmem_shared>>)
    }
    %scan3A_15 = arith.constant 50 : i32
    %barrier3A_16 = arith.constant 0 : index
    tpu.barrier barrier_id(%barrier3A_16)
    %mul3A_17 = arith.constant 640 : i32
    %mul3A_18 = arith.muli %arg1, %mul3A_17 : i32
    %mul3A_19 = arith.constant 640 : i32
    %mul3A_20 = arith.muli %arg1, %mul3A_19 : i32
    "tpu.region"() ({
      %run_scoped3A = tpu.sem_alloc : memref<!tpu.dma_semaphore, #tpu.memory_space<semaphore_mem>>
      %dma_start3A = arith.constant 0 : i32
      %dma_start3A_21 = tpu.memref_slice %arg5[%arg0, %mul3A_20, %dma_start3A] : memref<2x10240x128xf32, #tpu.memory_space<hbm>> -> memref<1x640x128xf32, #tpu.memory_space<hbm>>
      %dma_start3A_22 = tpu.memref_squeeze %dma_start3A_21 : memref<1x640x128xf32, #tpu.memory_space<hbm>> -> memref<640x128xf32, #tpu.memory_space<hbm>>
      %dma_start3A_23 = arith.constant 0 : i32
      %dma_start3A_24 = tpu.memref_slice %arg12[%mul3A_18, %dma_start3A_23] : memref<10240x128xf32, #tpu.memory_space<vmem_shared>> -> memref<640x128xf32, #tpu.memory_space<vmem_shared>>
      tpu.enqueue_dma source(%dma_start3A_24 : memref<640x128xf32, #tpu.memory_space<vmem_shared>>) target(%dma_start3A_22 : memref<640x128xf32, #tpu.memory_space<hbm>>) target_semaphore(%run_scoped3A : memref<!tpu.dma_semaphore, #tpu.memory_space<semaphore_mem>>)
      %dma_wait3A = arith.constant 0 : i32
      %dma_wait3A_25 = tpu.memref_slice %arg5[%arg0, %mul3A_20, %dma_wait3A] : memref<2x10240x128xf32, #tpu.memory_space<hbm>> -> memref<1x640x128xf32, #tpu.memory_space<hbm>>
      %dma_wait3A_26 = tpu.memref_squeeze %dma_wait3A_25 : memref<1x640x128xf32, #tpu.memory_space<hbm>> -> memref<640x128xf32, #tpu.memory_space<hbm>>
      %dma_wait3A_27 = arith.constant 0 : i32
      %dma_wait3A_28 = tpu.memref_slice %arg12[%mul3A_18, %dma_wait3A_27] : memref<10240x128xf32, #tpu.memory_space<vmem_shared>> -> memref<640x128xf32, #tpu.memory_space<vmem_shared>>
      tpu.wait_dma2 semaphore(%run_scoped3A : memref<!tpu.dma_semaphore, #tpu.memory_space<semaphore_mem>>) src(%dma_wait3A_28 : memref<640x128xf32, #tpu.memory_space<vmem_shared>>) dst(%dma_wait3A_26 : memref<640x128xf32, #tpu.memory_space<hbm>>)
      tpu.yield
    }) : () -> ()
    return
  }
}

#map = affine_map<(d0, d1) -> (0, 0)>
#map1 = affine_map<(d0, d1) -> (0)>
#map2 = affine_map<(d0, d1) -> (0, 0, 0)>
module attributes {stable_mosaic.version = 14 : i64} {
  func.func @k(%arg0: i32, %arg1: i32, %arg2: memref<320000x128xf32, #tpu.memory_space<hbm>>, %arg3: memref<320000xi32, #tpu.memory_space<hbm>>, %arg4: memref<10240x128xf32, #tpu.memory_space<hbm>>, %arg5: memref<2x10240x128xf32, #tpu.memory_space<hbm>>, %arg6: memref<40xi32, #tpu.memory_space<vmem>>, %arg7: memref<40xi32, #tpu.memory_space<vmem>>, %arg8: memref<40xi32, #tpu.memory_space<vmem>>, %arg9: memref<40xi32, #tpu.memory_space<vmem>>, %arg10: memref<40xi32, #tpu.memory_space<vmem>>, %arg11: memref<200x128xf32, #tpu.memory_space<vmem>>, %arg12: memref<10240x128xf32, #tpu.memory_space<vmem_shared>>, %arg13: memref<!tpu.dma_semaphore, #tpu.memory_space<semaphore_mem>>, %arg14: memref<!tpu.dma_semaphore, #tpu.memory_space<semaphore_mem>>) attributes {dimension_semantics = [#tpu.dimension_semantics<core_parallel>, #tpu.dimension_semantics<subcore_parallel>], iteration_bounds = array<i64: 2, 16>, scalar_prefetch = 0 : i64, scratch_operands = 9 : i64, tpu.core_type = #tpu.core_type<sc_vector_subcore>, window_params = [{transform_indices = #map}, {transform_indices = #map1}, {transform_indices = #map}, {transform_indices = #map2}]} {
    %mul3A = arith.constant 2 : i32
    %mul3A_0 = arith.muli %arg1, %mul3A : i32
    %add3A = arith.addi %mul3A_0, %arg0 : i32
    %mul3A_1 = arith.constant 250 : i32
    %mul3A_2 = arith.muli %add3A, %mul3A_1 : i32
    %mul3A_3 = arith.constant 40 : i32
    %mul3A_4 = arith.muli %mul3A_2, %mul3A_3 : i32
    %add3A_5 = arith.constant 0 : i32
    %add3A_6 = arith.addi %add3A_5, %mul3A_4 : i32
    %mul3A_7 = arith.constant 640 : i32
    %mul3A_8 = arith.muli %arg1, %mul3A_7 : i32
    %mul3A_9 = arith.constant 640 : i32
    %mul3A_10 = arith.muli %arg1, %mul3A_9 : i32
    "tpu.region"() ({
      %run_scoped3A = tpu.sem_alloc : memref<!tpu.dma_semaphore, #tpu.memory_space<semaphore_mem>>
      %dma_start3A = arith.constant 0 : i32
      %dma_start3A_21 = tpu.memref_slice %arg12[%mul3A_10, %dma_start3A] : memref<10240x128xf32, #tpu.memory_space<vmem_shared>> -> memref<640x128xf32, #tpu.memory_space<vmem_shared>>
      %dma_start3A_22 = arith.constant 0 : i32
      %dma_start3A_23 = tpu.memref_slice %arg4[%mul3A_8, %dma_start3A_22] : memref<10240x128xf32, #tpu.memory_space<hbm>> -> memref<640x128xf32, #tpu.memory_space<hbm>>
      tpu.enqueue_dma source(%dma_start3A_23 : memref<640x128xf32, #tpu.memory_space<hbm>>) target(%dma_start3A_21 : memref<640x128xf32, #tpu.memory_space<vmem_shared>>) target_semaphore(%run_scoped3A : memref<!tpu.dma_semaphore, #tpu.memory_space<semaphore_mem>>)
      %dma_wait3A = arith.constant 0 : i32
      %dma_wait3A_24 = tpu.memref_slice %arg12[%mul3A_10, %dma_wait3A] : memref<10240x128xf32, #tpu.memory_space<vmem_shared>> -> memref<640x128xf32, #tpu.memory_space<vmem_shared>>
      %dma_wait3A_25 = arith.constant 0 : i32
      %dma_wait3A_26 = tpu.memref_slice %arg4[%mul3A_8, %dma_wait3A_25] : memref<10240x128xf32, #tpu.memory_space<hbm>> -> memref<640x128xf32, #tpu.memory_space<hbm>>
      tpu.wait_dma2 semaphore(%run_scoped3A : memref<!tpu.dma_semaphore, #tpu.memory_space<semaphore_mem>>) src(%dma_wait3A_26 : memref<640x128xf32, #tpu.memory_space<hbm>>) dst(%dma_wait3A_24 : memref<640x128xf32, #tpu.memory_space<vmem_shared>>)
      tpu.yield
    }) : () -> ()
    %barrier3A = arith.constant 0 : index
    tpu.barrier barrier_id(%barrier3A)
    %scan3A = arith.constant 0 : i32
    %scan3A_11 = arith.constant 0 : i32
    %scan3A_12 = arith.constant 50 : i32
    %scan3A_13 = arith.addi %scan3A_11, %scan3A_12 : i32
    %scan3A_14 = arith.constant 1 : i32
    scf.for %scan3A_21 = %scan3A_11 to %scan3A_13 step %scan3A_14  : i32 {
      %mul3A_22 = arith.constant 200 : i32
      %mul3A_23 = arith.muli %scan3A_21, %mul3A_22 : i32
      %add3A_24 = arith.addi %mul3A_4, %mul3A_23 : i32
      %mul3A_25 = arith.constant 200 : i32
      %mul3A_26 = arith.muli %scan3A_21, %mul3A_25 : i32
      %add3A_27 = arith.addi %add3A_6, %mul3A_26 : i32
      %add3A_28 = arith.constant 0 : i32
      %add3A_29 = arith.addi %add3A_27, %add3A_28 : i32
      %dma_start3A = tpu.memref_slice %arg3[%add3A_29] : memref<320000xi32, #tpu.memory_space<hbm>> -> memref<40xi32, #tpu.memory_space<hbm>>
      %dma_start3A_30 = tpu.memref_slice %arg3[%add3A_29] : memref<320000xi32, #tpu.memory_space<hbm>> -> memref<40xi32, #tpu.memory_space<hbm>>
      tpu.enqueue_dma source(%dma_start3A_30 : memref<40xi32, #tpu.memory_space<hbm>>) target(%arg6 : memref<40xi32, #tpu.memory_space<vmem>>) target_semaphore(%arg13 : memref<!tpu.dma_semaphore, #tpu.memory_space<semaphore_mem>>)
      %add3A_31 = arith.constant 40 : i32
      %add3A_32 = arith.addi %add3A_27, %add3A_31 : i32
      %dma_start3A_33 = tpu.memref_slice %arg3[%add3A_32] : memref<320000xi32, #tpu.memory_space<hbm>> -> memref<40xi32, #tpu.memory_space<hbm>>
      %dma_start3A_34 = tpu.memref_slice %arg3[%add3A_32] : memref<320000xi32, #tpu.memory_space<hbm>> -> memref<40xi32, #tpu.memory_space<hbm>>
      tpu.enqueue_dma source(%dma_start3A_34 : memref<40xi32, #tpu.memory_space<hbm>>) target(%arg7 : memref<40xi32, #tpu.memory_space<vmem>>) target_semaphore(%arg13 : memref<!tpu.dma_semaphore, #tpu.memory_space<semaphore_mem>>)
      %add3A_35 = arith.constant 80 : i32
      %add3A_36 = arith.addi %add3A_27, %add3A_35 : i32
      %dma_start3A_37 = tpu.memref_slice %arg3[%add3A_36] : memref<320000xi32, #tpu.memory_space<hbm>> -> memref<40xi32, #tpu.memory_space<hbm>>
      %dma_start3A_38 = tpu.memref_slice %arg3[%add3A_36] : memref<320000xi32, #tpu.memory_space<hbm>> -> memref<40xi32, #tpu.memory_space<hbm>>
      tpu.enqueue_dma source(%dma_start3A_38 : memref<40xi32, #tpu.memory_space<hbm>>) target(%arg8 : memref<40xi32, #tpu.memory_space<vmem>>) target_semaphore(%arg13 : memref<!tpu.dma_semaphore, #tpu.memory_space<semaphore_mem>>)
      %add3A_39 = arith.constant 120 : i32
      %add3A_40 = arith.addi %add3A_27, %add3A_39 : i32
      %dma_start3A_41 = tpu.memref_slice %arg3[%add3A_40] : memref<320000xi32, #tpu.memory_space<hbm>> -> memref<40xi32, #tpu.memory_space<hbm>>
      %dma_start3A_42 = tpu.memref_slice %arg3[%add3A_40] : memref<320000xi32, #tpu.memory_space<hbm>> -> memref<40xi32, #tpu.memory_space<hbm>>
      tpu.enqueue_dma source(%dma_start3A_42 : memref<40xi32, #tpu.memory_space<hbm>>) target(%arg9 : memref<40xi32, #tpu.memory_space<vmem>>) target_semaphore(%arg13 : memref<!tpu.dma_semaphore, #tpu.memory_space<semaphore_mem>>)
      %add3A_43 = arith.constant 160 : i32
      %add3A_44 = arith.addi %add3A_27, %add3A_43 : i32
      %dma_start3A_45 = tpu.memref_slice %arg3[%add3A_44] : memref<320000xi32, #tpu.memory_space<hbm>> -> memref<40xi32, #tpu.memory_space<hbm>>
      %dma_start3A_46 = tpu.memref_slice %arg3[%add3A_44] : memref<320000xi32, #tpu.memory_space<hbm>> -> memref<40xi32, #tpu.memory_space<hbm>>
      tpu.enqueue_dma source(%dma_start3A_46 : memref<40xi32, #tpu.memory_space<hbm>>) target(%arg10 : memref<40xi32, #tpu.memory_space<vmem>>) target_semaphore(%arg13 : memref<!tpu.dma_semaphore, #tpu.memory_space<semaphore_mem>>)
      "tpu.region"() ({
        %run_scoped3A = tpu.sem_alloc : memref<!tpu.dma_semaphore, #tpu.memory_space<semaphore_mem>>
        %dma_start3A_116 = arith.constant 0 : i32
        %dma_start3A_117 = tpu.memref_slice %arg2[%add3A_24, %dma_start3A_116] : memref<320000x128xf32, #tpu.memory_space<hbm>> -> memref<200x128xf32, #tpu.memory_space<hbm>>
        %dma_start3A_118 = arith.constant 0 : i32
        %dma_start3A_119 = tpu.memref_slice %arg2[%add3A_24, %dma_start3A_118] : memref<320000x128xf32, #tpu.memory_space<hbm>> -> memref<200x128xf32, #tpu.memory_space<hbm>>
        tpu.enqueue_dma source(%dma_start3A_119 : memref<200x128xf32, #tpu.memory_space<hbm>>) target(%arg11 : memref<200x128xf32, #tpu.memory_space<vmem>>) target_semaphore(%run_scoped3A : memref<!tpu.dma_semaphore, #tpu.memory_space<semaphore_mem>>)
        %dma_wait3A_120 = arith.constant 0 : i32
        %dma_wait3A_121 = tpu.memref_slice %arg2[%add3A_24, %dma_wait3A_120] : memref<320000x128xf32, #tpu.memory_space<hbm>> -> memref<200x128xf32, #tpu.memory_space<hbm>>
        %dma_wait3A_122 = arith.constant 0 : i32
        %dma_wait3A_123 = tpu.memref_slice %arg2[%add3A_24, %dma_wait3A_122] : memref<320000x128xf32, #tpu.memory_space<hbm>> -> memref<200x128xf32, #tpu.memory_space<hbm>>
        tpu.wait_dma2 semaphore(%run_scoped3A : memref<!tpu.dma_semaphore, #tpu.memory_space<semaphore_mem>>) src(%dma_wait3A_123 : memref<200x128xf32, #tpu.memory_space<hbm>>) dst(%arg11 : memref<200x128xf32, #tpu.memory_space<vmem>>)
        tpu.yield
      }) : () -> ()
      %dma_wait3A = tpu.memref_slice %arg3[%add3A_29] : memref<320000xi32, #tpu.memory_space<hbm>> -> memref<40xi32, #tpu.memory_space<hbm>>
      %dma_wait3A_47 = tpu.memref_slice %arg3[%add3A_29] : memref<320000xi32, #tpu.memory_space<hbm>> -> memref<40xi32, #tpu.memory_space<hbm>>
      tpu.wait_dma2 semaphore(%arg13 : memref<!tpu.dma_semaphore, #tpu.memory_space<semaphore_mem>>) src(%dma_wait3A_47 : memref<40xi32, #tpu.memory_space<hbm>>) dst(%arg6 : memref<40xi32, #tpu.memory_space<vmem>>)
      %dma_wait3A_48 = tpu.memref_slice %arg3[%add3A_32] : memref<320000xi32, #tpu.memory_space<hbm>> -> memref<40xi32, #tpu.memory_space<hbm>>
      %dma_wait3A_49 = tpu.memref_slice %arg3[%add3A_32] : memref<320000xi32, #tpu.memory_space<hbm>> -> memref<40xi32, #tpu.memory_space<hbm>>
      tpu.wait_dma2 semaphore(%arg13 : memref<!tpu.dma_semaphore, #tpu.memory_space<semaphore_mem>>) src(%dma_wait3A_49 : memref<40xi32, #tpu.memory_space<hbm>>) dst(%arg7 : memref<40xi32, #tpu.memory_space<vmem>>)
      %dma_wait3A_50 = tpu.memref_slice %arg3[%add3A_36] : memref<320000xi32, #tpu.memory_space<hbm>> -> memref<40xi32, #tpu.memory_space<hbm>>
      %dma_wait3A_51 = tpu.memref_slice %arg3[%add3A_36] : memref<320000xi32, #tpu.memory_space<hbm>> -> memref<40xi32, #tpu.memory_space<hbm>>
      tpu.wait_dma2 semaphore(%arg13 : memref<!tpu.dma_semaphore, #tpu.memory_space<semaphore_mem>>) src(%dma_wait3A_51 : memref<40xi32, #tpu.memory_space<hbm>>) dst(%arg8 : memref<40xi32, #tpu.memory_space<vmem>>)
      %dma_wait3A_52 = tpu.memref_slice %arg3[%add3A_40] : memref<320000xi32, #tpu.memory_space<hbm>> -> memref<40xi32, #tpu.memory_space<hbm>>
      %dma_wait3A_53 = tpu.memref_slice %arg3[%add3A_40] : memref<320000xi32, #tpu.memory_space<hbm>> -> memref<40xi32, #tpu.memory_space<hbm>>
      tpu.wait_dma2 semaphore(%arg13 : memref<!tpu.dma_semaphore, #tpu.memory_space<semaphore_mem>>) src(%dma_wait3A_53 : memref<40xi32, #tpu.memory_space<hbm>>) dst(%arg9 : memref<40xi32, #tpu.memory_space<vmem>>)
      %dma_wait3A_54 = tpu.memref_slice %arg3[%add3A_44] : memref<320000xi32, #tpu.memory_space<hbm>> -> memref<40xi32, #tpu.memory_space<hbm>>
      %dma_wait3A_55 = tpu.memref_slice %arg3[%add3A_44] : memref<320000xi32, #tpu.memory_space<hbm>> -> memref<40xi32, #tpu.memory_space<hbm>>
      tpu.wait_dma2 semaphore(%arg13 : memref<!tpu.dma_semaphore, #tpu.memory_space<semaphore_mem>>) src(%dma_wait3A_55 : memref<40xi32, #tpu.memory_space<hbm>>) dst(%arg10 : memref<40xi32, #tpu.memory_space<vmem>>)
      %dma_start3A_56 = arith.constant 0 : i32
      %dma_start3A_57 = arith.constant 0 : i32
      %dma_start3A_58 = tpu.memref_slice %arg11[%dma_start3A_56, %dma_start3A_57] : memref<200x128xf32, #tpu.memory_space<vmem>> -> memref<40x128xf32, #tpu.memory_space<vmem>>
      %dma_start3A_59 = arith.constant 0 : i32
      %dma_start3A_60 = arith.constant 0 : i32
      %dma_start3A_61 = tpu.memref_slice %arg12[%dma_start3A_59, %dma_start3A_60] : memref<10240x128xf32, #tpu.memory_space<vmem_shared>> -> memref<10240x128xf32, #tpu.memory_space<vmem_shared>>
      tpu.enqueue_indirect_dma source(%dma_start3A_58 : memref<40x128xf32, #tpu.memory_space<vmem>>) target(%dma_start3A_61 : memref<10240x128xf32, #tpu.memory_space<vmem_shared>>) offsets(%arg6 : memref<40xi32, #tpu.memory_space<vmem>>) semaphore(%arg14 : memref<!tpu.dma_semaphore, #tpu.memory_space<semaphore_mem>>) {add = true}
      %dma_start3A_62 = arith.constant 40 : i32
      %dma_start3A_63 = arith.constant 0 : i32
      %dma_start3A_64 = tpu.memref_slice %arg11[%dma_start3A_62, %dma_start3A_63] : memref<200x128xf32, #tpu.memory_space<vmem>> -> memref<40x128xf32, #tpu.memory_space<vmem>>
      %dma_start3A_65 = arith.constant 0 : i32
      %dma_start3A_66 = arith.constant 0 : i32
      %dma_start3A_67 = tpu.memref_slice %arg12[%dma_start3A_65, %dma_start3A_66] : memref<10240x128xf32, #tpu.memory_space<vmem_shared>> -> memref<10240x128xf32, #tpu.memory_space<vmem_shared>>
      tpu.enqueue_indirect_dma source(%dma_start3A_64 : memref<40x128xf32, #tpu.memory_space<vmem>>) target(%dma_start3A_67 : memref<10240x128xf32, #tpu.memory_space<vmem_shared>>) offsets(%arg7 : memref<40xi32, #tpu.memory_space<vmem>>) semaphore(%arg14 : memref<!tpu.dma_semaphore, #tpu.memory_space<semaphore_mem>>) {add = true}
      %dma_start3A_68 = arith.constant 80 : i32
      %dma_start3A_69 = arith.constant 0 : i32
      %dma_start3A_70 = tpu.memref_slice %arg11[%dma_start3A_68, %dma_start3A_69] : memref<200x128xf32, #tpu.memory_space<vmem>> -> memref<40x128xf32, #tpu.memory_space<vmem>>
      %dma_start3A_71 = arith.constant 0 : i32
      %dma_start3A_72 = arith.constant 0 : i32
      %dma_start3A_73 = tpu.memref_slice %arg12[%dma_start3A_71, %dma_start3A_72] : memref<10240x128xf32, #tpu.memory_space<vmem_shared>> -> memref<10240x128xf32, #tpu.memory_space<vmem_shared>>
      tpu.enqueue_indirect_dma source(%dma_start3A_70 : memref<40x128xf32, #tpu.memory_space<vmem>>) target(%dma_start3A_73 : memref<10240x128xf32, #tpu.memory_space<vmem_shared>>) offsets(%arg8 : memref<40xi32, #tpu.memory_space<vmem>>) semaphore(%arg14 : memref<!tpu.dma_semaphore, #tpu.memory_space<semaphore_mem>>) {add = true}
      %dma_start3A_74 = arith.constant 120 : i32
      %dma_start3A_75 = arith.constant 0 : i32
      %dma_start3A_76 = tpu.memref_slice %arg11[%dma_start3A_74, %dma_start3A_75] : memref<200x128xf32, #tpu.memory_space<vmem>> -> memref<40x128xf32, #tpu.memory_space<vmem>>
      %dma_start3A_77 = arith.constant 0 : i32
      %dma_start3A_78 = arith.constant 0 : i32
      %dma_start3A_79 = tpu.memref_slice %arg12[%dma_start3A_77, %dma_start3A_78] : memref<10240x128xf32, #tpu.memory_space<vmem_shared>> -> memref<10240x128xf32, #tpu.memory_space<vmem_shared>>
      tpu.enqueue_indirect_dma source(%dma_start3A_76 : memref<40x128xf32, #tpu.memory_space<vmem>>) target(%dma_start3A_79 : memref<10240x128xf32, #tpu.memory_space<vmem_shared>>) offsets(%arg9 : memref<40xi32, #tpu.memory_space<vmem>>) semaphore(%arg14 : memref<!tpu.dma_semaphore, #tpu.memory_space<semaphore_mem>>) {add = true}
      %dma_start3A_80 = arith.constant 160 : i32
      %dma_start3A_81 = arith.constant 0 : i32
      %dma_start3A_82 = tpu.memref_slice %arg11[%dma_start3A_80, %dma_start3A_81] : memref<200x128xf32, #tpu.memory_space<vmem>> -> memref<40x128xf32, #tpu.memory_space<vmem>>
      %dma_start3A_83 = arith.constant 0 : i32
      %dma_start3A_84 = arith.constant 0 : i32
      %dma_start3A_85 = tpu.memref_slice %arg12[%dma_start3A_83, %dma_start3A_84] : memref<10240x128xf32, #tpu.memory_space<vmem_shared>> -> memref<10240x128xf32, #tpu.memory_space<vmem_shared>>
      tpu.enqueue_indirect_dma source(%dma_start3A_82 : memref<40x128xf32, #tpu.memory_space<vmem>>) target(%dma_start3A_85 : memref<10240x128xf32, #tpu.memory_space<vmem_shared>>) offsets(%arg10 : memref<40xi32, #tpu.memory_space<vmem>>) semaphore(%arg14 : memref<!tpu.dma_semaphore, #tpu.memory_space<semaphore_mem>>) {add = true}
      %dma_wait3A_86 = arith.constant 0 : i32
      %dma_wait3A_87 = arith.constant 0 : i32
      %dma_wait3A_88 = tpu.memref_slice %arg11[%dma_wait3A_86, %dma_wait3A_87] : memref<200x128xf32, #tpu.memory_space<vmem>> -> memref<40x128xf32, #tpu.memory_space<vmem>>
      %dma_wait3A_89 = arith.constant 0 : i32
      %dma_wait3A_90 = arith.constant 0 : i32
      %dma_wait3A_91 = tpu.memref_slice %arg12[%dma_wait3A_89, %dma_wait3A_90] : memref<10240x128xf32, #tpu.memory_space<vmem_shared>> -> memref<10240x128xf32, #tpu.memory_space<vmem_shared>>
      tpu.wait_indirect_dma semaphore(%arg14 : memref<!tpu.dma_semaphore, #tpu.memory_space<semaphore_mem>>) src(%dma_wait3A_88 : memref<40x128xf32, #tpu.memory_space<vmem>>) dst(%dma_wait3A_91 : memref<10240x128xf32, #tpu.memory_space<vmem_shared>>)
      %dma_wait3A_92 = arith.constant 40 : i32
      %dma_wait3A_93 = arith.constant 0 : i32
      %dma_wait3A_94 = tpu.memref_slice %arg11[%dma_wait3A_92, %dma_wait3A_93] : memref<200x128xf32, #tpu.memory_space<vmem>> -> memref<40x128xf32, #tpu.memory_space<vmem>>
      %dma_wait3A_95 = arith.constant 0 : i32
      %dma_wait3A_96 = arith.constant 0 : i32
      %dma_wait3A_97 = tpu.memref_slice %arg12[%dma_wait3A_95, %dma_wait3A_96] : memref<10240x128xf32, #tpu.memory_space<vmem_shared>> -> memref<10240x128xf32, #tpu.memory_space<vmem_shared>>
      tpu.wait_indirect_dma semaphore(%arg14 : memref<!tpu.dma_semaphore, #tpu.memory_space<semaphore_mem>>) src(%dma_wait3A_94 : memref<40x128xf32, #tpu.memory_space<vmem>>) dst(%dma_wait3A_97 : memref<10240x128xf32, #tpu.memory_space<vmem_shared>>)
      %dma_wait3A_98 = arith.constant 80 : i32
      %dma_wait3A_99 = arith.constant 0 : i32
      %dma_wait3A_100 = tpu.memref_slice %arg11[%dma_wait3A_98, %dma_wait3A_99] : memref<200x128xf32, #tpu.memory_space<vmem>> -> memref<40x128xf32, #tpu.memory_space<vmem>>
      %dma_wait3A_101 = arith.constant 0 : i32
      %dma_wait3A_102 = arith.constant 0 : i32
      %dma_wait3A_103 = tpu.memref_slice %arg12[%dma_wait3A_101, %dma_wait3A_102] : memref<10240x128xf32, #tpu.memory_space<vmem_shared>> -> memref<10240x128xf32, #tpu.memory_space<vmem_shared>>
      tpu.wait_indirect_dma semaphore(%arg14 : memref<!tpu.dma_semaphore, #tpu.memory_space<semaphore_mem>>) src(%dma_wait3A_100 : memref<40x128xf32, #tpu.memory_space<vmem>>) dst(%dma_wait3A_103 : memref<10240x128xf32, #tpu.memory_space<vmem_shared>>)
      %dma_wait3A_104 = arith.constant 120 : i32
      %dma_wait3A_105 = arith.constant 0 : i32
      %dma_wait3A_106 = tpu.memref_slice %arg11[%dma_wait3A_104, %dma_wait3A_105] : memref<200x128xf32, #tpu.memory_space<vmem>> -> memref<40x128xf32, #tpu.memory_space<vmem>>
      %dma_wait3A_107 = arith.constant 0 : i32
      %dma_wait3A_108 = arith.constant 0 : i32
      %dma_wait3A_109 = tpu.memref_slice %arg12[%dma_wait3A_107, %dma_wait3A_108] : memref<10240x128xf32, #tpu.memory_space<vmem_shared>> -> memref<10240x128xf32, #tpu.memory_space<vmem_shared>>
      tpu.wait_indirect_dma semaphore(%arg14 : memref<!tpu.dma_semaphore, #tpu.memory_space<semaphore_mem>>) src(%dma_wait3A_106 : memref<40x128xf32, #tpu.memory_space<vmem>>) dst(%dma_wait3A_109 : memref<10240x128xf32, #tpu.memory_space<vmem_shared>>)
      %dma_wait3A_110 = arith.constant 160 : i32
      %dma_wait3A_111 = arith.constant 0 : i32
      %dma_wait3A_112 = tpu.memref_slice %arg11[%dma_wait3A_110, %dma_wait3A_111] : memref<200x128xf32, #tpu.memory_space<vmem>> -> memref<40x128xf32, #tpu.memory_space<vmem>>
      %dma_wait3A_113 = arith.constant 0 : i32
      %dma_wait3A_114 = arith.constant 0 : i32
      %dma_wait3A_115 = tpu.memref_slice %arg12[%dma_wait3A_113, %dma_wait3A_114] : memref<10240x128xf32, #tpu.memory_space<vmem_shared>> -> memref<10240x128xf32, #tpu.memory_space<vmem_shared>>
      tpu.wait_indirect_dma semaphore(%arg14 : memref<!tpu.dma_semaphore, #tpu.memory_space<semaphore_mem>>) src(%dma_wait3A_112 : memref<40x128xf32, #tpu.memory_space<vmem>>) dst(%dma_wait3A_115 : memref<10240x128xf32, #tpu.memory_space<vmem_shared>>)
    }
    %scan3A_15 = arith.constant 50 : i32
    %barrier3A_16 = arith.constant 0 : index
    tpu.barrier barrier_id(%barrier3A_16)
    %mul3A_17 = arith.constant 640 : i32
    %mul3A_18 = arith.muli %arg1, %mul3A_17 : i32
    %mul3A_19 = arith.constant 640 : i32
    %mul3A_20 = arith.muli %arg1, %mul3A_19 : i32
    "tpu.region"() ({
      %run_scoped3A = tpu.sem_alloc : memref<!tpu.dma_semaphore, #tpu.memory_space<semaphore_mem>>
      %dma_start3A = arith.constant 0 : i32
      %dma_start3A_21 = tpu.memref_slice %arg5[%arg0, %mul3A_20, %dma_start3A] : memref<2x10240x128xf32, #tpu.memory_space<hbm>> -> memref<1x640x128xf32, #tpu.memory_space<hbm>>
      %dma_start3A_22 = tpu.memref_squeeze %dma_start3A_21 : memref<1x640x128xf32, #tpu.memory_space<hbm>> -> memref<640x128xf32, #tpu.memory_space<hbm>>
      %dma_start3A_23 = arith.constant 0 : i32
      %dma_start3A_24 = tpu.memref_slice %arg12[%mul3A_18, %dma_start3A_23] : memref<10240x128xf32, #tpu.memory_space<vmem_shared>> -> memref<640x128xf32, #tpu.memory_space<vmem_shared>>
      tpu.enqueue_dma source(%dma_start3A_24 : memref<640x128xf32, #tpu.memory_space<vmem_shared>>) target(%dma_start3A_22 : memref<640x128xf32, #tpu.memory_space<hbm>>) target_semaphore(%run_scoped3A : memref<!tpu.dma_semaphore, #tpu.memory_space<semaphore_mem>>)
      %dma_wait3A = arith.constant 0 : i32
      %dma_wait3A_25 = tpu.memref_slice %arg5[%arg0, %mul3A_20, %dma_wait3A] : memref<2x10240x128xf32, #tpu.memory_space<hbm>> -> memref<1x640x128xf32, #tpu.memory_space<hbm>>
      %dma_wait3A_26 = tpu.memref_squeeze %dma_wait3A_25 : memref<1x640x128xf32, #tpu.memory_space<hbm>> -> memref<640x128xf32, #tpu.memory_space<hbm>>
      %dma_wait3A_27 = arith.constant 0 : i32
      %dma_wait3A_28 = tpu.memref_slice %arg12[%mul3A_18, %dma_wait3A_27] : memref<10240x128xf32, #tpu.memory_space<vmem_shared>> -> memref<640x128xf32, #tpu.memory_space<vmem_shared>>
      tpu.wait_dma2 semaphore(%run_scoped3A : memref<!tpu.dma_semaphore, #tpu.memory_space<semaphore_mem>>) src(%dma_wait3A_28 : memref<640x128xf32, #tpu.memory_space<vmem_shared>>) dst(%dma_wait3A_26 : memref<640x128xf32, #tpu.memory_space<hbm>>)
      tpu.yield
    }) : () -> ()
    return
  }
}

#map = affine_map<(d0, d1) -> (0, 0)>
#map1 = affine_map<(d0, d1) -> (0)>
module attributes {stable_mosaic.version = 14 : i64} {
  func.func @k(%arg0: i32, %arg1: i32, %arg2: memref<10000x128xf32, #tpu.memory_space<hbm>>, %arg3: memref<10000x128xf32, #tpu.memory_space<hbm>>, %arg4: memref<320000xi32, #tpu.memory_space<hbm>>, %arg5: memref<320000xi32, #tpu.memory_space<hbm>>, %arg6: memref<320000x128xf32, #tpu.memory_space<hbm>>, %arg7: memref<320000x128xf32, #tpu.memory_space<hbm>>, %arg8: memref<400xi32, #tpu.memory_space<vmem>>, %arg9: memref<400xi32, #tpu.memory_space<vmem>>, %arg10: memref<80x128xf32, #tpu.memory_space<vmem>>, %arg11: memref<80x128xf32, #tpu.memory_space<vmem>>, %arg12: memref<80x128xf32, #tpu.memory_space<vmem>>, %arg13: memref<80x128xf32, #tpu.memory_space<vmem>>, %arg14: memref<80x128xf32, #tpu.memory_space<vmem>>, %arg15: memref<80x128xf32, #tpu.memory_space<vmem>>, %arg16: memref<80x128xf32, #tpu.memory_space<vmem>>, %arg17: memref<80x128xf32, #tpu.memory_space<vmem>>, %arg18: memref<80x128xf32, #tpu.memory_space<vmem>>, %arg19: memref<80x128xf32, #tpu.memory_space<vmem>>, %arg20: memref<!tpu.dma_semaphore, #tpu.memory_space<semaphore_mem>>, %arg21: memref<!tpu.dma_semaphore, #tpu.memory_space<semaphore_mem>>, %arg22: memref<!tpu.dma_semaphore, #tpu.memory_space<semaphore_mem>>) attributes {dimension_semantics = [#tpu.dimension_semantics<core_parallel>, #tpu.dimension_semantics<subcore_parallel>], iteration_bounds = array<i64: 2, 16>, scalar_prefetch = 0 : i64, scratch_operands = 15 : i64, tpu.core_type = #tpu.core_type<sc_vector_subcore>, window_params = [{transform_indices = #map}, {transform_indices = #map}, {transform_indices = #map1}, {transform_indices = #map1}, {transform_indices = #map}, {transform_indices = #map}]} {
    %mul3A = arith.constant 2 : i32
    %mul3A_0 = arith.muli %arg1, %mul3A : i32
    %add3A = arith.addi %mul3A_0, %arg0 : i32
    %mul3A_1 = arith.constant 125 : i32
    %mul3A_2 = arith.muli %add3A, %mul3A_1 : i32
    %mul3A_3 = arith.constant 80 : i32
    %mul3A_4 = arith.muli %mul3A_2, %mul3A_3 : i32
    %add3A_5 = arith.constant 0 : i32
    %add3A_6 = arith.addi %add3A_5, %mul3A_4 : i32
    %scan3A = arith.constant 0 : i32
    %scan3A_7 = arith.constant 0 : i32
    %scan3A_8 = arith.constant 25 : i32
    %scan3A_9 = arith.addi %scan3A_7, %scan3A_8 : i32
    %scan3A_10 = arith.constant 1 : i32
    scf.for %scan3A_12 = %scan3A_7 to %scan3A_9 step %scan3A_10  : i32 {
      %mul3A_13 = arith.constant 400 : i32
      %mul3A_14 = arith.muli %scan3A_12, %mul3A_13 : i32
      %add3A_15 = arith.addi %add3A_6, %mul3A_14 : i32
      %sub3A = arith.constant 0 : i32
      %sub3A_16 = arith.subi %add3A_15, %sub3A : i32
      %dma_start3A = tpu.memref_slice %arg4[%add3A_15] : memref<320000xi32, #tpu.memory_space<hbm>> -> memref<400xi32, #tpu.memory_space<hbm>>
      %dma_start3A_17 = tpu.memref_slice %arg4[%add3A_15] : memref<320000xi32, #tpu.memory_space<hbm>> -> memref<400xi32, #tpu.memory_space<hbm>>
      tpu.enqueue_dma source(%dma_start3A_17 : memref<400xi32, #tpu.memory_space<hbm>>) target(%arg8 : memref<400xi32, #tpu.memory_space<vmem>>) target_semaphore(%arg20 : memref<!tpu.dma_semaphore, #tpu.memory_space<semaphore_mem>>)
      %dma_start3A_18 = tpu.memref_slice %arg5[%add3A_15] : memref<320000xi32, #tpu.memory_space<hbm>> -> memref<400xi32, #tpu.memory_space<hbm>>
      %dma_start3A_19 = tpu.memref_slice %arg5[%add3A_15] : memref<320000xi32, #tpu.memory_space<hbm>> -> memref<400xi32, #tpu.memory_space<hbm>>
      tpu.enqueue_dma source(%dma_start3A_19 : memref<400xi32, #tpu.memory_space<hbm>>) target(%arg9 : memref<400xi32, #tpu.memory_space<vmem>>) target_semaphore(%arg20 : memref<!tpu.dma_semaphore, #tpu.memory_space<semaphore_mem>>)
      %dma_wait3A = tpu.memref_slice %arg4[%add3A_15] : memref<320000xi32, #tpu.memory_space<hbm>> -> memref<400xi32, #tpu.memory_space<hbm>>
      %dma_wait3A_20 = tpu.memref_slice %arg4[%add3A_15] : memref<320000xi32, #tpu.memory_space<hbm>> -> memref<400xi32, #tpu.memory_space<hbm>>
      tpu.wait_dma2 semaphore(%arg20 : memref<!tpu.dma_semaphore, #tpu.memory_space<semaphore_mem>>) src(%dma_wait3A_20 : memref<400xi32, #tpu.memory_space<hbm>>) dst(%arg8 : memref<400xi32, #tpu.memory_space<vmem>>)
      %dma_wait3A_21 = tpu.memref_slice %arg5[%add3A_15] : memref<320000xi32, #tpu.memory_space<hbm>> -> memref<400xi32, #tpu.memory_space<hbm>>
      %dma_wait3A_22 = tpu.memref_slice %arg5[%add3A_15] : memref<320000xi32, #tpu.memory_space<hbm>> -> memref<400xi32, #tpu.memory_space<hbm>>
      tpu.wait_dma2 semaphore(%arg20 : memref<!tpu.dma_semaphore, #tpu.memory_space<semaphore_mem>>) src(%dma_wait3A_22 : memref<400xi32, #tpu.memory_space<hbm>>) dst(%arg9 : memref<400xi32, #tpu.memory_space<vmem>>)
      %dma_start3A_23 = arith.constant 0 : i32
      %dma_start3A_24 = tpu.memref_slice %arg8[%dma_start3A_23] : memref<400xi32, #tpu.memory_space<vmem>> -> memref<80xi32, #tpu.memory_space<vmem>>
      %dma_start3A_25 = arith.constant 0 : i32
      %dma_start3A_26 = arith.constant 0 : i32
      %dma_start3A_27 = tpu.memref_slice %arg2[%dma_start3A_25, %dma_start3A_26] : memref<10000x128xf32, #tpu.memory_space<hbm>> -> memref<10000x128xf32, #tpu.memory_space<hbm>>
      tpu.enqueue_indirect_dma source(%dma_start3A_27 : memref<10000x128xf32, #tpu.memory_space<hbm>>) target(%arg10 : memref<80x128xf32, #tpu.memory_space<vmem>>) offsets(%dma_start3A_24 : memref<80xi32, #tpu.memory_space<vmem>>) semaphore(%arg21 : memref<!tpu.dma_semaphore, #tpu.memory_space<semaphore_mem>>)
      %dma_start3A_28 = arith.constant 0 : i32
      %dma_start3A_29 = tpu.memref_slice %arg9[%dma_start3A_28] : memref<400xi32, #tpu.memory_space<vmem>> -> memref<80xi32, #tpu.memory_space<vmem>>
      %dma_start3A_30 = arith.constant 0 : i32
      %dma_start3A_31 = arith.constant 0 : i32
      %dma_start3A_32 = tpu.memref_slice %arg3[%dma_start3A_30, %dma_start3A_31] : memref<10000x128xf32, #tpu.memory_space<hbm>> -> memref<10000x128xf32, #tpu.memory_space<hbm>>
      tpu.enqueue_indirect_dma source(%dma_start3A_32 : memref<10000x128xf32, #tpu.memory_space<hbm>>) target(%arg11 : memref<80x128xf32, #tpu.memory_space<vmem>>) offsets(%dma_start3A_29 : memref<80xi32, #tpu.memory_space<vmem>>) semaphore(%arg21 : memref<!tpu.dma_semaphore, #tpu.memory_space<semaphore_mem>>)
      %dma_start3A_33 = arith.constant 80 : i32
      %dma_start3A_34 = tpu.memref_slice %arg8[%dma_start3A_33] : memref<400xi32, #tpu.memory_space<vmem>> -> memref<80xi32, #tpu.memory_space<vmem>>
      %dma_start3A_35 = arith.constant 0 : i32
      %dma_start3A_36 = arith.constant 0 : i32
      %dma_start3A_37 = tpu.memref_slice %arg2[%dma_start3A_35, %dma_start3A_36] : memref<10000x128xf32, #tpu.memory_space<hbm>> -> memref<10000x128xf32, #tpu.memory_space<hbm>>
      tpu.enqueue_indirect_dma source(%dma_start3A_37 : memref<10000x128xf32, #tpu.memory_space<hbm>>) target(%arg12 : memref<80x128xf32, #tpu.memory_space<vmem>>) offsets(%dma_start3A_34 : memref<80xi32, #tpu.memory_space<vmem>>) semaphore(%arg21 : memref<!tpu.dma_semaphore, #tpu.memory_space<semaphore_mem>>)
      %dma_start3A_38 = arith.constant 80 : i32
      %dma_start3A_39 = tpu.memref_slice %arg9[%dma_start3A_38] : memref<400xi32, #tpu.memory_space<vmem>> -> memref<80xi32, #tpu.memory_space<vmem>>
      %dma_start3A_40 = arith.constant 0 : i32
      %dma_start3A_41 = arith.constant 0 : i32
      %dma_start3A_42 = tpu.memref_slice %arg3[%dma_start3A_40, %dma_start3A_41] : memref<10000x128xf32, #tpu.memory_space<hbm>> -> memref<10000x128xf32, #tpu.memory_space<hbm>>
      tpu.enqueue_indirect_dma source(%dma_start3A_42 : memref<10000x128xf32, #tpu.memory_space<hbm>>) target(%arg13 : memref<80x128xf32, #tpu.memory_space<vmem>>) offsets(%dma_start3A_39 : memref<80xi32, #tpu.memory_space<vmem>>) semaphore(%arg21 : memref<!tpu.dma_semaphore, #tpu.memory_space<semaphore_mem>>)
      %dma_start3A_43 = arith.constant 160 : i32
      %dma_start3A_44 = tpu.memref_slice %arg8[%dma_start3A_43] : memref<400xi32, #tpu.memory_space<vmem>> -> memref<80xi32, #tpu.memory_space<vmem>>
      %dma_start3A_45 = arith.constant 0 : i32
      %dma_start3A_46 = arith.constant 0 : i32
      %dma_start3A_47 = tpu.memref_slice %arg2[%dma_start3A_45, %dma_start3A_46] : memref<10000x128xf32, #tpu.memory_space<hbm>> -> memref<10000x128xf32, #tpu.memory_space<hbm>>
      tpu.enqueue_indirect_dma source(%dma_start3A_47 : memref<10000x128xf32, #tpu.memory_space<hbm>>) target(%arg14 : memref<80x128xf32, #tpu.memory_space<vmem>>) offsets(%dma_start3A_44 : memref<80xi32, #tpu.memory_space<vmem>>) semaphore(%arg21 : memref<!tpu.dma_semaphore, #tpu.memory_space<semaphore_mem>>)
      %dma_start3A_48 = arith.constant 160 : i32
      %dma_start3A_49 = tpu.memref_slice %arg9[%dma_start3A_48] : memref<400xi32, #tpu.memory_space<vmem>> -> memref<80xi32, #tpu.memory_space<vmem>>
      %dma_start3A_50 = arith.constant 0 : i32
      %dma_start3A_51 = arith.constant 0 : i32
      %dma_start3A_52 = tpu.memref_slice %arg3[%dma_start3A_50, %dma_start3A_51] : memref<10000x128xf32, #tpu.memory_space<hbm>> -> memref<10000x128xf32, #tpu.memory_space<hbm>>
      tpu.enqueue_indirect_dma source(%dma_start3A_52 : memref<10000x128xf32, #tpu.memory_space<hbm>>) target(%arg15 : memref<80x128xf32, #tpu.memory_space<vmem>>) offsets(%dma_start3A_49 : memref<80xi32, #tpu.memory_space<vmem>>) semaphore(%arg21 : memref<!tpu.dma_semaphore, #tpu.memory_space<semaphore_mem>>)
      %dma_start3A_53 = arith.constant 240 : i32
      %dma_start3A_54 = tpu.memref_slice %arg8[%dma_start3A_53] : memref<400xi32, #tpu.memory_space<vmem>> -> memref<80xi32, #tpu.memory_space<vmem>>
      %dma_start3A_55 = arith.constant 0 : i32
      %dma_start3A_56 = arith.constant 0 : i32
      %dma_start3A_57 = tpu.memref_slice %arg2[%dma_start3A_55, %dma_start3A_56] : memref<10000x128xf32, #tpu.memory_space<hbm>> -> memref<10000x128xf32, #tpu.memory_space<hbm>>
      tpu.enqueue_indirect_dma source(%dma_start3A_57 : memref<10000x128xf32, #tpu.memory_space<hbm>>) target(%arg16 : memref<80x128xf32, #tpu.memory_space<vmem>>) offsets(%dma_start3A_54 : memref<80xi32, #tpu.memory_space<vmem>>) semaphore(%arg21 : memref<!tpu.dma_semaphore, #tpu.memory_space<semaphore_mem>>)
      %dma_start3A_58 = arith.constant 240 : i32
      %dma_start3A_59 = tpu.memref_slice %arg9[%dma_start3A_58] : memref<400xi32, #tpu.memory_space<vmem>> -> memref<80xi32, #tpu.memory_space<vmem>>
      %dma_start3A_60 = arith.constant 0 : i32
      %dma_start3A_61 = arith.constant 0 : i32
      %dma_start3A_62 = tpu.memref_slice %arg3[%dma_start3A_60, %dma_start3A_61] : memref<10000x128xf32, #tpu.memory_space<hbm>> -> memref<10000x128xf32, #tpu.memory_space<hbm>>
      tpu.enqueue_indirect_dma source(%dma_start3A_62 : memref<10000x128xf32, #tpu.memory_space<hbm>>) target(%arg17 : memref<80x128xf32, #tpu.memory_space<vmem>>) offsets(%dma_start3A_59 : memref<80xi32, #tpu.memory_space<vmem>>) semaphore(%arg21 : memref<!tpu.dma_semaphore, #tpu.memory_space<semaphore_mem>>)
      %dma_start3A_63 = arith.constant 320 : i32
      %dma_start3A_64 = tpu.memref_slice %arg8[%dma_start3A_63] : memref<400xi32, #tpu.memory_space<vmem>> -> memref<80xi32, #tpu.memory_space<vmem>>
      %dma_start3A_65 = arith.constant 0 : i32
      %dma_start3A_66 = arith.constant 0 : i32
      %dma_start3A_67 = tpu.memref_slice %arg2[%dma_start3A_65, %dma_start3A_66] : memref<10000x128xf32, #tpu.memory_space<hbm>> -> memref<10000x128xf32, #tpu.memory_space<hbm>>
      tpu.enqueue_indirect_dma source(%dma_start3A_67 : memref<10000x128xf32, #tpu.memory_space<hbm>>) target(%arg18 : memref<80x128xf32, #tpu.memory_space<vmem>>) offsets(%dma_start3A_64 : memref<80xi32, #tpu.memory_space<vmem>>) semaphore(%arg21 : memref<!tpu.dma_semaphore, #tpu.memory_space<semaphore_mem>>)
      %dma_start3A_68 = arith.constant 320 : i32
      %dma_start3A_69 = tpu.memref_slice %arg9[%dma_start3A_68] : memref<400xi32, #tpu.memory_space<vmem>> -> memref<80xi32, #tpu.memory_space<vmem>>
      %dma_start3A_70 = arith.constant 0 : i32
      %dma_start3A_71 = arith.constant 0 : i32
      %dma_start3A_72 = tpu.memref_slice %arg3[%dma_start3A_70, %dma_start3A_71] : memref<10000x128xf32, #tpu.memory_space<hbm>> -> memref<10000x128xf32, #tpu.memory_space<hbm>>
      tpu.enqueue_indirect_dma source(%dma_start3A_72 : memref<10000x128xf32, #tpu.memory_space<hbm>>) target(%arg19 : memref<80x128xf32, #tpu.memory_space<vmem>>) offsets(%dma_start3A_69 : memref<80xi32, #tpu.memory_space<vmem>>) semaphore(%arg21 : memref<!tpu.dma_semaphore, #tpu.memory_space<semaphore_mem>>)
      %dma_wait3A_73 = arith.constant 0 : i32
      %dma_wait3A_74 = tpu.memref_slice %arg8[%dma_wait3A_73] : memref<400xi32, #tpu.memory_space<vmem>> -> memref<80xi32, #tpu.memory_space<vmem>>
      %dma_wait3A_75 = arith.constant 0 : i32
      %dma_wait3A_76 = arith.constant 0 : i32
      %dma_wait3A_77 = tpu.memref_slice %arg2[%dma_wait3A_75, %dma_wait3A_76] : memref<10000x128xf32, #tpu.memory_space<hbm>> -> memref<10000x128xf32, #tpu.memory_space<hbm>>
      tpu.wait_indirect_dma semaphore(%arg21 : memref<!tpu.dma_semaphore, #tpu.memory_space<semaphore_mem>>) src(%dma_wait3A_77 : memref<10000x128xf32, #tpu.memory_space<hbm>>) dst(%arg10 : memref<80x128xf32, #tpu.memory_space<vmem>>)
      %dma_wait3A_78 = arith.constant 0 : i32
      %dma_wait3A_79 = tpu.memref_slice %arg9[%dma_wait3A_78] : memref<400xi32, #tpu.memory_space<vmem>> -> memref<80xi32, #tpu.memory_space<vmem>>
      %dma_wait3A_80 = arith.constant 0 : i32
      %dma_wait3A_81 = arith.constant 0 : i32
      %dma_wait3A_82 = tpu.memref_slice %arg3[%dma_wait3A_80, %dma_wait3A_81] : memref<10000x128xf32, #tpu.memory_space<hbm>> -> memref<10000x128xf32, #tpu.memory_space<hbm>>
      tpu.wait_indirect_dma semaphore(%arg21 : memref<!tpu.dma_semaphore, #tpu.memory_space<semaphore_mem>>) src(%dma_wait3A_82 : memref<10000x128xf32, #tpu.memory_space<hbm>>) dst(%arg11 : memref<80x128xf32, #tpu.memory_space<vmem>>)
      %dma_wait3A_83 = arith.constant 80 : i32
      %dma_wait3A_84 = tpu.memref_slice %arg8[%dma_wait3A_83] : memref<400xi32, #tpu.memory_space<vmem>> -> memref<80xi32, #tpu.memory_space<vmem>>
      %dma_wait3A_85 = arith.constant 0 : i32
      %dma_wait3A_86 = arith.constant 0 : i32
      %dma_wait3A_87 = tpu.memref_slice %arg2[%dma_wait3A_85, %dma_wait3A_86] : memref<10000x128xf32, #tpu.memory_space<hbm>> -> memref<10000x128xf32, #tpu.memory_space<hbm>>
      tpu.wait_indirect_dma semaphore(%arg21 : memref<!tpu.dma_semaphore, #tpu.memory_space<semaphore_mem>>) src(%dma_wait3A_87 : memref<10000x128xf32, #tpu.memory_space<hbm>>) dst(%arg12 : memref<80x128xf32, #tpu.memory_space<vmem>>)
      %dma_wait3A_88 = arith.constant 80 : i32
      %dma_wait3A_89 = tpu.memref_slice %arg9[%dma_wait3A_88] : memref<400xi32, #tpu.memory_space<vmem>> -> memref<80xi32, #tpu.memory_space<vmem>>
      %dma_wait3A_90 = arith.constant 0 : i32
      %dma_wait3A_91 = arith.constant 0 : i32
      %dma_wait3A_92 = tpu.memref_slice %arg3[%dma_wait3A_90, %dma_wait3A_91] : memref<10000x128xf32, #tpu.memory_space<hbm>> -> memref<10000x128xf32, #tpu.memory_space<hbm>>
      tpu.wait_indirect_dma semaphore(%arg21 : memref<!tpu.dma_semaphore, #tpu.memory_space<semaphore_mem>>) src(%dma_wait3A_92 : memref<10000x128xf32, #tpu.memory_space<hbm>>) dst(%arg13 : memref<80x128xf32, #tpu.memory_space<vmem>>)
      %dma_wait3A_93 = arith.constant 160 : i32
      %dma_wait3A_94 = tpu.memref_slice %arg8[%dma_wait3A_93] : memref<400xi32, #tpu.memory_space<vmem>> -> memref<80xi32, #tpu.memory_space<vmem>>
      %dma_wait3A_95 = arith.constant 0 : i32
      %dma_wait3A_96 = arith.constant 0 : i32
      %dma_wait3A_97 = tpu.memref_slice %arg2[%dma_wait3A_95, %dma_wait3A_96] : memref<10000x128xf32, #tpu.memory_space<hbm>> -> memref<10000x128xf32, #tpu.memory_space<hbm>>
      tpu.wait_indirect_dma semaphore(%arg21 : memref<!tpu.dma_semaphore, #tpu.memory_space<semaphore_mem>>) src(%dma_wait3A_97 : memref<10000x128xf32, #tpu.memory_space<hbm>>) dst(%arg14 : memref<80x128xf32, #tpu.memory_space<vmem>>)
      %dma_wait3A_98 = arith.constant 160 : i32
      %dma_wait3A_99 = tpu.memref_slice %arg9[%dma_wait3A_98] : memref<400xi32, #tpu.memory_space<vmem>> -> memref<80xi32, #tpu.memory_space<vmem>>
      %dma_wait3A_100 = arith.constant 0 : i32
      %dma_wait3A_101 = arith.constant 0 : i32
      %dma_wait3A_102 = tpu.memref_slice %arg3[%dma_wait3A_100, %dma_wait3A_101] : memref<10000x128xf32, #tpu.memory_space<hbm>> -> memref<10000x128xf32, #tpu.memory_space<hbm>>
      tpu.wait_indirect_dma semaphore(%arg21 : memref<!tpu.dma_semaphore, #tpu.memory_space<semaphore_mem>>) src(%dma_wait3A_102 : memref<10000x128xf32, #tpu.memory_space<hbm>>) dst(%arg15 : memref<80x128xf32, #tpu.memory_space<vmem>>)
      %dma_wait3A_103 = arith.constant 240 : i32
      %dma_wait3A_104 = tpu.memref_slice %arg8[%dma_wait3A_103] : memref<400xi32, #tpu.memory_space<vmem>> -> memref<80xi32, #tpu.memory_space<vmem>>
      %dma_wait3A_105 = arith.constant 0 : i32
      %dma_wait3A_106 = arith.constant 0 : i32
      %dma_wait3A_107 = tpu.memref_slice %arg2[%dma_wait3A_105, %dma_wait3A_106] : memref<10000x128xf32, #tpu.memory_space<hbm>> -> memref<10000x128xf32, #tpu.memory_space<hbm>>
      tpu.wait_indirect_dma semaphore(%arg21 : memref<!tpu.dma_semaphore, #tpu.memory_space<semaphore_mem>>) src(%dma_wait3A_107 : memref<10000x128xf32, #tpu.memory_space<hbm>>) dst(%arg16 : memref<80x128xf32, #tpu.memory_space<vmem>>)
      %dma_wait3A_108 = arith.constant 240 : i32
      %dma_wait3A_109 = tpu.memref_slice %arg9[%dma_wait3A_108] : memref<400xi32, #tpu.memory_space<vmem>> -> memref<80xi32, #tpu.memory_space<vmem>>
      %dma_wait3A_110 = arith.constant 0 : i32
      %dma_wait3A_111 = arith.constant 0 : i32
      %dma_wait3A_112 = tpu.memref_slice %arg3[%dma_wait3A_110, %dma_wait3A_111] : memref<10000x128xf32, #tpu.memory_space<hbm>> -> memref<10000x128xf32, #tpu.memory_space<hbm>>
      tpu.wait_indirect_dma semaphore(%arg21 : memref<!tpu.dma_semaphore, #tpu.memory_space<semaphore_mem>>) src(%dma_wait3A_112 : memref<10000x128xf32, #tpu.memory_space<hbm>>) dst(%arg17 : memref<80x128xf32, #tpu.memory_space<vmem>>)
      %dma_wait3A_113 = arith.constant 320 : i32
      %dma_wait3A_114 = tpu.memref_slice %arg8[%dma_wait3A_113] : memref<400xi32, #tpu.memory_space<vmem>> -> memref<80xi32, #tpu.memory_space<vmem>>
      %dma_wait3A_115 = arith.constant 0 : i32
      %dma_wait3A_116 = arith.constant 0 : i32
      %dma_wait3A_117 = tpu.memref_slice %arg2[%dma_wait3A_115, %dma_wait3A_116] : memref<10000x128xf32, #tpu.memory_space<hbm>> -> memref<10000x128xf32, #tpu.memory_space<hbm>>
      tpu.wait_indirect_dma semaphore(%arg21 : memref<!tpu.dma_semaphore, #tpu.memory_space<semaphore_mem>>) src(%dma_wait3A_117 : memref<10000x128xf32, #tpu.memory_space<hbm>>) dst(%arg18 : memref<80x128xf32, #tpu.memory_space<vmem>>)
      %dma_wait3A_118 = arith.constant 320 : i32
      %dma_wait3A_119 = tpu.memref_slice %arg9[%dma_wait3A_118] : memref<400xi32, #tpu.memory_space<vmem>> -> memref<80xi32, #tpu.memory_space<vmem>>
      %dma_wait3A_120 = arith.constant 0 : i32
      %dma_wait3A_121 = arith.constant 0 : i32
      %dma_wait3A_122 = tpu.memref_slice %arg3[%dma_wait3A_120, %dma_wait3A_121] : memref<10000x128xf32, #tpu.memory_space<hbm>> -> memref<10000x128xf32, #tpu.memory_space<hbm>>
      tpu.wait_indirect_dma semaphore(%arg21 : memref<!tpu.dma_semaphore, #tpu.memory_space<semaphore_mem>>) src(%dma_wait3A_122 : memref<10000x128xf32, #tpu.memory_space<hbm>>) dst(%arg19 : memref<80x128xf32, #tpu.memory_space<vmem>>)
      %add3A_123 = arith.constant 0 : i32
      %add3A_124 = arith.addi %sub3A_16, %add3A_123 : i32
      %dma_start3A_125 = arith.constant 0 : i32
      %dma_start3A_126 = tpu.memref_slice %arg6[%add3A_124, %dma_start3A_125] : memref<320000x128xf32, #tpu.memory_space<hbm>> -> memref<80x128xf32, #tpu.memory_space<hbm>>
      %dma_start3A_127 = arith.constant 0 : i32
      %dma_start3A_128 = tpu.memref_slice %arg6[%add3A_124, %dma_start3A_127] : memref<320000x128xf32, #tpu.memory_space<hbm>> -> memref<80x128xf32, #tpu.memory_space<hbm>>
      tpu.enqueue_dma source(%arg10 : memref<80x128xf32, #tpu.memory_space<vmem>>) target(%dma_start3A_128 : memref<80x128xf32, #tpu.memory_space<hbm>>) target_semaphore(%arg22 : memref<!tpu.dma_semaphore, #tpu.memory_space<semaphore_mem>>)
      %dma_start3A_129 = arith.constant 0 : i32
      %dma_start3A_130 = tpu.memref_slice %arg7[%add3A_124, %dma_start3A_129] : memref<320000x128xf32, #tpu.memory_space<hbm>> -> memref<80x128xf32, #tpu.memory_space<hbm>>
      %dma_start3A_131 = arith.constant 0 : i32
      %dma_start3A_132 = tpu.memref_slice %arg7[%add3A_124, %dma_start3A_131] : memref<320000x128xf32, #tpu.memory_space<hbm>> -> memref<80x128xf32, #tpu.memory_space<hbm>>
      tpu.enqueue_dma source(%arg11 : memref<80x128xf32, #tpu.memory_space<vmem>>) target(%dma_start3A_132 : memref<80x128xf32, #tpu.memory_space<hbm>>) target_semaphore(%arg22 : memref<!tpu.dma_semaphore, #tpu.memory_space<semaphore_mem>>)
      %add3A_133 = arith.constant 80 : i32
      %add3A_134 = arith.addi %sub3A_16, %add3A_133 : i32
      %dma_start3A_135 = arith.constant 0 : i32
      %dma_start3A_136 = tpu.memref_slice %arg6[%add3A_134, %dma_start3A_135] : memref<320000x128xf32, #tpu.memory_space<hbm>> -> memref<80x128xf32, #tpu.memory_space<hbm>>
      %dma_start3A_137 = arith.constant 0 : i32
      %dma_start3A_138 = tpu.memref_slice %arg6[%add3A_134, %dma_start3A_137] : memref<320000x128xf32, #tpu.memory_space<hbm>> -> memref<80x128xf32, #tpu.memory_space<hbm>>
      tpu.enqueue_dma source(%arg12 : memref<80x128xf32, #tpu.memory_space<vmem>>) target(%dma_start3A_138 : memref<80x128xf32, #tpu.memory_space<hbm>>) target_semaphore(%arg22 : memref<!tpu.dma_semaphore, #tpu.memory_space<semaphore_mem>>)
      %dma_start3A_139 = arith.constant 0 : i32
      %dma_start3A_140 = tpu.memref_slice %arg7[%add3A_134, %dma_start3A_139] : memref<320000x128xf32, #tpu.memory_space<hbm>> -> memref<80x128xf32, #tpu.memory_space<hbm>>
      %dma_start3A_141 = arith.constant 0 : i32
      %dma_start3A_142 = tpu.memref_slice %arg7[%add3A_134, %dma_start3A_141] : memref<320000x128xf32, #tpu.memory_space<hbm>> -> memref<80x128xf32, #tpu.memory_space<hbm>>
      tpu.enqueue_dma source(%arg13 : memref<80x128xf32, #tpu.memory_space<vmem>>) target(%dma_start3A_142 : memref<80x128xf32, #tpu.memory_space<hbm>>) target_semaphore(%arg22 : memref<!tpu.dma_semaphore, #tpu.memory_space<semaphore_mem>>)
      %add3A_143 = arith.constant 160 : i32
      %add3A_144 = arith.addi %sub3A_16, %add3A_143 : i32
      %dma_start3A_145 = arith.constant 0 : i32
      %dma_start3A_146 = tpu.memref_slice %arg6[%add3A_144, %dma_start3A_145] : memref<320000x128xf32, #tpu.memory_space<hbm>> -> memref<80x128xf32, #tpu.memory_space<hbm>>
      %dma_start3A_147 = arith.constant 0 : i32
      %dma_start3A_148 = tpu.memref_slice %arg6[%add3A_144, %dma_start3A_147] : memref<320000x128xf32, #tpu.memory_space<hbm>> -> memref<80x128xf32, #tpu.memory_space<hbm>>
      tpu.enqueue_dma source(%arg14 : memref<80x128xf32, #tpu.memory_space<vmem>>) target(%dma_start3A_148 : memref<80x128xf32, #tpu.memory_space<hbm>>) target_semaphore(%arg22 : memref<!tpu.dma_semaphore, #tpu.memory_space<semaphore_mem>>)
      %dma_start3A_149 = arith.constant 0 : i32
      %dma_start3A_150 = tpu.memref_slice %arg7[%add3A_144, %dma_start3A_149] : memref<320000x128xf32, #tpu.memory_space<hbm>> -> memref<80x128xf32, #tpu.memory_space<hbm>>
      %dma_start3A_151 = arith.constant 0 : i32
      %dma_start3A_152 = tpu.memref_slice %arg7[%add3A_144, %dma_start3A_151] : memref<320000x128xf32, #tpu.memory_space<hbm>> -> memref<80x128xf32, #tpu.memory_space<hbm>>
      tpu.enqueue_dma source(%arg15 : memref<80x128xf32, #tpu.memory_space<vmem>>) target(%dma_start3A_152 : memref<80x128xf32, #tpu.memory_space<hbm>>) target_semaphore(%arg22 : memref<!tpu.dma_semaphore, #tpu.memory_space<semaphore_mem>>)
      %add3A_153 = arith.constant 240 : i32
      %add3A_154 = arith.addi %sub3A_16, %add3A_153 : i32
      %dma_start3A_155 = arith.constant 0 : i32
      %dma_start3A_156 = tpu.memref_slice %arg6[%add3A_154, %dma_start3A_155] : memref<320000x128xf32, #tpu.memory_space<hbm>> -> memref<80x128xf32, #tpu.memory_space<hbm>>
      %dma_start3A_157 = arith.constant 0 : i32
      %dma_start3A_158 = tpu.memref_slice %arg6[%add3A_154, %dma_start3A_157] : memref<320000x128xf32, #tpu.memory_space<hbm>> -> memref<80x128xf32, #tpu.memory_space<hbm>>
      tpu.enqueue_dma source(%arg16 : memref<80x128xf32, #tpu.memory_space<vmem>>) target(%dma_start3A_158 : memref<80x128xf32, #tpu.memory_space<hbm>>) target_semaphore(%arg22 : memref<!tpu.dma_semaphore, #tpu.memory_space<semaphore_mem>>)
      %dma_start3A_159 = arith.constant 0 : i32
      %dma_start3A_160 = tpu.memref_slice %arg7[%add3A_154, %dma_start3A_159] : memref<320000x128xf32, #tpu.memory_space<hbm>> -> memref<80x128xf32, #tpu.memory_space<hbm>>
      %dma_start3A_161 = arith.constant 0 : i32
      %dma_start3A_162 = tpu.memref_slice %arg7[%add3A_154, %dma_start3A_161] : memref<320000x128xf32, #tpu.memory_space<hbm>> -> memref<80x128xf32, #tpu.memory_space<hbm>>
      tpu.enqueue_dma source(%arg17 : memref<80x128xf32, #tpu.memory_space<vmem>>) target(%dma_start3A_162 : memref<80x128xf32, #tpu.memory_space<hbm>>) target_semaphore(%arg22 : memref<!tpu.dma_semaphore, #tpu.memory_space<semaphore_mem>>)
      %add3A_163 = arith.constant 320 : i32
      %add3A_164 = arith.addi %sub3A_16, %add3A_163 : i32
      %dma_start3A_165 = arith.constant 0 : i32
      %dma_start3A_166 = tpu.memref_slice %arg6[%add3A_164, %dma_start3A_165] : memref<320000x128xf32, #tpu.memory_space<hbm>> -> memref<80x128xf32, #tpu.memory_space<hbm>>
      %dma_start3A_167 = arith.constant 0 : i32
      %dma_start3A_168 = tpu.memref_slice %arg6[%add3A_164, %dma_start3A_167] : memref<320000x128xf32, #tpu.memory_space<hbm>> -> memref<80x128xf32, #tpu.memory_space<hbm>>
      tpu.enqueue_dma source(%arg18 : memref<80x128xf32, #tpu.memory_space<vmem>>) target(%dma_start3A_168 : memref<80x128xf32, #tpu.memory_space<hbm>>) target_semaphore(%arg22 : memref<!tpu.dma_semaphore, #tpu.memory_space<semaphore_mem>>)
      %dma_start3A_169 = arith.constant 0 : i32
      %dma_start3A_170 = tpu.memref_slice %arg7[%add3A_164, %dma_start3A_169] : memref<320000x128xf32, #tpu.memory_space<hbm>> -> memref<80x128xf32, #tpu.memory_space<hbm>>
      %dma_start3A_171 = arith.constant 0 : i32
      %dma_start3A_172 = tpu.memref_slice %arg7[%add3A_164, %dma_start3A_171] : memref<320000x128xf32, #tpu.memory_space<hbm>> -> memref<80x128xf32, #tpu.memory_space<hbm>>
      tpu.enqueue_dma source(%arg19 : memref<80x128xf32, #tpu.memory_space<vmem>>) target(%dma_start3A_172 : memref<80x128xf32, #tpu.memory_space<hbm>>) target_semaphore(%arg22 : memref<!tpu.dma_semaphore, #tpu.memory_space<semaphore_mem>>)
      %dma_wait3A_173 = arith.constant 0 : i32
      %dma_wait3A_174 = tpu.memref_slice %arg6[%add3A_124, %dma_wait3A_173] : memref<320000x128xf32, #tpu.memory_space<hbm>> -> memref<80x128xf32, #tpu.memory_space<hbm>>
      %dma_wait3A_175 = arith.constant 0 : i32
      %dma_wait3A_176 = tpu.memref_slice %arg6[%add3A_124, %dma_wait3A_175] : memref<320000x128xf32, #tpu.memory_space<hbm>> -> memref<80x128xf32, #tpu.memory_space<hbm>>
      tpu.wait_dma2 semaphore(%arg22 : memref<!tpu.dma_semaphore, #tpu.memory_space<semaphore_mem>>) src(%arg10 : memref<80x128xf32, #tpu.memory_space<vmem>>) dst(%dma_wait3A_176 : memref<80x128xf32, #tpu.memory_space<hbm>>)
      %dma_wait3A_177 = arith.constant 0 : i32
      %dma_wait3A_178 = tpu.memref_slice %arg7[%add3A_124, %dma_wait3A_177] : memref<320000x128xf32, #tpu.memory_space<hbm>> -> memref<80x128xf32, #tpu.memory_space<hbm>>
      %dma_wait3A_179 = arith.constant 0 : i32
      %dma_wait3A_180 = tpu.memref_slice %arg7[%add3A_124, %dma_wait3A_179] : memref<320000x128xf32, #tpu.memory_space<hbm>> -> memref<80x128xf32, #tpu.memory_space<hbm>>
      tpu.wait_dma2 semaphore(%arg22 : memref<!tpu.dma_semaphore, #tpu.memory_space<semaphore_mem>>) src(%arg11 : memref<80x128xf32, #tpu.memory_space<vmem>>) dst(%dma_wait3A_180 : memref<80x128xf32, #tpu.memory_space<hbm>>)
      %dma_wait3A_181 = arith.constant 0 : i32
      %dma_wait3A_182 = tpu.memref_slice %arg6[%add3A_134, %dma_wait3A_181] : memref<320000x128xf32, #tpu.memory_space<hbm>> -> memref<80x128xf32, #tpu.memory_space<hbm>>
      %dma_wait3A_183 = arith.constant 0 : i32
      %dma_wait3A_184 = tpu.memref_slice %arg6[%add3A_134, %dma_wait3A_183] : memref<320000x128xf32, #tpu.memory_space<hbm>> -> memref<80x128xf32, #tpu.memory_space<hbm>>
      tpu.wait_dma2 semaphore(%arg22 : memref<!tpu.dma_semaphore, #tpu.memory_space<semaphore_mem>>) src(%arg12 : memref<80x128xf32, #tpu.memory_space<vmem>>) dst(%dma_wait3A_184 : memref<80x128xf32, #tpu.memory_space<hbm>>)
      %dma_wait3A_185 = arith.constant 0 : i32
      %dma_wait3A_186 = tpu.memref_slice %arg7[%add3A_134, %dma_wait3A_185] : memref<320000x128xf32, #tpu.memory_space<hbm>> -> memref<80x128xf32, #tpu.memory_space<hbm>>
      %dma_wait3A_187 = arith.constant 0 : i32
      %dma_wait3A_188 = tpu.memref_slice %arg7[%add3A_134, %dma_wait3A_187] : memref<320000x128xf32, #tpu.memory_space<hbm>> -> memref<80x128xf32, #tpu.memory_space<hbm>>
      tpu.wait_dma2 semaphore(%arg22 : memref<!tpu.dma_semaphore, #tpu.memory_space<semaphore_mem>>) src(%arg13 : memref<80x128xf32, #tpu.memory_space<vmem>>) dst(%dma_wait3A_188 : memref<80x128xf32, #tpu.memory_space<hbm>>)
      %dma_wait3A_189 = arith.constant 0 : i32
      %dma_wait3A_190 = tpu.memref_slice %arg6[%add3A_144, %dma_wait3A_189] : memref<320000x128xf32, #tpu.memory_space<hbm>> -> memref<80x128xf32, #tpu.memory_space<hbm>>
      %dma_wait3A_191 = arith.constant 0 : i32
      %dma_wait3A_192 = tpu.memref_slice %arg6[%add3A_144, %dma_wait3A_191] : memref<320000x128xf32, #tpu.memory_space<hbm>> -> memref<80x128xf32, #tpu.memory_space<hbm>>
      tpu.wait_dma2 semaphore(%arg22 : memref<!tpu.dma_semaphore, #tpu.memory_space<semaphore_mem>>) src(%arg14 : memref<80x128xf32, #tpu.memory_space<vmem>>) dst(%dma_wait3A_192 : memref<80x128xf32, #tpu.memory_space<hbm>>)
      %dma_wait3A_193 = arith.constant 0 : i32
      %dma_wait3A_194 = tpu.memref_slice %arg7[%add3A_144, %dma_wait3A_193] : memref<320000x128xf32, #tpu.memory_space<hbm>> -> memref<80x128xf32, #tpu.memory_space<hbm>>
      %dma_wait3A_195 = arith.constant 0 : i32
      %dma_wait3A_196 = tpu.memref_slice %arg7[%add3A_144, %dma_wait3A_195] : memref<320000x128xf32, #tpu.memory_space<hbm>> -> memref<80x128xf32, #tpu.memory_space<hbm>>
      tpu.wait_dma2 semaphore(%arg22 : memref<!tpu.dma_semaphore, #tpu.memory_space<semaphore_mem>>) src(%arg15 : memref<80x128xf32, #tpu.memory_space<vmem>>) dst(%dma_wait3A_196 : memref<80x128xf32, #tpu.memory_space<hbm>>)
      %dma_wait3A_197 = arith.constant 0 : i32
      %dma_wait3A_198 = tpu.memref_slice %arg6[%add3A_154, %dma_wait3A_197] : memref<320000x128xf32, #tpu.memory_space<hbm>> -> memref<80x128xf32, #tpu.memory_space<hbm>>
      %dma_wait3A_199 = arith.constant 0 : i32
      %dma_wait3A_200 = tpu.memref_slice %arg6[%add3A_154, %dma_wait3A_199] : memref<320000x128xf32, #tpu.memory_space<hbm>> -> memref<80x128xf32, #tpu.memory_space<hbm>>
      tpu.wait_dma2 semaphore(%arg22 : memref<!tpu.dma_semaphore, #tpu.memory_space<semaphore_mem>>) src(%arg16 : memref<80x128xf32, #tpu.memory_space<vmem>>) dst(%dma_wait3A_200 : memref<80x128xf32, #tpu.memory_space<hbm>>)
      %dma_wait3A_201 = arith.constant 0 : i32
      %dma_wait3A_202 = tpu.memref_slice %arg7[%add3A_154, %dma_wait3A_201] : memref<320000x128xf32, #tpu.memory_space<hbm>> -> memref<80x128xf32, #tpu.memory_space<hbm>>
      %dma_wait3A_203 = arith.constant 0 : i32
      %dma_wait3A_204 = tpu.memref_slice %arg7[%add3A_154, %dma_wait3A_203] : memref<320000x128xf32, #tpu.memory_space<hbm>> -> memref<80x128xf32, #tpu.memory_space<hbm>>
      tpu.wait_dma2 semaphore(%arg22 : memref<!tpu.dma_semaphore, #tpu.memory_space<semaphore_mem>>) src(%arg17 : memref<80x128xf32, #tpu.memory_space<vmem>>) dst(%dma_wait3A_204 : memref<80x128xf32, #tpu.memory_space<hbm>>)
      %dma_wait3A_205 = arith.constant 0 : i32
      %dma_wait3A_206 = tpu.memref_slice %arg6[%add3A_164, %dma_wait3A_205] : memref<320000x128xf32, #tpu.memory_space<hbm>> -> memref<80x128xf32, #tpu.memory_space<hbm>>
      %dma_wait3A_207 = arith.constant 0 : i32
      %dma_wait3A_208 = tpu.memref_slice %arg6[%add3A_164, %dma_wait3A_207] : memref<320000x128xf32, #tpu.memory_space<hbm>> -> memref<80x128xf32, #tpu.memory_space<hbm>>
      tpu.wait_dma2 semaphore(%arg22 : memref<!tpu.dma_semaphore, #tpu.memory_space<semaphore_mem>>) src(%arg18 : memref<80x128xf32, #tpu.memory_space<vmem>>) dst(%dma_wait3A_208 : memref<80x128xf32, #tpu.memory_space<hbm>>)
      %dma_wait3A_209 = arith.constant 0 : i32
      %dma_wait3A_210 = tpu.memref_slice %arg7[%add3A_164, %dma_wait3A_209] : memref<320000x128xf32, #tpu.memory_space<hbm>> -> memref<80x128xf32, #tpu.memory_space<hbm>>
      %dma_wait3A_211 = arith.constant 0 : i32
      %dma_wait3A_212 = tpu.memref_slice %arg7[%add3A_164, %dma_wait3A_211] : memref<320000x128xf32, #tpu.memory_space<hbm>> -> memref<80x128xf32, #tpu.memory_space<hbm>>
      tpu.wait_dma2 semaphore(%arg22 : memref<!tpu.dma_semaphore, #tpu.memory_space<semaphore_mem>>) src(%arg19 : memref<80x128xf32, #tpu.memory_space<vmem>>) dst(%dma_wait3A_212 : memref<80x128xf32, #tpu.memory_space<hbm>>)
    }
    %scan3A_11 = arith.constant 25 : i32
    return
  }
}

#map = affine_map<(d0, d1) -> (0, 0)>
#map1 = affine_map<(d0, d1) -> (0)>
#map2 = affine_map<(d0, d1) -> (0, 0, 0)>
module attributes {stable_mosaic.version = 14 : i64} {
  func.func @k(%arg0: i32, %arg1: i32, %arg2: memref<320000x128xf32, #tpu.memory_space<hbm>>, %arg3: memref<320000xi32, #tpu.memory_space<hbm>>, %arg4: memref<10240x128xf32, #tpu.memory_space<hbm>>, %arg5: memref<2x10240x128xf32, #tpu.memory_space<hbm>>, %arg6: memref<40xi32, #tpu.memory_space<vmem>>, %arg7: memref<40xi32, #tpu.memory_space<vmem>>, %arg8: memref<40xi32, #tpu.memory_space<vmem>>, %arg9: memref<40xi32, #tpu.memory_space<vmem>>, %arg10: memref<40xi32, #tpu.memory_space<vmem>>, %arg11: memref<200x128xf32, #tpu.memory_space<vmem>>, %arg12: memref<10240x128xf32, #tpu.memory_space<vmem_shared>>, %arg13: memref<!tpu.dma_semaphore, #tpu.memory_space<semaphore_mem>>, %arg14: memref<!tpu.dma_semaphore, #tpu.memory_space<semaphore_mem>>) attributes {dimension_semantics = [#tpu.dimension_semantics<core_parallel>, #tpu.dimension_semantics<subcore_parallel>], iteration_bounds = array<i64: 2, 16>, scalar_prefetch = 0 : i64, scratch_operands = 9 : i64, tpu.core_type = #tpu.core_type<sc_vector_subcore>, window_params = [{transform_indices = #map}, {transform_indices = #map1}, {transform_indices = #map}, {transform_indices = #map2}]} {
    %mul3A = arith.constant 2 : i32
    %mul3A_0 = arith.muli %arg1, %mul3A : i32
    %add3A = arith.addi %mul3A_0, %arg0 : i32
    %mul3A_1 = arith.constant 250 : i32
    %mul3A_2 = arith.muli %add3A, %mul3A_1 : i32
    %mul3A_3 = arith.constant 40 : i32
    %mul3A_4 = arith.muli %mul3A_2, %mul3A_3 : i32
    %add3A_5 = arith.constant 0 : i32
    %add3A_6 = arith.addi %add3A_5, %mul3A_4 : i32
    %mul3A_7 = arith.constant 640 : i32
    %mul3A_8 = arith.muli %arg1, %mul3A_7 : i32
    %mul3A_9 = arith.constant 640 : i32
    %mul3A_10 = arith.muli %arg1, %mul3A_9 : i32
    "tpu.region"() ({
      %run_scoped3A = tpu.sem_alloc : memref<!tpu.dma_semaphore, #tpu.memory_space<semaphore_mem>>
      %dma_start3A = arith.constant 0 : i32
      %dma_start3A_21 = tpu.memref_slice %arg12[%mul3A_10, %dma_start3A] : memref<10240x128xf32, #tpu.memory_space<vmem_shared>> -> memref<640x128xf32, #tpu.memory_space<vmem_shared>>
      %dma_start3A_22 = arith.constant 0 : i32
      %dma_start3A_23 = tpu.memref_slice %arg4[%mul3A_8, %dma_start3A_22] : memref<10240x128xf32, #tpu.memory_space<hbm>> -> memref<640x128xf32, #tpu.memory_space<hbm>>
      tpu.enqueue_dma source(%dma_start3A_23 : memref<640x128xf32, #tpu.memory_space<hbm>>) target(%dma_start3A_21 : memref<640x128xf32, #tpu.memory_space<vmem_shared>>) target_semaphore(%run_scoped3A : memref<!tpu.dma_semaphore, #tpu.memory_space<semaphore_mem>>)
      %dma_wait3A = arith.constant 0 : i32
      %dma_wait3A_24 = tpu.memref_slice %arg12[%mul3A_10, %dma_wait3A] : memref<10240x128xf32, #tpu.memory_space<vmem_shared>> -> memref<640x128xf32, #tpu.memory_space<vmem_shared>>
      %dma_wait3A_25 = arith.constant 0 : i32
      %dma_wait3A_26 = tpu.memref_slice %arg4[%mul3A_8, %dma_wait3A_25] : memref<10240x128xf32, #tpu.memory_space<hbm>> -> memref<640x128xf32, #tpu.memory_space<hbm>>
      tpu.wait_dma2 semaphore(%run_scoped3A : memref<!tpu.dma_semaphore, #tpu.memory_space<semaphore_mem>>) src(%dma_wait3A_26 : memref<640x128xf32, #tpu.memory_space<hbm>>) dst(%dma_wait3A_24 : memref<640x128xf32, #tpu.memory_space<vmem_shared>>)
      tpu.yield
    }) : () -> ()
    %barrier3A = arith.constant 0 : index
    tpu.barrier barrier_id(%barrier3A)
    %scan3A = arith.constant 0 : i32
    %scan3A_11 = arith.constant 0 : i32
    %scan3A_12 = arith.constant 50 : i32
    %scan3A_13 = arith.addi %scan3A_11, %scan3A_12 : i32
    %scan3A_14 = arith.constant 1 : i32
    scf.for %scan3A_21 = %scan3A_11 to %scan3A_13 step %scan3A_14  : i32 {
      %mul3A_22 = arith.constant 200 : i32
      %mul3A_23 = arith.muli %scan3A_21, %mul3A_22 : i32
      %add3A_24 = arith.addi %mul3A_4, %mul3A_23 : i32
      %mul3A_25 = arith.constant 200 : i32
      %mul3A_26 = arith.muli %scan3A_21, %mul3A_25 : i32
      %add3A_27 = arith.addi %add3A_6, %mul3A_26 : i32
      %add3A_28 = arith.constant 0 : i32
      %add3A_29 = arith.addi %add3A_27, %add3A_28 : i32
      %dma_start3A = tpu.memref_slice %arg3[%add3A_29] : memref<320000xi32, #tpu.memory_space<hbm>> -> memref<40xi32, #tpu.memory_space<hbm>>
      %dma_start3A_30 = tpu.memref_slice %arg3[%add3A_29] : memref<320000xi32, #tpu.memory_space<hbm>> -> memref<40xi32, #tpu.memory_space<hbm>>
      tpu.enqueue_dma source(%dma_start3A_30 : memref<40xi32, #tpu.memory_space<hbm>>) target(%arg6 : memref<40xi32, #tpu.memory_space<vmem>>) target_semaphore(%arg13 : memref<!tpu.dma_semaphore, #tpu.memory_space<semaphore_mem>>)
      %add3A_31 = arith.constant 40 : i32
      %add3A_32 = arith.addi %add3A_27, %add3A_31 : i32
      %dma_start3A_33 = tpu.memref_slice %arg3[%add3A_32] : memref<320000xi32, #tpu.memory_space<hbm>> -> memref<40xi32, #tpu.memory_space<hbm>>
      %dma_start3A_34 = tpu.memref_slice %arg3[%add3A_32] : memref<320000xi32, #tpu.memory_space<hbm>> -> memref<40xi32, #tpu.memory_space<hbm>>
      tpu.enqueue_dma source(%dma_start3A_34 : memref<40xi32, #tpu.memory_space<hbm>>) target(%arg7 : memref<40xi32, #tpu.memory_space<vmem>>) target_semaphore(%arg13 : memref<!tpu.dma_semaphore, #tpu.memory_space<semaphore_mem>>)
      %add3A_35 = arith.constant 80 : i32
      %add3A_36 = arith.addi %add3A_27, %add3A_35 : i32
      %dma_start3A_37 = tpu.memref_slice %arg3[%add3A_36] : memref<320000xi32, #tpu.memory_space<hbm>> -> memref<40xi32, #tpu.memory_space<hbm>>
      %dma_start3A_38 = tpu.memref_slice %arg3[%add3A_36] : memref<320000xi32, #tpu.memory_space<hbm>> -> memref<40xi32, #tpu.memory_space<hbm>>
      tpu.enqueue_dma source(%dma_start3A_38 : memref<40xi32, #tpu.memory_space<hbm>>) target(%arg8 : memref<40xi32, #tpu.memory_space<vmem>>) target_semaphore(%arg13 : memref<!tpu.dma_semaphore, #tpu.memory_space<semaphore_mem>>)
      %add3A_39 = arith.constant 120 : i32
      %add3A_40 = arith.addi %add3A_27, %add3A_39 : i32
      %dma_start3A_41 = tpu.memref_slice %arg3[%add3A_40] : memref<320000xi32, #tpu.memory_space<hbm>> -> memref<40xi32, #tpu.memory_space<hbm>>
      %dma_start3A_42 = tpu.memref_slice %arg3[%add3A_40] : memref<320000xi32, #tpu.memory_space<hbm>> -> memref<40xi32, #tpu.memory_space<hbm>>
      tpu.enqueue_dma source(%dma_start3A_42 : memref<40xi32, #tpu.memory_space<hbm>>) target(%arg9 : memref<40xi32, #tpu.memory_space<vmem>>) target_semaphore(%arg13 : memref<!tpu.dma_semaphore, #tpu.memory_space<semaphore_mem>>)
      %add3A_43 = arith.constant 160 : i32
      %add3A_44 = arith.addi %add3A_27, %add3A_43 : i32
      %dma_start3A_45 = tpu.memref_slice %arg3[%add3A_44] : memref<320000xi32, #tpu.memory_space<hbm>> -> memref<40xi32, #tpu.memory_space<hbm>>
      %dma_start3A_46 = tpu.memref_slice %arg3[%add3A_44] : memref<320000xi32, #tpu.memory_space<hbm>> -> memref<40xi32, #tpu.memory_space<hbm>>
      tpu.enqueue_dma source(%dma_start3A_46 : memref<40xi32, #tpu.memory_space<hbm>>) target(%arg10 : memref<40xi32, #tpu.memory_space<vmem>>) target_semaphore(%arg13 : memref<!tpu.dma_semaphore, #tpu.memory_space<semaphore_mem>>)
      "tpu.region"() ({
        %run_scoped3A = tpu.sem_alloc : memref<!tpu.dma_semaphore, #tpu.memory_space<semaphore_mem>>
        %dma_start3A_116 = arith.constant 0 : i32
        %dma_start3A_117 = tpu.memref_slice %arg2[%add3A_24, %dma_start3A_116] : memref<320000x128xf32, #tpu.memory_space<hbm>> -> memref<200x128xf32, #tpu.memory_space<hbm>>
        %dma_start3A_118 = arith.constant 0 : i32
        %dma_start3A_119 = tpu.memref_slice %arg2[%add3A_24, %dma_start3A_118] : memref<320000x128xf32, #tpu.memory_space<hbm>> -> memref<200x128xf32, #tpu.memory_space<hbm>>
        tpu.enqueue_dma source(%dma_start3A_119 : memref<200x128xf32, #tpu.memory_space<hbm>>) target(%arg11 : memref<200x128xf32, #tpu.memory_space<vmem>>) target_semaphore(%run_scoped3A : memref<!tpu.dma_semaphore, #tpu.memory_space<semaphore_mem>>)
        %dma_wait3A_120 = arith.constant 0 : i32
        %dma_wait3A_121 = tpu.memref_slice %arg2[%add3A_24, %dma_wait3A_120] : memref<320000x128xf32, #tpu.memory_space<hbm>> -> memref<200x128xf32, #tpu.memory_space<hbm>>
        %dma_wait3A_122 = arith.constant 0 : i32
        %dma_wait3A_123 = tpu.memref_slice %arg2[%add3A_24, %dma_wait3A_122] : memref<320000x128xf32, #tpu.memory_space<hbm>> -> memref<200x128xf32, #tpu.memory_space<hbm>>
        tpu.wait_dma2 semaphore(%run_scoped3A : memref<!tpu.dma_semaphore, #tpu.memory_space<semaphore_mem>>) src(%dma_wait3A_123 : memref<200x128xf32, #tpu.memory_space<hbm>>) dst(%arg11 : memref<200x128xf32, #tpu.memory_space<vmem>>)
        tpu.yield
      }) : () -> ()
      %dma_wait3A = tpu.memref_slice %arg3[%add3A_29] : memref<320000xi32, #tpu.memory_space<hbm>> -> memref<40xi32, #tpu.memory_space<hbm>>
      %dma_wait3A_47 = tpu.memref_slice %arg3[%add3A_29] : memref<320000xi32, #tpu.memory_space<hbm>> -> memref<40xi32, #tpu.memory_space<hbm>>
      tpu.wait_dma2 semaphore(%arg13 : memref<!tpu.dma_semaphore, #tpu.memory_space<semaphore_mem>>) src(%dma_wait3A_47 : memref<40xi32, #tpu.memory_space<hbm>>) dst(%arg6 : memref<40xi32, #tpu.memory_space<vmem>>)
      %dma_wait3A_48 = tpu.memref_slice %arg3[%add3A_32] : memref<320000xi32, #tpu.memory_space<hbm>> -> memref<40xi32, #tpu.memory_space<hbm>>
      %dma_wait3A_49 = tpu.memref_slice %arg3[%add3A_32] : memref<320000xi32, #tpu.memory_space<hbm>> -> memref<40xi32, #tpu.memory_space<hbm>>
      tpu.wait_dma2 semaphore(%arg13 : memref<!tpu.dma_semaphore, #tpu.memory_space<semaphore_mem>>) src(%dma_wait3A_49 : memref<40xi32, #tpu.memory_space<hbm>>) dst(%arg7 : memref<40xi32, #tpu.memory_space<vmem>>)
      %dma_wait3A_50 = tpu.memref_slice %arg3[%add3A_36] : memref<320000xi32, #tpu.memory_space<hbm>> -> memref<40xi32, #tpu.memory_space<hbm>>
      %dma_wait3A_51 = tpu.memref_slice %arg3[%add3A_36] : memref<320000xi32, #tpu.memory_space<hbm>> -> memref<40xi32, #tpu.memory_space<hbm>>
      tpu.wait_dma2 semaphore(%arg13 : memref<!tpu.dma_semaphore, #tpu.memory_space<semaphore_mem>>) src(%dma_wait3A_51 : memref<40xi32, #tpu.memory_space<hbm>>) dst(%arg8 : memref<40xi32, #tpu.memory_space<vmem>>)
      %dma_wait3A_52 = tpu.memref_slice %arg3[%add3A_40] : memref<320000xi32, #tpu.memory_space<hbm>> -> memref<40xi32, #tpu.memory_space<hbm>>
      %dma_wait3A_53 = tpu.memref_slice %arg3[%add3A_40] : memref<320000xi32, #tpu.memory_space<hbm>> -> memref<40xi32, #tpu.memory_space<hbm>>
      tpu.wait_dma2 semaphore(%arg13 : memref<!tpu.dma_semaphore, #tpu.memory_space<semaphore_mem>>) src(%dma_wait3A_53 : memref<40xi32, #tpu.memory_space<hbm>>) dst(%arg9 : memref<40xi32, #tpu.memory_space<vmem>>)
      %dma_wait3A_54 = tpu.memref_slice %arg3[%add3A_44] : memref<320000xi32, #tpu.memory_space<hbm>> -> memref<40xi32, #tpu.memory_space<hbm>>
      %dma_wait3A_55 = tpu.memref_slice %arg3[%add3A_44] : memref<320000xi32, #tpu.memory_space<hbm>> -> memref<40xi32, #tpu.memory_space<hbm>>
      tpu.wait_dma2 semaphore(%arg13 : memref<!tpu.dma_semaphore, #tpu.memory_space<semaphore_mem>>) src(%dma_wait3A_55 : memref<40xi32, #tpu.memory_space<hbm>>) dst(%arg10 : memref<40xi32, #tpu.memory_space<vmem>>)
      %dma_start3A_56 = arith.constant 0 : i32
      %dma_start3A_57 = arith.constant 0 : i32
      %dma_start3A_58 = tpu.memref_slice %arg11[%dma_start3A_56, %dma_start3A_57] : memref<200x128xf32, #tpu.memory_space<vmem>> -> memref<40x128xf32, #tpu.memory_space<vmem>>
      %dma_start3A_59 = arith.constant 0 : i32
      %dma_start3A_60 = arith.constant 0 : i32
      %dma_start3A_61 = tpu.memref_slice %arg12[%dma_start3A_59, %dma_start3A_60] : memref<10240x128xf32, #tpu.memory_space<vmem_shared>> -> memref<10240x128xf32, #tpu.memory_space<vmem_shared>>
      tpu.enqueue_indirect_dma source(%dma_start3A_58 : memref<40x128xf32, #tpu.memory_space<vmem>>) target(%dma_start3A_61 : memref<10240x128xf32, #tpu.memory_space<vmem_shared>>) offsets(%arg6 : memref<40xi32, #tpu.memory_space<vmem>>) semaphore(%arg14 : memref<!tpu.dma_semaphore, #tpu.memory_space<semaphore_mem>>) {add = true}
      %dma_start3A_62 = arith.constant 40 : i32
      %dma_start3A_63 = arith.constant 0 : i32
      %dma_start3A_64 = tpu.memref_slice %arg11[%dma_start3A_62, %dma_start3A_63] : memref<200x128xf32, #tpu.memory_space<vmem>> -> memref<40x128xf32, #tpu.memory_space<vmem>>
      %dma_start3A_65 = arith.constant 0 : i32
      %dma_start3A_66 = arith.constant 0 : i32
      %dma_start3A_67 = tpu.memref_slice %arg12[%dma_start3A_65, %dma_start3A_66] : memref<10240x128xf32, #tpu.memory_space<vmem_shared>> -> memref<10240x128xf32, #tpu.memory_space<vmem_shared>>
      tpu.enqueue_indirect_dma source(%dma_start3A_64 : memref<40x128xf32, #tpu.memory_space<vmem>>) target(%dma_start3A_67 : memref<10240x128xf32, #tpu.memory_space<vmem_shared>>) offsets(%arg7 : memref<40xi32, #tpu.memory_space<vmem>>) semaphore(%arg14 : memref<!tpu.dma_semaphore, #tpu.memory_space<semaphore_mem>>) {add = true}
      %dma_start3A_68 = arith.constant 80 : i32
      %dma_start3A_69 = arith.constant 0 : i32
      %dma_start3A_70 = tpu.memref_slice %arg11[%dma_start3A_68, %dma_start3A_69] : memref<200x128xf32, #tpu.memory_space<vmem>> -> memref<40x128xf32, #tpu.memory_space<vmem>>
      %dma_start3A_71 = arith.constant 0 : i32
      %dma_start3A_72 = arith.constant 0 : i32
      %dma_start3A_73 = tpu.memref_slice %arg12[%dma_start3A_71, %dma_start3A_72] : memref<10240x128xf32, #tpu.memory_space<vmem_shared>> -> memref<10240x128xf32, #tpu.memory_space<vmem_shared>>
      tpu.enqueue_indirect_dma source(%dma_start3A_70 : memref<40x128xf32, #tpu.memory_space<vmem>>) target(%dma_start3A_73 : memref<10240x128xf32, #tpu.memory_space<vmem_shared>>) offsets(%arg8 : memref<40xi32, #tpu.memory_space<vmem>>) semaphore(%arg14 : memref<!tpu.dma_semaphore, #tpu.memory_space<semaphore_mem>>) {add = true}
      %dma_start3A_74 = arith.constant 120 : i32
      %dma_start3A_75 = arith.constant 0 : i32
      %dma_start3A_76 = tpu.memref_slice %arg11[%dma_start3A_74, %dma_start3A_75] : memref<200x128xf32, #tpu.memory_space<vmem>> -> memref<40x128xf32, #tpu.memory_space<vmem>>
      %dma_start3A_77 = arith.constant 0 : i32
      %dma_start3A_78 = arith.constant 0 : i32
      %dma_start3A_79 = tpu.memref_slice %arg12[%dma_start3A_77, %dma_start3A_78] : memref<10240x128xf32, #tpu.memory_space<vmem_shared>> -> memref<10240x128xf32, #tpu.memory_space<vmem_shared>>
      tpu.enqueue_indirect_dma source(%dma_start3A_76 : memref<40x128xf32, #tpu.memory_space<vmem>>) target(%dma_start3A_79 : memref<10240x128xf32, #tpu.memory_space<vmem_shared>>) offsets(%arg9 : memref<40xi32, #tpu.memory_space<vmem>>) semaphore(%arg14 : memref<!tpu.dma_semaphore, #tpu.memory_space<semaphore_mem>>) {add = true}
      %dma_start3A_80 = arith.constant 160 : i32
      %dma_start3A_81 = arith.constant 0 : i32
      %dma_start3A_82 = tpu.memref_slice %arg11[%dma_start3A_80, %dma_start3A_81] : memref<200x128xf32, #tpu.memory_space<vmem>> -> memref<40x128xf32, #tpu.memory_space<vmem>>
      %dma_start3A_83 = arith.constant 0 : i32
      %dma_start3A_84 = arith.constant 0 : i32
      %dma_start3A_85 = tpu.memref_slice %arg12[%dma_start3A_83, %dma_start3A_84] : memref<10240x128xf32, #tpu.memory_space<vmem_shared>> -> memref<10240x128xf32, #tpu.memory_space<vmem_shared>>
      tpu.enqueue_indirect_dma source(%dma_start3A_82 : memref<40x128xf32, #tpu.memory_space<vmem>>) target(%dma_start3A_85 : memref<10240x128xf32, #tpu.memory_space<vmem_shared>>) offsets(%arg10 : memref<40xi32, #tpu.memory_space<vmem>>) semaphore(%arg14 : memref<!tpu.dma_semaphore, #tpu.memory_space<semaphore_mem>>) {add = true}
      %dma_wait3A_86 = arith.constant 0 : i32
      %dma_wait3A_87 = arith.constant 0 : i32
      %dma_wait3A_88 = tpu.memref_slice %arg11[%dma_wait3A_86, %dma_wait3A_87] : memref<200x128xf32, #tpu.memory_space<vmem>> -> memref<40x128xf32, #tpu.memory_space<vmem>>
      %dma_wait3A_89 = arith.constant 0 : i32
      %dma_wait3A_90 = arith.constant 0 : i32
      %dma_wait3A_91 = tpu.memref_slice %arg12[%dma_wait3A_89, %dma_wait3A_90] : memref<10240x128xf32, #tpu.memory_space<vmem_shared>> -> memref<10240x128xf32, #tpu.memory_space<vmem_shared>>
      tpu.wait_indirect_dma semaphore(%arg14 : memref<!tpu.dma_semaphore, #tpu.memory_space<semaphore_mem>>) src(%dma_wait3A_88 : memref<40x128xf32, #tpu.memory_space<vmem>>) dst(%dma_wait3A_91 : memref<10240x128xf32, #tpu.memory_space<vmem_shared>>)
      %dma_wait3A_92 = arith.constant 40 : i32
      %dma_wait3A_93 = arith.constant 0 : i32
      %dma_wait3A_94 = tpu.memref_slice %arg11[%dma_wait3A_92, %dma_wait3A_93] : memref<200x128xf32, #tpu.memory_space<vmem>> -> memref<40x128xf32, #tpu.memory_space<vmem>>
      %dma_wait3A_95 = arith.constant 0 : i32
      %dma_wait3A_96 = arith.constant 0 : i32
      %dma_wait3A_97 = tpu.memref_slice %arg12[%dma_wait3A_95, %dma_wait3A_96] : memref<10240x128xf32, #tpu.memory_space<vmem_shared>> -> memref<10240x128xf32, #tpu.memory_space<vmem_shared>>
      tpu.wait_indirect_dma semaphore(%arg14 : memref<!tpu.dma_semaphore, #tpu.memory_space<semaphore_mem>>) src(%dma_wait3A_94 : memref<40x128xf32, #tpu.memory_space<vmem>>) dst(%dma_wait3A_97 : memref<10240x128xf32, #tpu.memory_space<vmem_shared>>)
      %dma_wait3A_98 = arith.constant 80 : i32
      %dma_wait3A_99 = arith.constant 0 : i32
      %dma_wait3A_100 = tpu.memref_slice %arg11[%dma_wait3A_98, %dma_wait3A_99] : memref<200x128xf32, #tpu.memory_space<vmem>> -> memref<40x128xf32, #tpu.memory_space<vmem>>
      %dma_wait3A_101 = arith.constant 0 : i32
      %dma_wait3A_102 = arith.constant 0 : i32
      %dma_wait3A_103 = tpu.memref_slice %arg12[%dma_wait3A_101, %dma_wait3A_102] : memref<10240x128xf32, #tpu.memory_space<vmem_shared>> -> memref<10240x128xf32, #tpu.memory_space<vmem_shared>>
      tpu.wait_indirect_dma semaphore(%arg14 : memref<!tpu.dma_semaphore, #tpu.memory_space<semaphore_mem>>) src(%dma_wait3A_100 : memref<40x128xf32, #tpu.memory_space<vmem>>) dst(%dma_wait3A_103 : memref<10240x128xf32, #tpu.memory_space<vmem_shared>>)
      %dma_wait3A_104 = arith.constant 120 : i32
      %dma_wait3A_105 = arith.constant 0 : i32
      %dma_wait3A_106 = tpu.memref_slice %arg11[%dma_wait3A_104, %dma_wait3A_105] : memref<200x128xf32, #tpu.memory_space<vmem>> -> memref<40x128xf32, #tpu.memory_space<vmem>>
      %dma_wait3A_107 = arith.constant 0 : i32
      %dma_wait3A_108 = arith.constant 0 : i32
      %dma_wait3A_109 = tpu.memref_slice %arg12[%dma_wait3A_107, %dma_wait3A_108] : memref<10240x128xf32, #tpu.memory_space<vmem_shared>> -> memref<10240x128xf32, #tpu.memory_space<vmem_shared>>
      tpu.wait_indirect_dma semaphore(%arg14 : memref<!tpu.dma_semaphore, #tpu.memory_space<semaphore_mem>>) src(%dma_wait3A_106 : memref<40x128xf32, #tpu.memory_space<vmem>>) dst(%dma_wait3A_109 : memref<10240x128xf32, #tpu.memory_space<vmem_shared>>)
      %dma_wait3A_110 = arith.constant 160 : i32
      %dma_wait3A_111 = arith.constant 0 : i32
      %dma_wait3A_112 = tpu.memref_slice %arg11[%dma_wait3A_110, %dma_wait3A_111] : memref<200x128xf32, #tpu.memory_space<vmem>> -> memref<40x128xf32, #tpu.memory_space<vmem>>
      %dma_wait3A_113 = arith.constant 0 : i32
      %dma_wait3A_114 = arith.constant 0 : i32
      %dma_wait3A_115 = tpu.memref_slice %arg12[%dma_wait3A_113, %dma_wait3A_114] : memref<10240x128xf32, #tpu.memory_space<vmem_shared>> -> memref<10240x128xf32, #tpu.memory_space<vmem_shared>>
      tpu.wait_indirect_dma semaphore(%arg14 : memref<!tpu.dma_semaphore, #tpu.memory_space<semaphore_mem>>) src(%dma_wait3A_112 : memref<40x128xf32, #tpu.memory_space<vmem>>) dst(%dma_wait3A_115 : memref<10240x128xf32, #tpu.memory_space<vmem_shared>>)
    }
    %scan3A_15 = arith.constant 50 : i32
    %barrier3A_16 = arith.constant 0 : index
    tpu.barrier barrier_id(%barrier3A_16)
    %mul3A_17 = arith.constant 640 : i32
    %mul3A_18 = arith.muli %arg1, %mul3A_17 : i32
    %mul3A_19 = arith.constant 640 : i32
    %mul3A_20 = arith.muli %arg1, %mul3A_19 : i32
    "tpu.region"() ({
      %run_scoped3A = tpu.sem_alloc : memref<!tpu.dma_semaphore, #tpu.memory_space<semaphore_mem>>
      %dma_start3A = arith.constant 0 : i32
      %dma_start3A_21 = tpu.memref_slice %arg5[%arg0, %mul3A_20, %dma_start3A] : memref<2x10240x128xf32, #tpu.memory_space<hbm>> -> memref<1x640x128xf32, #tpu.memory_space<hbm>>
      %dma_start3A_22 = tpu.memref_squeeze %dma_start3A_21 : memref<1x640x128xf32, #tpu.memory_space<hbm>> -> memref<640x128xf32, #tpu.memory_space<hbm>>
      %dma_start3A_23 = arith.constant 0 : i32
      %dma_start3A_24 = tpu.memref_slice %arg12[%mul3A_18, %dma_start3A_23] : memref<10240x128xf32, #tpu.memory_space<vmem_shared>> -> memref<640x128xf32, #tpu.memory_space<vmem_shared>>
      tpu.enqueue_dma source(%dma_start3A_24 : memref<640x128xf32, #tpu.memory_space<vmem_shared>>) target(%dma_start3A_22 : memref<640x128xf32, #tpu.memory_space<hbm>>) target_semaphore(%run_scoped3A : memref<!tpu.dma_semaphore, #tpu.memory_space<semaphore_mem>>)
      %dma_wait3A = arith.constant 0 : i32
      %dma_wait3A_25 = tpu.memref_slice %arg5[%arg0, %mul3A_20, %dma_wait3A] : memref<2x10240x128xf32, #tpu.memory_space<hbm>> -> memref<1x640x128xf32, #tpu.memory_space<hbm>>
      %dma_wait3A_26 = tpu.memref_squeeze %dma_wait3A_25 : memref<1x640x128xf32, #tpu.memory_space<hbm>> -> memref<640x128xf32, #tpu.memory_space<hbm>>
      %dma_wait3A_27 = arith.constant 0 : i32
      %dma_wait3A_28 = tpu.memref_slice %arg12[%mul3A_18, %dma_wait3A_27] : memref<10240x128xf32, #tpu.memory_space<vmem_shared>> -> memref<640x128xf32, #tpu.memory_space<vmem_shared>>
      tpu.wait_dma2 semaphore(%run_scoped3A : memref<!tpu.dma_semaphore, #tpu.memory_space<semaphore_mem>>) src(%dma_wait3A_28 : memref<640x128xf32, #tpu.memory_space<vmem_shared>>) dst(%dma_wait3A_26 : memref<640x128xf32, #tpu.memory_space<hbm>>)
      tpu.yield
    }) : () -> ()
    return
  }
}

module attributes {stable_mosaic.version = 14 : i64} {
  func.func @body(%arg0: i32, %arg1: memref<2000x128xf32, #tpu.memory_space<vmem>>, %arg2: memref<2000x1xi32, #tpu.memory_space<vmem>>, %arg3: memref<17x128x128xf32, #tpu.memory_space<vmem>>, %arg4: memref<17x128xf32, #tpu.memory_space<vmem>>, %arg5: memref<128x128xf32, #tpu.memory_space<vmem>>, %arg6: memref<128x128xf32, #tpu.memory_space<vmem>>, %arg7: memref<2000x128xf32, #tpu.memory_space<vmem>>, %arg8: memref<2000x128xf32, #tpu.memory_space<vmem>>, %arg9: memref<2000x128xf32, #tpu.memory_space<vmem>>) attributes {dimension_semantics = [#tpu.dimension_semantics<arbitrary>], iteration_bounds = array<i64: 5>, scalar_prefetch = 0 : i64, scratch_operands = 0 : i64, tpu.core_type = #tpu.core_type<tc>, window_params = [{transform_indices = @transform_0, window_bounds = array<i64: 2000, 128>}, {transform_indices = @transform_1, window_bounds = array<i64: 2000, 1>}, {pipeline_mode = #tpu.pipeline_mode<synchronous>, transform_indices = @transform_2, window_bounds = array<i64: 17, 128, 128>}, {pipeline_mode = #tpu.pipeline_mode<synchronous>, transform_indices = @transform_3, window_bounds = array<i64: 17, 128>}, {pipeline_mode = #tpu.pipeline_mode<synchronous>, transform_indices = @transform_4, window_bounds = array<i64: 128, 128>}, {pipeline_mode = #tpu.pipeline_mode<synchronous>, transform_indices = @transform_5, window_bounds = array<i64: 128, 128>}, {transform_indices = @transform_6, window_bounds = array<i64: 2000, 128>}, {transform_indices = @transform_7, window_bounds = array<i64: 2000, 128>}, {transform_indices = @transform_8, window_bounds = array<i64: 2000, 128>}]} {
    %get3A = arith.constant 0 : index
    %get3A_0 = arith.constant 0 : index
    %get3A_1 = vector.load %arg1[%get3A, %get3A_0] : memref<2000x128xf32, #tpu.memory_space<vmem>>, vector<2000x128xf32>
    %get3A_2 = arith.constant 0 : index
    %get3A_3 = arith.constant 0 : index
    %get3A_4 = vector.load %arg2[%get3A_2, %get3A_3] : memref<2000x1xi32, #tpu.memory_space<vmem>>, vector<2000x1xi32>
    %broadcast_in_dim3A = arith.constant 0.000000e+00 : f32
    %broadcast_in_dim3A_5 = vector.broadcast %broadcast_in_dim3A : f32 to vector<2000x128xf32>
    %get3A_6 = arith.constant 0 : index
    %get3A_7 = arith.constant 0 : index
    %get3A_8 = arith.constant 0 : index
    %get3A_9 = vector.load %arg3[%get3A_6, %get3A_7, %get3A_8] : memref<17x128x128xf32, #tpu.memory_space<vmem>>, vector<1x128x128xf32>
    %get3A_10 = vector.shape_cast %get3A_9 : vector<1x128x128xf32> to vector<128x128xf32>
    %dot_general3A = arith.constant dense<0.000000e+00> : vector<2000x128xf32>
    %dot_general3A_11 = tpu.matmul %get3A_1, %get3A_10, %dot_general3A {dimension_numbers = #tpu.dot_dimension_numbers<[1], [0], [0], [1], [0, 0, 1, 1], [], []>, transpose_lhs_hint = false} : vector<2000x128xf32>, vector<128x128xf32>, vector<2000x128xf32> -> vector<2000x128xf32>
    %get3A_12 = arith.constant 0 : index
    %get3A_13 = arith.constant 0 : index
    %get3A_14 = vector.load %arg4[%get3A_12, %get3A_13] : memref<17x128xf32, #tpu.memory_space<vmem>>, vector<1x128xf32>
    %get3A_15 = vector.shape_cast %get3A_14 : vector<1x128xf32> to vector<128xf32>
    %broadcast_in_dim3A_16 = vector.shape_cast %get3A_15 : vector<128xf32> to vector<1x128xf32>
    %add3A = vector.broadcast %broadcast_in_dim3A_16 : vector<1x128xf32> to vector<2000x128xf32>
    %add3A_17 = arith.addf %dot_general3A_11, %add3A : vector<2000x128xf32>
    %eq3A = arith.constant 0 : i32
    %eq3A_18 = vector.broadcast %eq3A : i32 to vector<2000x1xi32>
    %eq3A_19 = arith.cmpi eq, %get3A_4, %eq3A_18 : vector<2000x1xi32>
    %jit3A = arith.constant 0.000000e+00 : f32
    %broadcast_in_dim3A_20 = vector.shape_cast %eq3A_19 : vector<2000x1xi1> to vector<2000x1xi1>
    %broadcast_in_dim3A_21 = vector.broadcast %broadcast_in_dim3A_20 : vector<2000x1xi1> to vector<2000x128xi1>
    %broadcast_in_dim3A_22 = vector.broadcast %jit3A : f32 to vector<2000x128xf32>
    %select_n3A = arith.select %broadcast_in_dim3A_21, %add3A_17, %broadcast_in_dim3A_22 : vector<2000x128xi1>, vector<2000x128xf32>
    %add3A_23 = arith.addf %broadcast_in_dim3A_5, %select_n3A : vector<2000x128xf32>
    %get3A_24 = arith.constant 1 : index
    %get3A_25 = arith.constant 0 : index
    %get3A_26 = arith.constant 0 : index
    %get3A_27 = vector.load %arg3[%get3A_24, %get3A_25, %get3A_26] : memref<17x128x128xf32, #tpu.memory_space<vmem>>, vector<1x128x128xf32>
    %get3A_28 = vector.shape_cast %get3A_27 : vector<1x128x128xf32> to vector<128x128xf32>
    %dot_general3A_29 = arith.constant dense<0.000000e+00> : vector<2000x128xf32>
    %dot_general3A_30 = tpu.matmul %get3A_1, %get3A_28, %dot_general3A_29 {dimension_numbers = #tpu.dot_dimension_numbers<[1], [0], [0], [1], [0, 0, 1, 1], [], []>, transpose_lhs_hint = false} : vector<2000x128xf32>, vector<128x128xf32>, vector<2000x128xf32> -> vector<2000x128xf32>
    %get3A_31 = arith.constant 1 : index
    %get3A_32 = arith.constant 0 : index
    %get3A_33 = vector.load %arg4[%get3A_31, %get3A_32] : memref<17x128xf32, #tpu.memory_space<vmem>>, vector<1x128xf32>
    %get3A_34 = vector.shape_cast %get3A_33 : vector<1x128xf32> to vector<128xf32>
    %broadcast_in_dim3A_35 = vector.shape_cast %get3A_34 : vector<128xf32> to vector<1x128xf32>
    %add3A_36 = vector.broadcast %broadcast_in_dim3A_35 : vector<1x128xf32> to vector<2000x128xf32>
    %add3A_37 = arith.addf %dot_general3A_30, %add3A_36 : vector<2000x128xf32>
    %eq3A_38 = arith.constant 1 : i32
    %eq3A_39 = vector.broadcast %eq3A_38 : i32 to vector<2000x1xi32>
    %eq3A_40 = arith.cmpi eq, %get3A_4, %eq3A_39 : vector<2000x1xi32>
    %jit3A_41 = arith.constant 0.000000e+00 : f32
    %broadcast_in_dim3A_42 = vector.shape_cast %eq3A_40 : vector<2000x1xi1> to vector<2000x1xi1>
    %broadcast_in_dim3A_43 = vector.broadcast %broadcast_in_dim3A_42 : vector<2000x1xi1> to vector<2000x128xi1>
    %broadcast_in_dim3A_44 = vector.broadcast %jit3A_41 : f32 to vector<2000x128xf32>
    %select_n3A_45 = arith.select %broadcast_in_dim3A_43, %add3A_37, %broadcast_in_dim3A_44 : vector<2000x128xi1>, vector<2000x128xf32>
    %add3A_46 = arith.addf %add3A_23, %select_n3A_45 : vector<2000x128xf32>
    %get3A_47 = arith.constant 2 : index
    %get3A_48 = arith.constant 0 : index
    %get3A_49 = arith.constant 0 : index
    %get3A_50 = vector.load %arg3[%get3A_47, %get3A_48, %get3A_49] : memref<17x128x128xf32, #tpu.memory_space<vmem>>, vector<1x128x128xf32>
    %get3A_51 = vector.shape_cast %get3A_50 : vector<1x128x128xf32> to vector<128x128xf32>
    %dot_general3A_52 = arith.constant dense<0.000000e+00> : vector<2000x128xf32>
    %dot_general3A_53 = tpu.matmul %get3A_1, %get3A_51, %dot_general3A_52 {dimension_numbers = #tpu.dot_dimension_numbers<[1], [0], [0], [1], [0, 0, 1, 1], [], []>, transpose_lhs_hint = false} : vector<2000x128xf32>, vector<128x128xf32>, vector<2000x128xf32> -> vector<2000x128xf32>
    %get3A_54 = arith.constant 2 : index
    %get3A_55 = arith.constant 0 : index
    %get3A_56 = vector.load %arg4[%get3A_54, %get3A_55] : memref<17x128xf32, #tpu.memory_space<vmem>>, vector<1x128xf32>
    %get3A_57 = vector.shape_cast %get3A_56 : vector<1x128xf32> to vector<128xf32>
    %broadcast_in_dim3A_58 = vector.shape_cast %get3A_57 : vector<128xf32> to vector<1x128xf32>
    %add3A_59 = vector.broadcast %broadcast_in_dim3A_58 : vector<1x128xf32> to vector<2000x128xf32>
    %add3A_60 = arith.addf %dot_general3A_53, %add3A_59 : vector<2000x128xf32>
    %eq3A_61 = arith.constant 2 : i32
    %eq3A_62 = vector.broadcast %eq3A_61 : i32 to vector<2000x1xi32>
    %eq3A_63 = arith.cmpi eq, %get3A_4, %eq3A_62 : vector<2000x1xi32>
    %jit3A_64 = arith.constant 0.000000e+00 : f32
    %broadcast_in_dim3A_65 = vector.shape_cast %eq3A_63 : vector<2000x1xi1> to vector<2000x1xi1>
    %broadcast_in_dim3A_66 = vector.broadcast %broadcast_in_dim3A_65 : vector<2000x1xi1> to vector<2000x128xi1>
    %broadcast_in_dim3A_67 = vector.broadcast %jit3A_64 : f32 to vector<2000x128xf32>
    %select_n3A_68 = arith.select %broadcast_in_dim3A_66, %add3A_60, %broadcast_in_dim3A_67 : vector<2000x128xi1>, vector<2000x128xf32>
    %add3A_69 = arith.addf %add3A_46, %select_n3A_68 : vector<2000x128xf32>
    %get3A_70 = arith.constant 3 : index
    %get3A_71 = arith.constant 0 : index
    %get3A_72 = arith.constant 0 : index
    %get3A_73 = vector.load %arg3[%get3A_70, %get3A_71, %get3A_72] : memref<17x128x128xf32, #tpu.memory_space<vmem>>, vector<1x128x128xf32>
    %get3A_74 = vector.shape_cast %get3A_73 : vector<1x128x128xf32> to vector<128x128xf32>
    %dot_general3A_75 = arith.constant dense<0.000000e+00> : vector<2000x128xf32>
    %dot_general3A_76 = tpu.matmul %get3A_1, %get3A_74, %dot_general3A_75 {dimension_numbers = #tpu.dot_dimension_numbers<[1], [0], [0], [1], [0, 0, 1, 1], [], []>, transpose_lhs_hint = false} : vector<2000x128xf32>, vector<128x128xf32>, vector<2000x128xf32> -> vector<2000x128xf32>
    %get3A_77 = arith.constant 3 : index
    %get3A_78 = arith.constant 0 : index
    %get3A_79 = vector.load %arg4[%get3A_77, %get3A_78] : memref<17x128xf32, #tpu.memory_space<vmem>>, vector<1x128xf32>
    %get3A_80 = vector.shape_cast %get3A_79 : vector<1x128xf32> to vector<128xf32>
    %broadcast_in_dim3A_81 = vector.shape_cast %get3A_80 : vector<128xf32> to vector<1x128xf32>
    %add3A_82 = vector.broadcast %broadcast_in_dim3A_81 : vector<1x128xf32> to vector<2000x128xf32>
    %add3A_83 = arith.addf %dot_general3A_76, %add3A_82 : vector<2000x128xf32>
    %eq3A_84 = arith.constant 3 : i32
    %eq3A_85 = vector.broadcast %eq3A_84 : i32 to vector<2000x1xi32>
    %eq3A_86 = arith.cmpi eq, %get3A_4, %eq3A_85 : vector<2000x1xi32>
    %jit3A_87 = arith.constant 0.000000e+00 : f32
    %broadcast_in_dim3A_88 = vector.shape_cast %eq3A_86 : vector<2000x1xi1> to vector<2000x1xi1>
    %broadcast_in_dim3A_89 = vector.broadcast %broadcast_in_dim3A_88 : vector<2000x1xi1> to vector<2000x128xi1>
    %broadcast_in_dim3A_90 = vector.broadcast %jit3A_87 : f32 to vector<2000x128xf32>
    %select_n3A_91 = arith.select %broadcast_in_dim3A_89, %add3A_83, %broadcast_in_dim3A_90 : vector<2000x128xi1>, vector<2000x128xf32>
    %add3A_92 = arith.addf %add3A_69, %select_n3A_91 : vector<2000x128xf32>
    %get3A_93 = arith.constant 4 : index
    %get3A_94 = arith.constant 0 : index
    %get3A_95 = arith.constant 0 : index
    %get3A_96 = vector.load %arg3[%get3A_93, %get3A_94, %get3A_95] : memref<17x128x128xf32, #tpu.memory_space<vmem>>, vector<1x128x128xf32>
    %get3A_97 = vector.shape_cast %get3A_96 : vector<1x128x128xf32> to vector<128x128xf32>
    %dot_general3A_98 = arith.constant dense<0.000000e+00> : vector<2000x128xf32>
    %dot_general3A_99 = tpu.matmul %get3A_1, %get3A_97, %dot_general3A_98 {dimension_numbers = #tpu.dot_dimension_numbers<[1], [0], [0], [1], [0, 0, 1, 1], [], []>, transpose_lhs_hint = false} : vector<2000x128xf32>, vector<128x128xf32>, vector<2000x128xf32> -> vector<2000x128xf32>
    %get3A_100 = arith.constant 4 : index
    %get3A_101 = arith.constant 0 : index
    %get3A_102 = vector.load %arg4[%get3A_100, %get3A_101] : memref<17x128xf32, #tpu.memory_space<vmem>>, vector<1x128xf32>
    %get3A_103 = vector.shape_cast %get3A_102 : vector<1x128xf32> to vector<128xf32>
    %broadcast_in_dim3A_104 = vector.shape_cast %get3A_103 : vector<128xf32> to vector<1x128xf32>
    %add3A_105 = vector.broadcast %broadcast_in_dim3A_104 : vector<1x128xf32> to vector<2000x128xf32>
    %add3A_106 = arith.addf %dot_general3A_99, %add3A_105 : vector<2000x128xf32>
    %eq3A_107 = arith.constant 4 : i32
    %eq3A_108 = vector.broadcast %eq3A_107 : i32 to vector<2000x1xi32>
    %eq3A_109 = arith.cmpi eq, %get3A_4, %eq3A_108 : vector<2000x1xi32>
    %jit3A_110 = arith.constant 0.000000e+00 : f32
    %broadcast_in_dim3A_111 = vector.shape_cast %eq3A_109 : vector<2000x1xi1> to vector<2000x1xi1>
    %broadcast_in_dim3A_112 = vector.broadcast %broadcast_in_dim3A_111 : vector<2000x1xi1> to vector<2000x128xi1>
    %broadcast_in_dim3A_113 = vector.broadcast %jit3A_110 : f32 to vector<2000x128xf32>
    %select_n3A_114 = arith.select %broadcast_in_dim3A_112, %add3A_106, %broadcast_in_dim3A_113 : vector<2000x128xi1>, vector<2000x128xf32>
    %add3A_115 = arith.addf %add3A_92, %select_n3A_114 : vector<2000x128xf32>
    %get3A_116 = arith.constant 5 : index
    %get3A_117 = arith.constant 0 : index
    %get3A_118 = arith.constant 0 : index
    %get3A_119 = vector.load %arg3[%get3A_116, %get3A_117, %get3A_118] : memref<17x128x128xf32, #tpu.memory_space<vmem>>, vector<1x128x128xf32>
    %get3A_120 = vector.shape_cast %get3A_119 : vector<1x128x128xf32> to vector<128x128xf32>
    %dot_general3A_121 = arith.constant dense<0.000000e+00> : vector<2000x128xf32>
    %dot_general3A_122 = tpu.matmul %get3A_1, %get3A_120, %dot_general3A_121 {dimension_numbers = #tpu.dot_dimension_numbers<[1], [0], [0], [1], [0, 0, 1, 1], [], []>, transpose_lhs_hint = false} : vector<2000x128xf32>, vector<128x128xf32>, vector<2000x128xf32> -> vector<2000x128xf32>
    %get3A_123 = arith.constant 5 : index
    %get3A_124 = arith.constant 0 : index
    %get3A_125 = vector.load %arg4[%get3A_123, %get3A_124] : memref<17x128xf32, #tpu.memory_space<vmem>>, vector<1x128xf32>
    %get3A_126 = vector.shape_cast %get3A_125 : vector<1x128xf32> to vector<128xf32>
    %broadcast_in_dim3A_127 = vector.shape_cast %get3A_126 : vector<128xf32> to vector<1x128xf32>
    %add3A_128 = vector.broadcast %broadcast_in_dim3A_127 : vector<1x128xf32> to vector<2000x128xf32>
    %add3A_129 = arith.addf %dot_general3A_122, %add3A_128 : vector<2000x128xf32>
    %eq3A_130 = arith.constant 5 : i32
    %eq3A_131 = vector.broadcast %eq3A_130 : i32 to vector<2000x1xi32>
    %eq3A_132 = arith.cmpi eq, %get3A_4, %eq3A_131 : vector<2000x1xi32>
    %jit3A_133 = arith.constant 0.000000e+00 : f32
    %broadcast_in_dim3A_134 = vector.shape_cast %eq3A_132 : vector<2000x1xi1> to vector<2000x1xi1>
    %broadcast_in_dim3A_135 = vector.broadcast %broadcast_in_dim3A_134 : vector<2000x1xi1> to vector<2000x128xi1>
    %broadcast_in_dim3A_136 = vector.broadcast %jit3A_133 : f32 to vector<2000x128xf32>
    %select_n3A_137 = arith.select %broadcast_in_dim3A_135, %add3A_129, %broadcast_in_dim3A_136 : vector<2000x128xi1>, vector<2000x128xf32>
    %add3A_138 = arith.addf %add3A_115, %select_n3A_137 : vector<2000x128xf32>
    %get3A_139 = arith.constant 6 : index
    %get3A_140 = arith.constant 0 : index
    %get3A_141 = arith.constant 0 : index
    %get3A_142 = vector.load %arg3[%get3A_139, %get3A_140, %get3A_141] : memref<17x128x128xf32, #tpu.memory_space<vmem>>, vector<1x128x128xf32>
    %get3A_143 = vector.shape_cast %get3A_142 : vector<1x128x128xf32> to vector<128x128xf32>
    %dot_general3A_144 = arith.constant dense<0.000000e+00> : vector<2000x128xf32>
    %dot_general3A_145 = tpu.matmul %get3A_1, %get3A_143, %dot_general3A_144 {dimension_numbers = #tpu.dot_dimension_numbers<[1], [0], [0], [1], [0, 0, 1, 1], [], []>, transpose_lhs_hint = false} : vector<2000x128xf32>, vector<128x128xf32>, vector<2000x128xf32> -> vector<2000x128xf32>
    %get3A_146 = arith.constant 6 : index
    %get3A_147 = arith.constant 0 : index
    %get3A_148 = vector.load %arg4[%get3A_146, %get3A_147] : memref<17x128xf32, #tpu.memory_space<vmem>>, vector<1x128xf32>
    %get3A_149 = vector.shape_cast %get3A_148 : vector<1x128xf32> to vector<128xf32>
    %broadcast_in_dim3A_150 = vector.shape_cast %get3A_149 : vector<128xf32> to vector<1x128xf32>
    %add3A_151 = vector.broadcast %broadcast_in_dim3A_150 : vector<1x128xf32> to vector<2000x128xf32>
    %add3A_152 = arith.addf %dot_general3A_145, %add3A_151 : vector<2000x128xf32>
    %eq3A_153 = arith.constant 6 : i32
    %eq3A_154 = vector.broadcast %eq3A_153 : i32 to vector<2000x1xi32>
    %eq3A_155 = arith.cmpi eq, %get3A_4, %eq3A_154 : vector<2000x1xi32>
    %jit3A_156 = arith.constant 0.000000e+00 : f32
    %broadcast_in_dim3A_157 = vector.shape_cast %eq3A_155 : vector<2000x1xi1> to vector<2000x1xi1>
    %broadcast_in_dim3A_158 = vector.broadcast %broadcast_in_dim3A_157 : vector<2000x1xi1> to vector<2000x128xi1>
    %broadcast_in_dim3A_159 = vector.broadcast %jit3A_156 : f32 to vector<2000x128xf32>
    %select_n3A_160 = arith.select %broadcast_in_dim3A_158, %add3A_152, %broadcast_in_dim3A_159 : vector<2000x128xi1>, vector<2000x128xf32>
    %add3A_161 = arith.addf %add3A_138, %select_n3A_160 : vector<2000x128xf32>
    %get3A_162 = arith.constant 7 : index
    %get3A_163 = arith.constant 0 : index
    %get3A_164 = arith.constant 0 : index
    %get3A_165 = vector.load %arg3[%get3A_162, %get3A_163, %get3A_164] : memref<17x128x128xf32, #tpu.memory_space<vmem>>, vector<1x128x128xf32>
    %get3A_166 = vector.shape_cast %get3A_165 : vector<1x128x128xf32> to vector<128x128xf32>
    %dot_general3A_167 = arith.constant dense<0.000000e+00> : vector<2000x128xf32>
    %dot_general3A_168 = tpu.matmul %get3A_1, %get3A_166, %dot_general3A_167 {dimension_numbers = #tpu.dot_dimension_numbers<[1], [0], [0], [1], [0, 0, 1, 1], [], []>, transpose_lhs_hint = false} : vector<2000x128xf32>, vector<128x128xf32>, vector<2000x128xf32> -> vector<2000x128xf32>
    %get3A_169 = arith.constant 7 : index
    %get3A_170 = arith.constant 0 : index
    %get3A_171 = vector.load %arg4[%get3A_169, %get3A_170] : memref<17x128xf32, #tpu.memory_space<vmem>>, vector<1x128xf32>
    %get3A_172 = vector.shape_cast %get3A_171 : vector<1x128xf32> to vector<128xf32>
    %broadcast_in_dim3A_173 = vector.shape_cast %get3A_172 : vector<128xf32> to vector<1x128xf32>
    %add3A_174 = vector.broadcast %broadcast_in_dim3A_173 : vector<1x128xf32> to vector<2000x128xf32>
    %add3A_175 = arith.addf %dot_general3A_168, %add3A_174 : vector<2000x128xf32>
    %eq3A_176 = arith.constant 7 : i32
    %eq3A_177 = vector.broadcast %eq3A_176 : i32 to vector<2000x1xi32>
    %eq3A_178 = arith.cmpi eq, %get3A_4, %eq3A_177 : vector<2000x1xi32>
    %jit3A_179 = arith.constant 0.000000e+00 : f32
    %broadcast_in_dim3A_180 = vector.shape_cast %eq3A_178 : vector<2000x1xi1> to vector<2000x1xi1>
    %broadcast_in_dim3A_181 = vector.broadcast %broadcast_in_dim3A_180 : vector<2000x1xi1> to vector<2000x128xi1>
    %broadcast_in_dim3A_182 = vector.broadcast %jit3A_179 : f32 to vector<2000x128xf32>
    %select_n3A_183 = arith.select %broadcast_in_dim3A_181, %add3A_175, %broadcast_in_dim3A_182 : vector<2000x128xi1>, vector<2000x128xf32>
    %add3A_184 = arith.addf %add3A_161, %select_n3A_183 : vector<2000x128xf32>
    %get3A_185 = arith.constant 8 : index
    %get3A_186 = arith.constant 0 : index
    %get3A_187 = arith.constant 0 : index
    %get3A_188 = vector.load %arg3[%get3A_185, %get3A_186, %get3A_187] : memref<17x128x128xf32, #tpu.memory_space<vmem>>, vector<1x128x128xf32>
    %get3A_189 = vector.shape_cast %get3A_188 : vector<1x128x128xf32> to vector<128x128xf32>
    %dot_general3A_190 = arith.constant dense<0.000000e+00> : vector<2000x128xf32>
    %dot_general3A_191 = tpu.matmul %get3A_1, %get3A_189, %dot_general3A_190 {dimension_numbers = #tpu.dot_dimension_numbers<[1], [0], [0], [1], [0, 0, 1, 1], [], []>, transpose_lhs_hint = false} : vector<2000x128xf32>, vector<128x128xf32>, vector<2000x128xf32> -> vector<2000x128xf32>
    %get3A_192 = arith.constant 8 : index
    %get3A_193 = arith.constant 0 : index
    %get3A_194 = vector.load %arg4[%get3A_192, %get3A_193] : memref<17x128xf32, #tpu.memory_space<vmem>>, vector<1x128xf32>
    %get3A_195 = vector.shape_cast %get3A_194 : vector<1x128xf32> to vector<128xf32>
    %broadcast_in_dim3A_196 = vector.shape_cast %get3A_195 : vector<128xf32> to vector<1x128xf32>
    %add3A_197 = vector.broadcast %broadcast_in_dim3A_196 : vector<1x128xf32> to vector<2000x128xf32>
    %add3A_198 = arith.addf %dot_general3A_191, %add3A_197 : vector<2000x128xf32>
    %eq3A_199 = arith.constant 8 : i32
    %eq3A_200 = vector.broadcast %eq3A_199 : i32 to vector<2000x1xi32>
    %eq3A_201 = arith.cmpi eq, %get3A_4, %eq3A_200 : vector<2000x1xi32>
    %jit3A_202 = arith.constant 0.000000e+00 : f32
    %broadcast_in_dim3A_203 = vector.shape_cast %eq3A_201 : vector<2000x1xi1> to vector<2000x1xi1>
    %broadcast_in_dim3A_204 = vector.broadcast %broadcast_in_dim3A_203 : vector<2000x1xi1> to vector<2000x128xi1>
    %broadcast_in_dim3A_205 = vector.broadcast %jit3A_202 : f32 to vector<2000x128xf32>
    %select_n3A_206 = arith.select %broadcast_in_dim3A_204, %add3A_198, %broadcast_in_dim3A_205 : vector<2000x128xi1>, vector<2000x128xf32>
    %add3A_207 = arith.addf %add3A_184, %select_n3A_206 : vector<2000x128xf32>
    %get3A_208 = arith.constant 9 : index
    %get3A_209 = arith.constant 0 : index
    %get3A_210 = arith.constant 0 : index
    %get3A_211 = vector.load %arg3[%get3A_208, %get3A_209, %get3A_210] : memref<17x128x128xf32, #tpu.memory_space<vmem>>, vector<1x128x128xf32>
    %get3A_212 = vector.shape_cast %get3A_211 : vector<1x128x128xf32> to vector<128x128xf32>
    %dot_general3A_213 = arith.constant dense<0.000000e+00> : vector<2000x128xf32>
    %dot_general3A_214 = tpu.matmul %get3A_1, %get3A_212, %dot_general3A_213 {dimension_numbers = #tpu.dot_dimension_numbers<[1], [0], [0], [1], [0, 0, 1, 1], [], []>, transpose_lhs_hint = false} : vector<2000x128xf32>, vector<128x128xf32>, vector<2000x128xf32> -> vector<2000x128xf32>
    %get3A_215 = arith.constant 9 : index
    %get3A_216 = arith.constant 0 : index
    %get3A_217 = vector.load %arg4[%get3A_215, %get3A_216] : memref<17x128xf32, #tpu.memory_space<vmem>>, vector<1x128xf32>
    %get3A_218 = vector.shape_cast %get3A_217 : vector<1x128xf32> to vector<128xf32>
    %broadcast_in_dim3A_219 = vector.shape_cast %get3A_218 : vector<128xf32> to vector<1x128xf32>
    %add3A_220 = vector.broadcast %broadcast_in_dim3A_219 : vector<1x128xf32> to vector<2000x128xf32>
    %add3A_221 = arith.addf %dot_general3A_214, %add3A_220 : vector<2000x128xf32>
    %eq3A_222 = arith.constant 9 : i32
    %eq3A_223 = vector.broadcast %eq3A_222 : i32 to vector<2000x1xi32>
    %eq3A_224 = arith.cmpi eq, %get3A_4, %eq3A_223 : vector<2000x1xi32>
    %jit3A_225 = arith.constant 0.000000e+00 : f32
    %broadcast_in_dim3A_226 = vector.shape_cast %eq3A_224 : vector<2000x1xi1> to vector<2000x1xi1>
    %broadcast_in_dim3A_227 = vector.broadcast %broadcast_in_dim3A_226 : vector<2000x1xi1> to vector<2000x128xi1>
    %broadcast_in_dim3A_228 = vector.broadcast %jit3A_225 : f32 to vector<2000x128xf32>
    %select_n3A_229 = arith.select %broadcast_in_dim3A_227, %add3A_221, %broadcast_in_dim3A_228 : vector<2000x128xi1>, vector<2000x128xf32>
    %add3A_230 = arith.addf %add3A_207, %select_n3A_229 : vector<2000x128xf32>
    %get3A_231 = arith.constant 10 : index
    %get3A_232 = arith.constant 0 : index
    %get3A_233 = arith.constant 0 : index
    %get3A_234 = vector.load %arg3[%get3A_231, %get3A_232, %get3A_233] : memref<17x128x128xf32, #tpu.memory_space<vmem>>, vector<1x128x128xf32>
    %get3A_235 = vector.shape_cast %get3A_234 : vector<1x128x128xf32> to vector<128x128xf32>
    %dot_general3A_236 = arith.constant dense<0.000000e+00> : vector<2000x128xf32>
    %dot_general3A_237 = tpu.matmul %get3A_1, %get3A_235, %dot_general3A_236 {dimension_numbers = #tpu.dot_dimension_numbers<[1], [0], [0], [1], [0, 0, 1, 1], [], []>, transpose_lhs_hint = false} : vector<2000x128xf32>, vector<128x128xf32>, vector<2000x128xf32> -> vector<2000x128xf32>
    %get3A_238 = arith.constant 10 : index
    %get3A_239 = arith.constant 0 : index
    %get3A_240 = vector.load %arg4[%get3A_238, %get3A_239] : memref<17x128xf32, #tpu.memory_space<vmem>>, vector<1x128xf32>
    %get3A_241 = vector.shape_cast %get3A_240 : vector<1x128xf32> to vector<128xf32>
    %broadcast_in_dim3A_242 = vector.shape_cast %get3A_241 : vector<128xf32> to vector<1x128xf32>
    %add3A_243 = vector.broadcast %broadcast_in_dim3A_242 : vector<1x128xf32> to vector<2000x128xf32>
    %add3A_244 = arith.addf %dot_general3A_237, %add3A_243 : vector<2000x128xf32>
    %eq3A_245 = arith.constant 10 : i32
    %eq3A_246 = vector.broadcast %eq3A_245 : i32 to vector<2000x1xi32>
    %eq3A_247 = arith.cmpi eq, %get3A_4, %eq3A_246 : vector<2000x1xi32>
    %jit3A_248 = arith.constant 0.000000e+00 : f32
    %broadcast_in_dim3A_249 = vector.shape_cast %eq3A_247 : vector<2000x1xi1> to vector<2000x1xi1>
    %broadcast_in_dim3A_250 = vector.broadcast %broadcast_in_dim3A_249 : vector<2000x1xi1> to vector<2000x128xi1>
    %broadcast_in_dim3A_251 = vector.broadcast %jit3A_248 : f32 to vector<2000x128xf32>
    %select_n3A_252 = arith.select %broadcast_in_dim3A_250, %add3A_244, %broadcast_in_dim3A_251 : vector<2000x128xi1>, vector<2000x128xf32>
    %add3A_253 = arith.addf %add3A_230, %select_n3A_252 : vector<2000x128xf32>
    %get3A_254 = arith.constant 11 : index
    %get3A_255 = arith.constant 0 : index
    %get3A_256 = arith.constant 0 : index
    %get3A_257 = vector.load %arg3[%get3A_254, %get3A_255, %get3A_256] : memref<17x128x128xf32, #tpu.memory_space<vmem>>, vector<1x128x128xf32>
    %get3A_258 = vector.shape_cast %get3A_257 : vector<1x128x128xf32> to vector<128x128xf32>
    %dot_general3A_259 = arith.constant dense<0.000000e+00> : vector<2000x128xf32>
    %dot_general3A_260 = tpu.matmul %get3A_1, %get3A_258, %dot_general3A_259 {dimension_numbers = #tpu.dot_dimension_numbers<[1], [0], [0], [1], [0, 0, 1, 1], [], []>, transpose_lhs_hint = false} : vector<2000x128xf32>, vector<128x128xf32>, vector<2000x128xf32> -> vector<2000x128xf32>
    %get3A_261 = arith.constant 11 : index
    %get3A_262 = arith.constant 0 : index
    %get3A_263 = vector.load %arg4[%get3A_261, %get3A_262] : memref<17x128xf32, #tpu.memory_space<vmem>>, vector<1x128xf32>
    %get3A_264 = vector.shape_cast %get3A_263 : vector<1x128xf32> to vector<128xf32>
    %broadcast_in_dim3A_265 = vector.shape_cast %get3A_264 : vector<128xf32> to vector<1x128xf32>
    %add3A_266 = vector.broadcast %broadcast_in_dim3A_265 : vector<1x128xf32> to vector<2000x128xf32>
    %add3A_267 = arith.addf %dot_general3A_260, %add3A_266 : vector<2000x128xf32>
    %eq3A_268 = arith.constant 11 : i32
    %eq3A_269 = vector.broadcast %eq3A_268 : i32 to vector<2000x1xi32>
    %eq3A_270 = arith.cmpi eq, %get3A_4, %eq3A_269 : vector<2000x1xi32>
    %jit3A_271 = arith.constant 0.000000e+00 : f32
    %broadcast_in_dim3A_272 = vector.shape_cast %eq3A_270 : vector<2000x1xi1> to vector<2000x1xi1>
    %broadcast_in_dim3A_273 = vector.broadcast %broadcast_in_dim3A_272 : vector<2000x1xi1> to vector<2000x128xi1>
    %broadcast_in_dim3A_274 = vector.broadcast %jit3A_271 : f32 to vector<2000x128xf32>
    %select_n3A_275 = arith.select %broadcast_in_dim3A_273, %add3A_267, %broadcast_in_dim3A_274 : vector<2000x128xi1>, vector<2000x128xf32>
    %add3A_276 = arith.addf %add3A_253, %select_n3A_275 : vector<2000x128xf32>
    %get3A_277 = arith.constant 12 : index
    %get3A_278 = arith.constant 0 : index
    %get3A_279 = arith.constant 0 : index
    %get3A_280 = vector.load %arg3[%get3A_277, %get3A_278, %get3A_279] : memref<17x128x128xf32, #tpu.memory_space<vmem>>, vector<1x128x128xf32>
    %get3A_281 = vector.shape_cast %get3A_280 : vector<1x128x128xf32> to vector<128x128xf32>
    %dot_general3A_282 = arith.constant dense<0.000000e+00> : vector<2000x128xf32>
    %dot_general3A_283 = tpu.matmul %get3A_1, %get3A_281, %dot_general3A_282 {dimension_numbers = #tpu.dot_dimension_numbers<[1], [0], [0], [1], [0, 0, 1, 1], [], []>, transpose_lhs_hint = false} : vector<2000x128xf32>, vector<128x128xf32>, vector<2000x128xf32> -> vector<2000x128xf32>
    %get3A_284 = arith.constant 12 : index
    %get3A_285 = arith.constant 0 : index
    %get3A_286 = vector.load %arg4[%get3A_284, %get3A_285] : memref<17x128xf32, #tpu.memory_space<vmem>>, vector<1x128xf32>
    %get3A_287 = vector.shape_cast %get3A_286 : vector<1x128xf32> to vector<128xf32>
    %broadcast_in_dim3A_288 = vector.shape_cast %get3A_287 : vector<128xf32> to vector<1x128xf32>
    %add3A_289 = vector.broadcast %broadcast_in_dim3A_288 : vector<1x128xf32> to vector<2000x128xf32>
    %add3A_290 = arith.addf %dot_general3A_283, %add3A_289 : vector<2000x128xf32>
    %eq3A_291 = arith.constant 12 : i32
    %eq3A_292 = vector.broadcast %eq3A_291 : i32 to vector<2000x1xi32>
    %eq3A_293 = arith.cmpi eq, %get3A_4, %eq3A_292 : vector<2000x1xi32>
    %jit3A_294 = arith.constant 0.000000e+00 : f32
    %broadcast_in_dim3A_295 = vector.shape_cast %eq3A_293 : vector<2000x1xi1> to vector<2000x1xi1>
    %broadcast_in_dim3A_296 = vector.broadcast %broadcast_in_dim3A_295 : vector<2000x1xi1> to vector<2000x128xi1>
    %broadcast_in_dim3A_297 = vector.broadcast %jit3A_294 : f32 to vector<2000x128xf32>
    %select_n3A_298 = arith.select %broadcast_in_dim3A_296, %add3A_290, %broadcast_in_dim3A_297 : vector<2000x128xi1>, vector<2000x128xf32>
    %add3A_299 = arith.addf %add3A_276, %select_n3A_298 : vector<2000x128xf32>
    %get3A_300 = arith.constant 13 : index
    %get3A_301 = arith.constant 0 : index
    %get3A_302 = arith.constant 0 : index
    %get3A_303 = vector.load %arg3[%get3A_300, %get3A_301, %get3A_302] : memref<17x128x128xf32, #tpu.memory_space<vmem>>, vector<1x128x128xf32>
    %get3A_304 = vector.shape_cast %get3A_303 : vector<1x128x128xf32> to vector<128x128xf32>
    %dot_general3A_305 = arith.constant dense<0.000000e+00> : vector<2000x128xf32>
    %dot_general3A_306 = tpu.matmul %get3A_1, %get3A_304, %dot_general3A_305 {dimension_numbers = #tpu.dot_dimension_numbers<[1], [0], [0], [1], [0, 0, 1, 1], [], []>, transpose_lhs_hint = false} : vector<2000x128xf32>, vector<128x128xf32>, vector<2000x128xf32> -> vector<2000x128xf32>
    %get3A_307 = arith.constant 13 : index
    %get3A_308 = arith.constant 0 : index
    %get3A_309 = vector.load %arg4[%get3A_307, %get3A_308] : memref<17x128xf32, #tpu.memory_space<vmem>>, vector<1x128xf32>
    %get3A_310 = vector.shape_cast %get3A_309 : vector<1x128xf32> to vector<128xf32>
    %broadcast_in_dim3A_311 = vector.shape_cast %get3A_310 : vector<128xf32> to vector<1x128xf32>
    %add3A_312 = vector.broadcast %broadcast_in_dim3A_311 : vector<1x128xf32> to vector<2000x128xf32>
    %add3A_313 = arith.addf %dot_general3A_306, %add3A_312 : vector<2000x128xf32>
    %eq3A_314 = arith.constant 13 : i32
    %eq3A_315 = vector.broadcast %eq3A_314 : i32 to vector<2000x1xi32>
    %eq3A_316 = arith.cmpi eq, %get3A_4, %eq3A_315 : vector<2000x1xi32>
    %jit3A_317 = arith.constant 0.000000e+00 : f32
    %broadcast_in_dim3A_318 = vector.shape_cast %eq3A_316 : vector<2000x1xi1> to vector<2000x1xi1>
    %broadcast_in_dim3A_319 = vector.broadcast %broadcast_in_dim3A_318 : vector<2000x1xi1> to vector<2000x128xi1>
    %broadcast_in_dim3A_320 = vector.broadcast %jit3A_317 : f32 to vector<2000x128xf32>
    %select_n3A_321 = arith.select %broadcast_in_dim3A_319, %add3A_313, %broadcast_in_dim3A_320 : vector<2000x128xi1>, vector<2000x128xf32>
    %add3A_322 = arith.addf %add3A_299, %select_n3A_321 : vector<2000x128xf32>
    %get3A_323 = arith.constant 14 : index
    %get3A_324 = arith.constant 0 : index
    %get3A_325 = arith.constant 0 : index
    %get3A_326 = vector.load %arg3[%get3A_323, %get3A_324, %get3A_325] : memref<17x128x128xf32, #tpu.memory_space<vmem>>, vector<1x128x128xf32>
    %get3A_327 = vector.shape_cast %get3A_326 : vector<1x128x128xf32> to vector<128x128xf32>
    %dot_general3A_328 = arith.constant dense<0.000000e+00> : vector<2000x128xf32>
    %dot_general3A_329 = tpu.matmul %get3A_1, %get3A_327, %dot_general3A_328 {dimension_numbers = #tpu.dot_dimension_numbers<[1], [0], [0], [1], [0, 0, 1, 1], [], []>, transpose_lhs_hint = false} : vector<2000x128xf32>, vector<128x128xf32>, vector<2000x128xf32> -> vector<2000x128xf32>
    %get3A_330 = arith.constant 14 : index
    %get3A_331 = arith.constant 0 : index
    %get3A_332 = vector.load %arg4[%get3A_330, %get3A_331] : memref<17x128xf32, #tpu.memory_space<vmem>>, vector<1x128xf32>
    %get3A_333 = vector.shape_cast %get3A_332 : vector<1x128xf32> to vector<128xf32>
    %broadcast_in_dim3A_334 = vector.shape_cast %get3A_333 : vector<128xf32> to vector<1x128xf32>
    %add3A_335 = vector.broadcast %broadcast_in_dim3A_334 : vector<1x128xf32> to vector<2000x128xf32>
    %add3A_336 = arith.addf %dot_general3A_329, %add3A_335 : vector<2000x128xf32>
    %eq3A_337 = arith.constant 14 : i32
    %eq3A_338 = vector.broadcast %eq3A_337 : i32 to vector<2000x1xi32>
    %eq3A_339 = arith.cmpi eq, %get3A_4, %eq3A_338 : vector<2000x1xi32>
    %jit3A_340 = arith.constant 0.000000e+00 : f32
    %broadcast_in_dim3A_341 = vector.shape_cast %eq3A_339 : vector<2000x1xi1> to vector<2000x1xi1>
    %broadcast_in_dim3A_342 = vector.broadcast %broadcast_in_dim3A_341 : vector<2000x1xi1> to vector<2000x128xi1>
    %broadcast_in_dim3A_343 = vector.broadcast %jit3A_340 : f32 to vector<2000x128xf32>
    %select_n3A_344 = arith.select %broadcast_in_dim3A_342, %add3A_336, %broadcast_in_dim3A_343 : vector<2000x128xi1>, vector<2000x128xf32>
    %add3A_345 = arith.addf %add3A_322, %select_n3A_344 : vector<2000x128xf32>
    %get3A_346 = arith.constant 15 : index
    %get3A_347 = arith.constant 0 : index
    %get3A_348 = arith.constant 0 : index
    %get3A_349 = vector.load %arg3[%get3A_346, %get3A_347, %get3A_348] : memref<17x128x128xf32, #tpu.memory_space<vmem>>, vector<1x128x128xf32>
    %get3A_350 = vector.shape_cast %get3A_349 : vector<1x128x128xf32> to vector<128x128xf32>
    %dot_general3A_351 = arith.constant dense<0.000000e+00> : vector<2000x128xf32>
    %dot_general3A_352 = tpu.matmul %get3A_1, %get3A_350, %dot_general3A_351 {dimension_numbers = #tpu.dot_dimension_numbers<[1], [0], [0], [1], [0, 0, 1, 1], [], []>, transpose_lhs_hint = false} : vector<2000x128xf32>, vector<128x128xf32>, vector<2000x128xf32> -> vector<2000x128xf32>
    %get3A_353 = arith.constant 15 : index
    %get3A_354 = arith.constant 0 : index
    %get3A_355 = vector.load %arg4[%get3A_353, %get3A_354] : memref<17x128xf32, #tpu.memory_space<vmem>>, vector<1x128xf32>
    %get3A_356 = vector.shape_cast %get3A_355 : vector<1x128xf32> to vector<128xf32>
    %broadcast_in_dim3A_357 = vector.shape_cast %get3A_356 : vector<128xf32> to vector<1x128xf32>
    %add3A_358 = vector.broadcast %broadcast_in_dim3A_357 : vector<1x128xf32> to vector<2000x128xf32>
    %add3A_359 = arith.addf %dot_general3A_352, %add3A_358 : vector<2000x128xf32>
    %eq3A_360 = arith.constant 15 : i32
    %eq3A_361 = vector.broadcast %eq3A_360 : i32 to vector<2000x1xi32>
    %eq3A_362 = arith.cmpi eq, %get3A_4, %eq3A_361 : vector<2000x1xi32>
    %jit3A_363 = arith.constant 0.000000e+00 : f32
    %broadcast_in_dim3A_364 = vector.shape_cast %eq3A_362 : vector<2000x1xi1> to vector<2000x1xi1>
    %broadcast_in_dim3A_365 = vector.broadcast %broadcast_in_dim3A_364 : vector<2000x1xi1> to vector<2000x128xi1>
    %broadcast_in_dim3A_366 = vector.broadcast %jit3A_363 : f32 to vector<2000x128xf32>
    %select_n3A_367 = arith.select %broadcast_in_dim3A_365, %add3A_359, %broadcast_in_dim3A_366 : vector<2000x128xi1>, vector<2000x128xf32>
    %add3A_368 = arith.addf %add3A_345, %select_n3A_367 : vector<2000x128xf32>
    %get3A_369 = arith.constant 16 : index
    %get3A_370 = arith.constant 0 : index
    %get3A_371 = arith.constant 0 : index
    %get3A_372 = vector.load %arg3[%get3A_369, %get3A_370, %get3A_371] : memref<17x128x128xf32, #tpu.memory_space<vmem>>, vector<1x128x128xf32>
    %get3A_373 = vector.shape_cast %get3A_372 : vector<1x128x128xf32> to vector<128x128xf32>
    %dot_general3A_374 = arith.constant dense<0.000000e+00> : vector<2000x128xf32>
    %dot_general3A_375 = tpu.matmul %get3A_1, %get3A_373, %dot_general3A_374 {dimension_numbers = #tpu.dot_dimension_numbers<[1], [0], [0], [1], [0, 0, 1, 1], [], []>, transpose_lhs_hint = false} : vector<2000x128xf32>, vector<128x128xf32>, vector<2000x128xf32> -> vector<2000x128xf32>
    %get3A_376 = arith.constant 16 : index
    %get3A_377 = arith.constant 0 : index
    %get3A_378 = vector.load %arg4[%get3A_376, %get3A_377] : memref<17x128xf32, #tpu.memory_space<vmem>>, vector<1x128xf32>
    %get3A_379 = vector.shape_cast %get3A_378 : vector<1x128xf32> to vector<128xf32>
    %broadcast_in_dim3A_380 = vector.shape_cast %get3A_379 : vector<128xf32> to vector<1x128xf32>
    %add3A_381 = vector.broadcast %broadcast_in_dim3A_380 : vector<1x128xf32> to vector<2000x128xf32>
    %add3A_382 = arith.addf %dot_general3A_375, %add3A_381 : vector<2000x128xf32>
    %eq3A_383 = arith.constant 16 : i32
    %eq3A_384 = vector.broadcast %eq3A_383 : i32 to vector<2000x1xi32>
    %eq3A_385 = arith.cmpi eq, %get3A_4, %eq3A_384 : vector<2000x1xi32>
    %jit3A_386 = arith.constant 0.000000e+00 : f32
    %broadcast_in_dim3A_387 = vector.shape_cast %eq3A_385 : vector<2000x1xi1> to vector<2000x1xi1>
    %broadcast_in_dim3A_388 = vector.broadcast %broadcast_in_dim3A_387 : vector<2000x1xi1> to vector<2000x128xi1>
    %broadcast_in_dim3A_389 = vector.broadcast %jit3A_386 : f32 to vector<2000x128xf32>
    %select_n3A_390 = arith.select %broadcast_in_dim3A_388, %add3A_382, %broadcast_in_dim3A_389 : vector<2000x128xi1>, vector<2000x128xf32>
    %add3A_391 = arith.addf %add3A_368, %select_n3A_390 : vector<2000x128xf32>
    %swap3A = arith.constant 0 : index
    %swap3A_392 = arith.constant 0 : index
    %swap3A_393 = vector.load %arg7[%swap3A, %swap3A_392] : memref<2000x128xf32, #tpu.memory_space<vmem>>, vector<2000x128xf32>
    tpu.vector_store %arg7[%swap3A, %swap3A_392], %add3A_391 {strides = array<i32>} : memref<2000x128xf32, #tpu.memory_space<vmem>>, vector<2000x128xf32>,
    %get3A_394 = arith.constant 0 : index
    %get3A_395 = arith.constant 0 : index
    %get3A_396 = vector.load %arg5[%get3A_394, %get3A_395] : memref<128x128xf32, #tpu.memory_space<vmem>>, vector<128x128xf32>
    %dot_general3A_397 = arith.constant dense<0.000000e+00> : vector<2000x128xf32>
    %dot_general3A_398 = tpu.matmul %add3A_391, %get3A_396, %dot_general3A_397 {dimension_numbers = #tpu.dot_dimension_numbers<[1], [0], [0], [1], [0, 0, 1, 1], [], []>, transpose_lhs_hint = false} : vector<2000x128xf32>, vector<128x128xf32>, vector<2000x128xf32> -> vector<2000x128xf32>
    %swap3A_399 = arith.constant 0 : index
    %swap3A_400 = arith.constant 0 : index
    %swap3A_401 = vector.load %arg8[%swap3A_399, %swap3A_400] : memref<2000x128xf32, #tpu.memory_space<vmem>>, vector<2000x128xf32>
    tpu.vector_store %arg8[%swap3A_399, %swap3A_400], %dot_general3A_398 {strides = array<i32>} : memref<2000x128xf32, #tpu.memory_space<vmem>>, vector<2000x128xf32>,
    %get3A_402 = arith.constant 0 : index
    %get3A_403 = arith.constant 0 : index
    %get3A_404 = vector.load %arg6[%get3A_402, %get3A_403] : memref<128x128xf32, #tpu.memory_space<vmem>>, vector<128x128xf32>
    %dot_general3A_405 = arith.constant dense<0.000000e+00> : vector<2000x128xf32>
    %dot_general3A_406 = tpu.matmul %add3A_391, %get3A_404, %dot_general3A_405 {dimension_numbers = #tpu.dot_dimension_numbers<[1], [0], [0], [1], [0, 0, 1, 1], [], []>, transpose_lhs_hint = false} : vector<2000x128xf32>, vector<128x128xf32>, vector<2000x128xf32> -> vector<2000x128xf32>
    %swap3A_407 = arith.constant 0 : index
    %swap3A_408 = arith.constant 0 : index
    %swap3A_409 = vector.load %arg9[%swap3A_407, %swap3A_408] : memref<2000x128xf32, #tpu.memory_space<vmem>>, vector<2000x128xf32>
    tpu.vector_store %arg9[%swap3A_407, %swap3A_408], %dot_general3A_406 {strides = array<i32>} : memref<2000x128xf32, #tpu.memory_space<vmem>>, vector<2000x128xf32>,
    return
  }
  func.func @transform_0(%arg0: i32) -> (i32, i32) {
    %c0_i32 = arith.constant 0 : i32
    %c0_i32_0 = arith.constant 0 : i32
    return %arg0, %c0_i32 : i32, i32
  }
  func.func @transform_1(%arg0: i32) -> (i32, i32) {
    %c0_i32 = arith.constant 0 : i32
    %c0_i32_0 = arith.constant 0 : i32
    return %arg0, %c0_i32 : i32, i32
  }
  func.func @transform_2(%arg0: i32) -> (i32, i32, i32) {
    %c0_i32 = arith.constant 0 : i32
    %c0_i32_0 = arith.constant 0 : i32
    %c0_i32_1 = arith.constant 0 : i32
    %c0_i32_2 = arith.constant 0 : i32
    return %c0_i32, %c0_i32_0, %c0_i32_1 : i32, i32, i32
  }
  func.func @transform_3(%arg0: i32) -> (i32, i32) {
    %c0_i32 = arith.constant 0 : i32
    %c0_i32_0 = arith.constant 0 : i32
    %c0_i32_1 = arith.constant 0 : i32
    return %c0_i32, %c0_i32_0 : i32, i32
  }
  func.func @transform_4(%arg0: i32) -> (i32, i32) {
    %c0_i32 = arith.constant 0 : i32
    %c0_i32_0 = arith.constant 0 : i32
    %c0_i32_1 = arith.constant 0 : i32
    return %c0_i32, %c0_i32_0 : i32, i32
  }
  func.func @transform_5(%arg0: i32) -> (i32, i32) {
    %c0_i32 = arith.constant 0 : i32
    %c0_i32_0 = arith.constant 0 : i32
    %c0_i32_1 = arith.constant 0 : i32
    return %c0_i32, %c0_i32_0 : i32, i32
  }
  func.func @transform_6(%arg0: i32) -> (i32, i32) {
    %c0_i32 = arith.constant 0 : i32
    %c0_i32_0 = arith.constant 0 : i32
    return %arg0, %c0_i32 : i32, i32
  }
  func.func @transform_7(%arg0: i32) -> (i32, i32) {
    %c0_i32 = arith.constant 0 : i32
    %c0_i32_0 = arith.constant 0 : i32
    return %arg0, %c0_i32 : i32, i32
  }
  func.func @transform_8(%arg0: i32) -> (i32, i32) {
    %c0_i32 = arith.constant 0 : i32
    %c0_i32_0 = arith.constant 0 : i32
    return %arg0, %c0_i32 : i32, i32
  }
}

module attributes {stable_mosaic.version = 14 : i64} {
  func.func @body(%arg0: i32, %arg1: memref<5000x128xf32, #tpu.memory_space<vmem>>, %arg2: memref<5000x128xf32, #tpu.memory_space<vmem>>, %arg3: memref<5000x4xf32, #tpu.memory_space<vmem>>, %arg4: memref<4x64xf32, #tpu.memory_space<vmem>>, %arg5: memref<1x64xf32, #tpu.memory_space<vmem>>, %arg6: memref<64x128xf32, #tpu.memory_space<vmem>>, %arg7: memref<1x128xf32, #tpu.memory_space<vmem>>, %arg8: memref<128x128xf32, #tpu.memory_space<vmem>>, %arg9: memref<1x128xf32, #tpu.memory_space<vmem>>, %arg10: memref<5000x128xf32, #tpu.memory_space<vmem>>) attributes {dimension_semantics = [#tpu.dimension_semantics<arbitrary>], iteration_bounds = array<i64: 64>, scalar_prefetch = 0 : i64, scratch_operands = 0 : i64, tpu.core_type = #tpu.core_type<tc>, window_params = [{transform_indices = @transform_0, window_bounds = array<i64: 5000, 128>}, {transform_indices = @transform_1, window_bounds = array<i64: 5000, 128>}, {transform_indices = @transform_2, window_bounds = array<i64: 5000, 4>}, {pipeline_mode = #tpu.pipeline_mode<synchronous>, transform_indices = @transform_3, window_bounds = array<i64: 4, 64>}, {pipeline_mode = #tpu.pipeline_mode<synchronous>, transform_indices = @transform_4, window_bounds = array<i64: 1, 64>}, {pipeline_mode = #tpu.pipeline_mode<synchronous>, transform_indices = @transform_5, window_bounds = array<i64: 64, 128>}, {pipeline_mode = #tpu.pipeline_mode<synchronous>, transform_indices = @transform_6, window_bounds = array<i64: 1, 128>}, {pipeline_mode = #tpu.pipeline_mode<synchronous>, transform_indices = @transform_7, window_bounds = array<i64: 128, 128>}, {pipeline_mode = #tpu.pipeline_mode<synchronous>, transform_indices = @transform_8, window_bounds = array<i64: 1, 128>}, {transform_indices = @transform_9, window_bounds = array<i64: 5000, 128>}]} {
    %get3A = arith.constant 0 : index
    %get3A_0 = arith.constant 0 : index
    %get3A_1 = vector.load %arg3[%get3A, %get3A_0] : memref<5000x4xf32, #tpu.memory_space<vmem>>, vector<5000x4xf32>
    %get3A_2 = arith.constant 0 : index
    %get3A_3 = arith.constant 0 : index
    %get3A_4 = vector.load %arg4[%get3A_2, %get3A_3] : memref<4x64xf32, #tpu.memory_space<vmem>>, vector<4x64xf32>
    %dot_general3A = arith.constant dense<0.000000e+00> : vector<5000x64xf32>
    %dot_general3A_5 = tpu.matmul %get3A_1, %get3A_4, %dot_general3A {dimension_numbers = #tpu.dot_dimension_numbers<[1], [0], [0], [1], [0, 0, 1, 1], [], []>, transpose_lhs_hint = false} : vector<5000x4xf32>, vector<4x64xf32>, vector<5000x64xf32> -> vector<5000x64xf32>
    %get3A_6 = arith.constant 0 : index
    %get3A_7 = arith.constant 0 : index
    %get3A_8 = vector.load %arg5[%get3A_6, %get3A_7] : memref<1x64xf32, #tpu.memory_space<vmem>>, vector<1x64xf32>
    %add3A = vector.broadcast %get3A_8 : vector<1x64xf32> to vector<5000x64xf32>
    %add3A_9 = arith.addf %dot_general3A_5, %add3A : vector<5000x64xf32>
    %get3A_10 = arith.constant 0 : index
    %get3A_11 = arith.constant 0 : index
    %get3A_12 = vector.load %arg6[%get3A_10, %get3A_11] : memref<64x128xf32, #tpu.memory_space<vmem>>, vector<64x128xf32>
    %dot_general3A_13 = arith.constant dense<0.000000e+00> : vector<5000x128xf32>
    %dot_general3A_14 = tpu.matmul %add3A_9, %get3A_12, %dot_general3A_13 {dimension_numbers = #tpu.dot_dimension_numbers<[1], [0], [0], [1], [0, 0, 1, 1], [], []>, transpose_lhs_hint = false} : vector<5000x64xf32>, vector<64x128xf32>, vector<5000x128xf32> -> vector<5000x128xf32>
    %get3A_15 = arith.constant 0 : index
    %get3A_16 = arith.constant 0 : index
    %get3A_17 = vector.load %arg1[%get3A_15, %get3A_16] : memref<5000x128xf32, #tpu.memory_space<vmem>>, vector<5000x128xf32>
    %get3A_18 = arith.constant 0 : index
    %get3A_19 = arith.constant 0 : index
    %get3A_20 = vector.load %arg2[%get3A_18, %get3A_19] : memref<5000x128xf32, #tpu.memory_space<vmem>>, vector<5000x128xf32>
    %add3A_21 = arith.addf %get3A_17, %get3A_20 : vector<5000x128xf32>
    %add3A_22 = arith.addf %add3A_21, %dot_general3A_14 : vector<5000x128xf32>
    %get3A_23 = arith.constant 0 : index
    %get3A_24 = arith.constant 0 : index
    %get3A_25 = vector.load %arg7[%get3A_23, %get3A_24] : memref<1x128xf32, #tpu.memory_space<vmem>>, vector<1x128xf32>
    %add3A_26 = vector.broadcast %get3A_25 : vector<1x128xf32> to vector<5000x128xf32>
    %add3A_27 = arith.addf %add3A_22, %add3A_26 : vector<5000x128xf32>
    %max3A = arith.constant 0.000000e+00 : f32
    %max3A_28 = vector.broadcast %max3A : f32 to vector<5000x128xf32>
    %max3A_29 = arith.maximumf %add3A_27, %max3A_28 : vector<5000x128xf32>
    %get3A_30 = arith.constant 0 : index
    %get3A_31 = arith.constant 0 : index
    %get3A_32 = vector.load %arg8[%get3A_30, %get3A_31] : memref<128x128xf32, #tpu.memory_space<vmem>>, vector<128x128xf32>
    %dot_general3A_33 = arith.constant dense<0.000000e+00> : vector<5000x128xf32>
    %dot_general3A_34 = tpu.matmul %max3A_29, %get3A_32, %dot_general3A_33 {dimension_numbers = #tpu.dot_dimension_numbers<[1], [0], [0], [1], [0, 0, 1, 1], [], []>, transpose_lhs_hint = false} : vector<5000x128xf32>, vector<128x128xf32>, vector<5000x128xf32> -> vector<5000x128xf32>
    %get3A_35 = arith.constant 0 : index
    %get3A_36 = arith.constant 0 : index
    %get3A_37 = vector.load %arg9[%get3A_35, %get3A_36] : memref<1x128xf32, #tpu.memory_space<vmem>>, vector<1x128xf32>
    %add3A_38 = vector.broadcast %get3A_37 : vector<1x128xf32> to vector<5000x128xf32>
    %add3A_39 = arith.addf %dot_general3A_34, %add3A_38 : vector<5000x128xf32>
    %swap3A = arith.constant 0 : index
    %swap3A_40 = arith.constant 0 : index
    %swap3A_41 = vector.load %arg10[%swap3A, %swap3A_40] : memref<5000x128xf32, #tpu.memory_space<vmem>>, vector<5000x128xf32>
    tpu.vector_store %arg10[%swap3A, %swap3A_40], %add3A_39 {strides = array<i32>} : memref<5000x128xf32, #tpu.memory_space<vmem>>, vector<5000x128xf32>,
    return
  }
  func.func @transform_0(%arg0: i32) -> (i32, i32) {
    %c0_i32 = arith.constant 0 : i32
    %c0_i32_0 = arith.constant 0 : i32
    return %arg0, %c0_i32 : i32, i32
  }
  func.func @transform_1(%arg0: i32) -> (i32, i32) {
    %c0_i32 = arith.constant 0 : i32
    %c0_i32_0 = arith.constant 0 : i32
    return %arg0, %c0_i32 : i32, i32
  }
  func.func @transform_2(%arg0: i32) -> (i32, i32) {
    %c0_i32 = arith.constant 0 : i32
    %c0_i32_0 = arith.constant 0 : i32
    return %arg0, %c0_i32 : i32, i32
  }
  func.func @transform_3(%arg0: i32) -> (i32, i32) {
    %c0_i32 = arith.constant 0 : i32
    %c0_i32_0 = arith.constant 0 : i32
    %c0_i32_1 = arith.constant 0 : i32
    return %c0_i32, %c0_i32_0 : i32, i32
  }
  func.func @transform_4(%arg0: i32) -> (i32, i32) {
    %c0_i32 = arith.constant 0 : i32
    %c0_i32_0 = arith.constant 0 : i32
    %c0_i32_1 = arith.constant 0 : i32
    return %c0_i32, %c0_i32_0 : i32, i32
  }
  func.func @transform_5(%arg0: i32) -> (i32, i32) {
    %c0_i32 = arith.constant 0 : i32
    %c0_i32_0 = arith.constant 0 : i32
    %c0_i32_1 = arith.constant 0 : i32
    return %c0_i32, %c0_i32_0 : i32, i32
  }
  func.func @transform_6(%arg0: i32) -> (i32, i32) {
    %c0_i32 = arith.constant 0 : i32
    %c0_i32_0 = arith.constant 0 : i32
    %c0_i32_1 = arith.constant 0 : i32
    return %c0_i32, %c0_i32_0 : i32, i32
  }
  func.func @transform_7(%arg0: i32) -> (i32, i32) {
    %c0_i32 = arith.constant 0 : i32
    %c0_i32_0 = arith.constant 0 : i32
    %c0_i32_1 = arith.constant 0 : i32
    return %c0_i32, %c0_i32_0 : i32, i32
  }
  func.func @transform_8(%arg0: i32) -> (i32, i32) {
    %c0_i32 = arith.constant 0 : i32
    %c0_i32_0 = arith.constant 0 : i32
    %c0_i32_1 = arith.constant 0 : i32
    return %c0_i32, %c0_i32_0 : i32, i32
  }
  func.func @transform_9(%arg0: i32) -> (i32, i32) {
    %c0_i32 = arith.constant 0 : i32
    %c0_i32_0 = arith.constant 0 : i32
    return %arg0, %c0_i32 : i32, i32
  }
}

module attributes {stable_mosaic.version = 14 : i64} {
  func.func @body(%arg0: i32, %arg1: memref<2000x128xf32, #tpu.memory_space<vmem>>, %arg2: memref<2000x128xf32, #tpu.memory_space<vmem>>, %arg3: memref<2000x128xf32, #tpu.memory_space<vmem>>, %arg4: memref<128x128xf32, #tpu.memory_space<vmem>>, %arg5: memref<128x128xf32, #tpu.memory_space<vmem>>, %arg6: memref<1x128xf32, #tpu.memory_space<vmem>>, %arg7: memref<128x128xf32, #tpu.memory_space<vmem>>, %arg8: memref<128x128xf32, #tpu.memory_space<vmem>>, %arg9: memref<2000x128xf32, #tpu.memory_space<vmem>>, %arg10: memref<2000x128xf32, #tpu.memory_space<vmem>>, %arg11: memref<2000x128xf32, #tpu.memory_space<vmem>>) attributes {dimension_semantics = [#tpu.dimension_semantics<arbitrary>], iteration_bounds = array<i64: 5>, scalar_prefetch = 0 : i64, scratch_operands = 0 : i64, tpu.core_type = #tpu.core_type<tc>, window_params = [{transform_indices = @transform_0, window_bounds = array<i64: 2000, 128>}, {transform_indices = @transform_1, window_bounds = array<i64: 2000, 128>}, {transform_indices = @transform_2, window_bounds = array<i64: 2000, 128>}, {pipeline_mode = #tpu.pipeline_mode<synchronous>, transform_indices = @transform_3, window_bounds = array<i64: 128, 128>}, {pipeline_mode = #tpu.pipeline_mode<synchronous>, transform_indices = @transform_4, window_bounds = array<i64: 128, 128>}, {pipeline_mode = #tpu.pipeline_mode<synchronous>, transform_indices = @transform_5, window_bounds = array<i64: 1, 128>}, {pipeline_mode = #tpu.pipeline_mode<synchronous>, transform_indices = @transform_6, window_bounds = array<i64: 128, 128>}, {pipeline_mode = #tpu.pipeline_mode<synchronous>, transform_indices = @transform_7, window_bounds = array<i64: 128, 128>}, {transform_indices = @transform_8, window_bounds = array<i64: 2000, 128>}, {transform_indices = @transform_9, window_bounds = array<i64: 2000, 128>}, {transform_indices = @transform_10, window_bounds = array<i64: 2000, 128>}]} {
    %get3A = arith.constant 0 : index
    %get3A_0 = arith.constant 0 : index
    %get3A_1 = vector.load %arg2[%get3A, %get3A_0] : memref<2000x128xf32, #tpu.memory_space<vmem>>, vector<2000x128xf32>
    %get3A_2 = arith.constant 0 : index
    %get3A_3 = arith.constant 0 : index
    %get3A_4 = vector.load %arg3[%get3A_2, %get3A_3] : memref<2000x128xf32, #tpu.memory_space<vmem>>, vector<2000x128xf32>
    %add3A = arith.addf %get3A_1, %get3A_4 : vector<2000x128xf32>
    %get3A_5 = arith.constant 0 : index
    %get3A_6 = arith.constant 0 : index
    %get3A_7 = vector.load %arg1[%get3A_5, %get3A_6] : memref<2000x128xf32, #tpu.memory_space<vmem>>, vector<2000x128xf32>
    %get3A_8 = arith.constant 0 : index
    %get3A_9 = arith.constant 0 : index
    %get3A_10 = vector.load %arg4[%get3A_8, %get3A_9] : memref<128x128xf32, #tpu.memory_space<vmem>>, vector<128x128xf32>
    %dot_general3A = arith.constant dense<0.000000e+00> : vector<2000x128xf32>
    %dot_general3A_11 = tpu.matmul %get3A_7, %get3A_10, %dot_general3A {dimension_numbers = #tpu.dot_dimension_numbers<[1], [0], [0], [1], [0, 0, 1, 1], [], []>, transpose_lhs_hint = false} : vector<2000x128xf32>, vector<128x128xf32>, vector<2000x128xf32> -> vector<2000x128xf32>
    %get3A_12 = arith.constant 0 : index
    %get3A_13 = arith.constant 0 : index
    %get3A_14 = vector.load %arg5[%get3A_12, %get3A_13] : memref<128x128xf32, #tpu.memory_space<vmem>>, vector<128x128xf32>
    %dot_general3A_15 = arith.constant dense<0.000000e+00> : vector<2000x128xf32>
    %dot_general3A_16 = tpu.matmul %add3A, %get3A_14, %dot_general3A_15 {dimension_numbers = #tpu.dot_dimension_numbers<[1], [0], [0], [1], [0, 0, 1, 1], [], []>, transpose_lhs_hint = false} : vector<2000x128xf32>, vector<128x128xf32>, vector<2000x128xf32> -> vector<2000x128xf32>
    %add3A_17 = arith.addf %dot_general3A_11, %dot_general3A_16 : vector<2000x128xf32>
    %get3A_18 = arith.constant 0 : index
    %get3A_19 = arith.constant 0 : index
    %get3A_20 = vector.load %arg6[%get3A_18, %get3A_19] : memref<1x128xf32, #tpu.memory_space<vmem>>, vector<1x128xf32>
    %add3A_21 = vector.broadcast %get3A_20 : vector<1x128xf32> to vector<2000x128xf32>
    %add3A_22 = arith.addf %add3A_17, %add3A_21 : vector<2000x128xf32>
    %swap3A = arith.constant 0 : index
    %swap3A_23 = arith.constant 0 : index
    %swap3A_24 = vector.load %arg9[%swap3A, %swap3A_23] : memref<2000x128xf32, #tpu.memory_space<vmem>>, vector<2000x128xf32>
    tpu.vector_store %arg9[%swap3A, %swap3A_23], %add3A_22 {strides = array<i32>} : memref<2000x128xf32, #tpu.memory_space<vmem>>, vector<2000x128xf32>,
    %get3A_25 = arith.constant 0 : index
    %get3A_26 = arith.constant 0 : index
    %get3A_27 = vector.load %arg7[%get3A_25, %get3A_26] : memref<128x128xf32, #tpu.memory_space<vmem>>, vector<128x128xf32>
    %dot_general3A_28 = arith.constant dense<0.000000e+00> : vector<2000x128xf32>
    %dot_general3A_29 = tpu.matmul %add3A_22, %get3A_27, %dot_general3A_28 {dimension_numbers = #tpu.dot_dimension_numbers<[1], [0], [0], [1], [0, 0, 1, 1], [], []>, transpose_lhs_hint = false} : vector<2000x128xf32>, vector<128x128xf32>, vector<2000x128xf32> -> vector<2000x128xf32>
    %swap3A_30 = arith.constant 0 : index
    %swap3A_31 = arith.constant 0 : index
    %swap3A_32 = vector.load %arg10[%swap3A_30, %swap3A_31] : memref<2000x128xf32, #tpu.memory_space<vmem>>, vector<2000x128xf32>
    tpu.vector_store %arg10[%swap3A_30, %swap3A_31], %dot_general3A_29 {strides = array<i32>} : memref<2000x128xf32, #tpu.memory_space<vmem>>, vector<2000x128xf32>,
    %get3A_33 = arith.constant 0 : index
    %get3A_34 = arith.constant 0 : index
    %get3A_35 = vector.load %arg8[%get3A_33, %get3A_34] : memref<128x128xf32, #tpu.memory_space<vmem>>, vector<128x128xf32>
    %dot_general3A_36 = arith.constant dense<0.000000e+00> : vector<2000x128xf32>
    %dot_general3A_37 = tpu.matmul %add3A_22, %get3A_35, %dot_general3A_36 {dimension_numbers = #tpu.dot_dimension_numbers<[1], [0], [0], [1], [0, 0, 1, 1], [], []>, transpose_lhs_hint = false} : vector<2000x128xf32>, vector<128x128xf32>, vector<2000x128xf32> -> vector<2000x128xf32>
    %swap3A_38 = arith.constant 0 : index
    %swap3A_39 = arith.constant 0 : index
    %swap3A_40 = vector.load %arg11[%swap3A_38, %swap3A_39] : memref<2000x128xf32, #tpu.memory_space<vmem>>, vector<2000x128xf32>
    tpu.vector_store %arg11[%swap3A_38, %swap3A_39], %dot_general3A_37 {strides = array<i32>} : memref<2000x128xf32, #tpu.memory_space<vmem>>, vector<2000x128xf32>,
    return
  }
  func.func @transform_0(%arg0: i32) -> (i32, i32) {
    %c0_i32 = arith.constant 0 : i32
    %c0_i32_0 = arith.constant 0 : i32
    return %arg0, %c0_i32 : i32, i32
  }
  func.func @transform_1(%arg0: i32) -> (i32, i32) {
    %c0_i32 = arith.constant 0 : i32
    %c0_i32_0 = arith.constant 0 : i32
    return %arg0, %c0_i32 : i32, i32
  }
  func.func @transform_2(%arg0: i32) -> (i32, i32) {
    %c0_i32 = arith.constant 0 : i32
    %c0_i32_0 = arith.constant 0 : i32
    return %arg0, %c0_i32 : i32, i32
  }
  func.func @transform_3(%arg0: i32) -> (i32, i32) {
    %c0_i32 = arith.constant 0 : i32
    %c0_i32_0 = arith.constant 0 : i32
    %c0_i32_1 = arith.constant 0 : i32
    return %c0_i32, %c0_i32_0 : i32, i32
  }
  func.func @transform_4(%arg0: i32) -> (i32, i32) {
    %c0_i32 = arith.constant 0 : i32
    %c0_i32_0 = arith.constant 0 : i32
    %c0_i32_1 = arith.constant 0 : i32
    return %c0_i32, %c0_i32_0 : i32, i32
  }
  func.func @transform_5(%arg0: i32) -> (i32, i32) {
    %c0_i32 = arith.constant 0 : i32
    %c0_i32_0 = arith.constant 0 : i32
    %c0_i32_1 = arith.constant 0 : i32
    return %c0_i32, %c0_i32_0 : i32, i32
  }
  func.func @transform_6(%arg0: i32) -> (i32, i32) {
    %c0_i32 = arith.constant 0 : i32
    %c0_i32_0 = arith.constant 0 : i32
    %c0_i32_1 = arith.constant 0 : i32
    return %c0_i32, %c0_i32_0 : i32, i32
  }
  func.func @transform_7(%arg0: i32) -> (i32, i32) {
    %c0_i32 = arith.constant 0 : i32
    %c0_i32_0 = arith.constant 0 : i32
    %c0_i32_1 = arith.constant 0 : i32
    return %c0_i32, %c0_i32_0 : i32, i32
  }
  func.func @transform_8(%arg0: i32) -> (i32, i32) {
    %c0_i32 = arith.constant 0 : i32
    %c0_i32_0 = arith.constant 0 : i32
    return %arg0, %c0_i32 : i32, i32
  }
  func.func @transform_9(%arg0: i32) -> (i32, i32) {
    %c0_i32 = arith.constant 0 : i32
    %c0_i32_0 = arith.constant 0 : i32
    return %arg0, %c0_i32 : i32, i32
  }
  func.func @transform_10(%arg0: i32) -> (i32, i32) {
    %c0_i32 = arith.constant 0 : i32
    %c0_i32_0 = arith.constant 0 : i32
    return %arg0, %c0_i32 : i32, i32
  }
}

module attributes {stable_mosaic.version = 14 : i64} {
  func.func @body(%arg0: i32, %arg1: memref<5000x128xf32, #tpu.memory_space<vmem>>, %arg2: memref<5000x128xf32, #tpu.memory_space<vmem>>, %arg3: memref<5000x128xf32, #tpu.memory_space<vmem>>, %arg4: memref<128x128xf32, #tpu.memory_space<vmem>>, %arg5: memref<1x128xf32, #tpu.memory_space<vmem>>, %arg6: memref<128x128xf32, #tpu.memory_space<vmem>>, %arg7: memref<1x128xf32, #tpu.memory_space<vmem>>, %arg8: memref<128x32xf32, #tpu.memory_space<vmem>>, %arg9: memref<1x32xf32, #tpu.memory_space<vmem>>, %arg10: memref<32x1xf32, #tpu.memory_space<vmem>>, %arg11: memref<1x1xf32, #tpu.memory_space<vmem>>, %arg12: memref<5000x128xf32, #tpu.memory_space<vmem>>, %arg13: memref<5000x1xf32, #tpu.memory_space<vmem>>) attributes {dimension_semantics = [#tpu.dimension_semantics<arbitrary>], iteration_bounds = array<i64: 64>, scalar_prefetch = 0 : i64, scratch_operands = 0 : i64, tpu.core_type = #tpu.core_type<tc>, window_params = [{transform_indices = @transform_0, window_bounds = array<i64: 5000, 128>}, {transform_indices = @transform_1, window_bounds = array<i64: 5000, 128>}, {transform_indices = @transform_2, window_bounds = array<i64: 5000, 128>}, {pipeline_mode = #tpu.pipeline_mode<synchronous>, transform_indices = @transform_3, window_bounds = array<i64: 128, 128>}, {pipeline_mode = #tpu.pipeline_mode<synchronous>, transform_indices = @transform_4, window_bounds = array<i64: 1, 128>}, {pipeline_mode = #tpu.pipeline_mode<synchronous>, transform_indices = @transform_5, window_bounds = array<i64: 128, 128>}, {pipeline_mode = #tpu.pipeline_mode<synchronous>, transform_indices = @transform_6, window_bounds = array<i64: 1, 128>}, {pipeline_mode = #tpu.pipeline_mode<synchronous>, transform_indices = @transform_7, window_bounds = array<i64: 128, 32>}, {pipeline_mode = #tpu.pipeline_mode<synchronous>, transform_indices = @transform_8, window_bounds = array<i64: 1, 32>}, {pipeline_mode = #tpu.pipeline_mode<synchronous>, transform_indices = @transform_9, window_bounds = array<i64: 32, 1>}, {pipeline_mode = #tpu.pipeline_mode<synchronous>, transform_indices = @transform_10, window_bounds = array<i64: 1, 1>}, {transform_indices = @transform_11, window_bounds = array<i64: 5000, 128>}, {transform_indices = @transform_12, window_bounds = array<i64: 5000, 1>}]} {
    %get3A = arith.constant 0 : index
    %get3A_0 = arith.constant 0 : index
    %get3A_1 = vector.load %arg3[%get3A, %get3A_0] : memref<5000x128xf32, #tpu.memory_space<vmem>>, vector<5000x128xf32>
    %get3A_2 = arith.constant 0 : index
    %get3A_3 = arith.constant 0 : index
    %get3A_4 = vector.load %arg4[%get3A_2, %get3A_3] : memref<128x128xf32, #tpu.memory_space<vmem>>, vector<128x128xf32>
    %dot_general3A = arith.constant dense<0.000000e+00> : vector<5000x128xf32>
    %dot_general3A_5 = tpu.matmul %get3A_1, %get3A_4, %dot_general3A {dimension_numbers = #tpu.dot_dimension_numbers<[1], [0], [0], [1], [0, 0, 1, 1], [], []>, transpose_lhs_hint = false} : vector<5000x128xf32>, vector<128x128xf32>, vector<5000x128xf32> -> vector<5000x128xf32>
    %get3A_6 = arith.constant 0 : index
    %get3A_7 = arith.constant 0 : index
    %get3A_8 = vector.load %arg1[%get3A_6, %get3A_7] : memref<5000x128xf32, #tpu.memory_space<vmem>>, vector<5000x128xf32>
    %get3A_9 = arith.constant 0 : index
    %get3A_10 = arith.constant 0 : index
    %get3A_11 = vector.load %arg2[%get3A_9, %get3A_10] : memref<5000x128xf32, #tpu.memory_space<vmem>>, vector<5000x128xf32>
    %add3A = arith.addf %get3A_8, %get3A_11 : vector<5000x128xf32>
    %add3A_12 = arith.addf %add3A, %dot_general3A_5 : vector<5000x128xf32>
    %get3A_13 = arith.constant 0 : index
    %get3A_14 = arith.constant 0 : index
    %get3A_15 = vector.load %arg5[%get3A_13, %get3A_14] : memref<1x128xf32, #tpu.memory_space<vmem>>, vector<1x128xf32>
    %add3A_16 = vector.broadcast %get3A_15 : vector<1x128xf32> to vector<5000x128xf32>
    %add3A_17 = arith.addf %add3A_12, %add3A_16 : vector<5000x128xf32>
    %max3A = arith.constant 0.000000e+00 : f32
    %max3A_18 = vector.broadcast %max3A : f32 to vector<5000x128xf32>
    %max3A_19 = arith.maximumf %add3A_17, %max3A_18 : vector<5000x128xf32>
    %get3A_20 = arith.constant 0 : index
    %get3A_21 = arith.constant 0 : index
    %get3A_22 = vector.load %arg6[%get3A_20, %get3A_21] : memref<128x128xf32, #tpu.memory_space<vmem>>, vector<128x128xf32>
    %dot_general3A_23 = arith.constant dense<0.000000e+00> : vector<5000x128xf32>
    %dot_general3A_24 = tpu.matmul %max3A_19, %get3A_22, %dot_general3A_23 {dimension_numbers = #tpu.dot_dimension_numbers<[1], [0], [0], [1], [0, 0, 1, 1], [], []>, transpose_lhs_hint = false} : vector<5000x128xf32>, vector<128x128xf32>, vector<5000x128xf32> -> vector<5000x128xf32>
    %get3A_25 = arith.constant 0 : index
    %get3A_26 = arith.constant 0 : index
    %get3A_27 = vector.load %arg7[%get3A_25, %get3A_26] : memref<1x128xf32, #tpu.memory_space<vmem>>, vector<1x128xf32>
    %add3A_28 = vector.broadcast %get3A_27 : vector<1x128xf32> to vector<5000x128xf32>
    %add3A_29 = arith.addf %dot_general3A_24, %add3A_28 : vector<5000x128xf32>
    %swap3A = arith.constant 0 : index
    %swap3A_30 = arith.constant 0 : index
    %swap3A_31 = vector.load %arg12[%swap3A, %swap3A_30] : memref<5000x128xf32, #tpu.memory_space<vmem>>, vector<5000x128xf32>
    tpu.vector_store %arg12[%swap3A, %swap3A_30], %add3A_29 {strides = array<i32>} : memref<5000x128xf32, #tpu.memory_space<vmem>>, vector<5000x128xf32>,
    %get3A_32 = arith.constant 0 : index
    %get3A_33 = arith.constant 0 : index
    %get3A_34 = vector.load %arg8[%get3A_32, %get3A_33] : memref<128x32xf32, #tpu.memory_space<vmem>>, vector<128x32xf32>
    %dot_general3A_35 = arith.constant dense<0.000000e+00> : vector<5000x32xf32>
    %dot_general3A_36 = tpu.matmul %add3A_29, %get3A_34, %dot_general3A_35 {dimension_numbers = #tpu.dot_dimension_numbers<[1], [0], [0], [1], [0, 0, 1, 1], [], []>, transpose_lhs_hint = false} : vector<5000x128xf32>, vector<128x32xf32>, vector<5000x32xf32> -> vector<5000x32xf32>
    %get3A_37 = arith.constant 0 : index
    %get3A_38 = arith.constant 0 : index
    %get3A_39 = vector.load %arg9[%get3A_37, %get3A_38] : memref<1x32xf32, #tpu.memory_space<vmem>>, vector<1x32xf32>
    %add3A_40 = vector.broadcast %get3A_39 : vector<1x32xf32> to vector<5000x32xf32>
    %add3A_41 = arith.addf %dot_general3A_36, %add3A_40 : vector<5000x32xf32>
    %max3A_42 = arith.constant 0.000000e+00 : f32
    %max3A_43 = vector.broadcast %max3A_42 : f32 to vector<5000x32xf32>
    %max3A_44 = arith.maximumf %add3A_41, %max3A_43 : vector<5000x32xf32>
    %get3A_45 = arith.constant 0 : index
    %get3A_46 = arith.constant 0 : index
    %get3A_47 = vector.load %arg10[%get3A_45, %get3A_46] : memref<32x1xf32, #tpu.memory_space<vmem>>, vector<32x1xf32>
    %dot_general3A_48 = arith.constant dense<0.000000e+00> : vector<5000x1xf32>
    %dot_general3A_49 = tpu.matmul %max3A_44, %get3A_47, %dot_general3A_48 {dimension_numbers = #tpu.dot_dimension_numbers<[1], [0], [0], [1], [0, 0, 1, 1], [], []>, transpose_lhs_hint = false} : vector<5000x32xf32>, vector<32x1xf32>, vector<5000x1xf32> -> vector<5000x1xf32>
    %get3A_50 = arith.constant 0 : index
    %get3A_51 = arith.constant 0 : index
    %get3A_52 = vector.load %arg11[%get3A_50, %get3A_51] : memref<1x1xf32, #tpu.memory_space<vmem>>, vector<1x1xf32>
    %add3A_53 = vector.broadcast %get3A_52 : vector<1x1xf32> to vector<5000x1xf32>
    %add3A_54 = arith.addf %dot_general3A_49, %add3A_53 : vector<5000x1xf32>
    %swap3A_55 = arith.constant 0 : index
    %swap3A_56 = arith.constant 0 : index
    %swap3A_57 = vector.load %arg13[%swap3A_55, %swap3A_56] : memref<5000x1xf32, #tpu.memory_space<vmem>>, vector<5000x1xf32>
    tpu.vector_store %arg13[%swap3A_55, %swap3A_56], %add3A_54 {strides = array<i32>} : memref<5000x1xf32, #tpu.memory_space<vmem>>, vector<5000x1xf32>,
    return
  }
  func.func @transform_0(%arg0: i32) -> (i32, i32) {
    %c0_i32 = arith.constant 0 : i32
    %c0_i32_0 = arith.constant 0 : i32
    return %arg0, %c0_i32 : i32, i32
  }
  func.func @transform_1(%arg0: i32) -> (i32, i32) {
    %c0_i32 = arith.constant 0 : i32
    %c0_i32_0 = arith.constant 0 : i32
    return %arg0, %c0_i32 : i32, i32
  }
  func.func @transform_2(%arg0: i32) -> (i32, i32) {
    %c0_i32 = arith.constant 0 : i32
    %c0_i32_0 = arith.constant 0 : i32
    return %arg0, %c0_i32 : i32, i32
  }
  func.func @transform_3(%arg0: i32) -> (i32, i32) {
    %c0_i32 = arith.constant 0 : i32
    %c0_i32_0 = arith.constant 0 : i32
    %c0_i32_1 = arith.constant 0 : i32
    return %c0_i32, %c0_i32_0 : i32, i32
  }
  func.func @transform_4(%arg0: i32) -> (i32, i32) {
    %c0_i32 = arith.constant 0 : i32
    %c0_i32_0 = arith.constant 0 : i32
    %c0_i32_1 = arith.constant 0 : i32
    return %c0_i32, %c0_i32_0 : i32, i32
  }
  func.func @transform_5(%arg0: i32) -> (i32, i32) {
    %c0_i32 = arith.constant 0 : i32
    %c0_i32_0 = arith.constant 0 : i32
    %c0_i32_1 = arith.constant 0 : i32
    return %c0_i32, %c0_i32_0 : i32, i32
  }
  func.func @transform_6(%arg0: i32) -> (i32, i32) {
    %c0_i32 = arith.constant 0 : i32
    %c0_i32_0 = arith.constant 0 : i32
    %c0_i32_1 = arith.constant 0 : i32
    return %c0_i32, %c0_i32_0 : i32, i32
  }
  func.func @transform_7(%arg0: i32) -> (i32, i32) {
    %c0_i32 = arith.constant 0 : i32
    %c0_i32_0 = arith.constant 0 : i32
    %c0_i32_1 = arith.constant 0 : i32
    return %c0_i32, %c0_i32_0 : i32, i32
  }
  func.func @transform_8(%arg0: i32) -> (i32, i32) {
    %c0_i32 = arith.constant 0 : i32
    %c0_i32_0 = arith.constant 0 : i32
    %c0_i32_1 = arith.constant 0 : i32
    return %c0_i32, %c0_i32_0 : i32, i32
  }
  func.func @transform_9(%arg0: i32) -> (i32, i32) {
    %c0_i32 = arith.constant 0 : i32
    %c0_i32_0 = arith.constant 0 : i32
    %c0_i32_1 = arith.constant 0 : i32
    return %c0_i32, %c0_i32_0 : i32, i32
  }
  func.func @transform_10(%arg0: i32) -> (i32, i32) {
    %c0_i32 = arith.constant 0 : i32
    %c0_i32_0 = arith.constant 0 : i32
    %c0_i32_1 = arith.constant 0 : i32
    return %c0_i32, %c0_i32_0 : i32, i32
  }
  func.func @transform_11(%arg0: i32) -> (i32, i32) {
    %c0_i32 = arith.constant 0 : i32
    %c0_i32_0 = arith.constant 0 : i32
    return %arg0, %c0_i32 : i32, i32
  }
  func.func @transform_12(%arg0: i32) -> (i32, i32) {
    %c0_i32 = arith.constant 0 : i32
    %c0_i32_0 = arith.constant 0 : i32
    return %arg0, %c0_i32 : i32, i32
  }
}

module attributes {stable_mosaic.version = 14 : i64} {
  func.func @body(%arg0: i32, %arg1: memref<5000x128xf32, #tpu.memory_space<vmem>>, %arg2: memref<5000x128xf32, #tpu.memory_space<vmem>>, %arg3: memref<5000x128xf32, #tpu.memory_space<vmem>>, %arg4: memref<128x128xf32, #tpu.memory_space<vmem>>, %arg5: memref<1x128xf32, #tpu.memory_space<vmem>>, %arg6: memref<128x128xf32, #tpu.memory_space<vmem>>, %arg7: memref<1x128xf32, #tpu.memory_space<vmem>>, %arg8: memref<5000x128xf32, #tpu.memory_space<vmem>>, %arg9: memref<5000x64xf32, #tpu.memory_space<vmem>>) attributes {dimension_semantics = [#tpu.dimension_semantics<arbitrary>], iteration_bounds = array<i64: 64>, scalar_prefetch = 0 : i64, scratch_operands = 0 : i64, tpu.core_type = #tpu.core_type<tc>, window_params = [{transform_indices = @transform_0, window_bounds = array<i64: 5000, 128>}, {transform_indices = @transform_1, window_bounds = array<i64: 5000, 128>}, {transform_indices = @transform_2, window_bounds = array<i64: 5000, 128>}, {pipeline_mode = #tpu.pipeline_mode<synchronous>, transform_indices = @transform_3, window_bounds = array<i64: 128, 128>}, {pipeline_mode = #tpu.pipeline_mode<synchronous>, transform_indices = @transform_4, window_bounds = array<i64: 1, 128>}, {pipeline_mode = #tpu.pipeline_mode<synchronous>, transform_indices = @transform_5, window_bounds = array<i64: 128, 128>}, {pipeline_mode = #tpu.pipeline_mode<synchronous>, transform_indices = @transform_6, window_bounds = array<i64: 1, 128>}, {transform_indices = @transform_7, window_bounds = array<i64: 5000, 128>}, {transform_indices = @transform_8, window_bounds = array<i64: 5000, 64>}]} {
    %get3A = arith.constant 0 : index
    %get3A_0 = arith.constant 0 : index
    %get3A_1 = vector.load %arg3[%get3A, %get3A_0] : memref<5000x128xf32, #tpu.memory_space<vmem>>, vector<5000x128xf32>
    %get3A_2 = arith.constant 0 : index
    %get3A_3 = arith.constant 0 : index
    %get3A_4 = vector.load %arg4[%get3A_2, %get3A_3] : memref<128x128xf32, #tpu.memory_space<vmem>>, vector<128x128xf32>
    %dot_general3A = arith.constant dense<0.000000e+00> : vector<5000x128xf32>
    %dot_general3A_5 = tpu.matmul %get3A_1, %get3A_4, %dot_general3A {dimension_numbers = #tpu.dot_dimension_numbers<[1], [0], [0], [1], [0, 0, 1, 1], [], []>, transpose_lhs_hint = false} : vector<5000x128xf32>, vector<128x128xf32>, vector<5000x128xf32> -> vector<5000x128xf32>
    %get3A_6 = arith.constant 0 : index
    %get3A_7 = arith.constant 0 : index
    %get3A_8 = vector.load %arg1[%get3A_6, %get3A_7] : memref<5000x128xf32, #tpu.memory_space<vmem>>, vector<5000x128xf32>
    %get3A_9 = arith.constant 0 : index
    %get3A_10 = arith.constant 0 : index
    %get3A_11 = vector.load %arg2[%get3A_9, %get3A_10] : memref<5000x128xf32, #tpu.memory_space<vmem>>, vector<5000x128xf32>
    %add3A = arith.addf %get3A_8, %get3A_11 : vector<5000x128xf32>
    %add3A_12 = arith.addf %add3A, %dot_general3A_5 : vector<5000x128xf32>
    %get3A_13 = arith.constant 0 : index
    %get3A_14 = arith.constant 0 : index
    %get3A_15 = vector.load %arg5[%get3A_13, %get3A_14] : memref<1x128xf32, #tpu.memory_space<vmem>>, vector<1x128xf32>
    %add3A_16 = vector.broadcast %get3A_15 : vector<1x128xf32> to vector<5000x128xf32>
    %add3A_17 = arith.addf %add3A_12, %add3A_16 : vector<5000x128xf32>
    %max3A = arith.constant 0.000000e+00 : f32
    %max3A_18 = vector.broadcast %max3A : f32 to vector<5000x128xf32>
    %max3A_19 = arith.maximumf %add3A_17, %max3A_18 : vector<5000x128xf32>
    %get3A_20 = arith.constant 0 : index
    %get3A_21 = arith.constant 0 : index
    %get3A_22 = vector.load %arg6[%get3A_20, %get3A_21] : memref<128x128xf32, #tpu.memory_space<vmem>>, vector<128x128xf32>
    %dot_general3A_23 = arith.constant dense<0.000000e+00> : vector<5000x128xf32>
    %dot_general3A_24 = tpu.matmul %max3A_19, %get3A_22, %dot_general3A_23 {dimension_numbers = #tpu.dot_dimension_numbers<[1], [0], [0], [1], [0, 0, 1, 1], [], []>, transpose_lhs_hint = false} : vector<5000x128xf32>, vector<128x128xf32>, vector<5000x128xf32> -> vector<5000x128xf32>
    %get3A_25 = arith.constant 0 : index
    %get3A_26 = arith.constant 0 : index
    %get3A_27 = vector.load %arg7[%get3A_25, %get3A_26] : memref<1x128xf32, #tpu.memory_space<vmem>>, vector<1x128xf32>
    %add3A_28 = vector.broadcast %get3A_27 : vector<1x128xf32> to vector<5000x128xf32>
    %add3A_29 = arith.addf %dot_general3A_24, %add3A_28 : vector<5000x128xf32>
    %swap3A = arith.constant 0 : index
    %swap3A_30 = arith.constant 0 : index
    %swap3A_31 = vector.load %arg8[%swap3A, %swap3A_30] : memref<5000x128xf32, #tpu.memory_space<vmem>>, vector<5000x128xf32>
    tpu.vector_store %arg8[%swap3A, %swap3A_30], %add3A_29 {strides = array<i32>} : memref<5000x128xf32, #tpu.memory_space<vmem>>, vector<5000x128xf32>,
    %slice3A = vector.extract_strided_slice %add3A_29 {offsets = [0, 0], sizes = [5000, 64], strides = [1, 1]} : vector<5000x128xf32> to vector<5000x64xf32>
    %swap3A_32 = arith.constant 0 : index
    %swap3A_33 = arith.constant 0 : index
    %swap3A_34 = vector.load %arg9[%swap3A_32, %swap3A_33] : memref<5000x64xf32, #tpu.memory_space<vmem>>, vector<5000x64xf32>
    tpu.vector_store %arg9[%swap3A_32, %swap3A_33], %slice3A {strides = array<i32>} : memref<5000x64xf32, #tpu.memory_space<vmem>>, vector<5000x64xf32>,
    return
  }
  func.func @transform_0(%arg0: i32) -> (i32, i32) {
    %c0_i32 = arith.constant 0 : i32
    %c0_i32_0 = arith.constant 0 : i32
    return %arg0, %c0_i32 : i32, i32
  }
  func.func @transform_1(%arg0: i32) -> (i32, i32) {
    %c0_i32 = arith.constant 0 : i32
    %c0_i32_0 = arith.constant 0 : i32
    return %arg0, %c0_i32 : i32, i32
  }
  func.func @transform_2(%arg0: i32) -> (i32, i32) {
    %c0_i32 = arith.constant 0 : i32
    %c0_i32_0 = arith.constant 0 : i32
    return %arg0, %c0_i32 : i32, i32
  }
  func.func @transform_3(%arg0: i32) -> (i32, i32) {
    %c0_i32 = arith.constant 0 : i32
    %c0_i32_0 = arith.constant 0 : i32
    %c0_i32_1 = arith.constant 0 : i32
    return %c0_i32, %c0_i32_0 : i32, i32
  }
  func.func @transform_4(%arg0: i32) -> (i32, i32) {
    %c0_i32 = arith.constant 0 : i32
    %c0_i32_0 = arith.constant 0 : i32
    %c0_i32_1 = arith.constant 0 : i32
    return %c0_i32, %c0_i32_0 : i32, i32
  }
  func.func @transform_5(%arg0: i32) -> (i32, i32) {
    %c0_i32 = arith.constant 0 : i32
    %c0_i32_0 = arith.constant 0 : i32
    %c0_i32_1 = arith.constant 0 : i32
    return %c0_i32, %c0_i32_0 : i32, i32
  }
  func.func @transform_6(%arg0: i32) -> (i32, i32) {
    %c0_i32 = arith.constant 0 : i32
    %c0_i32_0 = arith.constant 0 : i32
    %c0_i32_1 = arith.constant 0 : i32
    return %c0_i32, %c0_i32_0 : i32, i32
  }
  func.func @transform_7(%arg0: i32) -> (i32, i32) {
    %c0_i32 = arith.constant 0 : i32
    %c0_i32_0 = arith.constant 0 : i32
    return %arg0, %c0_i32 : i32, i32
  }
  func.func @transform_8(%arg0: i32) -> (i32, i32) {
    %c0_i32 = arith.constant 0 : i32
    %c0_i32_0 = arith.constant 0 : i32
    return %arg0, %c0_i32 : i32, i32
  }
}

module attributes {stable_mosaic.version = 14 : i64} {
  func.func @body(%arg0: i32, %arg1: memref<2000x128xf32, #tpu.memory_space<vmem>>, %arg2: memref<2000x128xf32, #tpu.memory_space<vmem>>, %arg3: memref<2000x128xf32, #tpu.memory_space<vmem>>, %arg4: memref<128x128xf32, #tpu.memory_space<vmem>>, %arg5: memref<128x128xf32, #tpu.memory_space<vmem>>, %arg6: memref<1x128xf32, #tpu.memory_space<vmem>>, %arg7: memref<128x32xf32, #tpu.memory_space<vmem>>, %arg8: memref<1x32xf32, #tpu.memory_space<vmem>>, %arg9: memref<32x1xf32, #tpu.memory_space<vmem>>, %arg10: memref<1x1xf32, #tpu.memory_space<vmem>>, %arg11: memref<128x32xf32, #tpu.memory_space<vmem>>, %arg12: memref<1x32xf32, #tpu.memory_space<vmem>>, %arg13: memref<32x8xf32, #tpu.memory_space<vmem>>, %arg14: memref<1x8xf32, #tpu.memory_space<vmem>>, %arg15: memref<2000x128xf32, #tpu.memory_space<vmem>>, %arg16: memref<2000x1xf32, #tpu.memory_space<vmem>>, %arg17: memref<2000x8xf32, #tpu.memory_space<vmem>>) attributes {dimension_semantics = [#tpu.dimension_semantics<arbitrary>], iteration_bounds = array<i64: 5>, scalar_prefetch = 0 : i64, scratch_operands = 0 : i64, tpu.core_type = #tpu.core_type<tc>, window_params = [{transform_indices = @transform_0, window_bounds = array<i64: 2000, 128>}, {transform_indices = @transform_1, window_bounds = array<i64: 2000, 128>}, {transform_indices = @transform_2, window_bounds = array<i64: 2000, 128>}, {pipeline_mode = #tpu.pipeline_mode<synchronous>, transform_indices = @transform_3, window_bounds = array<i64: 128, 128>}, {pipeline_mode = #tpu.pipeline_mode<synchronous>, transform_indices = @transform_4, window_bounds = array<i64: 128, 128>}, {pipeline_mode = #tpu.pipeline_mode<synchronous>, transform_indices = @transform_5, window_bounds = array<i64: 1, 128>}, {pipeline_mode = #tpu.pipeline_mode<synchronous>, transform_indices = @transform_6, window_bounds = array<i64: 128, 32>}, {pipeline_mode = #tpu.pipeline_mode<synchronous>, transform_indices = @transform_7, window_bounds = array<i64: 1, 32>}, {pipeline_mode = #tpu.pipeline_mode<synchronous>, transform_indices = @transform_8, window_bounds = array<i64: 32, 1>}, {pipeline_mode = #tpu.pipeline_mode<synchronous>, transform_indices = @transform_9, window_bounds = array<i64: 1, 1>}, {pipeline_mode = #tpu.pipeline_mode<synchronous>, transform_indices = @transform_10, window_bounds = array<i64: 128, 32>}, {pipeline_mode = #tpu.pipeline_mode<synchronous>, transform_indices = @transform_11, window_bounds = array<i64: 1, 32>}, {pipeline_mode = #tpu.pipeline_mode<synchronous>, transform_indices = @transform_12, window_bounds = array<i64: 32, 8>}, {pipeline_mode = #tpu.pipeline_mode<synchronous>, transform_indices = @transform_13, window_bounds = array<i64: 1, 8>}, {transform_indices = @transform_14, window_bounds = array<i64: 2000, 128>}, {transform_indices = @transform_15, window_bounds = array<i64: 2000, 1>}, {transform_indices = @transform_16, window_bounds = array<i64: 2000, 8>}]} {
    %get3A = arith.constant 0 : index
    %get3A_0 = arith.constant 0 : index
    %get3A_1 = vector.load %arg2[%get3A, %get3A_0] : memref<2000x128xf32, #tpu.memory_space<vmem>>, vector<2000x128xf32>
    %get3A_2 = arith.constant 0 : index
    %get3A_3 = arith.constant 0 : index
    %get3A_4 = vector.load %arg3[%get3A_2, %get3A_3] : memref<2000x128xf32, #tpu.memory_space<vmem>>, vector<2000x128xf32>
    %add3A = arith.addf %get3A_1, %get3A_4 : vector<2000x128xf32>
    %get3A_5 = arith.constant 0 : index
    %get3A_6 = arith.constant 0 : index
    %get3A_7 = vector.load %arg1[%get3A_5, %get3A_6] : memref<2000x128xf32, #tpu.memory_space<vmem>>, vector<2000x128xf32>
    %get3A_8 = arith.constant 0 : index
    %get3A_9 = arith.constant 0 : index
    %get3A_10 = vector.load %arg4[%get3A_8, %get3A_9] : memref<128x128xf32, #tpu.memory_space<vmem>>, vector<128x128xf32>
    %dot_general3A = arith.constant dense<0.000000e+00> : vector<2000x128xf32>
    %dot_general3A_11 = tpu.matmul %get3A_7, %get3A_10, %dot_general3A {dimension_numbers = #tpu.dot_dimension_numbers<[1], [0], [0], [1], [0, 0, 1, 1], [], []>, transpose_lhs_hint = false} : vector<2000x128xf32>, vector<128x128xf32>, vector<2000x128xf32> -> vector<2000x128xf32>
    %get3A_12 = arith.constant 0 : index
    %get3A_13 = arith.constant 0 : index
    %get3A_14 = vector.load %arg5[%get3A_12, %get3A_13] : memref<128x128xf32, #tpu.memory_space<vmem>>, vector<128x128xf32>
    %dot_general3A_15 = arith.constant dense<0.000000e+00> : vector<2000x128xf32>
    %dot_general3A_16 = tpu.matmul %add3A, %get3A_14, %dot_general3A_15 {dimension_numbers = #tpu.dot_dimension_numbers<[1], [0], [0], [1], [0, 0, 1, 1], [], []>, transpose_lhs_hint = false} : vector<2000x128xf32>, vector<128x128xf32>, vector<2000x128xf32> -> vector<2000x128xf32>
    %add3A_17 = arith.addf %dot_general3A_11, %dot_general3A_16 : vector<2000x128xf32>
    %get3A_18 = arith.constant 0 : index
    %get3A_19 = arith.constant 0 : index
    %get3A_20 = vector.load %arg6[%get3A_18, %get3A_19] : memref<1x128xf32, #tpu.memory_space<vmem>>, vector<1x128xf32>
    %add3A_21 = vector.broadcast %get3A_20 : vector<1x128xf32> to vector<2000x128xf32>
    %add3A_22 = arith.addf %add3A_17, %add3A_21 : vector<2000x128xf32>
    %swap3A = arith.constant 0 : index
    %swap3A_23 = arith.constant 0 : index
    %swap3A_24 = vector.load %arg15[%swap3A, %swap3A_23] : memref<2000x128xf32, #tpu.memory_space<vmem>>, vector<2000x128xf32>
    tpu.vector_store %arg15[%swap3A, %swap3A_23], %add3A_22 {strides = array<i32>} : memref<2000x128xf32, #tpu.memory_space<vmem>>, vector<2000x128xf32>,
    %get3A_25 = arith.constant 0 : index
    %get3A_26 = arith.constant 0 : index
    %get3A_27 = vector.load %arg7[%get3A_25, %get3A_26] : memref<128x32xf32, #tpu.memory_space<vmem>>, vector<128x32xf32>
    %dot_general3A_28 = arith.constant dense<0.000000e+00> : vector<2000x32xf32>
    %dot_general3A_29 = tpu.matmul %add3A_22, %get3A_27, %dot_general3A_28 {dimension_numbers = #tpu.dot_dimension_numbers<[1], [0], [0], [1], [0, 0, 1, 1], [], []>, transpose_lhs_hint = false} : vector<2000x128xf32>, vector<128x32xf32>, vector<2000x32xf32> -> vector<2000x32xf32>
    %get3A_30 = arith.constant 0 : index
    %get3A_31 = arith.constant 0 : index
    %get3A_32 = vector.load %arg8[%get3A_30, %get3A_31] : memref<1x32xf32, #tpu.memory_space<vmem>>, vector<1x32xf32>
    %add3A_33 = vector.broadcast %get3A_32 : vector<1x32xf32> to vector<2000x32xf32>
    %add3A_34 = arith.addf %dot_general3A_29, %add3A_33 : vector<2000x32xf32>
    %max3A = arith.constant 0.000000e+00 : f32
    %max3A_35 = vector.broadcast %max3A : f32 to vector<2000x32xf32>
    %max3A_36 = arith.maximumf %add3A_34, %max3A_35 : vector<2000x32xf32>
    %get3A_37 = arith.constant 0 : index
    %get3A_38 = arith.constant 0 : index
    %get3A_39 = vector.load %arg9[%get3A_37, %get3A_38] : memref<32x1xf32, #tpu.memory_space<vmem>>, vector<32x1xf32>
    %dot_general3A_40 = arith.constant dense<0.000000e+00> : vector<2000x1xf32>
    %dot_general3A_41 = tpu.matmul %max3A_36, %get3A_39, %dot_general3A_40 {dimension_numbers = #tpu.dot_dimension_numbers<[1], [0], [0], [1], [0, 0, 1, 1], [], []>, transpose_lhs_hint = false} : vector<2000x32xf32>, vector<32x1xf32>, vector<2000x1xf32> -> vector<2000x1xf32>
    %get3A_42 = arith.constant 0 : index
    %get3A_43 = arith.constant 0 : index
    %get3A_44 = vector.load %arg10[%get3A_42, %get3A_43] : memref<1x1xf32, #tpu.memory_space<vmem>>, vector<1x1xf32>
    %add3A_45 = vector.broadcast %get3A_44 : vector<1x1xf32> to vector<2000x1xf32>
    %add3A_46 = arith.addf %dot_general3A_41, %add3A_45 : vector<2000x1xf32>
    %swap3A_47 = arith.constant 0 : index
    %swap3A_48 = arith.constant 0 : index
    %swap3A_49 = vector.load %arg16[%swap3A_47, %swap3A_48] : memref<2000x1xf32, #tpu.memory_space<vmem>>, vector<2000x1xf32>
    tpu.vector_store %arg16[%swap3A_47, %swap3A_48], %add3A_46 {strides = array<i32>} : memref<2000x1xf32, #tpu.memory_space<vmem>>, vector<2000x1xf32>,
    %get3A_50 = arith.constant 0 : index
    %get3A_51 = arith.constant 0 : index
    %get3A_52 = vector.load %arg11[%get3A_50, %get3A_51] : memref<128x32xf32, #tpu.memory_space<vmem>>, vector<128x32xf32>
    %dot_general3A_53 = arith.constant dense<0.000000e+00> : vector<2000x32xf32>
    %dot_general3A_54 = tpu.matmul %add3A_22, %get3A_52, %dot_general3A_53 {dimension_numbers = #tpu.dot_dimension_numbers<[1], [0], [0], [1], [0, 0, 1, 1], [], []>, transpose_lhs_hint = false} : vector<2000x128xf32>, vector<128x32xf32>, vector<2000x32xf32> -> vector<2000x32xf32>
    %get3A_55 = arith.constant 0 : index
    %get3A_56 = arith.constant 0 : index
    %get3A_57 = vector.load %arg12[%get3A_55, %get3A_56] : memref<1x32xf32, #tpu.memory_space<vmem>>, vector<1x32xf32>
    %add3A_58 = vector.broadcast %get3A_57 : vector<1x32xf32> to vector<2000x32xf32>
    %add3A_59 = arith.addf %dot_general3A_54, %add3A_58 : vector<2000x32xf32>
    %max3A_60 = arith.constant 0.000000e+00 : f32
    %max3A_61 = vector.broadcast %max3A_60 : f32 to vector<2000x32xf32>
    %max3A_62 = arith.maximumf %add3A_59, %max3A_61 : vector<2000x32xf32>
    %get3A_63 = arith.constant 0 : index
    %get3A_64 = arith.constant 0 : index
    %get3A_65 = vector.load %arg13[%get3A_63, %get3A_64] : memref<32x8xf32, #tpu.memory_space<vmem>>, vector<32x8xf32>
    %dot_general3A_66 = arith.constant dense<0.000000e+00> : vector<2000x8xf32>
    %dot_general3A_67 = tpu.matmul %max3A_62, %get3A_65, %dot_general3A_66 {dimension_numbers = #tpu.dot_dimension_numbers<[1], [0], [0], [1], [0, 0, 1, 1], [], []>, transpose_lhs_hint = false} : vector<2000x32xf32>, vector<32x8xf32>, vector<2000x8xf32> -> vector<2000x8xf32>
    %get3A_68 = arith.constant 0 : index
    %get3A_69 = arith.constant 0 : index
    %get3A_70 = vector.load %arg14[%get3A_68, %get3A_69] : memref<1x8xf32, #tpu.memory_space<vmem>>, vector<1x8xf32>
    %add3A_71 = vector.broadcast %get3A_70 : vector<1x8xf32> to vector<2000x8xf32>
    %add3A_72 = arith.addf %dot_general3A_67, %add3A_71 : vector<2000x8xf32>
    %swap3A_73 = arith.constant 0 : index
    %swap3A_74 = arith.constant 0 : index
    %swap3A_75 = vector.load %arg17[%swap3A_73, %swap3A_74] : memref<2000x8xf32, #tpu.memory_space<vmem>>, vector<2000x8xf32>
    tpu.vector_store %arg17[%swap3A_73, %swap3A_74], %add3A_72 {strides = array<i32>} : memref<2000x8xf32, #tpu.memory_space<vmem>>, vector<2000x8xf32>,
    return
  }
  func.func @transform_0(%arg0: i32) -> (i32, i32) {
    %c0_i32 = arith.constant 0 : i32
    %c0_i32_0 = arith.constant 0 : i32
    return %arg0, %c0_i32 : i32, i32
  }
  func.func @transform_1(%arg0: i32) -> (i32, i32) {
    %c0_i32 = arith.constant 0 : i32
    %c0_i32_0 = arith.constant 0 : i32
    return %arg0, %c0_i32 : i32, i32
  }
  func.func @transform_2(%arg0: i32) -> (i32, i32) {
    %c0_i32 = arith.constant 0 : i32
    %c0_i32_0 = arith.constant 0 : i32
    return %arg0, %c0_i32 : i32, i32
  }
  func.func @transform_3(%arg0: i32) -> (i32, i32) {
    %c0_i32 = arith.constant 0 : i32
    %c0_i32_0 = arith.constant 0 : i32
    %c0_i32_1 = arith.constant 0 : i32
    return %c0_i32, %c0_i32_0 : i32, i32
  }
  func.func @transform_4(%arg0: i32) -> (i32, i32) {
    %c0_i32 = arith.constant 0 : i32
    %c0_i32_0 = arith.constant 0 : i32
    %c0_i32_1 = arith.constant 0 : i32
    return %c0_i32, %c0_i32_0 : i32, i32
  }
  func.func @transform_5(%arg0: i32) -> (i32, i32) {
    %c0_i32 = arith.constant 0 : i32
    %c0_i32_0 = arith.constant 0 : i32
    %c0_i32_1 = arith.constant 0 : i32
    return %c0_i32, %c0_i32_0 : i32, i32
  }
  func.func @transform_6(%arg0: i32) -> (i32, i32) {
    %c0_i32 = arith.constant 0 : i32
    %c0_i32_0 = arith.constant 0 : i32
    %c0_i32_1 = arith.constant 0 : i32
    return %c0_i32, %c0_i32_0 : i32, i32
  }
  func.func @transform_7(%arg0: i32) -> (i32, i32) {
    %c0_i32 = arith.constant 0 : i32
    %c0_i32_0 = arith.constant 0 : i32
    %c0_i32_1 = arith.constant 0 : i32
    return %c0_i32, %c0_i32_0 : i32, i32
  }
  func.func @transform_8(%arg0: i32) -> (i32, i32) {
    %c0_i32 = arith.constant 0 : i32
    %c0_i32_0 = arith.constant 0 : i32
    %c0_i32_1 = arith.constant 0 : i32
    return %c0_i32, %c0_i32_0 : i32, i32
  }
  func.func @transform_9(%arg0: i32) -> (i32, i32) {
    %c0_i32 = arith.constant 0 : i32
    %c0_i32_0 = arith.constant 0 : i32
    %c0_i32_1 = arith.constant 0 : i32
    return %c0_i32, %c0_i32_0 : i32, i32
  }
  func.func @transform_10(%arg0: i32) -> (i32, i32) {
    %c0_i32 = arith.constant 0 : i32
    %c0_i32_0 = arith.constant 0 : i32
    %c0_i32_1 = arith.constant 0 : i32
    return %c0_i32, %c0_i32_0 : i32, i32
  }
  func.func @transform_11(%arg0: i32) -> (i32, i32) {
    %c0_i32 = arith.constant 0 : i32
    %c0_i32_0 = arith.constant 0 : i32
    %c0_i32_1 = arith.constant 0 : i32
    return %c0_i32, %c0_i32_0 : i32, i32
  }
  func.func @transform_12(%arg0: i32) -> (i32, i32) {
    %c0_i32 = arith.constant 0 : i32
    %c0_i32_0 = arith.constant 0 : i32
    %c0_i32_1 = arith.constant 0 : i32
    return %c0_i32, %c0_i32_0 : i32, i32
  }
  func.func @transform_13(%arg0: i32) -> (i32, i32) {
    %c0_i32 = arith.constant 0 : i32
    %c0_i32_0 = arith.constant 0 : i32
    %c0_i32_1 = arith.constant 0 : i32
    return %c0_i32, %c0_i32_0 : i32, i32
  }
  func.func @transform_14(%arg0: i32) -> (i32, i32) {
    %c0_i32 = arith.constant 0 : i32
    %c0_i32_0 = arith.constant 0 : i32
    return %arg0, %c0_i32 : i32, i32
  }
  func.func @transform_15(%arg0: i32) -> (i32, i32) {
    %c0_i32 = arith.constant 0 : i32
    %c0_i32_0 = arith.constant 0 : i32
    return %arg0, %c0_i32 : i32, i32
  }
  func.func @transform_16(%arg0: i32) -> (i32, i32) {
    %c0_i32 = arith.constant 0 : i32
    %c0_i32_0 = arith.constant 0 : i32
    return %arg0, %c0_i32 : i32, i32
  }
}

</mosaic_0001>

<sc_bundles>
// kernel: kernel.15.cloned.1.call-start
scs
__scs_entry_jumppad:
0x0: {  	(pc) =	sbr.rel $0x88, $3  }
0x1: {  	(tag) =	ssettag $0x0;
	lr =	simm.s32 $0x1  }
0x2: {  	[smem:$0x3F67] =	sst lr;
	_ =	strace $0xD0000000  }
0x3: {  	_ = 	snop  }
0x4: {  	_ = 	snop  }
0x5: {  	_ = 	snop  }
0x6: {  	_ = 	snop  }
0x7: {  	_ = 	snop  }
__scs_overlays_trampoline_lowered:
0x8: {  	[smem:$0x3F76] =	sst s0  }
0x9: {  	[smem:$0x3F77] =	sst s1  }
0xa: {  	[smem:$0x3F78] =	sst s2  }
0xb: {  	[smem:$0x3F79] =	sst s3  }
0xc: {  	[smem:$0x3F7A] =	sst s4  }
0xd: {  	[smem:$0x3F7B] =	sst s5  }
0xe: {  	[smem:$0x3F7C] =	sst s6  }
0xf: {  	[smem:$0x3F7D] =	sst s7  }
0x10: {  	[smem:$0x3F7E] =	sst s8  }
0x11: {  	[smem:$0x3F7F] =	sst s9;
	s0 =	simm.s32 @!p0 $0x0  }
0x12: {  	s1 =	sld [smem:$0x3F65];
	s0 =	simm.s32 @p0 $0x1  }
0x13: {  	[smem:$0x3F80] =	sst s0;
	s0 =	simm.s32 @!p1 $0x0  }
0x14: {  	s2 =	sld [smem:$0x3F64];
	s0 =	simm.s32 @p1 $0x1  }
0x15: {  	[smem:$0x3F81] =	sst s0;
	s0 =	simm.s32 @!p2 $0x0  }
0x16: {  	s3 =	sld [smem:$0x3FDB];
	s0 =	simm.s32 @p2 $0x1  }
0x17: {  	s4 =	simm.s32 $0x1BF5;
	[smem:$0x3F83] =	sst s0  }
0x18: {  	s0 =	sld [smem:$0x3F66];
	_ =	swait.ge [sflag:s4], $0x0  }
0x19: {  	s7 =	sld [smem:$0x3F67]  }
0x1a: {  	s8 =	sadd.s32 $0xFFFFE003, lr  }
0x1b: {  	s9 =	sadd.s32 $0xFFFFFEF7, lr;
	s5 =	simm.s32 $0xFFFFFFFF;
	p2 =	slt.u32 s8, $0xFFFFF086  }
0x1c: {  	p1 =	slt.u32 s9, $0xF7A;
	s5 =	simm.s32 @!p2 $0x0  }
0x1d: {  	s5 =	simm.s32 @p1 $0x1;
	p0 =	seq.s32 s7, s2  }
0x1e: {  	s7 =	smul.u32 @!p0 $0xF7A, s2;
	p2 =	seq.s32 @!p0 s5, $0x0  }
0x1f: {  	s9 =	smul.u32 $0xF7A, s1;
	s8 =	simm.s32 @!p0 $0x1BF5;
	p2 =	por !p2, p0  }
0x20: {  	[sflag:s8] =	ssyncset.s32 @!p0 $0xFFFFF086;
	s6 =	sadd.s32 @!p0 s3, s7;
	s7 =	simm.s32 @!p0 $0x108  }
0x21: {  	s3 =	sadd.s32 s3, s9;
	s6 =	sadd.s32 @!p0 $0x88, s6;
	s7 =	simm.s32 @p2 $0x1082  }
0x22: {  	[simem:s7], [sflag:s8] =	dma.local @!p0 [hbm:s6], $0xF7A  }
0x23: {  	s9 =	sor.u32 $0xD0000000, s2;
	s6 =	simm.s32 $0x108;
	_ =	swait.ge @!p0 [sflag:s8], $0x0  }
0x24: {  	s3 =	sadd.s32 $0x88, s3;
	s6 =	simm.s32 @!p1 $0x1082;
	[sflag:s4] =	ssyncset.s32 $0xFFFFF086  }
0x25: {  	[simem:s6], [sflag:s4] =	dma.local [hbm:s3], $0xF7A  }
0x26: {  	[smem:$0x3F67] =	sst s1;
	(tag) =	ssettag s2;
	_ =	strace s9  }
0x27: {  	s1 =	sld [smem:$0x3F77]  }
0x28: {  	s2 =	sld [smem:$0x3F78]  }
0x29: {  	s4 =	sld [smem:$0x3F7A]  }
0x2a: {  	p0 =	seq.s32 s5, $0x0;
	s5 =	sld [smem:$0x3F7B]  }
0x2b: {  	s6 =	sld [smem:$0x3F7C]  }
0x2c: {  	s7 =	sld [smem:$0x3F7D]  }
0x2d: {  	s3 =	simm.s32 $0x108;
	s8 =	sld [smem:$0x3F7E]  }
0x2e: {  	s3 =	simm.s32 @!p0 $0x1082;
	s9 =	sld [smem:$0x3F7F]  }
0x2f: {  	lr =	sadd.s32 s0, s3;
	s0 =	sld [smem:$0x3F76]  }
0x30: {  	s3 =	sld [smem:$0x3F79]  }
0x31: {  	[smem:$0x3F82] =	sst s10  }
0x32: {  	s10 =	sld [smem:$0x3F80];
	_ =	sdelay $0x3  }
0x33: {  	p0 =	seq.s32 s10, $0x1;
	s10 =	sld [smem:$0x3F82];
	_ =	sdelay $0x3  }
0x34: {  	[smem:$0x3F82] =	sst s10  }
0x35: {  	s10 =	sld [smem:$0x3F81];
	_ =	sdelay $0x3  }
0x36: {  	p1 =	seq.s32 s10, $0x1;
	s10 =	sld [smem:$0x3F82];
	_ =	sdelay $0x3  }
0x37: {  	[smem:$0x3F82] =	sst s10  }
0x38: {  	s10 =	sld [smem:$0x3F83]  }
0x39: {  	_ = 	snop;
	(pc) =	sbr.ind lr, $3  }
0x3a: {  	_ = 	snop  }
0x3b: {  	_ = 	snop  }
0x3c: {  	p2 =	seq.s32 s10, $0x1;
	s10 =	sld [smem:$0x3F82]  }
0x3d: {  	_ =	shalt  }
0x3e: {  	_ =	shalt  }
0x3f: {  	_ =	shalt  }
0x40: {  	_ =	shalt  }
0x41: {  	_ =	shalt  }
0x42: {  	_ =	shalt  }
0x43: {  	_ =	shalt  }
0x44: {  	_ =	shalt  }
0x45: {  	_ =	shalt  }
0x46: {  	_ =	shalt  }
0x47: {  	_ =	shalt  }
0x48: {  	_ =	shalt  }
0x49: {  	_ =	shalt  }
0x4a: {  	_ =	shalt  }
0x4b: {  	_ =	shalt  }
0x4c: {  	_ =	shalt  }
0x4d: {  	_ =	shalt  }
0x4e: {  	_ =	shalt  }
0x4f: {  	_ =	shalt  }
0x50: {  	_ =	shalt  }
0x51: {  	_ =	shalt  }
0x52: {  	_ =	shalt  }
0x53: {  	_ =	shalt  }
0x54: {  	_ =	shalt  }
0x55: {  	_ =	shalt  }
0x56: {  	_ =	shalt  }
0x57: {  	_ =	shalt  }
0x58: {  	_ =	shalt  }
0x59: {  	_ =	shalt  }
0x5a: {  	_ =	shalt  }
0x5b: {  	_ =	shalt  }
0x5c: {  	_ =	shalt  }
0x5d: {  	_ =	shalt  }
0x5e: {  	_ =	shalt  }
0x5f: {  	_ =	shalt  }
0x60: {  	_ =	shalt  }
0x61: {  	_ =	shalt  }
0x62: {  	_ =	shalt  }
0x63: {  	_ =	shalt  }
0x64: {  	_ =	shalt  }
0x65: {  	_ =	shalt  }
0x66: {  	_ =	shalt  }
0x67: {  	_ =	shalt  }
0x68: {  	_ =	shalt  }
0x69: {  	_ =	shalt  }
0x6a: {  	_ =	shalt  }
0x6b: {  	_ =	shalt  }
0x6c: {  	_ =	shalt  }
0x6d: {  	_ =	shalt  }
0x6e: {  	_ =	shalt  }
0x6f: {  	_ =	shalt  }
0x70: {  	_ =	shalt  }
0x71: {  	_ =	shalt  }
0x72: {  	_ =	shalt  }
0x73: {  	_ =	shalt  }
0x74: {  	_ =	shalt  }
0x75: {  	_ =	shalt  }
0x76: {  	_ =	shalt  }
0x77: {  	_ =	shalt  }
0x78: {  	_ =	shalt  }
0x79: {  	_ =	shalt  }
0x7a: {  	_ =	shalt  }
0x7b: {  	_ =	shalt  }
0x7c: {  	_ =	shalt  }
0x7d: {  	_ =	shalt  }
0x7e: {  	_ =	shalt  }
0x7f: {  	_ =	shalt  }
0x80: {  	_ =	shalt  }
0x81: {  	_ =	shalt  }
0x82: {  	_ =	shalt  }
0x83: {  	_ =	shalt  }
0x84: {  	_ =	shalt  }
0x85: {  	_ =	shalt  }
0x86: {  	_ =	shalt  }
0x87: {  	_ =	shalt  }
.Lfunc_end0:
.L_simem_size_0:
called_computation_lowered:
.L_overlay_start_0:
0x88: {  	s2 =	sld [smem:$0x3FD9]  }
0x89: {  	s3 =	sld [smem:$0x3FFE];
	_ =	sdelay $0x1  }
0x8a: {  	s1 =	srdreg.scid  }
0x8b: {  	s0 =	sand.u32 $0x1, s1  }
0x8c: {  	s14 =	sshll.u32 s0, $0xA;
	s2 =	sadd.s32 s3, s2  }
0x8d: {  	s2 =	sadd.s32 s2, s14  }
0x8e: {  	[smem:$0x3F8E] =	sst s2  }
0x8f: {  	_ = 	snop  }
0x90: {  	s2 =	sld [smem:$0x3FD0];
	_ =	sdelay $0x2  }
0x91: {  	s15 =	simm.s32 $0xA;
	s4 =	simm.s32 $0x10  }
0x92: {  	[smem:s4], [sflag:s15] =	dma.local [hbm:s2], $0x1  }
0x93: {  	_ =	swait.eq [sflag:s15], $0x1  }
0x94: {  	[sflag:s15] =	ssyncset.done $0x0  }
0x95: {  	s16 =	sld [smem:$0x10];
	[sflag:s15] =	ssyncadd.s32 $0xFFFFFFFF  }
0x96: {  	s17 =	sld [smem:$0x14];
	(tm) =	ssettm $0x1  }
0x97: {  	s18 =	sld [smem:$0x3FFB];
	_ =	sdelay $0x3  }
0x98: {  	_ =	strace s18  }
0x99: {  	s4 =	sld [smem:$0x3FFC];
	_ =	sdelay $0x3  }
0x9a: {  	_ =	strace s4  }
0x9b: {  	s4 =	sld [smem:$0x3FFD];
	_ =	sdelay $0x3  }
0x9c: {  	_ =	strace s4  }
0x9d: {  	_ =	strace $0x8FFFFFFF  }
0x9e: {  	s19 =	sld [smem:$0x3FDB];
	_ =	sdelay $0x1  }
0x9f: {  	s5 =	simm.s32 $_scs_section_size  }
0xa0: {  	s6 =	simm.s32 $_size__tile_overlayer_lowered;
	s7 =	simm.s32 $_tile_overlayer_lowered  }
0xa1: {  	s22 =	simm.s32 $0x1BFF;
	s21 =	sshll.u32 s7, $0x1;
	s4 =	sadd.s32 s5, s19  }
0xa2: {  	s8 =	simm.s32 $0x0;
	s20 =	sshll.u32 s6, $0x1;
	s6 =	sadd.s32 s21, s4  }
0xa3: {  	[timem:s8], [sflag:s22] =	dma.local [hbm:s6], s20  }
0xa4: {  	_ =	swait.ge [sflag:s22], s20  }
0xa5: {  	s5 =	ssub.s32 $0x0, s20;
	[sflag:s22] =	ssyncset.done $0x0  }
0xa6: {  	[sflag:s22] =	ssyncadd.s32 s5;
	_ =	sdelay $0x1  }
0xa7: {  	s23 =	simm.s32 $0x1B8B  }
0xa8: {  	_ =	swait.ge [sflag:s23], $0x1  }
0xa9: {  	[sflag:s23] =	ssyncset.done $0x0  }
0xaa: {  	s25 =	simm.s32 $0x1B8E;
	s24 =	sld [smem:$0x3FFE];
	[sflag:s23] =	ssyncadd.s32 $0xFFFFFFFF  }
0xab: {  	s26 =	simm.s32 $execute0_lowered;
	[smem:$0x3FD2] =	sst s25  }
0xac: {  	s6 =	sshll.u32 s26, $0x1;
	_ =	strace $0x80000046;
	[dreg:$0x1] =	wrdreg $0xFFFFFFFF  }
0xad: {  	s28 =	simm.s32 $_size_execute0_lowered;
	s4 =	sadd.s32 s4, s6;
	[dreg:$0x0] =	wrdreg $0x0  }
0xae: {  	s6 =	sshll.u32 s28, $0x1;
	[dreg:$0x2] =	wrdreg s4  }
0xaf: {  	[dreg:$0x3] =	wrdreg s6  }
0xb0: {  	[dreg:$0x4] =	wrdreg $0xC0  }
0xb1: {  	_ =	task [dreg:s8], $0x5FFFF  }
0xb2: {  	[dreg:$0x1] =	wrdreg $0xFFFFFFFF  }
0xb3: {  	[dreg:$0x0] =	wrdreg $0x60  }
0xb4: {  	[dreg:$0x2] =	wrdreg s17  }
0xb5: {  	[dreg:$0x3] =	wrdreg s24  }
0xb6: {  	[dreg:$0x4] =	wrdreg s16  }
0xb7: {  	[dreg:$0x5] =	wrdreg $0x9  }
0xb8: {  	_ =	task.clear_ibuf [dreg:s8], $0x6FFFF;
	_ =	strace $0x90000046  }
0xb9: {  	s29 =	simm.s32 $0x9;
	_ =	strace $0x80000048  }
0xba: {  	_ =	swait.ge [sflag:s29], $0x1  }
0xbb: {  	[sflag:s29] =	ssyncadd.s32 $0xFFFFFFFF  }
0xbc: {  	_ =	strace $0x90000048  }
0xbd: {  	_ =	sfence  }
0xbe: {  	s30 =	sld [smem:$0x0];
	_ =	sdelay $0x2  }
0xbf: {  	s31 =	sshll.u32 s1, $0xD;
	s1 =	sshrl.u32 s1, $0x2  }
0xc0: {  	s3 =	sand.u32 $0x4000, s31;
	s1 =	sadd.s32 s1, s30  }
0xc1: {  	s0 =	sor.u32 s3, s0;
	s1 =	sshll.u32 s1, $0x11  }
0xc2: {  	s0 =	sor.u32 s1, s0  }
0xc3: {  	s0 =	sadd.s32 $0x8F2B, s0  }
0xc4: {  	[sflag:s0] =	ssyncadd.remote.s32 $0x1  }
0xc5: {  	_ =	sfence.sel $0xFFFF  }
0xc6: {  	[dreg:$0x0] =	wrdreg $0xFFFFFFFF;
	(pc) =	sbr.abs _section_cstart, $3  }
0xc7: {  	[dreg:$0x1] =	wrdreg $0xFFFFFFFF  }
0xc8: {  	_ =	task.clear_ibuf [dreg:s8], $0x2FFFF;
	_ =	strace $0x9FFFFFFF  }
0xc9: {  	(tm) =	ssettm $0x7FFFFFFF  }
tec
execute0_lowered:
.L_overlay_start_1:
0x0: {  	(tag) =	ssettag $0x1  }
0x1: {  	s1 =	rddreg [dreg:$0x0]  }
0x2: {  	s5 =	rddreg [dreg:$0x1];
	s2 =	srdreg.scid  }
0x3: {  	s0 =	stileid.u32;
	s7 =	rddreg [dreg:$0x2];
	s3 =	simm.s32 $0x0  }
0x4: {  	s12 =	simm.s32 $0x2C00;
	s14 =	simm.s32 $0x250;
	s13 =	simm.s32 $0x5400  }
0x5: {  	s15 =	simm.s32 $0xA0;
	s16 =	simm.s32 $0x2A0;
	s17 =	simm.s32 $0xF0  }
0x6: {  	s18 =	simm.s32 $0x2F0;
	s19 =	simm.s32 $0x140;
	s20 =	simm.s32 $0x340  }
0x7: {  	s21 =	simm.s32 $0x2;
	s6 =	sand.u32 $0x1, s2;
	s2 =	rddreg [dreg:$0x3]  }
0x8: {  	s22 =	simm.s32 $0x3;
	s8 =	smul.u32 $0x4E20, s0;
	[smem:$0x7FF] =	sst s3  }
0x9: {  	s10 =	smul.u32 $0x4E200, s0;
	_ =	strace $0x80000047;
	[dreg:$0x6] =	wrdreg s14  }
0xa: {  	s23 =	simm.s32 $0x0;
	s9 =	smul.u32 $0x2710, s6;
	[dreg:$0x7] =	wrdreg s15  }
0xb: {  	s4 =	sadd.s32 $0x1AA00, s5;
	s11 =	smul.u32 $0x27100, s6;
	[dreg:$0x8] =	wrdreg s16  }
0xc: {  	s6 =	ssub.s32 $0x2, s6;
	s14 =	simm.s32 $0x7C00;
	[dreg:$0x9] =	wrdreg s17  }
0xd: {  	s15 =	simm.s32 $0xA400;
	s16 =	simm.s32 $0xCC00;
	[dreg:$0xa] =	wrdreg s18  }
0xe: {  	s17 =	simm.s32 $0xF400;
	s18 =	simm.s32 $0x11C00;
	[dreg:$0xb] =	wrdreg s19  }
0xf: {  	s19 =	simm.s32 $0x14400;
	[dreg:$0xc] =	wrdreg s20;
	s20 =	simm.s32 $0x16C00  }
0x10: {  	s25 =	sadd.s32 s10, s5;
	s26 =	sshrl.u32 s6, $0x1;
	s10 =	simm.s32 $0x50  }
0x11: {  	s8 =	sadd.s32 s9, s8;
	s9 =	sadd.s32 s11, s25;
	s29 =	ssub.s32 s6, s26  }
0x12: {  	s11 =	simm.s32 $0x400;
	s8 =	sshrl.u32 s8, $0x3;
	s30 =	sadd.s32 $0x41C00, s9  }
0x13: {  	s31 =	sadd.s32 $0x523C00, s9;
	s9 =	simm.s32 $0x1;
	[dreg:$0x4] =	wrdreg s30  }
0x14: {  	s28 =	sadd.s32 s8, s5;
	s5 =	smax.u32 s29, $0x1;
	[dreg:$0x5] =	wrdreg s31  }
0x15: {  	s7 =	sadd.s32 s8, s7;
	s8 =	simm.s32 $0x200;
	s6 =	sadd.s32 $0x10400, s28  }
.LBB2_1:
0x16: {  	[tilespmem:s3], [sflag:$0x1] =	stream.linear.gather [hbm4b:s7+s3], $0x190, $0x38;
	[tilespmem:$0x19400] =	vst v63  }
0x17: {  	_ = 	snop  }
0x18: {  	[tilespmem:s8], [sflag:$0x1] =	stream.linear.gather [hbm4b:s6+s3], $0x190, $0x38;
	[tilespmem:$0x19400] =	vst v63  }
0x19: {  	_ =	swait.ge [sflag:s9], $0x190  }
0x1a: {  	[sflag:s9] =	ssyncset.done $0x0  }
0x1b: {  	[sflag:s9] =	ssyncadd.s32 $0xFFFFFE70  }
0x1c: {  	_ =	swait.ge [sflag:s9], $0x190  }
0x1d: {  	[sflag:s9] =	ssyncset.done $0x0  }
0x1e: {  	[sflag:s9] =	ssyncadd.s32 $0xFFFFFE70  }
0x1f: {  	[tilespmem:s11], [sflag:$0x2] =	stream.indirect.gather [hbm4b:s1+s10], $0x80, s3, s10, $0xb8;
	[tilespmem:$0x19400] =	vst v63  }
0x20: {  	_ = 	snop  }
0x21: {  	[tilespmem:s12], [sflag:$0x2] =	stream.indirect.gather [hbm4b:s4+s10], $0x80, s8, s10, $0xb8;
	[tilespmem:$0x19400] =	vst v63  }
0x22: {  	_ = 	snop  }
0x23: {  	[tilespmem:s13], [sflag:$0x2] =	stream.indirect.gather [hbm4b:s1+s10], $0x80, s10, s10, $0xb8;
	[tilespmem:$0x19400] =	vst v63  }
0x24: {  	s24 =	rddreg [dreg:$0x6]  }
0x25: {  	[tilespmem:s14], [sflag:$0x2] =	stream.indirect.gather [hbm4b:s4+s10], $0x80, s24, s10, $0xb8;
	[tilespmem:$0x19400] =	vst v63  }
0x26: {  	s25 =	rddreg [dreg:$0x7]  }
0x27: {  	[tilespmem:s15], [sflag:$0x2] =	stream.indirect.gather [hbm4b:s1+s10], $0x80, s25, s10, $0xb8;
	[tilespmem:$0x19400] =	vst v63  }
0x28: {  	s28 =	rddreg [dreg:$0x8]  }
0x29: {  	[tilespmem:s16], [sflag:$0x2] =	stream.indirect.gather [hbm4b:s4+s10], $0x80, s28, s10, $0xb8;
	[tilespmem:$0x19400] =	vst v63  }
0x2a: {  	s29 =	rddreg [dreg:$0x9]  }
0x2b: {  	[tilespmem:s17], [sflag:$0x2] =	stream.indirect.gather [hbm4b:s1+s10], $0x80, s29, s10, $0xb8;
	[tilespmem:$0x19400] =	vst v63  }
0x2c: {  	s30 =	rddreg [dreg:$0xa]  }
0x2d: {  	[tilespmem:s18], [sflag:$0x2] =	stream.indirect.gather [hbm4b:s4+s10], $0x80, s30, s10, $0xb8;
	[tilespmem:$0x19400] =	vst v63  }
0x2e: {  	s31 =	rddreg [dreg:$0xb]  }
0x2f: {  	[tilespmem:s19], [sflag:$0x2] =	stream.indirect.gather [hbm4b:s1+s10], $0x80, s31, s10, $0xb8;
	[tilespmem:$0x19400] =	vst v63  }
0x30: {  	s26 =	rddreg [dreg:$0xc]  }
0x31: {  	[tilespmem:s20], [sflag:$0x2] =	stream.indirect.gather [hbm4b:s4+s10], $0x80, s26, s10, $0xb8;
	[tilespmem:$0x19400] =	vst v63  }
0x32: {  	_ =	swait.ge [sflag:s21], $0x2800  }
0x33: {  	[sflag:s21] =	ssyncset.done $0x0  }
0x34: {  	[sflag:s21] =	ssyncadd.s32 $0xFFFFD800  }
0x35: {  	_ =	swait.ge [sflag:s21], $0x2800  }
0x36: {  	[sflag:s21] =	ssyncset.done $0x0  }
0x37: {  	[sflag:s21] =	ssyncadd.s32 $0xFFFFD800  }
0x38: {  	_ =	swait.ge [sflag:s21], $0x2800  }
0x39: {  	[sflag:s21] =	ssyncset.done $0x0  }
0x3a: {  	[sflag:s21] =	ssyncadd.s32 $0xFFFFD800  }
0x3b: {  	_ =	swait.ge [sflag:s21], $0x2800  }
0x3c: {  	[sflag:s21] =	ssyncset.done $0x0  }
0x3d: {  	[sflag:s21] =	ssyncadd.s32 $0xFFFFD800  }
0x3e: {  	_ =	swait.ge [sflag:s21], $0x2800  }
0x3f: {  	[sflag:s21] =	ssyncset.done $0x0  }
0x40: {  	[sflag:s21] =	ssyncadd.s32 $0xFFFFD800  }
0x41: {  	_ =	swait.ge [sflag:s21], $0x2800  }
0x42: {  	[sflag:s21] =	ssyncset.done $0x0  }
0x43: {  	[sflag:s21] =	ssyncadd.s32 $0xFFFFD800  }
0x44: {  	_ =	swait.ge [sflag:s21], $0x2800  }
0x45: {  	[sflag:s21] =	ssyncset.done $0x0  }
0x46: {  	[sflag:s21] =	ssyncadd.s32 $0xFFFFD800  }
0x47: {  	_ =	swait.ge [sflag:s21], $0x2800  }
0x48: {  	[sflag:s21] =	ssyncset.done $0x0  }
0x49: {  	[sflag:s21] =	ssyncadd.s32 $0xFFFFD800  }
0x4a: {  	_ =	swait.ge [sflag:s21], $0x2800  }
0x4b: {  	[sflag:s21] =	ssyncset.done $0x0  }
0x4c: {  	[sflag:s21] =	ssyncadd.s32 $0xFFFFD800  }
0x4d: {  	_ =	swait.ge [sflag:s21], $0x2800  }
0x4e: {  	s28 =	rddreg [dreg:$0x4];
	[sflag:s21] =	ssyncset.done $0x0  }
0x4f: {  	s29 =	rddreg [dreg:$0x5];
	[sflag:s21] =	ssyncadd.s32 $0xFFFFD800;
	s24 =	sadd.s32 $0x0, s28  }
0x50: {  	[hbm4b:s24+s3] =	stream.linear.scatter [tilespmem:s11], [sflag:$0x3], $0x2800, $0x38;
	[tilespmem:$0x19400] =	vst v63  }
0x51: {  	s25 =	sadd.s32 $0x0, s29  }
0x52: {  	[hbm4b:s25+s3] =	stream.linear.scatter [tilespmem:s12], [sflag:$0x3], $0x2800, $0x38;
	[tilespmem:$0x19400] =	vst v63  }
0x53: {  	s26 =	sadd.s32 $0x500, s24  }
0x54: {  	[hbm4b:s26+s3] =	stream.linear.scatter [tilespmem:s13], [sflag:$0x3], $0x2800, $0x38;
	[tilespmem:$0x19400] =	vst v63  }
0x55: {  	s30 =	sadd.s32 $0x500, s25  }
0x56: {  	[hbm4b:s30+s3] =	stream.linear.scatter [tilespmem:s14], [sflag:$0x3], $0x2800, $0x38;
	[tilespmem:$0x19400] =	vst v63  }
0x57: {  	s31 =	sadd.s32 $0xA00, s24  }
0x58: {  	[hbm4b:s31+s3] =	stream.linear.scatter [tilespmem:s15], [sflag:$0x3], $0x2800, $0x38;
	[tilespmem:$0x19400] =	vst v63  }
0x59: {  	s28 =	sadd.s32 $0xA00, s25  }
0x5a: {  	[hbm4b:s28+s3] =	stream.linear.scatter [tilespmem:s16], [sflag:$0x3], $0x2800, $0x38;
	[tilespmem:$0x19400] =	vst v63  }
0x5b: {  	s29 =	sadd.s32 $0xF00, s24  }
0x5c: {  	[hbm4b:s29+s3] =	stream.linear.scatter [tilespmem:s17], [sflag:$0x3], $0x2800, $0x38;
	[tilespmem:$0x19400] =	vst v63  }
0x5d: {  	s30 =	sadd.s32 $0xF00, s25  }
0x5e: {  	[hbm4b:s30+s3] =	stream.linear.scatter [tilespmem:s18], [sflag:$0x3], $0x2800, $0x38;
	[tilespmem:$0x19400] =	vst v63  }
0x5f: {  	s24 =	sadd.s32 $0x1400, s24  }
0x60: {  	[hbm4b:s24+s3] =	stream.linear.scatter [tilespmem:s19], [sflag:$0x3], $0x2800, $0x38;
	[tilespmem:$0x19400] =	vst v63  }
0x61: {  	s31 =	sadd.s32 $0x1400, s25  }
0x62: {  	[hbm4b:s31+s3] =	stream.linear.scatter [tilespmem:s20], [sflag:$0x3], $0x2800, $0x38;
	[tilespmem:$0x19400] =	vst v63  }
0x63: {  	_ =	swait.ge [sflag:s22], $0x2800  }
0x64: {  	[sflag:s22] =	ssyncset.done $0x0  }
0x65: {  	[sflag:s22] =	ssyncadd.s32 $0xFFFFD800  }
0x66: {  	_ =	swait.ge [sflag:s22], $0x2800  }
0x67: {  	[sflag:s22] =	ssyncset.done $0x0  }
0x68: {  	[sflag:s22] =	ssyncadd.s32 $0xFFFFD800  }
0x69: {  	_ =	swait.ge [sflag:s22], $0x2800  }
0x6a: {  	[sflag:s22] =	ssyncset.done $0x0  }
0x6b: {  	[sflag:s22] =	ssyncadd.s32 $0xFFFFD800  }
0x6c: {  	_ =	swait.ge [sflag:s22], $0x2800  }
0x6d: {  	[sflag:s22] =	ssyncset.done $0x0  }
0x6e: {  	[sflag:s22] =	ssyncadd.s32 $0xFFFFD800  }
0x6f: {  	_ =	swait.ge [sflag:s22], $0x2800  }
0x70: {  	[sflag:s22] =	ssyncset.done $0x0  }
0x71: {  	[sflag:s22] =	ssyncadd.s32 $0xFFFFD800  }
0x72: {  	_ =	swait.ge [sflag:s22], $0x2800  }
0x73: {  	[sflag:s22] =	ssyncset.done $0x0  }
0x74: {  	[sflag:s22] =	ssyncadd.s32 $0xFFFFD800  }
0x75: {  	_ =	swait.ge [sflag:s22], $0x2800  }
0x76: {  	[sflag:s22] =	ssyncset.done $0x0  }
0x77: {  	[sflag:s22] =	ssyncadd.s32 $0xFFFFD800  }
0x78: {  	_ =	swait.ge [sflag:s22], $0x2800  }
0x79: {  	[sflag:s22] =	ssyncset.done $0x0  }
0x7a: {  	[sflag:s22] =	ssyncadd.s32 $0xFFFFD800  }
0x7b: {  	_ =	swait.ge [sflag:s22], $0x2800  }
0x7c: {  	[sflag:s22] =	ssyncset.done $0x0  }
0x7d: {  	[sflag:s22] =	ssyncadd.s32 $0xFFFFD800  }
0x7e: {  	s26 =	smov.u32 s7;
	_ =	swait.ge [sflag:s22], $0x2800  }
0x7f: {  	s25 =	smov.u32 s6;
	s24 =	simm.s32 $0x1900;
	[sflag:s22] =	ssyncset.done $0x0  }
.LBB2_2:
0x80: {  	[sflag:s22] =	ssyncadd.s32 $0xFFFFD800;
	s26 =	sadd.s32 $0x32, s26  }
0x81: {  	[tilespmem:s3], [sflag:$0x1] =	stream.linear.gather [hbm4b:s26+s3], $0x190, $0x38;
	[tilespmem:$0x19400] =	vst v63  }
0x82: {  	s25 =	sadd.s32 $0x32, s25  }
0x83: {  	[tilespmem:s8], [sflag:$0x1] =	stream.linear.gather [hbm4b:s25+s3], $0x190, $0x38;
	[tilespmem:$0x19400] =	vst v63  }
0x84: {  	_ =	swait.ge [sflag:s9], $0x190  }
0x85: {  	[sflag:s9] =	ssyncset.done $0x0  }
0x86: {  	[sflag:s9] =	ssyncadd.s32 $0xFFFFFE70  }
0x87: {  	_ =	swait.ge [sflag:s9], $0x190  }
0x88: {  	[sflag:s9] =	ssyncset.done $0x0  }
0x89: {  	[sflag:s9] =	ssyncadd.s32 $0xFFFFFE70  }
0x8a: {  	[tilespmem:s11], [sflag:$0x2] =	stream.indirect.gather [hbm4b:s1+s10], $0x80, s3, s10, $0xb8;
	[tilespmem:$0x19400] =	vst v63  }
0x8b: {  	_ = 	snop  }
0x8c: {  	[tilespmem:s12], [sflag:$0x2] =	stream.indirect.gather [hbm4b:s4+s10], $0x80, s8, s10, $0xb8;
	[tilespmem:$0x19400] =	vst v63  }
0x8d: {  	_ = 	snop  }
0x8e: {  	[tilespmem:s13], [sflag:$0x2] =	stream.indirect.gather [hbm4b:s1+s10], $0x80, s10, s10, $0xb8;
	[tilespmem:$0x19400] =	vst v63  }
0x8f: {  	s29 =	rddreg [dreg:$0x6]  }
0x90: {  	[tilespmem:s14], [sflag:$0x2] =	stream.indirect.gather [hbm4b:s4+s10], $0x80, s29, s10, $0xb8;
	[tilespmem:$0x19400] =	vst v63  }
0x91: {  	s30 =	rddreg [dreg:$0x7]  }
0x92: {  	[tilespmem:s15], [sflag:$0x2] =	stream.indirect.gather [hbm4b:s1+s10], $0x80, s30, s10, $0xb8;
	[tilespmem:$0x19400] =	vst v63  }
0x93: {  	s31 =	rddreg [dreg:$0x8]  }
0x94: {  	[tilespmem:s16], [sflag:$0x2] =	stream.indirect.gather [hbm4b:s4+s10], $0x80, s31, s10, $0xb8;
	[tilespmem:$0x19400] =	vst v63  }
0x95: {  	s30 =	rddreg [dreg:$0x9]  }
0x96: {  	[tilespmem:s17], [sflag:$0x2] =	stream.indirect.gather [hbm4b:s1+s10], $0x80, s30, s10, $0xb8;
	[tilespmem:$0x19400] =	vst v63  }
0x97: {  	s31 =	rddreg [dreg:$0xa]  }
0x98: {  	[tilespmem:s18], [sflag:$0x2] =	stream.indirect.gather [hbm4b:s4+s10], $0x80, s31, s10, $0xb8;
	[tilespmem:$0x19400] =	vst v63  }
0x99: {  	s30 =	rddreg [dreg:$0xb]  }
0x9a: {  	[tilespmem:s19], [sflag:$0x2] =	stream.indirect.gather [hbm4b:s1+s10], $0x80, s30, s10, $0xb8;
	[tilespmem:$0x19400] =	vst v63  }
0x9b: {  	s31 =	rddreg [dreg:$0xc]  }
0x9c: {  	[tilespmem:s20], [sflag:$0x2] =	stream.indirect.gather [hbm4b:s4+s10], $0x80, s31, s10, $0xb8;
	[tilespmem:$0x19400] =	vst v63  }
0x9d: {  	_ =	swait.ge [sflag:s21], $0x2800  }
0x9e: {  	[sflag:s21] =	ssyncset.done $0x0  }
0x9f: {  	[sflag:s21] =	ssyncadd.s32 $0xFFFFD800  }
0xa0: {  	_ =	swait.ge [sflag:s21], $0x2800  }
0xa1: {  	[sflag:s21] =	ssyncset.done $0x0  }
0xa2: {  	[sflag:s21] =	ssyncadd.s32 $0xFFFFD800  }
0xa3: {  	_ =	swait.ge [sflag:s21], $0x2800  }
0xa4: {  	[sflag:s21] =	ssyncset.done $0x0  }
0xa5: {  	[sflag:s21] =	ssyncadd.s32 $0xFFFFD800  }
0xa6: {  	_ =	swait.ge [sflag:s21], $0x2800  }
0xa7: {  	[sflag:s21] =	ssyncset.done $0x0  }
0xa8: {  	[sflag:s21] =	ssyncadd.s32 $0xFFFFD800  }
0xa9: {  	_ =	swait.ge [sflag:s21], $0x2800  }
0xaa: {  	[sflag:s21] =	ssyncset.done $0x0  }
0xab: {  	[sflag:s21] =	ssyncadd.s32 $0xFFFFD800  }
0xac: {  	_ =	swait.ge [sflag:s21], $0x2800  }
0xad: {  	[sflag:s21] =	ssyncset.done $0x0  }
0xae: {  	[sflag:s21] =	ssyncadd.s32 $0xFFFFD800  }
0xaf: {  	_ =	swait.ge [sflag:s21], $0x2800  }
0xb0: {  	[sflag:s21] =	ssyncset.done $0x0  }
0xb1: {  	[sflag:s21] =	ssyncadd.s32 $0xFFFFD800  }
0xb2: {  	_ =	swait.ge [sflag:s21], $0x2800  }
0xb3: {  	[sflag:s21] =	ssyncset.done $0x0  }
0xb4: {  	[sflag:s21] =	ssyncadd.s32 $0xFFFFD800  }
0xb5: {  	_ =	swait.ge [sflag:s21], $0x2800  }
0xb6: {  	[sflag:s21] =	ssyncset.done $0x0  }
0xb7: {  	[sflag:s21] =	ssyncadd.s32 $0xFFFFD800  }
0xb8: {  	_ =	swait.ge [sflag:s21], $0x2800  }
0xb9: {  	s28 =	smov.u32 s24;
	s29 =	rddreg [dreg:$0x4];
	[sflag:s21] =	ssyncset.done $0x0  }
0xba: {  	s31 =	rddreg [dreg:$0x5];
	[sflag:s21] =	ssyncadd.s32 $0xFFFFD800;
	s29 =	sadd.s32 s28, s29  }
0xbb: {  	[hbm4b:s29+s3] =	stream.linear.scatter [tilespmem:s11], [sflag:$0x3], $0x2800, $0x38;
	[tilespmem:$0x19400] =	vst v63  }
0xbc: {  	s28 =	sadd.s32 s28, s31  }
0xbd: {  	[hbm4b:s28+s3] =	stream.linear.scatter [tilespmem:s12], [sflag:$0x3], $0x2800, $0x38;
	[tilespmem:$0x19400] =	vst v63  }
0xbe: {  	s31 =	sadd.s32 $0x500, s29  }
0xbf: {  	[hbm4b:s31+s3] =	stream.linear.scatter [tilespmem:s13], [sflag:$0x3], $0x2800, $0x38;
	[tilespmem:$0x19400] =	vst v63  }
0xc0: {  	s31 =	sadd.s32 $0x500, s28  }
0xc1: {  	[hbm4b:s31+s3] =	stream.linear.scatter [tilespmem:s14], [sflag:$0x3], $0x2800, $0x38;
	[tilespmem:$0x19400] =	vst v63  }
0xc2: {  	s31 =	sadd.s32 $0xA00, s29  }
0xc3: {  	[hbm4b:s31+s3] =	stream.linear.scatter [tilespmem:s15], [sflag:$0x3], $0x2800, $0x38;
	[tilespmem:$0x19400] =	vst v63  }
0xc4: {  	s31 =	sadd.s32 $0xA00, s28  }
0xc5: {  	[hbm4b:s31+s3] =	stream.linear.scatter [tilespmem:s16], [sflag:$0x3], $0x2800, $0x38;
	[tilespmem:$0x19400] =	vst v63  }
0xc6: {  	s31 =	sadd.s32 $0xF00, s29  }
0xc7: {  	[hbm4b:s31+s3] =	stream.linear.scatter [tilespmem:s17], [sflag:$0x3], $0x2800, $0x38;
	[tilespmem:$0x19400] =	vst v63  }
0xc8: {  	s31 =	sadd.s32 $0xF00, s28  }
0xc9: {  	[hbm4b:s31+s3] =	stream.linear.scatter [tilespmem:s18], [sflag:$0x3], $0x2800, $0x38;
	[tilespmem:$0x19400] =	vst v63  }
0xca: {  	s29 =	sadd.s32 $0x1400, s29  }
0xcb: {  	[hbm4b:s29+s3] =	stream.linear.scatter [tilespmem:s19], [sflag:$0x3], $0x2800, $0x38;
	[tilespmem:$0x19400] =	vst v63  }
0xcc: {  	s28 =	sadd.s32 $0x1400, s28  }
0xcd: {  	[hbm4b:s28+s3] =	stream.linear.scatter [tilespmem:s20], [sflag:$0x3], $0x2800, $0x38;
	[tilespmem:$0x19400] =	vst v63  }
0xce: {  	_ =	swait.ge [sflag:s22], $0x2800  }
0xcf: {  	[sflag:s22] =	ssyncset.done $0x0  }
0xd0: {  	[sflag:s22] =	ssyncadd.s32 $0xFFFFD800  }
0xd1: {  	_ =	swait.ge [sflag:s22], $0x2800  }
0xd2: {  	[sflag:s22] =	ssyncset.done $0x0  }
0xd3: {  	[sflag:s22] =	ssyncadd.s32 $0xFFFFD800  }
0xd4: {  	_ =	swait.ge [sflag:s22], $0x2800  }
0xd5: {  	[sflag:s22] =	ssyncset.done $0x0  }
0xd6: {  	[sflag:s22] =	ssyncadd.s32 $0xFFFFD800  }
0xd7: {  	_ =	swait.ge [sflag:s22], $0x2800  }
0xd8: {  	[sflag:s22] =	ssyncset.done $0x0  }
0xd9: {  	[sflag:s22] =	ssyncadd.s32 $0xFFFFD800  }
0xda: {  	_ =	swait.ge [sflag:s22], $0x2800  }
0xdb: {  	[sflag:s22] =	ssyncset.done $0x0  }
0xdc: {  	[sflag:s22] =	ssyncadd.s32 $0xFFFFD800  }
0xdd: {  	_ =	swait.ge [sflag:s22], $0x2800  }
0xde: {  	[sflag:s22] =	ssyncset.done $0x0  }
0xdf: {  	[sflag:s22] =	ssyncadd.s32 $0xFFFFD800  }
0xe0: {  	_ =	swait.ge [sflag:s22], $0x2800  }
0xe1: {  	[sflag:s22] =	ssyncset.done $0x0  }
0xe2: {  	[sflag:s22] =	ssyncadd.s32 $0xFFFFD800  }
0xe3: {  	_ =	swait.ge [sflag:s22], $0x2800  }
0xe4: {  	[sflag:s22] =	ssyncset.done $0x0  }
0xe5: {  	p0 =	sne.s32 s24, $0x25800;
	[sflag:s22] =	ssyncadd.s32 $0xFFFFD800  }
.Ltmp0:
0xe6: {  	_ =	swait.ge [sflag:s22], $0x2800;
	(pc) =	sbr.rel @p0 .LBB2_2-.Ltmp0, $4  }
0xe7: {  	[sflag:s22] =	ssyncset.done $0x0  }
0xe8: {  	[sflag:s22] =	ssyncadd.s32 $0xFFFFD800  }
0xe9: {  	_ =	swait.ge [sflag:s22], $0x2800  }
0xea: {  	s24 =	sadd.s32 $0x1900, s24;
	[sflag:s22] =	ssyncset.done $0x0  }
0xeb: {  	s23 =	sadd.s32 $0x1, s23  }
0xec: {  	p0 =	sne.s32 s23, s5  }
.Ltmp1:
0xed: {  	_ = 	snop;
	(pc) =	sbr.rel @p0 .LBB2_1-.Ltmp1, $2  }
0xee: {  	_ =	sdelay $0x2  }
0xef: {  	[sflag:s22] =	ssyncadd.s32 $0xFFFFD800  }
0xf0: {  	_ =	sfence.sel $0x180000  }
0xf1: {  	[bflag:$0x0] =	sbarrier.arrive $0xFFFF  }
0xf2: {  	p0 =	sne.s32 s0, $0x0;
	_ =	strace $0x90000047  }
0xf3: {  	s0 =	sadd.s32 @!p0 $0x100000, s2;
	[bflag:$0x2] =	sbarrier.arrive $0xFFFF  }
0xf4: {  	[sflag:s0] =	ssyncadd.tile.s32 @!p0 $0x1;
	_ =	shalt  }
.Lfunc_end2:
_tile_overlayer_lowered:
.L_overlay_start_2:
0xf5: {  	(tag) =	ssettag $0x2  }
0xf6: {  	s0 =	rddreg [dreg:$0x0];
	s2 =	stileid.u32  }
0xf7: {  	s1 =	rddreg [dreg:$0x1];
	p0 =	sne.s32 s2, $0x0  }
0xf8: {  	s3 =	rddreg [dreg:$0x2];
	[bflag:$0x3] =	sbarrier.arrive $0xFFFF;
	s2 =	simm.s32 @!p0 $0x1C04  }
0xf9: {  	[timem:s3], [sflag:s2] =	dma.local @!p0 [hbm:s0], s1  }
0xfa: {  	s0 =	simm.s32 @!p0 $0x4  }
0xfb: {  	_ =	swait.ge @!p0 [sflag:s0], s1  }
0xfc: {  	s1 =	ssub.s32 @!p0 $0x0, s1;
	[sflag:s0] =	ssyncset.done @!p0 $0x0  }
0xfd: {  	[sflag:s0] =	ssyncadd.s32 @!p0 s1  }
0xfe: {  	[bflag:$0x3] =	sbarrier.arrive $0xFFFF  }
0xff: {  	_ =	shalt  }

// kernel: kernel.18.cloned.1.call-start
scs
__scs_entry_jumppad:
0x0: {  	(pc) =	sbr.rel $0x88, $3  }
0x1: {  	(tag) =	ssettag $0x0;
	lr =	simm.s32 $0x1  }
0x2: {  	[smem:$0x3F67] =	sst lr;
	_ =	strace $0xD0000000  }
0x3: {  	_ = 	snop  }
0x4: {  	_ = 	snop  }
0x5: {  	_ = 	snop  }
0x6: {  	_ = 	snop  }
0x7: {  	_ = 	snop  }
__scs_overlays_trampoline_lowered:
0x8: {  	[smem:$0x3F76] =	sst s0  }
0x9: {  	[smem:$0x3F77] =	sst s1  }
0xa: {  	[smem:$0x3F78] =	sst s2  }
0xb: {  	[smem:$0x3F79] =	sst s3  }
0xc: {  	[smem:$0x3F7A] =	sst s4  }
0xd: {  	[smem:$0x3F7B] =	sst s5  }
0xe: {  	[smem:$0x3F7C] =	sst s6  }
0xf: {  	[smem:$0x3F7D] =	sst s7  }
0x10: {  	[smem:$0x3F7E] =	sst s8  }
0x11: {  	[smem:$0x3F7F] =	sst s9;
	s0 =	simm.s32 @!p0 $0x0  }
0x12: {  	s1 =	sld [smem:$0x3F65];
	s0 =	simm.s32 @p0 $0x1  }
0x13: {  	[smem:$0x3F80] =	sst s0;
	s0 =	simm.s32 @!p1 $0x0  }
0x14: {  	s2 =	sld [smem:$0x3F64];
	s0 =	simm.s32 @p1 $0x1  }
0x15: {  	[smem:$0x3F81] =	sst s0;
	s0 =	simm.s32 @!p2 $0x0  }
0x16: {  	s3 =	sld [smem:$0x3FDB];
	s0 =	simm.s32 @p2 $0x1  }
0x17: {  	s4 =	simm.s32 $0x1BF5;
	[smem:$0x3F83] =	sst s0  }
0x18: {  	s0 =	sld [smem:$0x3F66];
	_ =	swait.ge [sflag:s4], $0x0  }
0x19: {  	s7 =	sld [smem:$0x3F67]  }
0x1a: {  	s8 =	sadd.s32 $0xFFFFE003, lr  }
0x1b: {  	s9 =	sadd.s32 $0xFFFFFEF7, lr;
	s5 =	simm.s32 $0xFFFFFFFF;
	p2 =	slt.u32 s8, $0xFFFFF086  }
0x1c: {  	p1 =	slt.u32 s9, $0xF7A;
	s5 =	simm.s32 @!p2 $0x0  }
0x1d: {  	s5 =	simm.s32 @p1 $0x1;
	p0 =	seq.s32 s7, s2  }
0x1e: {  	s7 =	smul.u32 @!p0 $0xF7A, s2;
	p2 =	seq.s32 @!p0 s5, $0x0  }
0x1f: {  	s9 =	smul.u32 $0xF7A, s1;
	s8 =	simm.s32 @!p0 $0x1BF5;
	p2 =	por !p2, p0  }
0x20: {  	[sflag:s8] =	ssyncset.s32 @!p0 $0xFFFFF086;
	s6 =	sadd.s32 @!p0 s3, s7;
	s7 =	simm.s32 @!p0 $0x108  }
0x21: {  	s3 =	sadd.s32 s3, s9;
	s6 =	sadd.s32 @!p0 $0x88, s6;
	s7 =	simm.s32 @p2 $0x1082  }
0x22: {  	[simem:s7], [sflag:s8] =	dma.local @!p0 [hbm:s6], $0xF7A  }
0x23: {  	s9 =	sor.u32 $0xD0000000, s2;
	s6 =	simm.s32 $0x108;
	_ =	swait.ge @!p0 [sflag:s8], $0x0  }
0x24: {  	s3 =	sadd.s32 $0x88, s3;
	s6 =	simm.s32 @!p1 $0x1082;
	[sflag:s4] =	ssyncset.s32 $0xFFFFF086  }
0x25: {  	[simem:s6], [sflag:s4] =	dma.local [hbm:s3], $0xF7A  }
0x26: {  	[smem:$0x3F67] =	sst s1;
	(tag) =	ssettag s2;
	_ =	strace s9  }
0x27: {  	s1 =	sld [smem:$0x3F77]  }
0x28: {  	s2 =	sld [smem:$0x3F78]  }
0x29: {  	s4 =	sld [smem:$0x3F7A]  }
0x2a: {  	p0 =	seq.s32 s5, $0x0;
	s5 =	sld [smem:$0x3F7B]  }
0x2b: {  	s6 =	sld [smem:$0x3F7C]  }
0x2c: {  	s7 =	sld [smem:$0x3F7D]  }
0x2d: {  	s3 =	simm.s32 $0x108;
	s8 =	sld [smem:$0x3F7E]  }
0x2e: {  	s3 =	simm.s32 @!p0 $0x1082;
	s9 =	sld [smem:$0x3F7F]  }
0x2f: {  	lr =	sadd.s32 s0, s3;
	s0 =	sld [smem:$0x3F76]  }
0x30: {  	s3 =	sld [smem:$0x3F79]  }
0x31: {  	[smem:$0x3F82] =	sst s10  }
0x32: {  	s10 =	sld [smem:$0x3F80];
	_ =	sdelay $0x3  }
0x33: {  	p0 =	seq.s32 s10, $0x1;
	s10 =	sld [smem:$0x3F82];
	_ =	sdelay $0x3  }
0x34: {  	[smem:$0x3F82] =	sst s10  }
0x35: {  	s10 =	sld [smem:$0x3F81];
	_ =	sdelay $0x3  }
0x36: {  	p1 =	seq.s32 s10, $0x1;
	s10 =	sld [smem:$0x3F82];
	_ =	sdelay $0x3  }
0x37: {  	[smem:$0x3F82] =	sst s10  }
0x38: {  	s10 =	sld [smem:$0x3F83]  }
0x39: {  	_ = 	snop;
	(pc) =	sbr.ind lr, $3  }
0x3a: {  	_ = 	snop  }
0x3b: {  	_ = 	snop  }
0x3c: {  	p2 =	seq.s32 s10, $0x1;
	s10 =	sld [smem:$0x3F82]  }
0x3d: {  	_ =	shalt  }
0x3e: {  	_ =	shalt  }
0x3f: {  	_ =	shalt  }
0x40: {  	_ =	shalt  }
0x41: {  	_ =	shalt  }
0x42: {  	_ =	shalt  }
0x43: {  	_ =	shalt  }
0x44: {  	_ =	shalt  }
0x45: {  	_ =	shalt  }
0x46: {  	_ =	shalt  }
0x47: {  	_ =	shalt  }
0x48: {  	_ =	shalt  }
0x49: {  	_ =	shalt  }
0x4a: {  	_ =	shalt  }
0x4b: {  	_ =	shalt  }
0x4c: {  	_ =	shalt  }
0x4d: {  	_ =	shalt  }
0x4e: {  	_ =	shalt  }
0x4f: {  	_ =	shalt  }
0x50: {  	_ =	shalt  }
0x51: {  	_ =	shalt  }
0x52: {  	_ =	shalt  }
0x53: {  	_ =	shalt  }
0x54: {  	_ =	shalt  }
0x55: {  	_ =	shalt  }
0x56: {  	_ =	shalt  }
0x57: {  	_ =	shalt  }
0x58: {  	_ =	shalt  }
0x59: {  	_ =	shalt  }
0x5a: {  	_ =	shalt  }
0x5b: {  	_ =	shalt  }
0x5c: {  	_ =	shalt  }
0x5d: {  	_ =	shalt  }
0x5e: {  	_ =	shalt  }
0x5f: {  	_ =	shalt  }
0x60: {  	_ =	shalt  }
0x61: {  	_ =	shalt  }
0x62: {  	_ =	shalt  }
0x63: {  	_ =	shalt  }
0x64: {  	_ =	shalt  }
0x65: {  	_ =	shalt  }
0x66: {  	_ =	shalt  }
0x67: {  	_ =	shalt  }
0x68: {  	_ =	shalt  }
0x69: {  	_ =	shalt  }
0x6a: {  	_ =	shalt  }
0x6b: {  	_ =	shalt  }
0x6c: {  	_ =	shalt  }
0x6d: {  	_ =	shalt  }
0x6e: {  	_ =	shalt  }
0x6f: {  	_ =	shalt  }
0x70: {  	_ =	shalt  }
0x71: {  	_ =	shalt  }
0x72: {  	_ =	shalt  }
0x73: {  	_ =	shalt  }
0x74: {  	_ =	shalt  }
0x75: {  	_ =	shalt  }
0x76: {  	_ =	shalt  }
0x77: {  	_ =	shalt  }
0x78: {  	_ =	shalt  }
0x79: {  	_ =	shalt  }
0x7a: {  	_ =	shalt  }
0x7b: {  	_ =	shalt  }
0x7c: {  	_ =	shalt  }
0x7d: {  	_ =	shalt  }
0x7e: {  	_ =	shalt  }
0x7f: {  	_ =	shalt  }
0x80: {  	_ =	shalt  }
0x81: {  	_ =	shalt  }
0x82: {  	_ =	shalt  }
0x83: {  	_ =	shalt  }
0x84: {  	_ =	shalt  }
0x85: {  	_ =	shalt  }
0x86: {  	_ =	shalt  }
0x87: {  	_ =	shalt  }
.Lfunc_end0:
.L_simem_size_0:
called_computation.1_lowered:
.L_overlay_start_0:
0x88: {  	s2 =	sld [smem:$0x3FD9]  }
0x89: {  	s3 =	sld [smem:$0x3FFE];
	_ =	sdelay $0x1  }
0x8a: {  	s1 =	srdreg.scid  }
0x8b: {  	s0 =	sand.u32 $0x1, s1  }
0x8c: {  	s14 =	sshll.u32 s0, $0xA;
	s2 =	sadd.s32 s3, s2  }
0x8d: {  	s2 =	sadd.s32 s2, s14  }
0x8e: {  	[smem:$0x3F8E] =	sst s2  }
0x8f: {  	_ = 	snop  }
0x90: {  	s2 =	sld [smem:$0x3FD0];
	_ =	sdelay $0x2  }
0x91: {  	s15 =	simm.s32 $0xA;
	s4 =	simm.s32 $0x10  }
0x92: {  	[smem:s4], [sflag:s15] =	dma.local [hbm:s2], $0x1  }
0x93: {  	_ =	swait.eq [sflag:s15], $0x1  }
0x94: {  	[sflag:s15] =	ssyncset.done $0x0  }
0x95: {  	[sflag:s15] =	ssyncadd.s32 $0xFFFFFFFF  }
0x96: {  	s16 =	sld [smem:$0x14];
	(tm) =	ssettm $0x1  }
0x97: {  	s17 =	sld [smem:$0x3FFB];
	_ =	sdelay $0x3  }
0x98: {  	_ =	strace s17  }
0x99: {  	s3 =	sld [smem:$0x3FFC];
	_ =	sdelay $0x3  }
0x9a: {  	_ =	strace s3  }
0x9b: {  	s3 =	sld [smem:$0x3FFD];
	_ =	sdelay $0x3  }
0x9c: {  	_ =	strace s3  }
0x9d: {  	_ =	strace $0x8FFFFFFF  }
0x9e: {  	s18 =	sld [smem:$0x3FDB];
	_ =	sdelay $0x1  }
0x9f: {  	s19 =	simm.s32 $_scs_section_size  }
0xa0: {  	s5 =	simm.s32 $_size__tile_overlayer_lowered;
	s6 =	simm.s32 $_tile_overlayer_lowered  }
0xa1: {  	s22 =	simm.s32 $0x1BFF;
	s21 =	sshll.u32 s6, $0x1;
	s3 =	sadd.s32 s19, s18  }
0xa2: {  	s7 =	simm.s32 $0x0;
	s20 =	sshll.u32 s5, $0x1;
	s5 =	sadd.s32 s21, s3  }
0xa3: {  	[timem:s7], [sflag:s22] =	dma.local [hbm:s5], s20  }
0xa4: {  	_ =	swait.ge [sflag:s22], s20  }
0xa5: {  	s4 =	ssub.s32 $0x0, s20;
	[sflag:s22] =	ssyncset.done $0x0  }
0xa6: {  	[sflag:s22] =	ssyncadd.s32 s4;
	_ =	sdelay $0x1  }
0xa7: {  	s23 =	simm.s32 $0x1B8B  }
0xa8: {  	_ =	swait.ge [sflag:s23], $0x1  }
0xa9: {  	[sflag:s23] =	ssyncset.done $0x0  }
0xaa: {  	s25 =	simm.s32 $0x1B8E;
	s24 =	sld [smem:$0x3FFE];
	[sflag:s23] =	ssyncadd.s32 $0xFFFFFFFF  }
0xab: {  	s26 =	simm.s32 $execute0_lowered;
	[smem:$0x3FD2] =	sst s25  }
0xac: {  	s5 =	sshll.u32 s26, $0x1;
	_ =	strace $0x80000049;
	[dreg:$0x1] =	wrdreg $0xFFFFFFFF  }
0xad: {  	s28 =	simm.s32 $_size_execute0_lowered;
	s3 =	sadd.s32 s3, s5;
	[dreg:$0x0] =	wrdreg $0x0  }
0xae: {  	s5 =	sshll.u32 s28, $0x1;
	[dreg:$0x2] =	wrdreg s3  }
0xaf: {  	[dreg:$0x3] =	wrdreg s5  }
0xb0: {  	[dreg:$0x4] =	wrdreg $0xC0  }
0xb1: {  	_ =	task [dreg:s7], $0x5FFFF  }
0xb2: {  	[dreg:$0x1] =	wrdreg $0xFFFFFFFF  }
0xb3: {  	[dreg:$0x0] =	wrdreg $0x60  }
0xb4: {  	[dreg:$0x2] =	wrdreg s24  }
0xb5: {  	[dreg:$0x3] =	wrdreg s16  }
0xb6: {  	[dreg:$0x4] =	wrdreg $0x66800  }
0xb7: {  	[dreg:$0x5] =	wrdreg $0x9  }
0xb8: {  	_ =	task.clear_ibuf [dreg:s7], $0x6FFFF;
	_ =	strace $0x90000049  }
0xb9: {  	s29 =	simm.s32 $0x9;
	_ =	strace $0x8000004B  }
0xba: {  	_ =	swait.ge [sflag:s29], $0x1  }
0xbb: {  	[sflag:s29] =	ssyncadd.s32 $0xFFFFFFFF  }
0xbc: {  	_ =	strace $0x9000004B  }
0xbd: {  	_ =	sfence  }
0xbe: {  	s30 =	sld [smem:$0x0];
	_ =	sdelay $0x2  }
0xbf: {  	s31 =	sshll.u32 s1, $0xD;
	s1 =	sshrl.u32 s1, $0x2  }
0xc0: {  	s3 =	sand.u32 $0x4000, s31;
	s1 =	sadd.s32 s1, s30  }
0xc1: {  	s0 =	sor.u32 s3, s0;
	s1 =	sshll.u32 s1, $0x11  }
0xc2: {  	s0 =	sor.u32 s1, s0  }
0xc3: {  	s0 =	sadd.s32 $0x8F2B, s0  }
0xc4: {  	[sflag:s0] =	ssyncadd.remote.s32 $0x1  }
0xc5: {  	_ =	sfence.sel $0xFFFF  }
0xc6: {  	[dreg:$0x0] =	wrdreg $0xFFFFFFFF;
	(pc) =	sbr.abs _section_cstart, $3  }
0xc7: {  	[dreg:$0x1] =	wrdreg $0xFFFFFFFF  }
0xc8: {  	_ =	task.clear_ibuf [dreg:s7], $0x2FFFF;
	_ =	strace $0x9FFFFFFF  }
0xc9: {  	(tm) =	ssettm $0x7FFFFFFF  }
tec
execute0_lowered:
.L_overlay_start_1:
0x0: {  	(tag) =	ssettag $0x1  }
0x1: {  	s0 =	rddreg [dreg:$0x0];
	s12 =	stileid.u32  }
0x2: {  	s1 =	rddreg [dreg:$0x1];
	s4 =	smul.u32 $0x4E200, s12  }
0x3: {  	s2 =	rddreg [dreg:$0x2];
	s6 =	smul.u32 $0x14000, s12  }
0x4: {  	s3 =	simm.s32 $0x0;
	s5 =	srdreg.scid;
	s9 =	smul.u32 $0x50000, s12  }
0x5: {  	s28 =	simm.s32 $0x2;
	s7 =	sand.u32 $0x1, s5;
	s19 =	smul.u32 $0x4E20, s12  }
0x6: {  	s29 =	simm.s32 $0x0;
	[smem:$0x7FF] =	sst s3;
	s10 =	smul.u32 $0x140000, s7  }
0x7: {  	s13 =	sadd.s32 $0x10400, s0;
	s20 =	sshll.u32 s12, $0x6;
	s21 =	smul.u32 $0x2710, s7  }
0x8: {  	_ =	strace $0x8000004A;
	s5 =	ssub.s32 $0x2, s7;
	s23 =	smul.u32 $0x27100, s7  }
0x9: {  	s8 =	sadd.s32 s4, s0;
	s16 =	sshrl.u32 s6, $0x3;
	s17 =	sshrl.u32 s5, $0x1  }
0xa: {  	s18 =	sshrl.u32 s9, $0x2;
	s0 =	sadd.s32 s16, s0;
	s11 =	ssub.s32 s5, s17  }
0xb: {  	s14 =	sadd.s32 s18, s2;
	s5 =	sor.u32 $0x1C03, s20;
	s22 =	sadd.s32 s6, s10  }
0xc: {  	s12 =	sadd.s32 s21, s19;
	s25 =	sadd.s32 s23, s8;
	s16 =	simm.s32 $0x80  }
0xd: {  	s17 =	simm.s32 $0x100;
	s18 =	simm.s32 $0x180;
	s19 =	simm.s32 $0x200  }
0xe: {  	s20 =	simm.s32 $0x280;
	s21 =	simm.s32 $0x1;
	s23 =	simm.s32 $0x1680  }
0xf: {  	s0 =	sadd.s32 $0x1AA00, s0;
	s7 =	smax.u32 s11, $0x1;
	s24 =	sadd.s32 $0xA0, s12  }
0x10: {  	s9 =	sshrl.u32 s12, $0x3;
	s8 =	sadd.s32 $0xEE8800, s25;
	s26 =	sadd.s32 $0x78, s12  }
0x11: {  	s30 =	sadd.s32 $0x50, s12;
	s31 =	sadd.s32 $0x28, s12;
	s14 =	sshrl.u32 s14, $0x3  }
0x12: {  	s25 =	simm.s32 $0x3E80;
	[dreg:$0x4] =	wrdreg s0;
	s0 =	sshrl.u32 s22, $0x3  }
0x13: {  	s9 =	sadd.s32 s9, s13;
	s15 =	sshrl.u32 s31, $0x3;
	s0 =	sadd.s32 s1, s0  }
0x14: {  	s22 =	simm.s32 $0x28;
	s1 =	sshrl.u32 s30, $0x3;
	[dreg:$0x5] =	wrdreg s0  }
0x15: {  	s0 =	sshrl.u32 s24, $0x3;
	s12 =	sadd.s32 s1, s13;
	s24 =	simm.s32 $0x2A80  }
0x16: {  	s10 =	sadd.s32 s0, s13;
	s0 =	sshrl.u32 s26, $0x3;
	s26 =	simm.s32 $0x5280  }
0x17: {  	s11 =	sadd.s32 s0, s13;
	s13 =	sadd.s32 s15, s13;
	s15 =	simm.s32 $0x3  }
.LBB2_1:
0x18: {  	s0 =	rddreg [dreg:$0x4]  }
0x19: {  	[spmem:s14], [sflag:s5] =	dma.local [hbm:s0], $0x2800  }
0x1a: {  	_ =	swait.ge [sflag:s15], $0x2800  }
0x1b: {  	[sflag:s15] =	ssyncset.done $0x0  }
0x1c: {  	[sflag:s15] =	ssyncadd.s32 $0xFFFFD800  }
0x1d: {  	s4 =	sadd.s32 $0x0, s9;
	[bflag:$0x0] =	sbarrier.arrive $0xFFFF  }
0x1e: {  	[tilespmem:s3], [sflag:$0x1] =	stream.linear.gather [hbm4b:s4+s3], $0x28, $0x38;
	[tilespmem:$0x1A680] =	vst v63  }
0x1f: {  	s6 =	sadd.s32 $0x0, s13  }
0x20: {  	[tilespmem:s16], [sflag:$0x1] =	stream.linear.gather [hbm4b:s6+s3], $0x28, $0x38;
	[tilespmem:$0x1A680] =	vst v63  }
0x21: {  	s1 =	sadd.s32 $0x0, s12  }
0x22: {  	[tilespmem:s17], [sflag:$0x1] =	stream.linear.gather [hbm4b:s1+s3], $0x28, $0x38;
	[tilespmem:$0x1A680] =	vst v63  }
0x23: {  	s4 =	sadd.s32 $0x0, s11  }
0x24: {  	[tilespmem:s18], [sflag:$0x1] =	stream.linear.gather [hbm4b:s4+s3], $0x28, $0x38;
	[tilespmem:$0x1A680] =	vst v63  }
0x25: {  	s6 =	sadd.s32 $0x0, s10  }
0x26: {  	[tilespmem:s19], [sflag:$0x1] =	stream.linear.gather [hbm4b:s6+s3], $0x28, $0x38;
	[tilespmem:$0x1A680] =	vst v63  }
0x27: {  	_ = 	snop  }
0x28: {  	[tilespmem:s20], [sflag:$0x3] =	stream.linear.gather [hbm4b:s8+s3], $0x6400, $0x38;
	[tilespmem:$0x1A680] =	vst v63  }
0x29: {  	_ =	swait.ge [sflag:s15], $0x6400  }
0x2a: {  	[sflag:s15] =	ssyncset.done $0x0  }
0x2b: {  	[sflag:s15] =	ssyncadd.s32 $0xFFFF9C00  }
0x2c: {  	_ =	swait.ge [sflag:s21], $0x28  }
0x2d: {  	[sflag:s21] =	ssyncset.done $0x0  }
0x2e: {  	[sflag:s21] =	ssyncadd.s32 $0xFFFFFFD8  }
0x2f: {  	_ =	swait.ge [sflag:s21], $0x28  }
0x30: {  	[sflag:s21] =	ssyncset.done $0x0  }
0x31: {  	[sflag:s21] =	ssyncadd.s32 $0xFFFFFFD8  }
0x32: {  	_ =	swait.ge [sflag:s21], $0x28  }
0x33: {  	[sflag:s21] =	ssyncset.done $0x0  }
0x34: {  	[sflag:s21] =	ssyncadd.s32 $0xFFFFFFD8  }
0x35: {  	_ =	swait.ge [sflag:s21], $0x28  }
0x36: {  	[sflag:s21] =	ssyncset.done $0x0  }
0x37: {  	[sflag:s21] =	ssyncadd.s32 $0xFFFFFFD8  }
0x38: {  	_ =	swait.ge [sflag:s21], $0x28  }
0x39: {  	[sflag:s21] =	ssyncset.done $0x0  }
0x3a: {  	[sflag:s21] =	ssyncadd.s32 $0xFFFFFFD8  }
0x3b: {  	[spmem:s2] =	stream.indirect.scatter.add.f32 [tilespmem:s20], [sflag:$0x2], $0x80, s3, s22, $0xb8;
	[tilespmem:$0x1A680] =	vst v63  }
0x3c: {  	_ = 	snop  }
0x3d: {  	[spmem:s2] =	stream.indirect.scatter.add.f32 [tilespmem:s23], [sflag:$0x2], $0x80, s16, s22, $0xb8;
	[tilespmem:$0x1A680] =	vst v63  }
0x3e: {  	_ = 	snop  }
0x3f: {  	[spmem:s2] =	stream.indirect.scatter.add.f32 [tilespmem:s24], [sflag:$0x2], $0x80, s17, s22, $0xb8;
	[tilespmem:$0x1A680] =	vst v63  }
0x40: {  	_ = 	snop  }
0x41: {  	[spmem:s2] =	stream.indirect.scatter.add.f32 [tilespmem:s25], [sflag:$0x2], $0x80, s18, s22, $0xb8;
	[tilespmem:$0x1A680] =	vst v63  }
0x42: {  	_ = 	snop  }
0x43: {  	[spmem:s2] =	stream.indirect.scatter.add.f32 [tilespmem:s26], [sflag:$0x2], $0x80, s19, s22, $0xb8;
	[tilespmem:$0x1A680] =	vst v63  }
0x44: {  	_ =	swait.ge [sflag:s28], $0x1400  }
0x45: {  	[sflag:s28] =	ssyncset.done $0x0  }
0x46: {  	[sflag:s28] =	ssyncadd.s32 $0xFFFFEC00  }
0x47: {  	_ =	swait.ge [sflag:s28], $0x1400  }
0x48: {  	[sflag:s28] =	ssyncset.done $0x0  }
0x49: {  	[sflag:s28] =	ssyncadd.s32 $0xFFFFEC00  }
0x4a: {  	_ =	swait.ge [sflag:s28], $0x1400  }
0x4b: {  	[sflag:s28] =	ssyncset.done $0x0  }
0x4c: {  	[sflag:s28] =	ssyncadd.s32 $0xFFFFEC00  }
0x4d: {  	_ =	swait.ge [sflag:s28], $0x1400  }
0x4e: {  	[sflag:s28] =	ssyncset.done $0x0  }
0x4f: {  	[sflag:s28] =	ssyncadd.s32 $0xFFFFEC00  }
0x50: {  	s30 =	simm.s32 $0x19;
	_ =	swait.ge [sflag:s28], $0x1400  }
0x51: {  	s31 =	sadd.s32 $0xC80, s8;
	s0 =	simm.s32 $0x32;
	[sflag:s28] =	ssyncset.done $0x0  }
.LBB2_2:
0x52: {  	s4 =	sadd.s32 s30, s9  }
0x53: {  	[sflag:s28] =	ssyncadd.s32 $0xFFFFEC00;
	s6 =	smov.u32 s0;
	s1 =	sadd.s32 $0x19, s0  }
0x54: {  	[tilespmem:s3], [sflag:$0x1] =	stream.linear.gather [hbm4b:s4+s3], $0x28, $0x38;
	[tilespmem:$0x1A680] =	vst v63  }
0x55: {  	p0 =	sne.s32 s0, $0x4C9;
	s0 =	sadd.s32 s30, s13  }
0x56: {  	[tilespmem:s16], [sflag:$0x1] =	stream.linear.gather [hbm4b:s0+s3], $0x28, $0x38;
	[tilespmem:$0x1A680] =	vst v63  }
0x57: {  	s0 =	sadd.s32 s30, s12  }
0x58: {  	[tilespmem:s17], [sflag:$0x1] =	stream.linear.gather [hbm4b:s0+s3], $0x28, $0x38;
	[tilespmem:$0x1A680] =	vst v63  }
0x59: {  	s0 =	sadd.s32 s30, s11  }
0x5a: {  	[tilespmem:s18], [sflag:$0x1] =	stream.linear.gather [hbm4b:s0+s3], $0x28, $0x38;
	[tilespmem:$0x1A680] =	vst v63  }
0x5b: {  	s0 =	sadd.s32 s30, s10;
	s30 =	smov.u32 s6  }
0x5c: {  	[tilespmem:s19], [sflag:$0x1] =	stream.linear.gather [hbm4b:s0+s3], $0x28, $0x38;
	[tilespmem:$0x1A680] =	vst v63  }
0x5d: {  	_ = 	snop  }
0x5e: {  	[tilespmem:s20], [sflag:$0x3] =	stream.linear.gather [hbm4b:s31+s3], $0x6400, $0x38;
	[tilespmem:$0x1A680] =	vst v63  }
0x5f: {  	_ =	swait.ge [sflag:s15], $0x6400  }
0x60: {  	[sflag:s15] =	ssyncset.done $0x0  }
0x61: {  	[sflag:s15] =	ssyncadd.s32 $0xFFFF9C00  }
0x62: {  	_ =	swait.ge [sflag:s21], $0x28  }
0x63: {  	[sflag:s21] =	ssyncset.done $0x0  }
0x64: {  	[sflag:s21] =	ssyncadd.s32 $0xFFFFFFD8  }
0x65: {  	_ =	swait.ge [sflag:s21], $0x28  }
0x66: {  	[sflag:s21] =	ssyncset.done $0x0  }
0x67: {  	[sflag:s21] =	ssyncadd.s32 $0xFFFFFFD8  }
0x68: {  	_ =	swait.ge [sflag:s21], $0x28  }
0x69: {  	[sflag:s21] =	ssyncset.done $0x0  }
0x6a: {  	[sflag:s21] =	ssyncadd.s32 $0xFFFFFFD8  }
0x6b: {  	_ =	swait.ge [sflag:s21], $0x28  }
0x6c: {  	[sflag:s21] =	ssyncset.done $0x0  }
0x6d: {  	[sflag:s21] =	ssyncadd.s32 $0xFFFFFFD8  }
0x6e: {  	_ =	swait.ge [sflag:s21], $0x28  }
0x6f: {  	[sflag:s21] =	ssyncset.done $0x0  }
0x70: {  	[sflag:s21] =	ssyncadd.s32 $0xFFFFFFD8  }
0x71: {  	[spmem:s2] =	stream.indirect.scatter.add.f32 [tilespmem:s20], [sflag:$0x2], $0x80, s3, s22, $0xb8;
	[tilespmem:$0x1A680] =	vst v63  }
0x72: {  	_ = 	snop  }
0x73: {  	[spmem:s2] =	stream.indirect.scatter.add.f32 [tilespmem:s23], [sflag:$0x2], $0x80, s16, s22, $0xb8;
	[tilespmem:$0x1A680] =	vst v63  }
0x74: {  	_ = 	snop  }
0x75: {  	[spmem:s2] =	stream.indirect.scatter.add.f32 [tilespmem:s24], [sflag:$0x2], $0x80, s17, s22, $0xb8;
	[tilespmem:$0x1A680] =	vst v63  }
0x76: {  	_ = 	snop  }
0x77: {  	[spmem:s2] =	stream.indirect.scatter.add.f32 [tilespmem:s25], [sflag:$0x2], $0x80, s18, s22, $0xb8;
	[tilespmem:$0x1A680] =	vst v63  }
0x78: {  	_ = 	snop  }
0x79: {  	[spmem:s2] =	stream.indirect.scatter.add.f32 [tilespmem:s26], [sflag:$0x2], $0x80, s19, s22, $0xb8;
	[tilespmem:$0x1A680] =	vst v63  }
0x7a: {  	_ =	swait.ge [sflag:s28], $0x1400  }
0x7b: {  	[sflag:s28] =	ssyncset.done $0x0  }
0x7c: {  	[sflag:s28] =	ssyncadd.s32 $0xFFFFEC00  }
0x7d: {  	_ =	swait.ge [sflag:s28], $0x1400  }
0x7e: {  	[sflag:s28] =	ssyncset.done $0x0  }
0x7f: {  	[sflag:s28] =	ssyncadd.s32 $0xFFFFEC00  }
0x80: {  	_ =	swait.ge [sflag:s28], $0x1400  }
0x81: {  	[sflag:s28] =	ssyncset.done $0x0  }
0x82: {  	[sflag:s28] =	ssyncadd.s32 $0xFFFFEC00  }
.Ltmp0:
0x83: {  	_ =	swait.ge [sflag:s28], $0x1400;
	(pc) =	sbr.rel @p0 .LBB2_2-.Ltmp0, $4  }
0x84: {  	[sflag:s28] =	ssyncset.done $0x0  }
0x85: {  	[sflag:s28] =	ssyncadd.s32 $0xFFFFEC00  }
0x86: {  	_ =	swait.ge [sflag:s28], $0x1400  }
0x87: {  	s0 =	smov.u32 s1;
	s31 =	sadd.s32 $0xC80, s31;
	[sflag:s28] =	ssyncset.done $0x0  }
0x88: {  	s0 =	sadd.s32 s30, s9;
	[sflag:s28] =	ssyncadd.s32 $0xFFFFEC00  }
0x89: {  	[tilespmem:s3], [sflag:$0x1] =	stream.linear.gather [hbm4b:s0+s3], $0x28, $0x38;
	[tilespmem:$0x1A680] =	vst v63  }
0x8a: {  	s1 =	sadd.s32 s30, s13  }
0x8b: {  	[tilespmem:s16], [sflag:$0x1] =	stream.linear.gather [hbm4b:s1+s3], $0x28, $0x38;
	[tilespmem:$0x1A680] =	vst v63  }
0x8c: {  	s4 =	sadd.s32 s30, s12  }
0x8d: {  	[tilespmem:s17], [sflag:$0x1] =	stream.linear.gather [hbm4b:s4+s3], $0x28, $0x38;
	[tilespmem:$0x1A680] =	vst v63  }
0x8e: {  	s6 =	sadd.s32 s30, s11  }
0x8f: {  	[tilespmem:s18], [sflag:$0x1] =	stream.linear.gather [hbm4b:s6+s3], $0x28, $0x38;
	[tilespmem:$0x1A680] =	vst v63  }
0x90: {  	s30 =	sadd.s32 s30, s10  }
0x91: {  	[tilespmem:s19], [sflag:$0x1] =	stream.linear.gather [hbm4b:s30+s3], $0x28, $0x38;
	[tilespmem:$0x1A680] =	vst v63  }
0x92: {  	_ = 	snop  }
0x93: {  	[tilespmem:s20], [sflag:$0x3] =	stream.linear.gather [hbm4b:s31+s3], $0x6400, $0x38;
	[tilespmem:$0x1A680] =	vst v63  }
0x94: {  	_ =	swait.ge [sflag:s15], $0x6400  }
0x95: {  	[sflag:s15] =	ssyncset.done $0x0  }
0x96: {  	[sflag:s15] =	ssyncadd.s32 $0xFFFF9C00  }
0x97: {  	_ =	swait.ge [sflag:s21], $0x28  }
0x98: {  	[sflag:s21] =	ssyncset.done $0x0  }
0x99: {  	[sflag:s21] =	ssyncadd.s32 $0xFFFFFFD8  }
0x9a: {  	_ =	swait.ge [sflag:s21], $0x28  }
0x9b: {  	[sflag:s21] =	ssyncset.done $0x0  }
0x9c: {  	[sflag:s21] =	ssyncadd.s32 $0xFFFFFFD8  }
0x9d: {  	_ =	swait.ge [sflag:s21], $0x28  }
0x9e: {  	[sflag:s21] =	ssyncset.done $0x0  }
0x9f: {  	[sflag:s21] =	ssyncadd.s32 $0xFFFFFFD8  }
0xa0: {  	_ =	swait.ge [sflag:s21], $0x28  }
0xa1: {  	[sflag:s21] =	ssyncset.done $0x0  }
0xa2: {  	[sflag:s21] =	ssyncadd.s32 $0xFFFFFFD8  }
0xa3: {  	_ =	swait.ge [sflag:s21], $0x28  }
0xa4: {  	[sflag:s21] =	ssyncset.done $0x0  }
0xa5: {  	[sflag:s21] =	ssyncadd.s32 $0xFFFFFFD8  }
0xa6: {  	[spmem:s2] =	stream.indirect.scatter.add.f32 [tilespmem:s20], [sflag:$0x2], $0x80, s3, s22, $0xb8;
	[tilespmem:$0x1A680] =	vst v63  }
0xa7: {  	_ = 	snop  }
0xa8: {  	[spmem:s2] =	stream.indirect.scatter.add.f32 [tilespmem:s23], [sflag:$0x2], $0x80, s16, s22, $0xb8;
	[tilespmem:$0x1A680] =	vst v63  }
0xa9: {  	_ = 	snop  }
0xaa: {  	[spmem:s2] =	stream.indirect.scatter.add.f32 [tilespmem:s24], [sflag:$0x2], $0x80, s17, s22, $0xb8;
	[tilespmem:$0x1A680] =	vst v63  }
0xab: {  	_ = 	snop  }
0xac: {  	[spmem:s2] =	stream.indirect.scatter.add.f32 [tilespmem:s25], [sflag:$0x2], $0x80, s18, s22, $0xb8;
	[tilespmem:$0x1A680] =	vst v63  }
0xad: {  	_ = 	snop  }
0xae: {  	[spmem:s2] =	stream.indirect.scatter.add.f32 [tilespmem:s26], [sflag:$0x2], $0x80, s19, s22, $0xb8;
	[tilespmem:$0x1A680] =	vst v63  }
0xaf: {  	_ =	swait.ge [sflag:s28], $0x1400  }
0xb0: {  	[sflag:s28] =	ssyncset.done $0x0  }
0xb1: {  	[sflag:s28] =	ssyncadd.s32 $0xFFFFEC00  }
0xb2: {  	_ =	swait.ge [sflag:s28], $0x1400  }
0xb3: {  	[sflag:s28] =	ssyncset.done $0x0  }
0xb4: {  	[sflag:s28] =	ssyncadd.s32 $0xFFFFEC00  }
0xb5: {  	_ =	swait.ge [sflag:s28], $0x1400  }
0xb6: {  	[sflag:s28] =	ssyncset.done $0x0  }
0xb7: {  	[sflag:s28] =	ssyncadd.s32 $0xFFFFEC00  }
0xb8: {  	_ =	swait.ge [sflag:s28], $0x1400  }
0xb9: {  	[sflag:s28] =	ssyncset.done $0x0  }
0xba: {  	[sflag:s28] =	ssyncadd.s32 $0xFFFFEC00  }
0xbb: {  	_ =	swait.ge [sflag:s28], $0x1400  }
0xbc: {  	[sflag:s28] =	ssyncset.done $0x0  }
0xbd: {  	s29 =	sadd.s32 $0x1, s29;
	[sflag:s28] =	ssyncadd.s32 $0xFFFFEC00  }
0xbe: {  	p0 =	sne.s32 s29, s7;
	[bflag:$0x0] =	sbarrier.arrive $0xFFFF  }
.Ltmp1:
0xbf: {  	s31 =	rddreg [dreg:$0x5];
	(pc) =	sbr.rel @p0 .LBB2_1-.Ltmp1, $4  }
0xc0: {  	[hbm:s31], [sflag:s5] =	dma.local [spmem:s14], $0x2800  }
0xc1: {  	_ =	swait.ge [sflag:s15], $0x2800  }
0xc2: {  	[sflag:s15] =	ssyncset.done $0x0  }
0xc3: {  	[sflag:s15] =	ssyncadd.s32 $0xFFFFD800  }
0xc4: {  	_ =	sfence.sel $0x180000  }
0xc5: {  	[bflag:$0x0] =	sbarrier.arrive $0xFFFF  }
0xc6: {  	_ =	strace $0x9000004A  }
0xc7: {  	s0 =	stileid.u32;
	[bflag:$0x2] =	sbarrier.arrive $0xFFFF  }
0xc8: {  	p0 =	sne.s32 s0, $0x0;
	s0 =	rddreg [dreg:$0x3]  }
0xc9: {  	s0 =	sadd.s32 @!p0 $0x100000, s0  }
0xca: {  	[sflag:s0] =	ssyncadd.tile.s32 @!p0 $0x1;
	_ =	shalt  }
.Lfunc_end2:
_tile_overlayer_lowered:
.L_overlay_start_2:
0xcb: {  	(tag) =	ssettag $0x2  }
0xcc: {  	s0 =	rddreg [dreg:$0x0];
	s2 =	stileid.u32  }
0xcd: {  	s1 =	rddreg [dreg:$0x1];
	p0 =	sne.s32 s2, $0x0  }
0xce: {  	s3 =	rddreg [dreg:$0x2];
	[bflag:$0x3] =	sbarrier.arrive $0xFFFF;
	s2 =	simm.s32 @!p0 $0x1C03  }
0xcf: {  	[timem:s3], [sflag:s2] =	dma.local @!p0 [hbm:s0], s1  }
0xd0: {  	s0 =	simm.s32 @!p0 $0x3  }
0xd1: {  	_ =	swait.ge @!p0 [sflag:s0], s1  }
0xd2: {  	s1 =	ssub.s32 @!p0 $0x0, s1;
	[sflag:s0] =	ssyncset.done @!p0 $0x0  }
0xd3: {  	[sflag:s0] =	ssyncadd.s32 @!p0 s1  }
0xd4: {  	[bflag:$0x3] =	sbarrier.arrive $0xFFFF  }
0xd5: {  	_ =	shalt  }

// kernel: kernel.21.cloned.1.call-start
scs
__scs_entry_jumppad:
0x0: {  	(pc) =	sbr.rel $0x88, $3  }
0x1: {  	(tag) =	ssettag $0x0;
	lr =	simm.s32 $0x1  }
0x2: {  	[smem:$0x3F67] =	sst lr;
	_ =	strace $0xD0000000  }
0x3: {  	_ = 	snop  }
0x4: {  	_ = 	snop  }
0x5: {  	_ = 	snop  }
0x6: {  	_ = 	snop  }
0x7: {  	_ = 	snop  }
__scs_overlays_trampoline_lowered:
0x8: {  	[smem:$0x3F76] =	sst s0  }
0x9: {  	[smem:$0x3F77] =	sst s1  }
0xa: {  	[smem:$0x3F78] =	sst s2  }
0xb: {  	[smem:$0x3F79] =	sst s3  }
0xc: {  	[smem:$0x3F7A] =	sst s4  }
0xd: {  	[smem:$0x3F7B] =	sst s5  }
0xe: {  	[smem:$0x3F7C] =	sst s6  }
0xf: {  	[smem:$0x3F7D] =	sst s7  }
0x10: {  	[smem:$0x3F7E] =	sst s8  }
0x11: {  	[smem:$0x3F7F] =	sst s9;
	s0 =	simm.s32 @!p0 $0x0  }
0x12: {  	s1 =	sld [smem:$0x3F65];
	s0 =	simm.s32 @p0 $0x1  }
0x13: {  	[smem:$0x3F80] =	sst s0;
	s0 =	simm.s32 @!p1 $0x0  }
0x14: {  	s2 =	sld [smem:$0x3F64];
	s0 =	simm.s32 @p1 $0x1  }
0x15: {  	[smem:$0x3F81] =	sst s0;
	s0 =	simm.s32 @!p2 $0x0  }
0x16: {  	s3 =	sld [smem:$0x3FDB];
	s0 =	simm.s32 @p2 $0x1  }
0x17: {  	s4 =	simm.s32 $0x1BF5;
	[smem:$0x3F83] =	sst s0  }
0x18: {  	s0 =	sld [smem:$0x3F66];
	_ =	swait.ge [sflag:s4], $0x0  }
0x19: {  	s7 =	sld [smem:$0x3F67]  }
0x1a: {  	s8 =	sadd.s32 $0xFFFFE003, lr  }
0x1b: {  	s9 =	sadd.s32 $0xFFFFFEF7, lr;
	s5 =	simm.s32 $0xFFFFFFFF;
	p2 =	slt.u32 s8, $0xFFFFF086  }
0x1c: {  	p1 =	slt.u32 s9, $0xF7A;
	s5 =	simm.s32 @!p2 $0x0  }
0x1d: {  	s5 =	simm.s32 @p1 $0x1;
	p0 =	seq.s32 s7, s2  }
0x1e: {  	s7 =	smul.u32 @!p0 $0xF7A, s2;
	p2 =	seq.s32 @!p0 s5, $0x0  }
0x1f: {  	s9 =	smul.u32 $0xF7A, s1;
	s8 =	simm.s32 @!p0 $0x1BF5;
	p2 =	por !p2, p0  }
0x20: {  	[sflag:s8] =	ssyncset.s32 @!p0 $0xFFFFF086;
	s6 =	sadd.s32 @!p0 s3, s7;
	s7 =	simm.s32 @!p0 $0x108  }
0x21: {  	s3 =	sadd.s32 s3, s9;
	s6 =	sadd.s32 @!p0 $0x88, s6;
	s7 =	simm.s32 @p2 $0x1082  }
0x22: {  	[simem:s7], [sflag:s8] =	dma.local @!p0 [hbm:s6], $0xF7A  }
0x23: {  	s9 =	sor.u32 $0xD0000000, s2;
	s6 =	simm.s32 $0x108;
	_ =	swait.ge @!p0 [sflag:s8], $0x0  }
0x24: {  	s3 =	sadd.s32 $0x88, s3;
	s6 =	simm.s32 @!p1 $0x1082;
	[sflag:s4] =	ssyncset.s32 $0xFFFFF086  }
0x25: {  	[simem:s6], [sflag:s4] =	dma.local [hbm:s3], $0xF7A  }
0x26: {  	[smem:$0x3F67] =	sst s1;
	(tag) =	ssettag s2;
	_ =	strace s9  }
0x27: {  	s1 =	sld [smem:$0x3F77]  }
0x28: {  	s2 =	sld [smem:$0x3F78]  }
0x29: {  	s4 =	sld [smem:$0x3F7A]  }
0x2a: {  	p0 =	seq.s32 s5, $0x0;
	s5 =	sld [smem:$0x3F7B]  }
0x2b: {  	s6 =	sld [smem:$0x3F7C]  }
0x2c: {  	s7 =	sld [smem:$0x3F7D]  }
0x2d: {  	s3 =	simm.s32 $0x108;
	s8 =	sld [smem:$0x3F7E]  }
0x2e: {  	s3 =	simm.s32 @!p0 $0x1082;
	s9 =	sld [smem:$0x3F7F]  }
0x2f: {  	lr =	sadd.s32 s0, s3;
	s0 =	sld [smem:$0x3F76]  }
0x30: {  	s3 =	sld [smem:$0x3F79]  }
0x31: {  	[smem:$0x3F82] =	sst s10  }
0x32: {  	s10 =	sld [smem:$0x3F80];
	_ =	sdelay $0x3  }
0x33: {  	p0 =	seq.s32 s10, $0x1;
	s10 =	sld [smem:$0x3F82];
	_ =	sdelay $0x3  }
0x34: {  	[smem:$0x3F82] =	sst s10  }
0x35: {  	s10 =	sld [smem:$0x3F81];
	_ =	sdelay $0x3  }
0x36: {  	p1 =	seq.s32 s10, $0x1;
	s10 =	sld [smem:$0x3F82];
	_ =	sdelay $0x3  }
0x37: {  	[smem:$0x3F82] =	sst s10  }
0x38: {  	s10 =	sld [smem:$0x3F83]  }
0x39: {  	_ = 	snop;
	(pc) =	sbr.ind lr, $3  }
0x3a: {  	_ = 	snop  }
0x3b: {  	_ = 	snop  }
0x3c: {  	p2 =	seq.s32 s10, $0x1;
	s10 =	sld [smem:$0x3F82]  }
0x3d: {  	_ =	shalt  }
0x3e: {  	_ =	shalt  }
0x3f: {  	_ =	shalt  }
0x40: {  	_ =	shalt  }
0x41: {  	_ =	shalt  }
0x42: {  	_ =	shalt  }
0x43: {  	_ =	shalt  }
0x44: {  	_ =	shalt  }
0x45: {  	_ =	shalt  }
0x46: {  	_ =	shalt  }
0x47: {  	_ =	shalt  }
0x48: {  	_ =	shalt  }
0x49: {  	_ =	shalt  }
0x4a: {  	_ =	shalt  }
0x4b: {  	_ =	shalt  }
0x4c: {  	_ =	shalt  }
0x4d: {  	_ =	shalt  }
0x4e: {  	_ =	shalt  }
0x4f: {  	_ =	shalt  }
0x50: {  	_ =	shalt  }
0x51: {  	_ =	shalt  }
0x52: {  	_ =	shalt  }
0x53: {  	_ =	shalt  }
0x54: {  	_ =	shalt  }
0x55: {  	_ =	shalt  }
0x56: {  	_ =	shalt  }
0x57: {  	_ =	shalt  }
0x58: {  	_ =	shalt  }
0x59: {  	_ =	shalt  }
0x5a: {  	_ =	shalt  }
0x5b: {  	_ =	shalt  }
0x5c: {  	_ =	shalt  }
0x5d: {  	_ =	shalt  }
0x5e: {  	_ =	shalt  }
0x5f: {  	_ =	shalt  }
0x60: {  	_ =	shalt  }
0x61: {  	_ =	shalt  }
0x62: {  	_ =	shalt  }
0x63: {  	_ =	shalt  }
0x64: {  	_ =	shalt  }
0x65: {  	_ =	shalt  }
0x66: {  	_ =	shalt  }
0x67: {  	_ =	shalt  }
0x68: {  	_ =	shalt  }
0x69: {  	_ =	shalt  }
0x6a: {  	_ =	shalt  }
0x6b: {  	_ =	shalt  }
0x6c: {  	_ =	shalt  }
0x6d: {  	_ =	shalt  }
0x6e: {  	_ =	shalt  }
0x6f: {  	_ =	shalt  }
0x70: {  	_ =	shalt  }
0x71: {  	_ =	shalt  }
0x72: {  	_ =	shalt  }
0x73: {  	_ =	shalt  }
0x74: {  	_ =	shalt  }
0x75: {  	_ =	shalt  }
0x76: {  	_ =	shalt  }
0x77: {  	_ =	shalt  }
0x78: {  	_ =	shalt  }
0x79: {  	_ =	shalt  }
0x7a: {  	_ =	shalt  }
0x7b: {  	_ =	shalt  }
0x7c: {  	_ =	shalt  }
0x7d: {  	_ =	shalt  }
0x7e: {  	_ =	shalt  }
0x7f: {  	_ =	shalt  }
0x80: {  	_ =	shalt  }
0x81: {  	_ =	shalt  }
0x82: {  	_ =	shalt  }
0x83: {  	_ =	shalt  }
0x84: {  	_ =	shalt  }
0x85: {  	_ =	shalt  }
0x86: {  	_ =	shalt  }
0x87: {  	_ =	shalt  }
.Lfunc_end0:
.L_simem_size_0:
called_computation.2_lowered:
.L_overlay_start_0:
0x88: {  	s2 =	sld [smem:$0x3FD9]  }
0x89: {  	s3 =	sld [smem:$0x3FFE];
	_ =	sdelay $0x1  }
0x8a: {  	s1 =	srdreg.scid  }
0x8b: {  	s0 =	sand.u32 $0x1, s1  }
0x8c: {  	s14 =	sshll.u32 s0, $0xA;
	s2 =	sadd.s32 s3, s2  }
0x8d: {  	s2 =	sadd.s32 s2, s14  }
0x8e: {  	[smem:$0x3F8E] =	sst s2  }
0x8f: {  	_ = 	snop  }
0x90: {  	s2 =	sld [smem:$0x3FD0];
	_ =	sdelay $0x2  }
0x91: {  	s15 =	simm.s32 $0xA;
	s4 =	simm.s32 $0x10  }
0x92: {  	[smem:s4], [sflag:s15] =	dma.local [hbm:s2], $0x1  }
0x93: {  	_ =	swait.eq [sflag:s15], $0x1  }
0x94: {  	s16 =	sld [smem:$0x10];
	[sflag:s15] =	ssyncset.done $0x0  }
0x95: {  	s17 =	sld [smem:$0x13];
	[sflag:s15] =	ssyncadd.s32 $0xFFFFFFFF  }
0x96: {  	s18 =	sld [smem:$0x14];
	(tm) =	ssettm $0x1  }
0x97: {  	s5 =	sld [smem:$0x3FFB];
	_ =	sdelay $0x3  }
0x98: {  	_ =	strace s5  }
0x99: {  	s5 =	sld [smem:$0x3FFC];
	_ =	sdelay $0x3  }
0x9a: {  	_ =	strace s5  }
0x9b: {  	s5 =	sld [smem:$0x3FFD];
	_ =	sdelay $0x3  }
0x9c: {  	_ =	strace s5  }
0x9d: {  	_ =	strace $0x8FFFFFFF  }
0x9e: {  	s19 =	sld [smem:$0x3FDB];
	_ =	sdelay $0x1  }
0x9f: {  	s6 =	simm.s32 $_scs_section_size  }
0xa0: {  	s7 =	simm.s32 $_size__tile_overlayer_lowered;
	s8 =	simm.s32 $_tile_overlayer_lowered  }
0xa1: {  	s22 =	simm.s32 $0x1BFF;
	s21 =	sshll.u32 s8, $0x1;
	s5 =	sadd.s32 s6, s19  }
0xa2: {  	s9 =	simm.s32 $0x0;
	s20 =	sshll.u32 s7, $0x1;
	s7 =	sadd.s32 s21, s5  }
0xa3: {  	[timem:s9], [sflag:s22] =	dma.local [hbm:s7], s20  }
0xa4: {  	_ =	swait.ge [sflag:s22], s20  }
0xa5: {  	s6 =	ssub.s32 $0x0, s20;
	[sflag:s22] =	ssyncset.done $0x0  }
0xa6: {  	[sflag:s22] =	ssyncadd.s32 s6;
	_ =	sdelay $0x1  }
0xa7: {  	s23 =	simm.s32 $0x1B8B  }
0xa8: {  	_ =	swait.ge [sflag:s23], $0x1  }
0xa9: {  	[sflag:s23] =	ssyncset.done $0x0  }
0xaa: {  	s25 =	simm.s32 $0x1B8E;
	s24 =	sld [smem:$0x3FFE];
	[sflag:s23] =	ssyncadd.s32 $0xFFFFFFFF  }
0xab: {  	s26 =	simm.s32 $execute0_lowered;
	[smem:$0x3FD2] =	sst s25  }
0xac: {  	s7 =	sshll.u32 s26, $0x1;
	_ =	strace $0x8000004C;
	[dreg:$0x1] =	wrdreg $0xFFFFFFFF  }
0xad: {  	s28 =	simm.s32 $_size_execute0_lowered;
	s5 =	sadd.s32 s5, s7;
	[dreg:$0x0] =	wrdreg $0x0  }
0xae: {  	s7 =	sshll.u32 s28, $0x1;
	[dreg:$0x2] =	wrdreg s5  }
0xaf: {  	[dreg:$0x3] =	wrdreg s7  }
0xb0: {  	[dreg:$0x4] =	wrdreg $0xC0  }
0xb1: {  	_ =	task [dreg:s9], $0x5FFFF  }
0xb2: {  	[dreg:$0x1] =	wrdreg $0xFFFFFFFF  }
0xb3: {  	[dreg:$0x0] =	wrdreg $0x60  }
0xb4: {  	[dreg:$0x2] =	wrdreg s17  }
0xb5: {  	[dreg:$0x3] =	wrdreg s18  }
0xb6: {  	[dreg:$0x4] =	wrdreg s16  }
0xb7: {  	[dreg:$0x5] =	wrdreg s24  }
0xb8: {  	[dreg:$0x6] =	wrdreg $0x9  }
0xb9: {  	_ =	task.clear_ibuf [dreg:s9], $0x7FFFF;
	_ =	strace $0x9000004C  }
0xba: {  	s29 =	simm.s32 $0x9;
	_ =	strace $0x8000004E  }
0xbb: {  	_ =	swait.ge [sflag:s29], $0x1  }
0xbc: {  	[sflag:s29] =	ssyncadd.s32 $0xFFFFFFFF  }
0xbd: {  	_ =	strace $0x9000004E  }
0xbe: {  	_ =	sfence  }
0xbf: {  	s30 =	sld [smem:$0x0];
	_ =	sdelay $0x2  }
0xc0: {  	s31 =	sshll.u32 s1, $0xD;
	s1 =	sshrl.u32 s1, $0x2  }
0xc1: {  	s3 =	sand.u32 $0x4000, s31;
	s1 =	sadd.s32 s1, s30  }
0xc2: {  	s0 =	sor.u32 s3, s0;
	s1 =	sshll.u32 s1, $0x11  }
0xc3: {  	s0 =	sor.u32 s1, s0  }
0xc4: {  	s0 =	sadd.s32 $0x8F2B, s0  }
0xc5: {  	[sflag:s0] =	ssyncadd.remote.s32 $0x1  }
0xc6: {  	_ =	sfence.sel $0xFFFF  }
0xc7: {  	[dreg:$0x0] =	wrdreg $0xFFFFFFFF;
	(pc) =	sbr.abs _section_cstart, $3  }
0xc8: {  	[dreg:$0x1] =	wrdreg $0xFFFFFFFF  }
0xc9: {  	_ =	task.clear_ibuf [dreg:s9], $0x2FFFF;
	_ =	strace $0x9FFFFFFF  }
0xca: {  	(tm) =	ssettm $0x7FFFFFFF  }
0xcb: {  	_ =	shalt  }
tec
execute0_lowered:
.L_overlay_start_1:
0x0: {  	(tag) =	ssettag $0x1  }
0x1: {  	s1 =	rddreg [dreg:$0x0]  }
0x2: {  	s2 =	rddreg [dreg:$0x1]  }
0x3: {  	s7 =	rddreg [dreg:$0x2];
	s3 =	srdreg.scid  }
0x4: {  	s0 =	stileid.u32;
	s5 =	rddreg [dreg:$0x3]  }
0x5: {  	s4 =	simm.s32 $0x0;
	s12 =	simm.s32 $0x2C00;
	s14 =	simm.s32 $0x250  }
0x6: {  	s13 =	simm.s32 $0x5400;
	s15 =	simm.s32 $0xA0;
	s16 =	simm.s32 $0x2A0  }
0x7: {  	s17 =	simm.s32 $0xF0;
	s18 =	simm.s32 $0x2F0;
	s19 =	simm.s32 $0x140  }
0x8: {  	s20 =	simm.s32 $0x340;
	s6 =	sand.u32 $0x1, s3;
	s3 =	rddreg [dreg:$0x4]  }
0x9: {  	s21 =	simm.s32 $0x2;
	s8 =	smul.u32 $0x4E20, s0;
	[smem:$0x7FF] =	sst s4  }
0xa: {  	s10 =	smul.u32 $0x4E200, s0;
	_ =	strace $0x8000004D;
	[dreg:$0x7] =	wrdreg s14  }
0xb: {  	s22 =	simm.s32 $0x3;
	s9 =	smul.u32 $0x2710, s6;
	[dreg:$0x8] =	wrdreg s15  }
0xc: {  	s23 =	simm.s32 $0x0;
	s11 =	smul.u32 $0x27100, s6;
	[dreg:$0x9] =	wrdreg s16  }
0xd: {  	s6 =	ssub.s32 $0x2, s6;
	s14 =	simm.s32 $0x7C00;
	[dreg:$0xa] =	wrdreg s17  }
0xe: {  	s15 =	simm.s32 $0xA400;
	s16 =	simm.s32 $0xCC00;
	[dreg:$0xb] =	wrdreg s18  }
0xf: {  	s17 =	simm.s32 $0xF400;
	s18 =	simm.s32 $0x11C00;
	[dreg:$0xc] =	wrdreg s19  }
0x10: {  	s19 =	simm.s32 $0x14400;
	[dreg:$0xd] =	wrdreg s20;
	s20 =	simm.s32 $0x16C00  }
0x11: {  	s25 =	sadd.s32 s10, s5;
	s26 =	sshrl.u32 s6, $0x1;
	s10 =	simm.s32 $0x50  }
0x12: {  	s8 =	sadd.s32 s9, s8;
	s9 =	sadd.s32 s11, s25;
	s29 =	ssub.s32 s6, s26  }
0x13: {  	s11 =	simm.s32 $0x400;
	s8 =	sshrl.u32 s8, $0x3;
	s30 =	sadd.s32 $0x6AC00, s9  }
0x14: {  	s31 =	sadd.s32 $0x54CC00, s9;
	s9 =	simm.s32 $0x1;
	[dreg:$0x5] =	wrdreg s30  }
0x15: {  	s28 =	sadd.s32 s8, s5;
	s5 =	smax.u32 s29, $0x1;
	[dreg:$0x6] =	wrdreg s31  }
0x16: {  	s7 =	sadd.s32 s8, s7;
	s8 =	simm.s32 $0x200;
	s6 =	sadd.s32 $0x10400, s28  }
.LBB2_1:
0x17: {  	[tilespmem:s4], [sflag:$0x1] =	stream.linear.gather [hbm4b:s7+s4], $0x190, $0x38;
	[tilespmem:$0x19400] =	vst v63  }
0x18: {  	_ = 	snop  }
0x19: {  	[tilespmem:s8], [sflag:$0x1] =	stream.linear.gather [hbm4b:s6+s4], $0x190, $0x38;
	[tilespmem:$0x19400] =	vst v63  }
0x1a: {  	_ =	swait.ge [sflag:s9], $0x190  }
0x1b: {  	[sflag:s9] =	ssyncset.done $0x0  }
0x1c: {  	[sflag:s9] =	ssyncadd.s32 $0xFFFFFE70  }
0x1d: {  	_ =	swait.ge [sflag:s9], $0x190  }
0x1e: {  	[sflag:s9] =	ssyncset.done $0x0  }
0x1f: {  	[sflag:s9] =	ssyncadd.s32 $0xFFFFFE70  }
0x20: {  	[tilespmem:s11], [sflag:$0x2] =	stream.indirect.gather [hbm4b:s1+s10], $0x80, s4, s10, $0xb8;
	[tilespmem:$0x19400] =	vst v63  }
0x21: {  	_ = 	snop  }
0x22: {  	[tilespmem:s12], [sflag:$0x2] =	stream.indirect.gather [hbm4b:s2+s10], $0x80, s8, s10, $0xb8;
	[tilespmem:$0x19400] =	vst v63  }
0x23: {  	_ = 	snop  }
0x24: {  	[tilespmem:s13], [sflag:$0x2] =	stream.indirect.gather [hbm4b:s1+s10], $0x80, s10, s10, $0xb8;
	[tilespmem:$0x19400] =	vst v63  }
0x25: {  	s24 =	rddreg [dreg:$0x7]  }
0x26: {  	[tilespmem:s14], [sflag:$0x2] =	stream.indirect.gather [hbm4b:s2+s10], $0x80, s24, s10, $0xb8;
	[tilespmem:$0x19400] =	vst v63  }
0x27: {  	s25 =	rddreg [dreg:$0x8]  }
0x28: {  	[tilespmem:s15], [sflag:$0x2] =	stream.indirect.gather [hbm4b:s1+s10], $0x80, s25, s10, $0xb8;
	[tilespmem:$0x19400] =	vst v63  }
0x29: {  	s28 =	rddreg [dreg:$0x9]  }
0x2a: {  	[tilespmem:s16], [sflag:$0x2] =	stream.indirect.gather [hbm4b:s2+s10], $0x80, s28, s10, $0xb8;
	[tilespmem:$0x19400] =	vst v63  }
0x2b: {  	s29 =	rddreg [dreg:$0xa]  }
0x2c: {  	[tilespmem:s17], [sflag:$0x2] =	stream.indirect.gather [hbm4b:s1+s10], $0x80, s29, s10, $0xb8;
	[tilespmem:$0x19400] =	vst v63  }
0x2d: {  	s30 =	rddreg [dreg:$0xb]  }
0x2e: {  	[tilespmem:s18], [sflag:$0x2] =	stream.indirect.gather [hbm4b:s2+s10], $0x80, s30, s10, $0xb8;
	[tilespmem:$0x19400] =	vst v63  }
0x2f: {  	s31 =	rddreg [dreg:$0xc]  }
0x30: {  	[tilespmem:s19], [sflag:$0x2] =	stream.indirect.gather [hbm4b:s1+s10], $0x80, s31, s10, $0xb8;
	[tilespmem:$0x19400] =	vst v63  }
0x31: {  	s26 =	rddreg [dreg:$0xd]  }
0x32: {  	[tilespmem:s20], [sflag:$0x2] =	stream.indirect.gather [hbm4b:s2+s10], $0x80, s26, s10, $0xb8;
	[tilespmem:$0x19400] =	vst v63  }
0x33: {  	_ =	swait.ge [sflag:s21], $0x2800  }
0x34: {  	[sflag:s21] =	ssyncset.done $0x0  }
0x35: {  	[sflag:s21] =	ssyncadd.s32 $0xFFFFD800  }
0x36: {  	_ =	swait.ge [sflag:s21], $0x2800  }
0x37: {  	[sflag:s21] =	ssyncset.done $0x0  }
0x38: {  	[sflag:s21] =	ssyncadd.s32 $0xFFFFD800  }
0x39: {  	_ =	swait.ge [sflag:s21], $0x2800  }
0x3a: {  	[sflag:s21] =	ssyncset.done $0x0  }
0x3b: {  	[sflag:s21] =	ssyncadd.s32 $0xFFFFD800  }
0x3c: {  	_ =	swait.ge [sflag:s21], $0x2800  }
0x3d: {  	[sflag:s21] =	ssyncset.done $0x0  }
0x3e: {  	[sflag:s21] =	ssyncadd.s32 $0xFFFFD800  }
0x3f: {  	_ =	swait.ge [sflag:s21], $0x2800  }
0x40: {  	[sflag:s21] =	ssyncset.done $0x0  }
0x41: {  	[sflag:s21] =	ssyncadd.s32 $0xFFFFD800  }
0x42: {  	_ =	swait.ge [sflag:s21], $0x2800  }
0x43: {  	[sflag:s21] =	ssyncset.done $0x0  }
0x44: {  	[sflag:s21] =	ssyncadd.s32 $0xFFFFD800  }
0x45: {  	_ =	swait.ge [sflag:s21], $0x2800  }
0x46: {  	[sflag:s21] =	ssyncset.done $0x0  }
0x47: {  	[sflag:s21] =	ssyncadd.s32 $0xFFFFD800  }
0x48: {  	_ =	swait.ge [sflag:s21], $0x2800  }
0x49: {  	[sflag:s21] =	ssyncset.done $0x0  }
0x4a: {  	[sflag:s21] =	ssyncadd.s32 $0xFFFFD800  }
0x4b: {  	_ =	swait.ge [sflag:s21], $0x2800  }
0x4c: {  	[sflag:s21] =	ssyncset.done $0x0  }
0x4d: {  	[sflag:s21] =	ssyncadd.s32 $0xFFFFD800  }
0x4e: {  	_ =	swait.ge [sflag:s21], $0x2800  }
0x4f: {  	s28 =	rddreg [dreg:$0x5];
	[sflag:s21] =	ssyncset.done $0x0  }
0x50: {  	s29 =	rddreg [dreg:$0x6];
	[sflag:s21] =	ssyncadd.s32 $0xFFFFD800;
	s24 =	sadd.s32 $0x0, s28  }
0x51: {  	[hbm4b:s24+s4] =	stream.linear.scatter [tilespmem:s11], [sflag:$0x3], $0x2800, $0x38;
	[tilespmem:$0x19400] =	vst v63  }
0x52: {  	s25 =	sadd.s32 $0x0, s29  }
0x53: {  	[hbm4b:s25+s4] =	stream.linear.scatter [tilespmem:s12], [sflag:$0x3], $0x2800, $0x38;
	[tilespmem:$0x19400] =	vst v63  }
0x54: {  	s26 =	sadd.s32 $0x500, s24  }
0x55: {  	[hbm4b:s26+s4] =	stream.linear.scatter [tilespmem:s13], [sflag:$0x3], $0x2800, $0x38;
	[tilespmem:$0x19400] =	vst v63  }
0x56: {  	s30 =	sadd.s32 $0x500, s25  }
0x57: {  	[hbm4b:s30+s4] =	stream.linear.scatter [tilespmem:s14], [sflag:$0x3], $0x2800, $0x38;
	[tilespmem:$0x19400] =	vst v63  }
0x58: {  	s31 =	sadd.s32 $0xA00, s24  }
0x59: {  	[hbm4b:s31+s4] =	stream.linear.scatter [tilespmem:s15], [sflag:$0x3], $0x2800, $0x38;
	[tilespmem:$0x19400] =	vst v63  }
0x5a: {  	s28 =	sadd.s32 $0xA00, s25  }
0x5b: {  	[hbm4b:s28+s4] =	stream.linear.scatter [tilespmem:s16], [sflag:$0x3], $0x2800, $0x38;
	[tilespmem:$0x19400] =	vst v63  }
0x5c: {  	s29 =	sadd.s32 $0xF00, s24  }
0x5d: {  	[hbm4b:s29+s4] =	stream.linear.scatter [tilespmem:s17], [sflag:$0x3], $0x2800, $0x38;
	[tilespmem:$0x19400] =	vst v63  }
0x5e: {  	s30 =	sadd.s32 $0xF00, s25  }
0x5f: {  	[hbm4b:s30+s4] =	stream.linear.scatter [tilespmem:s18], [sflag:$0x3], $0x2800, $0x38;
	[tilespmem:$0x19400] =	vst v63  }
0x60: {  	s24 =	sadd.s32 $0x1400, s24  }
0x61: {  	[hbm4b:s24+s4] =	stream.linear.scatter [tilespmem:s19], [sflag:$0x3], $0x2800, $0x38;
	[tilespmem:$0x19400] =	vst v63  }
0x62: {  	s31 =	sadd.s32 $0x1400, s25  }
0x63: {  	[hbm4b:s31+s4] =	stream.linear.scatter [tilespmem:s20], [sflag:$0x3], $0x2800, $0x38;
	[tilespmem:$0x19400] =	vst v63  }
0x64: {  	_ =	swait.ge [sflag:s22], $0x2800  }
0x65: {  	[sflag:s22] =	ssyncset.done $0x0  }
0x66: {  	[sflag:s22] =	ssyncadd.s32 $0xFFFFD800  }
0x67: {  	_ =	swait.ge [sflag:s22], $0x2800  }
0x68: {  	[sflag:s22] =	ssyncset.done $0x0  }
0x69: {  	[sflag:s22] =	ssyncadd.s32 $0xFFFFD800  }
0x6a: {  	_ =	swait.ge [sflag:s22], $0x2800  }
0x6b: {  	[sflag:s22] =	ssyncset.done $0x0  }
0x6c: {  	[sflag:s22] =	ssyncadd.s32 $0xFFFFD800  }
0x6d: {  	_ =	swait.ge [sflag:s22], $0x2800  }
0x6e: {  	[sflag:s22] =	ssyncset.done $0x0  }
0x6f: {  	[sflag:s22] =	ssyncadd.s32 $0xFFFFD800  }
0x70: {  	_ =	swait.ge [sflag:s22], $0x2800  }
0x71: {  	[sflag:s22] =	ssyncset.done $0x0  }
0x72: {  	[sflag:s22] =	ssyncadd.s32 $0xFFFFD800  }
0x73: {  	_ =	swait.ge [sflag:s22], $0x2800  }
0x74: {  	[sflag:s22] =	ssyncset.done $0x0  }
0x75: {  	[sflag:s22] =	ssyncadd.s32 $0xFFFFD800  }
0x76: {  	_ =	swait.ge [sflag:s22], $0x2800  }
0x77: {  	[sflag:s22] =	ssyncset.done $0x0  }
0x78: {  	[sflag:s22] =	ssyncadd.s32 $0xFFFFD800  }
0x79: {  	_ =	swait.ge [sflag:s22], $0x2800  }
0x7a: {  	[sflag:s22] =	ssyncset.done $0x0  }
0x7b: {  	[sflag:s22] =	ssyncadd.s32 $0xFFFFD800  }
0x7c: {  	_ =	swait.ge [sflag:s22], $0x2800  }
0x7d: {  	[sflag:s22] =	ssyncset.done $0x0  }
0x7e: {  	[sflag:s22] =	ssyncadd.s32 $0xFFFFD800  }
0x7f: {  	s26 =	smov.u32 s7;
	_ =	swait.ge [sflag:s22], $0x2800  }
0x80: {  	s25 =	smov.u32 s6;
	s24 =	simm.s32 $0x1900;
	[sflag:s22] =	ssyncset.done $0x0  }
.LBB2_2:
0x81: {  	[sflag:s22] =	ssyncadd.s32 $0xFFFFD800;
	s26 =	sadd.s32 $0x32, s26  }
0x82: {  	[tilespmem:s4], [sflag:$0x1] =	stream.linear.gather [hbm4b:s26+s4], $0x190, $0x38;
	[tilespmem:$0x19400] =	vst v63  }
0x83: {  	s25 =	sadd.s32 $0x32, s25  }
0x84: {  	[tilespmem:s8], [sflag:$0x1] =	stream.linear.gather [hbm4b:s25+s4], $0x190, $0x38;
	[tilespmem:$0x19400] =	vst v63  }
0x85: {  	_ =	swait.ge [sflag:s9], $0x190  }
0x86: {  	[sflag:s9] =	ssyncset.done $0x0  }
0x87: {  	[sflag:s9] =	ssyncadd.s32 $0xFFFFFE70  }
0x88: {  	_ =	swait.ge [sflag:s9], $0x190  }
0x89: {  	[sflag:s9] =	ssyncset.done $0x0  }
0x8a: {  	[sflag:s9] =	ssyncadd.s32 $0xFFFFFE70  }
0x8b: {  	[tilespmem:s11], [sflag:$0x2] =	stream.indirect.gather [hbm4b:s1+s10], $0x80, s4, s10, $0xb8;
	[tilespmem:$0x19400] =	vst v63  }
0x8c: {  	_ = 	snop  }
0x8d: {  	[tilespmem:s12], [sflag:$0x2] =	stream.indirect.gather [hbm4b:s2+s10], $0x80, s8, s10, $0xb8;
	[tilespmem:$0x19400] =	vst v63  }
0x8e: {  	_ = 	snop  }
0x8f: {  	[tilespmem:s13], [sflag:$0x2] =	stream.indirect.gather [hbm4b:s1+s10], $0x80, s10, s10, $0xb8;
	[tilespmem:$0x19400] =	vst v63  }
0x90: {  	s29 =	rddreg [dreg:$0x7]  }
0x91: {  	[tilespmem:s14], [sflag:$0x2] =	stream.indirect.gather [hbm4b:s2+s10], $0x80, s29, s10, $0xb8;
	[tilespmem:$0x19400] =	vst v63  }
0x92: {  	s30 =	rddreg [dreg:$0x8]  }
0x93: {  	[tilespmem:s15], [sflag:$0x2] =	stream.indirect.gather [hbm4b:s1+s10], $0x80, s30, s10, $0xb8;
	[tilespmem:$0x19400] =	vst v63  }
0x94: {  	s31 =	rddreg [dreg:$0x9]  }
0x95: {  	[tilespmem:s16], [sflag:$0x2] =	stream.indirect.gather [hbm4b:s2+s10], $0x80, s31, s10, $0xb8;
	[tilespmem:$0x19400] =	vst v63  }
0x96: {  	s30 =	rddreg [dreg:$0xa]  }
0x97: {  	[tilespmem:s17], [sflag:$0x2] =	stream.indirect.gather [hbm4b:s1+s10], $0x80, s30, s10, $0xb8;
	[tilespmem:$0x19400] =	vst v63  }
0x98: {  	s31 =	rddreg [dreg:$0xb]  }
0x99: {  	[tilespmem:s18], [sflag:$0x2] =	stream.indirect.gather [hbm4b:s2+s10], $0x80, s31, s10, $0xb8;
	[tilespmem:$0x19400] =	vst v63  }
0x9a: {  	s30 =	rddreg [dreg:$0xc]  }
0x9b: {  	[tilespmem:s19], [sflag:$0x2] =	stream.indirect.gather [hbm4b:s1+s10], $0x80, s30, s10, $0xb8;
	[tilespmem:$0x19400] =	vst v63  }
0x9c: {  	s31 =	rddreg [dreg:$0xd]  }
0x9d: {  	[tilespmem:s20], [sflag:$0x2] =	stream.indirect.gather [hbm4b:s2+s10], $0x80, s31, s10, $0xb8;
	[tilespmem:$0x19400] =	vst v63  }
0x9e: {  	_ =	swait.ge [sflag:s21], $0x2800  }
0x9f: {  	[sflag:s21] =	ssyncset.done $0x0  }
0xa0: {  	[sflag:s21] =	ssyncadd.s32 $0xFFFFD800  }
0xa1: {  	_ =	swait.ge [sflag:s21], $0x2800  }
0xa2: {  	[sflag:s21] =	ssyncset.done $0x0  }
0xa3: {  	[sflag:s21] =	ssyncadd.s32 $0xFFFFD800  }
0xa4: {  	_ =	swait.ge [sflag:s21], $0x2800  }
0xa5: {  	[sflag:s21] =	ssyncset.done $0x0  }
0xa6: {  	[sflag:s21] =	ssyncadd.s32 $0xFFFFD800  }
0xa7: {  	_ =	swait.ge [sflag:s21], $0x2800  }
0xa8: {  	[sflag:s21] =	ssyncset.done $0x0  }
0xa9: {  	[sflag:s21] =	ssyncadd.s32 $0xFFFFD800  }
0xaa: {  	_ =	swait.ge [sflag:s21], $0x2800  }
0xab: {  	[sflag:s21] =	ssyncset.done $0x0  }
0xac: {  	[sflag:s21] =	ssyncadd.s32 $0xFFFFD800  }
0xad: {  	_ =	swait.ge [sflag:s21], $0x2800  }
0xae: {  	[sflag:s21] =	ssyncset.done $0x0  }
0xaf: {  	[sflag:s21] =	ssyncadd.s32 $0xFFFFD800  }
0xb0: {  	_ =	swait.ge [sflag:s21], $0x2800  }
0xb1: {  	[sflag:s21] =	ssyncset.done $0x0  }
0xb2: {  	[sflag:s21] =	ssyncadd.s32 $0xFFFFD800  }
0xb3: {  	_ =	swait.ge [sflag:s21], $0x2800  }
0xb4: {  	[sflag:s21] =	ssyncset.done $0x0  }
0xb5: {  	[sflag:s21] =	ssyncadd.s32 $0xFFFFD800  }
0xb6: {  	_ =	swait.ge [sflag:s21], $0x2800  }
0xb7: {  	[sflag:s21] =	ssyncset.done $0x0  }
0xb8: {  	[sflag:s21] =	ssyncadd.s32 $0xFFFFD800  }
0xb9: {  	_ =	swait.ge [sflag:s21], $0x2800  }
0xba: {  	s28 =	smov.u32 s24;
	s29 =	rddreg [dreg:$0x5];
	[sflag:s21] =	ssyncset.done $0x0  }
0xbb: {  	s31 =	rddreg [dreg:$0x6];
	[sflag:s21] =	ssyncadd.s32 $0xFFFFD800;
	s29 =	sadd.s32 s28, s29  }
0xbc: {  	[hbm4b:s29+s4] =	stream.linear.scatter [tilespmem:s11], [sflag:$0x3], $0x2800, $0x38;
	[tilespmem:$0x19400] =	vst v63  }
0xbd: {  	s28 =	sadd.s32 s28, s31  }
0xbe: {  	[hbm4b:s28+s4] =	stream.linear.scatter [tilespmem:s12], [sflag:$0x3], $0x2800, $0x38;
	[tilespmem:$0x19400] =	vst v63  }
0xbf: {  	s31 =	sadd.s32 $0x500, s29  }
0xc0: {  	[hbm4b:s31+s4] =	stream.linear.scatter [tilespmem:s13], [sflag:$0x3], $0x2800, $0x38;
	[tilespmem:$0x19400] =	vst v63  }
0xc1: {  	s31 =	sadd.s32 $0x500, s28  }
0xc2: {  	[hbm4b:s31+s4] =	stream.linear.scatter [tilespmem:s14], [sflag:$0x3], $0x2800, $0x38;
	[tilespmem:$0x19400] =	vst v63  }
0xc3: {  	s31 =	sadd.s32 $0xA00, s29  }
0xc4: {  	[hbm4b:s31+s4] =	stream.linear.scatter [tilespmem:s15], [sflag:$0x3], $0x2800, $0x38;
	[tilespmem:$0x19400] =	vst v63  }
0xc5: {  	s31 =	sadd.s32 $0xA00, s28  }
0xc6: {  	[hbm4b:s31+s4] =	stream.linear.scatter [tilespmem:s16], [sflag:$0x3], $0x2800, $0x38;
	[tilespmem:$0x19400] =	vst v63  }
0xc7: {  	s31 =	sadd.s32 $0xF00, s29  }
0xc8: {  	[hbm4b:s31+s4] =	stream.linear.scatter [tilespmem:s17], [sflag:$0x3], $0x2800, $0x38;
	[tilespmem:$0x19400] =	vst v63  }
0xc9: {  	s31 =	sadd.s32 $0xF00, s28  }
0xca: {  	[hbm4b:s31+s4] =	stream.linear.scatter [tilespmem:s18], [sflag:$0x3], $0x2800, $0x38;
	[tilespmem:$0x19400] =	vst v63  }
0xcb: {  	s29 =	sadd.s32 $0x1400, s29  }
0xcc: {  	[hbm4b:s29+s4] =	stream.linear.scatter [tilespmem:s19], [sflag:$0x3], $0x2800, $0x38;
	[tilespmem:$0x19400] =	vst v63  }
0xcd: {  	s28 =	sadd.s32 $0x1400, s28  }
0xce: {  	[hbm4b:s28+s4] =	stream.linear.scatter [tilespmem:s20], [sflag:$0x3], $0x2800, $0x38;
	[tilespmem:$0x19400] =	vst v63  }
0xcf: {  	_ =	swait.ge [sflag:s22], $0x2800  }
0xd0: {  	[sflag:s22] =	ssyncset.done $0x0  }
0xd1: {  	[sflag:s22] =	ssyncadd.s32 $0xFFFFD800  }
0xd2: {  	_ =	swait.ge [sflag:s22], $0x2800  }
0xd3: {  	[sflag:s22] =	ssyncset.done $0x0  }
0xd4: {  	[sflag:s22] =	ssyncadd.s32 $0xFFFFD800  }
0xd5: {  	_ =	swait.ge [sflag:s22], $0x2800  }
0xd6: {  	[sflag:s22] =	ssyncset.done $0x0  }
0xd7: {  	[sflag:s22] =	ssyncadd.s32 $0xFFFFD800  }
0xd8: {  	_ =	swait.ge [sflag:s22], $0x2800  }
0xd9: {  	[sflag:s22] =	ssyncset.done $0x0  }
0xda: {  	[sflag:s22] =	ssyncadd.s32 $0xFFFFD800  }
0xdb: {  	_ =	swait.ge [sflag:s22], $0x2800  }
0xdc: {  	[sflag:s22] =	ssyncset.done $0x0  }
0xdd: {  	[sflag:s22] =	ssyncadd.s32 $0xFFFFD800  }
0xde: {  	_ =	swait.ge [sflag:s22], $0x2800  }
0xdf: {  	[sflag:s22] =	ssyncset.done $0x0  }
0xe0: {  	[sflag:s22] =	ssyncadd.s32 $0xFFFFD800  }
0xe1: {  	_ =	swait.ge [sflag:s22], $0x2800  }
0xe2: {  	[sflag:s22] =	ssyncset.done $0x0  }
0xe3: {  	[sflag:s22] =	ssyncadd.s32 $0xFFFFD800  }
0xe4: {  	_ =	swait.ge [sflag:s22], $0x2800  }
0xe5: {  	[sflag:s22] =	ssyncset.done $0x0  }
0xe6: {  	p0 =	sne.s32 s24, $0x25800;
	[sflag:s22] =	ssyncadd.s32 $0xFFFFD800  }
.Ltmp0:
0xe7: {  	_ =	swait.ge [sflag:s22], $0x2800;
	(pc) =	sbr.rel @p0 .LBB2_2-.Ltmp0, $4  }
0xe8: {  	[sflag:s22] =	ssyncset.done $0x0  }
0xe9: {  	[sflag:s22] =	ssyncadd.s32 $0xFFFFD800  }
0xea: {  	_ =	swait.ge [sflag:s22], $0x2800  }
0xeb: {  	s24 =	sadd.s32 $0x1900, s24;
	[sflag:s22] =	ssyncset.done $0x0  }
0xec: {  	s23 =	sadd.s32 $0x1, s23  }
0xed: {  	p0 =	sne.s32 s23, s5  }
.Ltmp1:
0xee: {  	_ = 	snop;
	(pc) =	sbr.rel @p0 .LBB2_1-.Ltmp1, $2  }
0xef: {  	_ =	sdelay $0x2  }
0xf0: {  	[sflag:s22] =	ssyncadd.s32 $0xFFFFD800  }
0xf1: {  	_ =	sfence.sel $0x180000  }
0xf2: {  	[bflag:$0x0] =	sbarrier.arrive $0xFFFF  }
0xf3: {  	p0 =	sne.s32 s0, $0x0;
	_ =	strace $0x9000004D  }
0xf4: {  	s0 =	sadd.s32 @!p0 $0x100000, s3;
	[bflag:$0x2] =	sbarrier.arrive $0xFFFF  }
0xf5: {  	[sflag:s0] =	ssyncadd.tile.s32 @!p0 $0x1;
	_ =	shalt  }
.Lfunc_end2:
_tile_overlayer_lowered:
.L_overlay_start_2:
0xf6: {  	(tag) =	ssettag $0x2  }
0xf7: {  	s0 =	rddreg [dreg:$0x0];
	s2 =	stileid.u32  }
0xf8: {  	s1 =	rddreg [dreg:$0x1];
	p0 =	sne.s32 s2, $0x0  }
0xf9: {  	s3 =	rddreg [dreg:$0x2];
	[bflag:$0x3] =	sbarrier.arrive $0xFFFF;
	s2 =	simm.s32 @!p0 $0x1C04  }
0xfa: {  	[timem:s3], [sflag:s2] =	dma.local @!p0 [hbm:s0], s1  }
0xfb: {  	s0 =	simm.s32 @!p0 $0x4  }
0xfc: {  	_ =	swait.ge @!p0 [sflag:s0], s1  }
0xfd: {  	s1 =	ssub.s32 @!p0 $0x0, s1;
	[sflag:s0] =	ssyncset.done @!p0 $0x0  }
0xfe: {  	[sflag:s0] =	ssyncadd.s32 @!p0 s1  }
0xff: {  	[bflag:$0x3] =	sbarrier.arrive $0xFFFF  }
0x100: {  	_ =	shalt  }

// kernel: kernel.24.cloned.1.call-start
scs
__scs_entry_jumppad:
0x0: {  	(pc) =	sbr.rel $0x88, $3  }
0x1: {  	(tag) =	ssettag $0x0;
	lr =	simm.s32 $0x1  }
0x2: {  	[smem:$0x3F67] =	sst lr;
	_ =	strace $0xD0000000  }
0x3: {  	_ = 	snop  }
0x4: {  	_ = 	snop  }
0x5: {  	_ = 	snop  }
0x6: {  	_ = 	snop  }
0x7: {  	_ = 	snop  }
__scs_overlays_trampoline_lowered:
0x8: {  	[smem:$0x3F76] =	sst s0  }
0x9: {  	[smem:$0x3F77] =	sst s1  }
0xa: {  	[smem:$0x3F78] =	sst s2  }
0xb: {  	[smem:$0x3F79] =	sst s3  }
0xc: {  	[smem:$0x3F7A] =	sst s4  }
0xd: {  	[smem:$0x3F7B] =	sst s5  }
0xe: {  	[smem:$0x3F7C] =	sst s6  }
0xf: {  	[smem:$0x3F7D] =	sst s7  }
0x10: {  	[smem:$0x3F7E] =	sst s8  }
0x11: {  	[smem:$0x3F7F] =	sst s9;
	s0 =	simm.s32 @!p0 $0x0  }
0x12: {  	s1 =	sld [smem:$0x3F65];
	s0 =	simm.s32 @p0 $0x1  }
0x13: {  	[smem:$0x3F80] =	sst s0;
	s0 =	simm.s32 @!p1 $0x0  }
0x14: {  	s2 =	sld [smem:$0x3F64];
	s0 =	simm.s32 @p1 $0x1  }
0x15: {  	[smem:$0x3F81] =	sst s0;
	s0 =	simm.s32 @!p2 $0x0  }
0x16: {  	s3 =	sld [smem:$0x3FDB];
	s0 =	simm.s32 @p2 $0x1  }
0x17: {  	s4 =	simm.s32 $0x1BF5;
	[smem:$0x3F83] =	sst s0  }
0x18: {  	s0 =	sld [smem:$0x3F66];
	_ =	swait.ge [sflag:s4], $0x0  }
0x19: {  	s7 =	sld [smem:$0x3F67]  }
0x1a: {  	s8 =	sadd.s32 $0xFFFFE003, lr  }
0x1b: {  	s9 =	sadd.s32 $0xFFFFFEF7, lr;
	s5 =	simm.s32 $0xFFFFFFFF;
	p2 =	slt.u32 s8, $0xFFFFF086  }
0x1c: {  	p1 =	slt.u32 s9, $0xF7A;
	s5 =	simm.s32 @!p2 $0x0  }
0x1d: {  	s5 =	simm.s32 @p1 $0x1;
	p0 =	seq.s32 s7, s2  }
0x1e: {  	s7 =	smul.u32 @!p0 $0xF7A, s2;
	p2 =	seq.s32 @!p0 s5, $0x0  }
0x1f: {  	s9 =	smul.u32 $0xF7A, s1;
	s8 =	simm.s32 @!p0 $0x1BF5;
	p2 =	por !p2, p0  }
0x20: {  	[sflag:s8] =	ssyncset.s32 @!p0 $0xFFFFF086;
	s6 =	sadd.s32 @!p0 s3, s7;
	s7 =	simm.s32 @!p0 $0x108  }
0x21: {  	s3 =	sadd.s32 s3, s9;
	s6 =	sadd.s32 @!p0 $0x88, s6;
	s7 =	simm.s32 @p2 $0x1082  }
0x22: {  	[simem:s7], [sflag:s8] =	dma.local @!p0 [hbm:s6], $0xF7A  }
0x23: {  	s9 =	sor.u32 $0xD0000000, s2;
	s6 =	simm.s32 $0x108;
	_ =	swait.ge @!p0 [sflag:s8], $0x0  }
0x24: {  	s3 =	sadd.s32 $0x88, s3;
	s6 =	simm.s32 @!p1 $0x1082;
	[sflag:s4] =	ssyncset.s32 $0xFFFFF086  }
0x25: {  	[simem:s6], [sflag:s4] =	dma.local [hbm:s3], $0xF7A  }
0x26: {  	[smem:$0x3F67] =	sst s1;
	(tag) =	ssettag s2;
	_ =	strace s9  }
0x27: {  	s1 =	sld [smem:$0x3F77]  }
0x28: {  	s2 =	sld [smem:$0x3F78]  }
0x29: {  	s4 =	sld [smem:$0x3F7A]  }
0x2a: {  	p0 =	seq.s32 s5, $0x0;
	s5 =	sld [smem:$0x3F7B]  }
0x2b: {  	s6 =	sld [smem:$0x3F7C]  }
0x2c: {  	s7 =	sld [smem:$0x3F7D]  }
0x2d: {  	s3 =	simm.s32 $0x108;
	s8 =	sld [smem:$0x3F7E]  }
0x2e: {  	s3 =	simm.s32 @!p0 $0x1082;
	s9 =	sld [smem:$0x3F7F]  }
0x2f: {  	lr =	sadd.s32 s0, s3;
	s0 =	sld [smem:$0x3F76]  }
0x30: {  	s3 =	sld [smem:$0x3F79]  }
0x31: {  	[smem:$0x3F82] =	sst s10  }
0x32: {  	s10 =	sld [smem:$0x3F80];
	_ =	sdelay $0x3  }
0x33: {  	p0 =	seq.s32 s10, $0x1;
	s10 =	sld [smem:$0x3F82];
	_ =	sdelay $0x3  }
0x34: {  	[smem:$0x3F82] =	sst s10  }
0x35: {  	s10 =	sld [smem:$0x3F81];
	_ =	sdelay $0x3  }
0x36: {  	p1 =	seq.s32 s10, $0x1;
	s10 =	sld [smem:$0x3F82];
	_ =	sdelay $0x3  }
0x37: {  	[smem:$0x3F82] =	sst s10  }
0x38: {  	s10 =	sld [smem:$0x3F83]  }
0x39: {  	_ = 	snop;
	(pc) =	sbr.ind lr, $3  }
0x3a: {  	_ = 	snop  }
0x3b: {  	_ = 	snop  }
0x3c: {  	p2 =	seq.s32 s10, $0x1;
	s10 =	sld [smem:$0x3F82]  }
0x3d: {  	_ =	shalt  }
0x3e: {  	_ =	shalt  }
0x3f: {  	_ =	shalt  }
0x40: {  	_ =	shalt  }
0x41: {  	_ =	shalt  }
0x42: {  	_ =	shalt  }
0x43: {  	_ =	shalt  }
0x44: {  	_ =	shalt  }
0x45: {  	_ =	shalt  }
0x46: {  	_ =	shalt  }
0x47: {  	_ =	shalt  }
0x48: {  	_ =	shalt  }
0x49: {  	_ =	shalt  }
0x4a: {  	_ =	shalt  }
0x4b: {  	_ =	shalt  }
0x4c: {  	_ =	shalt  }
0x4d: {  	_ =	shalt  }
0x4e: {  	_ =	shalt  }
0x4f: {  	_ =	shalt  }
0x50: {  	_ =	shalt  }
0x51: {  	_ =	shalt  }
0x52: {  	_ =	shalt  }
0x53: {  	_ =	shalt  }
0x54: {  	_ =	shalt  }
0x55: {  	_ =	shalt  }
0x56: {  	_ =	shalt  }
0x57: {  	_ =	shalt  }
0x58: {  	_ =	shalt  }
0x59: {  	_ =	shalt  }
0x5a: {  	_ =	shalt  }
0x5b: {  	_ =	shalt  }
0x5c: {  	_ =	shalt  }
0x5d: {  	_ =	shalt  }
0x5e: {  	_ =	shalt  }
0x5f: {  	_ =	shalt  }
0x60: {  	_ =	shalt  }
0x61: {  	_ =	shalt  }
0x62: {  	_ =	shalt  }
0x63: {  	_ =	shalt  }
0x64: {  	_ =	shalt  }
0x65: {  	_ =	shalt  }
0x66: {  	_ =	shalt  }
0x67: {  	_ =	shalt  }
0x68: {  	_ =	shalt  }
0x69: {  	_ =	shalt  }
0x6a: {  	_ =	shalt  }
0x6b: {  	_ =	shalt  }
0x6c: {  	_ =	shalt  }
0x6d: {  	_ =	shalt  }
0x6e: {  	_ =	shalt  }
0x6f: {  	_ =	shalt  }
0x70: {  	_ =	shalt  }
0x71: {  	_ =	shalt  }
0x72: {  	_ =	shalt  }
0x73: {  	_ =	shalt  }
0x74: {  	_ =	shalt  }
0x75: {  	_ =	shalt  }
0x76: {  	_ =	shalt  }
0x77: {  	_ =	shalt  }
0x78: {  	_ =	shalt  }
0x79: {  	_ =	shalt  }
0x7a: {  	_ =	shalt  }
0x7b: {  	_ =	shalt  }
0x7c: {  	_ =	shalt  }
0x7d: {  	_ =	shalt  }
0x7e: {  	_ =	shalt  }
0x7f: {  	_ =	shalt  }
0x80: {  	_ =	shalt  }
0x81: {  	_ =	shalt  }
0x82: {  	_ =	shalt  }
0x83: {  	_ =	shalt  }
0x84: {  	_ =	shalt  }
0x85: {  	_ =	shalt  }
0x86: {  	_ =	shalt  }
0x87: {  	_ =	shalt  }
.Lfunc_end0:
.L_simem_size_0:
called_computation.3_lowered:
.L_overlay_start_0:
0x88: {  	s2 =	sld [smem:$0x3FD9]  }
0x89: {  	s3 =	sld [smem:$0x3FFE];
	_ =	sdelay $0x1  }
0x8a: {  	s1 =	srdreg.scid  }
0x8b: {  	s0 =	sand.u32 $0x1, s1  }
0x8c: {  	s14 =	sshll.u32 s0, $0xA;
	s2 =	sadd.s32 s3, s2  }
0x8d: {  	s2 =	sadd.s32 s2, s14  }
0x8e: {  	[smem:$0x3F8E] =	sst s2  }
0x8f: {  	_ = 	snop  }
0x90: {  	s2 =	sld [smem:$0x3FD0];
	_ =	sdelay $0x2  }
0x91: {  	s15 =	simm.s32 $0xA;
	s4 =	simm.s32 $0x10  }
0x92: {  	[smem:s4], [sflag:s15] =	dma.local [hbm:s2], $0x1  }
0x93: {  	_ =	swait.eq [sflag:s15], $0x1  }
0x94: {  	[sflag:s15] =	ssyncset.done $0x0  }
0x95: {  	[sflag:s15] =	ssyncadd.s32 $0xFFFFFFFF  }
0x96: {  	s16 =	sld [smem:$0x14];
	(tm) =	ssettm $0x1  }
0x97: {  	s17 =	sld [smem:$0x3FFB];
	_ =	sdelay $0x3  }
0x98: {  	_ =	strace s17  }
0x99: {  	s3 =	sld [smem:$0x3FFC];
	_ =	sdelay $0x3  }
0x9a: {  	_ =	strace s3  }
0x9b: {  	s3 =	sld [smem:$0x3FFD];
	_ =	sdelay $0x3  }
0x9c: {  	_ =	strace s3  }
0x9d: {  	_ =	strace $0x8FFFFFFF  }
0x9e: {  	s18 =	sld [smem:$0x3FDB];
	_ =	sdelay $0x1  }
0x9f: {  	s19 =	simm.s32 $_scs_section_size  }
0xa0: {  	s5 =	simm.s32 $_size__tile_overlayer_lowered;
	s6 =	simm.s32 $_tile_overlayer_lowered  }
0xa1: {  	s22 =	simm.s32 $0x1BFF;
	s21 =	sshll.u32 s6, $0x1;
	s3 =	sadd.s32 s19, s18  }
0xa2: {  	s7 =	simm.s32 $0x0;
	s20 =	sshll.u32 s5, $0x1;
	s5 =	sadd.s32 s21, s3  }
0xa3: {  	[timem:s7], [sflag:s22] =	dma.local [hbm:s5], s20  }
0xa4: {  	_ =	swait.ge [sflag:s22], s20  }
0xa5: {  	s4 =	ssub.s32 $0x0, s20;
	[sflag:s22] =	ssyncset.done $0x0  }
0xa6: {  	[sflag:s22] =	ssyncadd.s32 s4;
	_ =	sdelay $0x1  }
0xa7: {  	s23 =	simm.s32 $0x1B8B  }
0xa8: {  	_ =	swait.ge [sflag:s23], $0x1  }
0xa9: {  	[sflag:s23] =	ssyncset.done $0x0  }
0xaa: {  	s25 =	simm.s32 $0x1B8E;
	s24 =	sld [smem:$0x3FFE];
	[sflag:s23] =	ssyncadd.s32 $0xFFFFFFFF  }
0xab: {  	s26 =	simm.s32 $execute0_lowered;
	[smem:$0x3FD2] =	sst s25  }
0xac: {  	s5 =	sshll.u32 s26, $0x1;
	_ =	strace $0x8000004F;
	[dreg:$0x1] =	wrdreg $0xFFFFFFFF  }
0xad: {  	s28 =	simm.s32 $_size_execute0_lowered;
	s3 =	sadd.s32 s3, s5;
	[dreg:$0x0] =	wrdreg $0x0  }
0xae: {  	s5 =	sshll.u32 s28, $0x1;
	[dreg:$0x2] =	wrdreg s3  }
0xaf: {  	[dreg:$0x3] =	wrdreg s5  }
0xb0: {  	[dreg:$0x4] =	wrdreg $0xC0  }
0xb1: {  	_ =	task [dreg:s7], $0x5FFFF  }
0xb2: {  	[dreg:$0x1] =	wrdreg $0xFFFFFFFF  }
0xb3: {  	[dreg:$0x0] =	wrdreg $0x60  }
0xb4: {  	[dreg:$0x2] =	wrdreg s24  }
0xb5: {  	[dreg:$0x3] =	wrdreg s16  }
0xb6: {  	[dreg:$0x4] =	wrdreg $0x66800  }
0xb7: {  	[dreg:$0x5] =	wrdreg $0x9  }
0xb8: {  	_ =	task.clear_ibuf [dreg:s7], $0x6FFFF;
	_ =	strace $0x9000004F  }
0xb9: {  	s29 =	simm.s32 $0x9;
	_ =	strace $0x80000051  }
0xba: {  	_ =	swait.ge [sflag:s29], $0x1  }
0xbb: {  	[sflag:s29] =	ssyncadd.s32 $0xFFFFFFFF  }
0xbc: {  	_ =	strace $0x90000051  }
0xbd: {  	_ =	sfence  }
0xbe: {  	s30 =	sld [smem:$0x0];
	_ =	sdelay $0x2  }
0xbf: {  	s31 =	sshll.u32 s1, $0xD;
	s1 =	sshrl.u32 s1, $0x2  }
0xc0: {  	s3 =	sand.u32 $0x4000, s31;
	s1 =	sadd.s32 s1, s30  }
0xc1: {  	s0 =	sor.u32 s3, s0;
	s1 =	sshll.u32 s1, $0x11  }
0xc2: {  	s0 =	sor.u32 s1, s0  }
0xc3: {  	s0 =	sadd.s32 $0x8F2B, s0  }
0xc4: {  	[sflag:s0] =	ssyncadd.remote.s32 $0x1  }
0xc5: {  	_ =	sfence.sel $0xFFFF  }
0xc6: {  	[dreg:$0x0] =	wrdreg $0xFFFFFFFF;
	(pc) =	sbr.abs _section_cstart, $3  }
0xc7: {  	[dreg:$0x1] =	wrdreg $0xFFFFFFFF  }
0xc8: {  	_ =	task.clear_ibuf [dreg:s7], $0x2FFFF;
	_ =	strace $0x9FFFFFFF  }
0xc9: {  	(tm) =	ssettm $0x7FFFFFFF  }
tec
execute0_lowered:
.L_overlay_start_1:
0x0: {  	(tag) =	ssettag $0x1  }
0x1: {  	s0 =	rddreg [dreg:$0x0];
	s12 =	stileid.u32  }
0x2: {  	s1 =	rddreg [dreg:$0x1];
	s4 =	smul.u32 $0x4E200, s12  }
0x3: {  	s2 =	rddreg [dreg:$0x2];
	s6 =	smul.u32 $0x14000, s12  }
0x4: {  	s3 =	simm.s32 $0x0;
	s5 =	srdreg.scid;
	s9 =	smul.u32 $0x50000, s12  }
0x5: {  	s28 =	simm.s32 $0x2;
	s7 =	sand.u32 $0x1, s5;
	s19 =	smul.u32 $0x4E20, s12  }
0x6: {  	s29 =	simm.s32 $0x0;
	[smem:$0x7FF] =	sst s3;
	s10 =	smul.u32 $0x140000, s7  }
0x7: {  	s13 =	sadd.s32 $0x10400, s0;
	s20 =	sshll.u32 s12, $0x6;
	s21 =	smul.u32 $0x2710, s7  }
0x8: {  	_ =	strace $0x80000050;
	s5 =	ssub.s32 $0x2, s7;
	s23 =	smul.u32 $0x27100, s7  }
0x9: {  	s8 =	sadd.s32 s4, s0;
	s16 =	sshrl.u32 s6, $0x3;
	s17 =	sshrl.u32 s5, $0x1  }
0xa: {  	s18 =	sshrl.u32 s9, $0x2;
	s0 =	sadd.s32 s16, s0;
	s11 =	ssub.s32 s5, s17  }
0xb: {  	s14 =	sadd.s32 s18, s2;
	s5 =	sor.u32 $0x1C03, s20;
	s22 =	sadd.s32 s6, s10  }
0xc: {  	s12 =	sadd.s32 s21, s19;
	s25 =	sadd.s32 s23, s8;
	s16 =	simm.s32 $0x80  }
0xd: {  	s17 =	simm.s32 $0x100;
	s18 =	simm.s32 $0x180;
	s19 =	simm.s32 $0x200  }
0xe: {  	s20 =	simm.s32 $0x280;
	s21 =	simm.s32 $0x1;
	s23 =	simm.s32 $0x1680  }
0xf: {  	s0 =	sadd.s32 $0x1AA00, s0;
	s7 =	smax.u32 s11, $0x1;
	s24 =	sadd.s32 $0xA0, s12  }
0x10: {  	s9 =	sshrl.u32 s12, $0x3;
	s8 =	sadd.s32 $0x13CA800, s25;
	s26 =	sadd.s32 $0x78, s12  }
0x11: {  	s30 =	sadd.s32 $0x50, s12;
	s31 =	sadd.s32 $0x28, s12;
	s14 =	sshrl.u32 s14, $0x3  }
0x12: {  	s25 =	simm.s32 $0x3E80;
	[dreg:$0x4] =	wrdreg s0;
	s0 =	sshrl.u32 s22, $0x3  }
0x13: {  	s9 =	sadd.s32 s9, s13;
	s15 =	sshrl.u32 s31, $0x3;
	s0 =	sadd.s32 s1, s0  }
0x14: {  	s22 =	simm.s32 $0x28;
	s1 =	sshrl.u32 s30, $0x3;
	[dreg:$0x5] =	wrdreg s0  }
0x15: {  	s0 =	sshrl.u32 s24, $0x3;
	s12 =	sadd.s32 s1, s13;
	s24 =	simm.s32 $0x2A80  }
0x16: {  	s10 =	sadd.s32 s0, s13;
	s0 =	sshrl.u32 s26, $0x3;
	s26 =	simm.s32 $0x5280  }
0x17: {  	s11 =	sadd.s32 s0, s13;
	s13 =	sadd.s32 s15, s13;
	s15 =	simm.s32 $0x3  }
.LBB2_1:
0x18: {  	s0 =	rddreg [dreg:$0x4]  }
0x19: {  	[spmem:s14], [sflag:s5] =	dma.local [hbm:s0], $0x2800  }
0x1a: {  	_ =	swait.ge [sflag:s15], $0x2800  }
0x1b: {  	[sflag:s15] =	ssyncset.done $0x0  }
0x1c: {  	[sflag:s15] =	ssyncadd.s32 $0xFFFFD800  }
0x1d: {  	s4 =	sadd.s32 $0x0, s9;
	[bflag:$0x0] =	sbarrier.arrive $0xFFFF  }
0x1e: {  	[tilespmem:s3], [sflag:$0x1] =	stream.linear.gather [hbm4b:s4+s3], $0x28, $0x38;
	[tilespmem:$0x1A680] =	vst v63  }
0x1f: {  	s6 =	sadd.s32 $0x0, s13  }
0x20: {  	[tilespmem:s16], [sflag:$0x1] =	stream.linear.gather [hbm4b:s6+s3], $0x28, $0x38;
	[tilespmem:$0x1A680] =	vst v63  }
0x21: {  	s1 =	sadd.s32 $0x0, s12  }
0x22: {  	[tilespmem:s17], [sflag:$0x1] =	stream.linear.gather [hbm4b:s1+s3], $0x28, $0x38;
	[tilespmem:$0x1A680] =	vst v63  }
0x23: {  	s4 =	sadd.s32 $0x0, s11  }
0x24: {  	[tilespmem:s18], [sflag:$0x1] =	stream.linear.gather [hbm4b:s4+s3], $0x28, $0x38;
	[tilespmem:$0x1A680] =	vst v63  }
0x25: {  	s6 =	sadd.s32 $0x0, s10  }
0x26: {  	[tilespmem:s19], [sflag:$0x1] =	stream.linear.gather [hbm4b:s6+s3], $0x28, $0x38;
	[tilespmem:$0x1A680] =	vst v63  }
0x27: {  	_ = 	snop  }
0x28: {  	[tilespmem:s20], [sflag:$0x3] =	stream.linear.gather [hbm4b:s8+s3], $0x6400, $0x38;
	[tilespmem:$0x1A680] =	vst v63  }
0x29: {  	_ =	swait.ge [sflag:s15], $0x6400  }
0x2a: {  	[sflag:s15] =	ssyncset.done $0x0  }
0x2b: {  	[sflag:s15] =	ssyncadd.s32 $0xFFFF9C00  }
0x2c: {  	_ =	swait.ge [sflag:s21], $0x28  }
0x2d: {  	[sflag:s21] =	ssyncset.done $0x0  }
0x2e: {  	[sflag:s21] =	ssyncadd.s32 $0xFFFFFFD8  }
0x2f: {  	_ =	swait.ge [sflag:s21], $0x28  }
0x30: {  	[sflag:s21] =	ssyncset.done $0x0  }
0x31: {  	[sflag:s21] =	ssyncadd.s32 $0xFFFFFFD8  }
0x32: {  	_ =	swait.ge [sflag:s21], $0x28  }
0x33: {  	[sflag:s21] =	ssyncset.done $0x0  }
0x34: {  	[sflag:s21] =	ssyncadd.s32 $0xFFFFFFD8  }
0x35: {  	_ =	swait.ge [sflag:s21], $0x28  }
0x36: {  	[sflag:s21] =	ssyncset.done $0x0  }
0x37: {  	[sflag:s21] =	ssyncadd.s32 $0xFFFFFFD8  }
0x38: {  	_ =	swait.ge [sflag:s21], $0x28  }
0x39: {  	[sflag:s21] =	ssyncset.done $0x0  }
0x3a: {  	[sflag:s21] =	ssyncadd.s32 $0xFFFFFFD8  }
0x3b: {  	[spmem:s2] =	stream.indirect.scatter.add.f32 [tilespmem:s20], [sflag:$0x2], $0x80, s3, s22, $0xb8;
	[tilespmem:$0x1A680] =	vst v63  }
0x3c: {  	_ = 	snop  }
0x3d: {  	[spmem:s2] =	stream.indirect.scatter.add.f32 [tilespmem:s23], [sflag:$0x2], $0x80, s16, s22, $0xb8;
	[tilespmem:$0x1A680] =	vst v63  }
0x3e: {  	_ = 	snop  }
0x3f: {  	[spmem:s2] =	stream.indirect.scatter.add.f32 [tilespmem:s24], [sflag:$0x2], $0x80, s17, s22, $0xb8;
	[tilespmem:$0x1A680] =	vst v63  }
0x40: {  	_ = 	snop  }
0x41: {  	[spmem:s2] =	stream.indirect.scatter.add.f32 [tilespmem:s25], [sflag:$0x2], $0x80, s18, s22, $0xb8;
	[tilespmem:$0x1A680] =	vst v63  }
0x42: {  	_ = 	snop  }
0x43: {  	[spmem:s2] =	stream.indirect.scatter.add.f32 [tilespmem:s26], [sflag:$0x2], $0x80, s19, s22, $0xb8;
	[tilespmem:$0x1A680] =	vst v63  }
0x44: {  	_ =	swait.ge [sflag:s28], $0x1400  }
0x45: {  	[sflag:s28] =	ssyncset.done $0x0  }
0x46: {  	[sflag:s28] =	ssyncadd.s32 $0xFFFFEC00  }
0x47: {  	_ =	swait.ge [sflag:s28], $0x1400  }
0x48: {  	[sflag:s28] =	ssyncset.done $0x0  }
0x49: {  	[sflag:s28] =	ssyncadd.s32 $0xFFFFEC00  }
0x4a: {  	_ =	swait.ge [sflag:s28], $0x1400  }
0x4b: {  	[sflag:s28] =	ssyncset.done $0x0  }
0x4c: {  	[sflag:s28] =	ssyncadd.s32 $0xFFFFEC00  }
0x4d: {  	_ =	swait.ge [sflag:s28], $0x1400  }
0x4e: {  	[sflag:s28] =	ssyncset.done $0x0  }
0x4f: {  	[sflag:s28] =	ssyncadd.s32 $0xFFFFEC00  }
0x50: {  	s30 =	simm.s32 $0x19;
	_ =	swait.ge [sflag:s28], $0x1400  }
0x51: {  	s31 =	sadd.s32 $0xC80, s8;
	s0 =	simm.s32 $0x32;
	[sflag:s28] =	ssyncset.done $0x0  }
.LBB2_2:
0x52: {  	s4 =	sadd.s32 s30, s9  }
0x53: {  	[sflag:s28] =	ssyncadd.s32 $0xFFFFEC00;
	s6 =	smov.u32 s0;
	s1 =	sadd.s32 $0x19, s0  }
0x54: {  	[tilespmem:s3], [sflag:$0x1] =	stream.linear.gather [hbm4b:s4+s3], $0x28, $0x38;
	[tilespmem:$0x1A680] =	vst v63  }
0x55: {  	p0 =	sne.s32 s0, $0x4C9;
	s0 =	sadd.s32 s30, s13  }
0x56: {  	[tilespmem:s16], [sflag:$0x1] =	stream.linear.gather [hbm4b:s0+s3], $0x28, $0x38;
	[tilespmem:$0x1A680] =	vst v63  }
0x57: {  	s0 =	sadd.s32 s30, s12  }
0x58: {  	[tilespmem:s17], [sflag:$0x1] =	stream.linear.gather [hbm4b:s0+s3], $0x28, $0x38;
	[tilespmem:$0x1A680] =	vst v63  }
0x59: {  	s0 =	sadd.s32 s30, s11  }
0x5a: {  	[tilespmem:s18], [sflag:$0x1] =	stream.linear.gather [hbm4b:s0+s3], $0x28, $0x38;
	[tilespmem:$0x1A680] =	vst v63  }
0x5b: {  	s0 =	sadd.s32 s30, s10;
	s30 =	smov.u32 s6  }
0x5c: {  	[tilespmem:s19], [sflag:$0x1] =	stream.linear.gather [hbm4b:s0+s3], $0x28, $0x38;
	[tilespmem:$0x1A680] =	vst v63  }
0x5d: {  	_ = 	snop  }
0x5e: {  	[tilespmem:s20], [sflag:$0x3] =	stream.linear.gather [hbm4b:s31+s3], $0x6400, $0x38;
	[tilespmem:$0x1A680] =	vst v63  }
0x5f: {  	_ =	swait.ge [sflag:s15], $0x6400  }
0x60: {  	[sflag:s15] =	ssyncset.done $0x0  }
0x61: {  	[sflag:s15] =	ssyncadd.s32 $0xFFFF9C00  }
0x62: {  	_ =	swait.ge [sflag:s21], $0x28  }
0x63: {  	[sflag:s21] =	ssyncset.done $0x0  }
0x64: {  	[sflag:s21] =	ssyncadd.s32 $0xFFFFFFD8  }
0x65: {  	_ =	swait.ge [sflag:s21], $0x28  }
0x66: {  	[sflag:s21] =	ssyncset.done $0x0  }
0x67: {  	[sflag:s21] =	ssyncadd.s32 $0xFFFFFFD8  }
0x68: {  	_ =	swait.ge [sflag:s21], $0x28  }
0x69: {  	[sflag:s21] =	ssyncset.done $0x0  }
0x6a: {  	[sflag:s21] =	ssyncadd.s32 $0xFFFFFFD8  }
0x6b: {  	_ =	swait.ge [sflag:s21], $0x28  }
0x6c: {  	[sflag:s21] =	ssyncset.done $0x0  }
0x6d: {  	[sflag:s21] =	ssyncadd.s32 $0xFFFFFFD8  }
0x6e: {  	_ =	swait.ge [sflag:s21], $0x28  }
0x6f: {  	[sflag:s21] =	ssyncset.done $0x0  }
0x70: {  	[sflag:s21] =	ssyncadd.s32 $0xFFFFFFD8  }
0x71: {  	[spmem:s2] =	stream.indirect.scatter.add.f32 [tilespmem:s20], [sflag:$0x2], $0x80, s3, s22, $0xb8;
	[tilespmem:$0x1A680] =	vst v63  }
0x72: {  	_ = 	snop  }
0x73: {  	[spmem:s2] =	stream.indirect.scatter.add.f32 [tilespmem:s23], [sflag:$0x2], $0x80, s16, s22, $0xb8;
	[tilespmem:$0x1A680] =	vst v63  }
0x74: {  	_ = 	snop  }
0x75: {  	[spmem:s2] =	stream.indirect.scatter.add.f32 [tilespmem:s24], [sflag:$0x2], $0x80, s17, s22, $0xb8;
	[tilespmem:$0x1A680] =	vst v63  }
0x76: {  	_ = 	snop  }
0x77: {  	[spmem:s2] =	stream.indirect.scatter.add.f32 [tilespmem:s25], [sflag:$0x2], $0x80, s18, s22, $0xb8;
	[tilespmem:$0x1A680] =	vst v63  }
0x78: {  	_ = 	snop  }
0x79: {  	[spmem:s2] =	stream.indirect.scatter.add.f32 [tilespmem:s26], [sflag:$0x2], $0x80, s19, s22, $0xb8;
	[tilespmem:$0x1A680] =	vst v63  }
0x7a: {  	_ =	swait.ge [sflag:s28], $0x1400  }
0x7b: {  	[sflag:s28] =	ssyncset.done $0x0  }
0x7c: {  	[sflag:s28] =	ssyncadd.s32 $0xFFFFEC00  }
0x7d: {  	_ =	swait.ge [sflag:s28], $0x1400  }
0x7e: {  	[sflag:s28] =	ssyncset.done $0x0  }
0x7f: {  	[sflag:s28] =	ssyncadd.s32 $0xFFFFEC00  }
0x80: {  	_ =	swait.ge [sflag:s28], $0x1400  }
0x81: {  	[sflag:s28] =	ssyncset.done $0x0  }
0x82: {  	[sflag:s28] =	ssyncadd.s32 $0xFFFFEC00  }
.Ltmp0:
0x83: {  	_ =	swait.ge [sflag:s28], $0x1400;
	(pc) =	sbr.rel @p0 .LBB2_2-.Ltmp0, $4  }
0x84: {  	[sflag:s28] =	ssyncset.done $0x0  }
0x85: {  	[sflag:s28] =	ssyncadd.s32 $0xFFFFEC00  }
0x86: {  	_ =	swait.ge [sflag:s28], $0x1400  }
0x87: {  	s0 =	smov.u32 s1;
	s31 =	sadd.s32 $0xC80, s31;
	[sflag:s28] =	ssyncset.done $0x0  }
0x88: {  	s0 =	sadd.s32 s30, s9;
	[sflag:s28] =	ssyncadd.s32 $0xFFFFEC00  }
0x89: {  	[tilespmem:s3], [sflag:$0x1] =	stream.linear.gather [hbm4b:s0+s3], $0x28, $0x38;
	[tilespmem:$0x1A680] =	vst v63  }
0x8a: {  	s1 =	sadd.s32 s30, s13  }
0x8b: {  	[tilespmem:s16], [sflag:$0x1] =	stream.linear.gather [hbm4b:s1+s3], $0x28, $0x38;
	[tilespmem:$0x1A680] =	vst v63  }
0x8c: {  	s4 =	sadd.s32 s30, s12  }
0x8d: {  	[tilespmem:s17], [sflag:$0x1] =	stream.linear.gather [hbm4b:s4+s3], $0x28, $0x38;
	[tilespmem:$0x1A680] =	vst v63  }
0x8e: {  	s6 =	sadd.s32 s30, s11  }
0x8f: {  	[tilespmem:s18], [sflag:$0x1] =	stream.linear.gather [hbm4b:s6+s3], $0x28, $0x38;
	[tilespmem:$0x1A680] =	vst v63  }
0x90: {  	s30 =	sadd.s32 s30, s10  }
0x91: {  	[tilespmem:s19], [sflag:$0x1] =	stream.linear.gather [hbm4b:s30+s3], $0x28, $0x38;
	[tilespmem:$0x1A680] =	vst v63  }
0x92: {  	_ = 	snop  }
0x93: {  	[tilespmem:s20], [sflag:$0x3] =	stream.linear.gather [hbm4b:s31+s3], $0x6400, $0x38;
	[tilespmem:$0x1A680] =	vst v63  }
0x94: {  	_ =	swait.ge [sflag:s15], $0x6400  }
0x95: {  	[sflag:s15] =	ssyncset.done $0x0  }
0x96: {  	[sflag:s15] =	ssyncadd.s32 $0xFFFF9C00  }
0x97: {  	_ =	swait.ge [sflag:s21], $0x28  }
0x98: {  	[sflag:s21] =	ssyncset.done $0x0  }
0x99: {  	[sflag:s21] =	ssyncadd.s32 $0xFFFFFFD8  }
0x9a: {  	_ =	swait.ge [sflag:s21], $0x28  }
0x9b: {  	[sflag:s21] =	ssyncset.done $0x0  }
0x9c: {  	[sflag:s21] =	ssyncadd.s32 $0xFFFFFFD8  }
0x9d: {  	_ =	swait.ge [sflag:s21], $0x28  }
0x9e: {  	[sflag:s21] =	ssyncset.done $0x0  }
0x9f: {  	[sflag:s21] =	ssyncadd.s32 $0xFFFFFFD8  }
0xa0: {  	_ =	swait.ge [sflag:s21], $0x28  }
0xa1: {  	[sflag:s21] =	ssyncset.done $0x0  }
0xa2: {  	[sflag:s21] =	ssyncadd.s32 $0xFFFFFFD8  }
0xa3: {  	_ =	swait.ge [sflag:s21], $0x28  }
0xa4: {  	[sflag:s21] =	ssyncset.done $0x0  }
0xa5: {  	[sflag:s21] =	ssyncadd.s32 $0xFFFFFFD8  }
0xa6: {  	[spmem:s2] =	stream.indirect.scatter.add.f32 [tilespmem:s20], [sflag:$0x2], $0x80, s3, s22, $0xb8;
	[tilespmem:$0x1A680] =	vst v63  }
0xa7: {  	_ = 	snop  }
0xa8: {  	[spmem:s2] =	stream.indirect.scatter.add.f32 [tilespmem:s23], [sflag:$0x2], $0x80, s16, s22, $0xb8;
	[tilespmem:$0x1A680] =	vst v63  }
0xa9: {  	_ = 	snop  }
0xaa: {  	[spmem:s2] =	stream.indirect.scatter.add.f32 [tilespmem:s24], [sflag:$0x2], $0x80, s17, s22, $0xb8;
	[tilespmem:$0x1A680] =	vst v63  }
0xab: {  	_ = 	snop  }
0xac: {  	[spmem:s2] =	stream.indirect.scatter.add.f32 [tilespmem:s25], [sflag:$0x2], $0x80, s18, s22, $0xb8;
	[tilespmem:$0x1A680] =	vst v63  }
0xad: {  	_ = 	snop  }
0xae: {  	[spmem:s2] =	stream.indirect.scatter.add.f32 [tilespmem:s26], [sflag:$0x2], $0x80, s19, s22, $0xb8;
	[tilespmem:$0x1A680] =	vst v63  }
0xaf: {  	_ =	swait.ge [sflag:s28], $0x1400  }
0xb0: {  	[sflag:s28] =	ssyncset.done $0x0  }
0xb1: {  	[sflag:s28] =	ssyncadd.s32 $0xFFFFEC00  }
0xb2: {  	_ =	swait.ge [sflag:s28], $0x1400  }
0xb3: {  	[sflag:s28] =	ssyncset.done $0x0  }
0xb4: {  	[sflag:s28] =	ssyncadd.s32 $0xFFFFEC00  }
0xb5: {  	_ =	swait.ge [sflag:s28], $0x1400  }
0xb6: {  	[sflag:s28] =	ssyncset.done $0x0  }
0xb7: {  	[sflag:s28] =	ssyncadd.s32 $0xFFFFEC00  }
0xb8: {  	_ =	swait.ge [sflag:s28], $0x1400  }
0xb9: {  	[sflag:s28] =	ssyncset.done $0x0  }
0xba: {  	[sflag:s28] =	ssyncadd.s32 $0xFFFFEC00  }
0xbb: {  	_ =	swait.ge [sflag:s28], $0x1400  }
0xbc: {  	[sflag:s28] =	ssyncset.done $0x0  }
0xbd: {  	s29 =	sadd.s32 $0x1, s29;
	[sflag:s28] =	ssyncadd.s32 $0xFFFFEC00  }
0xbe: {  	p0 =	sne.s32 s29, s7;
	[bflag:$0x0] =	sbarrier.arrive $0xFFFF  }
.Ltmp1:
0xbf: {  	s31 =	rddreg [dreg:$0x5];
	(pc) =	sbr.rel @p0 .LBB2_1-.Ltmp1, $4  }
0xc0: {  	[hbm:s31], [sflag:s5] =	dma.local [spmem:s14], $0x2800  }
0xc1: {  	_ =	swait.ge [sflag:s15], $0x2800  }
0xc2: {  	[sflag:s15] =	ssyncset.done $0x0  }
0xc3: {  	[sflag:s15] =	ssyncadd.s32 $0xFFFFD800  }
0xc4: {  	_ =	sfence.sel $0x180000  }
0xc5: {  	[bflag:$0x0] =	sbarrier.arrive $0xFFFF  }
0xc6: {  	_ =	strace $0x90000050  }
0xc7: {  	s0 =	stileid.u32;
	[bflag:$0x2] =	sbarrier.arrive $0xFFFF  }
0xc8: {  	p0 =	sne.s32 s0, $0x0;
	s0 =	rddreg [dreg:$0x3]  }
0xc9: {  	s0 =	sadd.s32 @!p0 $0x100000, s0  }
0xca: {  	[sflag:s0] =	ssyncadd.tile.s32 @!p0 $0x1;
	_ =	shalt  }
.Lfunc_end2:
_tile_overlayer_lowered:
.L_overlay_start_2:
0xcb: {  	(tag) =	ssettag $0x2  }
0xcc: {  	s0 =	rddreg [dreg:$0x0];
	s2 =	stileid.u32  }
0xcd: {  	s1 =	rddreg [dreg:$0x1];
	p0 =	sne.s32 s2, $0x0  }
0xce: {  	s3 =	rddreg [dreg:$0x2];
	[bflag:$0x3] =	sbarrier.arrive $0xFFFF;
	s2 =	simm.s32 @!p0 $0x1C03  }
0xcf: {  	[timem:s3], [sflag:s2] =	dma.local @!p0 [hbm:s0], s1  }
0xd0: {  	s0 =	simm.s32 @!p0 $0x3  }
0xd1: {  	_ =	swait.ge @!p0 [sflag:s0], s1  }
0xd2: {  	s1 =	ssub.s32 @!p0 $0x0, s1;
	[sflag:s0] =	ssyncset.done @!p0 $0x0  }
0xd3: {  	[sflag:s0] =	ssyncadd.s32 @!p0 s1  }
0xd4: {  	[bflag:$0x3] =	sbarrier.arrive $0xFFFF  }
0xd5: {  	_ =	shalt  }

// kernel: kernel.27.cloned.1.call-start
scs
__scs_entry_jumppad:
0x0: {  	(pc) =	sbr.rel $0x88, $3  }
0x1: {  	(tag) =	ssettag $0x0;
	lr =	simm.s32 $0x1  }
0x2: {  	[smem:$0x3F67] =	sst lr;
	_ =	strace $0xD0000000  }
0x3: {  	_ = 	snop  }
0x4: {  	_ = 	snop  }
0x5: {  	_ = 	snop  }
0x6: {  	_ = 	snop  }
0x7: {  	_ = 	snop  }
__scs_overlays_trampoline_lowered:
0x8: {  	[smem:$0x3F76] =	sst s0  }
0x9: {  	[smem:$0x3F77] =	sst s1  }
0xa: {  	[smem:$0x3F78] =	sst s2  }
0xb: {  	[smem:$0x3F79] =	sst s3  }
0xc: {  	[smem:$0x3F7A] =	sst s4  }
0xd: {  	[smem:$0x3F7B] =	sst s5  }
0xe: {  	[smem:$0x3F7C] =	sst s6  }
0xf: {  	[smem:$0x3F7D] =	sst s7  }
0x10: {  	[smem:$0x3F7E] =	sst s8  }
0x11: {  	[smem:$0x3F7F] =	sst s9;
	s0 =	simm.s32 @!p0 $0x0  }
0x12: {  	s1 =	sld [smem:$0x3F65];
	s0 =	simm.s32 @p0 $0x1  }
0x13: {  	[smem:$0x3F80] =	sst s0;
	s0 =	simm.s32 @!p1 $0x0  }
0x14: {  	s2 =	sld [smem:$0x3F64];
	s0 =	simm.s32 @p1 $0x1  }
0x15: {  	[smem:$0x3F81] =	sst s0;
	s0 =	simm.s32 @!p2 $0x0  }
0x16: {  	s3 =	sld [smem:$0x3FDB];
	s0 =	simm.s32 @p2 $0x1  }
0x17: {  	s4 =	simm.s32 $0x1BF5;
	[smem:$0x3F83] =	sst s0  }
0x18: {  	s0 =	sld [smem:$0x3F66];
	_ =	swait.ge [sflag:s4], $0x0  }
0x19: {  	s7 =	sld [smem:$0x3F67]  }
0x1a: {  	s8 =	sadd.s32 $0xFFFFE003, lr  }
0x1b: {  	s9 =	sadd.s32 $0xFFFFFEF7, lr;
	s5 =	simm.s32 $0xFFFFFFFF;
	p2 =	slt.u32 s8, $0xFFFFF086  }
0x1c: {  	p1 =	slt.u32 s9, $0xF7A;
	s5 =	simm.s32 @!p2 $0x0  }
0x1d: {  	s5 =	simm.s32 @p1 $0x1;
	p0 =	seq.s32 s7, s2  }
0x1e: {  	s7 =	smul.u32 @!p0 $0xF7A, s2;
	p2 =	seq.s32 @!p0 s5, $0x0  }
0x1f: {  	s9 =	smul.u32 $0xF7A, s1;
	s8 =	simm.s32 @!p0 $0x1BF5;
	p2 =	por !p2, p0  }
0x20: {  	[sflag:s8] =	ssyncset.s32 @!p0 $0xFFFFF086;
	s6 =	sadd.s32 @!p0 s3, s7;
	s7 =	simm.s32 @!p0 $0x108  }
0x21: {  	s3 =	sadd.s32 s3, s9;
	s6 =	sadd.s32 @!p0 $0x88, s6;
	s7 =	simm.s32 @p2 $0x1082  }
0x22: {  	[simem:s7], [sflag:s8] =	dma.local @!p0 [hbm:s6], $0xF7A  }
0x23: {  	s9 =	sor.u32 $0xD0000000, s2;
	s6 =	simm.s32 $0x108;
	_ =	swait.ge @!p0 [sflag:s8], $0x0  }
0x24: {  	s3 =	sadd.s32 $0x88, s3;
	s6 =	simm.s32 @!p1 $0x1082;
	[sflag:s4] =	ssyncset.s32 $0xFFFFF086  }
0x25: {  	[simem:s6], [sflag:s4] =	dma.local [hbm:s3], $0xF7A  }
0x26: {  	[smem:$0x3F67] =	sst s1;
	(tag) =	ssettag s2;
	_ =	strace s9  }
0x27: {  	s1 =	sld [smem:$0x3F77]  }
0x28: {  	s2 =	sld [smem:$0x3F78]  }
0x29: {  	s4 =	sld [smem:$0x3F7A]  }
0x2a: {  	p0 =	seq.s32 s5, $0x0;
	s5 =	sld [smem:$0x3F7B]  }
0x2b: {  	s6 =	sld [smem:$0x3F7C]  }
0x2c: {  	s7 =	sld [smem:$0x3F7D]  }
0x2d: {  	s3 =	simm.s32 $0x108;
	s8 =	sld [smem:$0x3F7E]  }
0x2e: {  	s3 =	simm.s32 @!p0 $0x1082;
	s9 =	sld [smem:$0x3F7F]  }
0x2f: {  	lr =	sadd.s32 s0, s3;
	s0 =	sld [smem:$0x3F76]  }
0x30: {  	s3 =	sld [smem:$0x3F79]  }
0x31: {  	[smem:$0x3F82] =	sst s10  }
0x32: {  	s10 =	sld [smem:$0x3F80];
	_ =	sdelay $0x3  }
0x33: {  	p0 =	seq.s32 s10, $0x1;
	s10 =	sld [smem:$0x3F82];
	_ =	sdelay $0x3  }
0x34: {  	[smem:$0x3F82] =	sst s10  }
0x35: {  	s10 =	sld [smem:$0x3F81];
	_ =	sdelay $0x3  }
0x36: {  	p1 =	seq.s32 s10, $0x1;
	s10 =	sld [smem:$0x3F82];
	_ =	sdelay $0x3  }
0x37: {  	[smem:$0x3F82] =	sst s10  }
0x38: {  	s10 =	sld [smem:$0x3F83]  }
0x39: {  	_ = 	snop;
	(pc) =	sbr.ind lr, $3  }
0x3a: {  	_ = 	snop  }
0x3b: {  	_ = 	snop  }
0x3c: {  	p2 =	seq.s32 s10, $0x1;
	s10 =	sld [smem:$0x3F82]  }
0x3d: {  	_ =	shalt  }
0x3e: {  	_ =	shalt  }
0x3f: {  	_ =	shalt  }
0x40: {  	_ =	shalt  }
0x41: {  	_ =	shalt  }
0x42: {  	_ =	shalt  }
0x43: {  	_ =	shalt  }
0x44: {  	_ =	shalt  }
0x45: {  	_ =	shalt  }
0x46: {  	_ =	shalt  }
0x47: {  	_ =	shalt  }
0x48: {  	_ =	shalt  }
0x49: {  	_ =	shalt  }
0x4a: {  	_ =	shalt  }
0x4b: {  	_ =	shalt  }
0x4c: {  	_ =	shalt  }
0x4d: {  	_ =	shalt  }
0x4e: {  	_ =	shalt  }
0x4f: {  	_ =	shalt  }
0x50: {  	_ =	shalt  }
0x51: {  	_ =	shalt  }
0x52: {  	_ =	shalt  }
0x53: {  	_ =	shalt  }
0x54: {  	_ =	shalt  }
0x55: {  	_ =	shalt  }
0x56: {  	_ =	shalt  }
0x57: {  	_ =	shalt  }
0x58: {  	_ =	shalt  }
0x59: {  	_ =	shalt  }
0x5a: {  	_ =	shalt  }
0x5b: {  	_ =	shalt  }
0x5c: {  	_ =	shalt  }
0x5d: {  	_ =	shalt  }
0x5e: {  	_ =	shalt  }
0x5f: {  	_ =	shalt  }
0x60: {  	_ =	shalt  }
0x61: {  	_ =	shalt  }
0x62: {  	_ =	shalt  }
0x63: {  	_ =	shalt  }
0x64: {  	_ =	shalt  }
0x65: {  	_ =	shalt  }
0x66: {  	_ =	shalt  }
0x67: {  	_ =	shalt  }
0x68: {  	_ =	shalt  }
0x69: {  	_ =	shalt  }
0x6a: {  	_ =	shalt  }
0x6b: {  	_ =	shalt  }
0x6c: {  	_ =	shalt  }
0x6d: {  	_ =	shalt  }
0x6e: {  	_ =	shalt  }
0x6f: {  	_ =	shalt  }
0x70: {  	_ =	shalt  }
0x71: {  	_ =	shalt  }
0x72: {  	_ =	shalt  }
0x73: {  	_ =	shalt  }
0x74: {  	_ =	shalt  }
0x75: {  	_ =	shalt  }
0x76: {  	_ =	shalt  }
0x77: {  	_ =	shalt  }
0x78: {  	_ =	shalt  }
0x79: {  	_ =	shalt  }
0x7a: {  	_ =	shalt  }
0x7b: {  	_ =	shalt  }
0x7c: {  	_ =	shalt  }
0x7d: {  	_ =	shalt  }
0x7e: {  	_ =	shalt  }
0x7f: {  	_ =	shalt  }
0x80: {  	_ =	shalt  }
0x81: {  	_ =	shalt  }
0x82: {  	_ =	shalt  }
0x83: {  	_ =	shalt  }
0x84: {  	_ =	shalt  }
0x85: {  	_ =	shalt  }
0x86: {  	_ =	shalt  }
0x87: {  	_ =	shalt  }
.Lfunc_end0:
.L_simem_size_0:
called_computation.4_lowered:
.L_overlay_start_0:
0x88: {  	s2 =	sld [smem:$0x3FD9]  }
0x89: {  	s3 =	sld [smem:$0x3FFE];
	_ =	sdelay $0x1  }
0x8a: {  	s1 =	srdreg.scid  }
0x8b: {  	s0 =	sand.u32 $0x1, s1  }
0x8c: {  	s14 =	sshll.u32 s0, $0xA;
	s2 =	sadd.s32 s3, s2  }
0x8d: {  	s2 =	sadd.s32 s2, s14  }
0x8e: {  	[smem:$0x3F8E] =	sst s2  }
0x8f: {  	_ = 	snop  }
0x90: {  	s2 =	sld [smem:$0x3FD0];
	_ =	sdelay $0x2  }
0x91: {  	s15 =	simm.s32 $0xA;
	s4 =	simm.s32 $0x10  }
0x92: {  	[smem:s4], [sflag:s15] =	dma.local [hbm:s2], $0x1  }
0x93: {  	_ =	swait.eq [sflag:s15], $0x1  }
0x94: {  	[sflag:s15] =	ssyncset.done $0x0  }
0x95: {  	s16 =	sld [smem:$0x10];
	[sflag:s15] =	ssyncadd.s32 $0xFFFFFFFF  }
0x96: {  	s17 =	sld [smem:$0x14];
	(tm) =	ssettm $0x1  }
0x97: {  	s18 =	sld [smem:$0x3FFB];
	_ =	sdelay $0x3  }
0x98: {  	_ =	strace s18  }
0x99: {  	s4 =	sld [smem:$0x3FFC];
	_ =	sdelay $0x3  }
0x9a: {  	_ =	strace s4  }
0x9b: {  	s4 =	sld [smem:$0x3FFD];
	_ =	sdelay $0x3  }
0x9c: {  	_ =	strace s4  }
0x9d: {  	_ =	strace $0x8FFFFFFF  }
0x9e: {  	s19 =	sld [smem:$0x3FDB];
	_ =	sdelay $0x1  }
0x9f: {  	s5 =	simm.s32 $_scs_section_size  }
0xa0: {  	s6 =	simm.s32 $_size__tile_overlayer_lowered;
	s7 =	simm.s32 $_tile_overlayer_lowered  }
0xa1: {  	s22 =	simm.s32 $0x1BFF;
	s21 =	sshll.u32 s7, $0x1;
	s4 =	sadd.s32 s5, s19  }
0xa2: {  	s8 =	simm.s32 $0x0;
	s20 =	sshll.u32 s6, $0x1;
	s6 =	sadd.s32 s21, s4  }
0xa3: {  	[timem:s8], [sflag:s22] =	dma.local [hbm:s6], s20  }
0xa4: {  	_ =	swait.ge [sflag:s22], s20  }
0xa5: {  	s5 =	ssub.s32 $0x0, s20;
	[sflag:s22] =	ssyncset.done $0x0  }
0xa6: {  	[sflag:s22] =	ssyncadd.s32 s5;
	_ =	sdelay $0x1  }
0xa7: {  	s23 =	simm.s32 $0x1B8B  }
0xa8: {  	_ =	swait.ge [sflag:s23], $0x1  }
0xa9: {  	[sflag:s23] =	ssyncset.done $0x0  }
0xaa: {  	s25 =	simm.s32 $0x1B8E;
	s24 =	sld [smem:$0x3FFE];
	[sflag:s23] =	ssyncadd.s32 $0xFFFFFFFF  }
0xab: {  	s26 =	simm.s32 $execute0_lowered;
	[smem:$0x3FD2] =	sst s25  }
0xac: {  	s6 =	sshll.u32 s26, $0x1;
	_ =	strace $0x80000052;
	[dreg:$0x1] =	wrdreg $0xFFFFFFFF  }
0xad: {  	s28 =	simm.s32 $_size_execute0_lowered;
	s4 =	sadd.s32 s4, s6;
	[dreg:$0x0] =	wrdreg $0x0  }
0xae: {  	s6 =	sshll.u32 s28, $0x1;
	[dreg:$0x2] =	wrdreg s4  }
0xaf: {  	[dreg:$0x3] =	wrdreg s6  }
0xb0: {  	[dreg:$0x4] =	wrdreg $0xC0  }
0xb1: {  	_ =	task [dreg:s8], $0x5FFFF  }
0xb2: {  	[dreg:$0x1] =	wrdreg $0xFFFFFFFF  }
0xb3: {  	[dreg:$0x0] =	wrdreg $0x60  }
0xb4: {  	[dreg:$0x2] =	wrdreg s17  }
0xb5: {  	[dreg:$0x3] =	wrdreg s24  }
0xb6: {  	[dreg:$0x4] =	wrdreg s16  }
0xb7: {  	[dreg:$0x5] =	wrdreg $0x9  }
0xb8: {  	_ =	task.clear_ibuf [dreg:s8], $0x6FFFF;
	_ =	strace $0x90000052  }
0xb9: {  	s29 =	simm.s32 $0x9;
	_ =	strace $0x80000054  }
0xba: {  	_ =	swait.ge [sflag:s29], $0x1  }
0xbb: {  	[sflag:s29] =	ssyncadd.s32 $0xFFFFFFFF  }
0xbc: {  	_ =	strace $0x90000054  }
0xbd: {  	_ =	sfence  }
0xbe: {  	s30 =	sld [smem:$0x0];
	_ =	sdelay $0x2  }
0xbf: {  	s31 =	sshll.u32 s1, $0xD;
	s1 =	sshrl.u32 s1, $0x2  }
0xc0: {  	s3 =	sand.u32 $0x4000, s31;
	s1 =	sadd.s32 s1, s30  }
0xc1: {  	s0 =	sor.u32 s3, s0;
	s1 =	sshll.u32 s1, $0x11  }
0xc2: {  	s0 =	sor.u32 s1, s0  }
0xc3: {  	s0 =	sadd.s32 $0x8F2B, s0  }
0xc4: {  	[sflag:s0] =	ssyncadd.remote.s32 $0x1  }
0xc5: {  	_ =	sfence.sel $0xFFFF  }
0xc6: {  	[dreg:$0x0] =	wrdreg $0xFFFFFFFF;
	(pc) =	sbr.abs _section_cstart, $3  }
0xc7: {  	[dreg:$0x1] =	wrdreg $0xFFFFFFFF  }
0xc8: {  	_ =	task.clear_ibuf [dreg:s8], $0x2FFFF;
	_ =	strace $0x9FFFFFFF  }
0xc9: {  	(tm) =	ssettm $0x7FFFFFFF  }
tec
execute0_lowered:
.L_overlay_start_1:
0x0: {  	(tag) =	ssettag $0x1  }
0x1: {  	s1 =	rddreg [dreg:$0x0]  }
0x2: {  	s5 =	rddreg [dreg:$0x1]  }
0x3: {  	s7 =	rddreg [dreg:$0x2]  }
0x4: {  	s0 =	rddreg [dreg:$0x3]  }
0x5: {  	s4 =	srdreg.scid;
	s2 =	stileid.u32  }
0x6: {  	s3 =	simm.s32 $0x0;
	s12 =	simm.s32 $0x2C00;
	s14 =	simm.s32 $0x250  }
0x7: {  	s13 =	simm.s32 $0x5400;
	s15 =	simm.s32 $0xA0;
	s16 =	simm.s32 $0x2A0  }
0x8: {  	s17 =	simm.s32 $0xF0;
	s18 =	simm.s32 $0x2F0;
	s19 =	simm.s32 $0x140  }
0x9: {  	s20 =	simm.s32 $0x340;
	s21 =	simm.s32 $0x2;
	s22 =	simm.s32 $0x3  }
0xa: {  	s6 =	sand.u32 $0x1, s4;
	s8 =	smul.u32 $0x4E20, s2;
	[smem:$0x7FF] =	sst s3  }
0xb: {  	s10 =	smul.u32 $0x4E200, s2;
	_ =	strace $0x80000053;
	[dreg:$0x6] =	wrdreg s14  }
0xc: {  	s23 =	simm.s32 $0x0;
	s9 =	smul.u32 $0x2710, s6;
	[dreg:$0x7] =	wrdreg s15  }
0xd: {  	s4 =	sadd.s32 $0xA2F400, s5;
	s11 =	smul.u32 $0x27100, s6;
	[dreg:$0x8] =	wrdreg s16  }
0xe: {  	s6 =	ssub.s32 $0x2, s6;
	s14 =	simm.s32 $0x7C00;
	[dreg:$0x9] =	wrdreg s17  }
0xf: {  	s15 =	simm.s32 $0xA400;
	s16 =	simm.s32 $0xCC00;
	[dreg:$0xa] =	wrdreg s18  }
0x10: {  	s17 =	simm.s32 $0xF400;
	s18 =	simm.s32 $0x11C00;
	[dreg:$0xb] =	wrdreg s19  }
0x11: {  	s19 =	simm.s32 $0x14400;
	[dreg:$0xc] =	wrdreg s20;
	s20 =	simm.s32 $0x16C00  }
0x12: {  	s25 =	sadd.s32 s10, s5;
	s26 =	sshrl.u32 s6, $0x1;
	s10 =	simm.s32 $0x50  }
0x13: {  	s8 =	sadd.s32 s9, s8;
	s9 =	sadd.s32 s11, s25;
	s29 =	ssub.s32 s6, s26  }
0x14: {  	s11 =	simm.s32 $0x400;
	s8 =	sshrl.u32 s8, $0x3;
	s30 =	sadd.s32 $0xEE8800, s9  }
0x15: {  	s31 =	sadd.s32 $0x43A00, s9;
	s9 =	simm.s32 $0x1;
	[dreg:$0x4] =	wrdreg s30  }
0x16: {  	s28 =	sadd.s32 s8, s5;
	s5 =	smax.u32 s29, $0x1;
	[dreg:$0x5] =	wrdreg s31  }
0x17: {  	s7 =	sadd.s32 s8, s7;
	s8 =	simm.s32 $0x200;
	s6 =	sadd.s32 $0x10400, s28  }
.LBB2_1:
0x18: {  	[tilespmem:s3], [sflag:$0x1] =	stream.linear.gather [hbm4b:s7+s3], $0x190, $0x38;
	[tilespmem:$0x19400] =	vst v63  }
0x19: {  	_ = 	snop  }
0x1a: {  	[tilespmem:s8], [sflag:$0x1] =	stream.linear.gather [hbm4b:s6+s3], $0x190, $0x38;
	[tilespmem:$0x19400] =	vst v63  }
0x1b: {  	_ =	swait.ge [sflag:s9], $0x190  }
0x1c: {  	[sflag:s9] =	ssyncset.done $0x0  }
0x1d: {  	[sflag:s9] =	ssyncadd.s32 $0xFFFFFE70  }
0x1e: {  	_ =	swait.ge [sflag:s9], $0x190  }
0x1f: {  	[sflag:s9] =	ssyncset.done $0x0  }
0x20: {  	[sflag:s9] =	ssyncadd.s32 $0xFFFFFE70  }
0x21: {  	[tilespmem:s11], [sflag:$0x2] =	stream.indirect.gather [hbm4b:s1+s10], $0x80, s3, s10, $0xb8;
	[tilespmem:$0x19400] =	vst v63  }
0x22: {  	_ = 	snop  }
0x23: {  	[tilespmem:s12], [sflag:$0x2] =	stream.indirect.gather [hbm4b:s4+s10], $0x80, s8, s10, $0xb8;
	[tilespmem:$0x19400] =	vst v63  }
0x24: {  	_ = 	snop  }
0x25: {  	[tilespmem:s13], [sflag:$0x2] =	stream.indirect.gather [hbm4b:s1+s10], $0x80, s10, s10, $0xb8;
	[tilespmem:$0x19400] =	vst v63  }
0x26: {  	s24 =	rddreg [dreg:$0x6]  }
0x27: {  	[tilespmem:s14], [sflag:$0x2] =	stream.indirect.gather [hbm4b:s4+s10], $0x80, s24, s10, $0xb8;
	[tilespmem:$0x19400] =	vst v63  }
0x28: {  	s25 =	rddreg [dreg:$0x7]  }
0x29: {  	[tilespmem:s15], [sflag:$0x2] =	stream.indirect.gather [hbm4b:s1+s10], $0x80, s25, s10, $0xb8;
	[tilespmem:$0x19400] =	vst v63  }
0x2a: {  	s28 =	rddreg [dreg:$0x8]  }
0x2b: {  	[tilespmem:s16], [sflag:$0x2] =	stream.indirect.gather [hbm4b:s4+s10], $0x80, s28, s10, $0xb8;
	[tilespmem:$0x19400] =	vst v63  }
0x2c: {  	s29 =	rddreg [dreg:$0x9]  }
0x2d: {  	[tilespmem:s17], [sflag:$0x2] =	stream.indirect.gather [hbm4b:s1+s10], $0x80, s29, s10, $0xb8;
	[tilespmem:$0x19400] =	vst v63  }
0x2e: {  	s30 =	rddreg [dreg:$0xa]  }
0x2f: {  	[tilespmem:s18], [sflag:$0x2] =	stream.indirect.gather [hbm4b:s4+s10], $0x80, s30, s10, $0xb8;
	[tilespmem:$0x19400] =	vst v63  }
0x30: {  	s31 =	rddreg [dreg:$0xb]  }
0x31: {  	[tilespmem:s19], [sflag:$0x2] =	stream.indirect.gather [hbm4b:s1+s10], $0x80, s31, s10, $0xb8;
	[tilespmem:$0x19400] =	vst v63  }
0x32: {  	s26 =	rddreg [dreg:$0xc]  }
0x33: {  	[tilespmem:s20], [sflag:$0x2] =	stream.indirect.gather [hbm4b:s4+s10], $0x80, s26, s10, $0xb8;
	[tilespmem:$0x19400] =	vst v63  }
0x34: {  	_ =	swait.ge [sflag:s21], $0x2800  }
0x35: {  	[sflag:s21] =	ssyncset.done $0x0  }
0x36: {  	[sflag:s21] =	ssyncadd.s32 $0xFFFFD800  }
0x37: {  	_ =	swait.ge [sflag:s21], $0x2800  }
0x38: {  	[sflag:s21] =	ssyncset.done $0x0  }
0x39: {  	[sflag:s21] =	ssyncadd.s32 $0xFFFFD800  }
0x3a: {  	_ =	swait.ge [sflag:s21], $0x2800  }
0x3b: {  	[sflag:s21] =	ssyncset.done $0x0  }
0x3c: {  	[sflag:s21] =	ssyncadd.s32 $0xFFFFD800  }
0x3d: {  	_ =	swait.ge [sflag:s21], $0x2800  }
0x3e: {  	[sflag:s21] =	ssyncset.done $0x0  }
0x3f: {  	[sflag:s21] =	ssyncadd.s32 $0xFFFFD800  }
0x40: {  	_ =	swait.ge [sflag:s21], $0x2800  }
0x41: {  	[sflag:s21] =	ssyncset.done $0x0  }
0x42: {  	[sflag:s21] =	ssyncadd.s32 $0xFFFFD800  }
0x43: {  	_ =	swait.ge [sflag:s21], $0x2800  }
0x44: {  	[sflag:s21] =	ssyncset.done $0x0  }
0x45: {  	[sflag:s21] =	ssyncadd.s32 $0xFFFFD800  }
0x46: {  	_ =	swait.ge [sflag:s21], $0x2800  }
0x47: {  	[sflag:s21] =	ssyncset.done $0x0  }
0x48: {  	[sflag:s21] =	ssyncadd.s32 $0xFFFFD800  }
0x49: {  	_ =	swait.ge [sflag:s21], $0x2800  }
0x4a: {  	[sflag:s21] =	ssyncset.done $0x0  }
0x4b: {  	[sflag:s21] =	ssyncadd.s32 $0xFFFFD800  }
0x4c: {  	_ =	swait.ge [sflag:s21], $0x2800  }
0x4d: {  	[sflag:s21] =	ssyncset.done $0x0  }
0x4e: {  	[sflag:s21] =	ssyncadd.s32 $0xFFFFD800  }
0x4f: {  	_ =	swait.ge [sflag:s21], $0x2800  }
0x50: {  	s28 =	rddreg [dreg:$0x4];
	[sflag:s21] =	ssyncset.done $0x0  }
0x51: {  	s29 =	rddreg [dreg:$0x5];
	[sflag:s21] =	ssyncadd.s32 $0xFFFFD800;
	s24 =	sadd.s32 $0x0, s28  }
0x52: {  	[hbm4b:s24+s3] =	stream.linear.scatter [tilespmem:s11], [sflag:$0x3], $0x2800, $0x38;
	[tilespmem:$0x19400] =	vst v63  }
0x53: {  	s25 =	sadd.s32 $0x0, s29  }
0x54: {  	[hbm4b:s25+s3] =	stream.linear.scatter [tilespmem:s12], [sflag:$0x3], $0x2800, $0x38;
	[tilespmem:$0x19400] =	vst v63  }
0x55: {  	s26 =	sadd.s32 $0x500, s24  }
0x56: {  	[hbm4b:s26+s3] =	stream.linear.scatter [tilespmem:s13], [sflag:$0x3], $0x2800, $0x38;
	[tilespmem:$0x19400] =	vst v63  }
0x57: {  	s30 =	sadd.s32 $0x500, s25  }
0x58: {  	[hbm4b:s30+s3] =	stream.linear.scatter [tilespmem:s14], [sflag:$0x3], $0x2800, $0x38;
	[tilespmem:$0x19400] =	vst v63  }
0x59: {  	s31 =	sadd.s32 $0xA00, s24  }
0x5a: {  	[hbm4b:s31+s3] =	stream.linear.scatter [tilespmem:s15], [sflag:$0x3], $0x2800, $0x38;
	[tilespmem:$0x19400] =	vst v63  }
0x5b: {  	s28 =	sadd.s32 $0xA00, s25  }
0x5c: {  	[hbm4b:s28+s3] =	stream.linear.scatter [tilespmem:s16], [sflag:$0x3], $0x2800, $0x38;
	[tilespmem:$0x19400] =	vst v63  }
0x5d: {  	s29 =	sadd.s32 $0xF00, s24  }
0x5e: {  	[hbm4b:s29+s3] =	stream.linear.scatter [tilespmem:s17], [sflag:$0x3], $0x2800, $0x38;
	[tilespmem:$0x19400] =	vst v63  }
0x5f: {  	s30 =	sadd.s32 $0xF00, s25  }
0x60: {  	[hbm4b:s30+s3] =	stream.linear.scatter [tilespmem:s18], [sflag:$0x3], $0x2800, $0x38;
	[tilespmem:$0x19400] =	vst v63  }
0x61: {  	s24 =	sadd.s32 $0x1400, s24  }
0x62: {  	[hbm4b:s24+s3] =	stream.linear.scatter [tilespmem:s19], [sflag:$0x3], $0x2800, $0x38;
	[tilespmem:$0x19400] =	vst v63  }
0x63: {  	s31 =	sadd.s32 $0x1400, s25  }
0x64: {  	[hbm4b:s31+s3] =	stream.linear.scatter [tilespmem:s20], [sflag:$0x3], $0x2800, $0x38;
	[tilespmem:$0x19400] =	vst v63  }
0x65: {  	_ =	swait.ge [sflag:s22], $0x2800  }
0x66: {  	[sflag:s22] =	ssyncset.done $0x0  }
0x67: {  	[sflag:s22] =	ssyncadd.s32 $0xFFFFD800  }
0x68: {  	_ =	swait.ge [sflag:s22], $0x2800  }
0x69: {  	[sflag:s22] =	ssyncset.done $0x0  }
0x6a: {  	[sflag:s22] =	ssyncadd.s32 $0xFFFFD800  }
0x6b: {  	_ =	swait.ge [sflag:s22], $0x2800  }
0x6c: {  	[sflag:s22] =	ssyncset.done $0x0  }
0x6d: {  	[sflag:s22] =	ssyncadd.s32 $0xFFFFD800  }
0x6e: {  	_ =	swait.ge [sflag:s22], $0x2800  }
0x6f: {  	[sflag:s22] =	ssyncset.done $0x0  }
0x70: {  	[sflag:s22] =	ssyncadd.s32 $0xFFFFD800  }
0x71: {  	_ =	swait.ge [sflag:s22], $0x2800  }
0x72: {  	[sflag:s22] =	ssyncset.done $0x0  }
0x73: {  	[sflag:s22] =	ssyncadd.s32 $0xFFFFD800  }
0x74: {  	_ =	swait.ge [sflag:s22], $0x2800  }
0x75: {  	[sflag:s22] =	ssyncset.done $0x0  }
0x76: {  	[sflag:s22] =	ssyncadd.s32 $0xFFFFD800  }
0x77: {  	_ =	swait.ge [sflag:s22], $0x2800  }
0x78: {  	[sflag:s22] =	ssyncset.done $0x0  }
0x79: {  	[sflag:s22] =	ssyncadd.s32 $0xFFFFD800  }
0x7a: {  	_ =	swait.ge [sflag:s22], $0x2800  }
0x7b: {  	[sflag:s22] =	ssyncset.done $0x0  }
0x7c: {  	[sflag:s22] =	ssyncadd.s32 $0xFFFFD800  }
0x7d: {  	_ =	swait.ge [sflag:s22], $0x2800  }
0x7e: {  	[sflag:s22] =	ssyncset.done $0x0  }
0x7f: {  	[sflag:s22] =	ssyncadd.s32 $0xFFFFD800  }
0x80: {  	s26 =	smov.u32 s7;
	_ =	swait.ge [sflag:s22], $0x2800  }
0x81: {  	s25 =	smov.u32 s6;
	s24 =	simm.s32 $0x1900;
	[sflag:s22] =	ssyncset.done $0x0  }
.LBB2_2:
0x82: {  	[sflag:s22] =	ssyncadd.s32 $0xFFFFD800;
	s26 =	sadd.s32 $0x32, s26  }
0x83: {  	[tilespmem:s3], [sflag:$0x1] =	stream.linear.gather [hbm4b:s26+s3], $0x190, $0x38;
	[tilespmem:$0x19400] =	vst v63  }
0x84: {  	s25 =	sadd.s32 $0x32, s25  }
0x85: {  	[tilespmem:s8], [sflag:$0x1] =	stream.linear.gather [hbm4b:s25+s3], $0x190, $0x38;
	[tilespmem:$0x19400] =	vst v63  }
0x86: {  	_ =	swait.ge [sflag:s9], $0x190  }
0x87: {  	[sflag:s9] =	ssyncset.done $0x0  }
0x88: {  	[sflag:s9] =	ssyncadd.s32 $0xFFFFFE70  }
0x89: {  	_ =	swait.ge [sflag:s9], $0x190  }
0x8a: {  	[sflag:s9] =	ssyncset.done $0x0  }
0x8b: {  	[sflag:s9] =	ssyncadd.s32 $0xFFFFFE70  }
0x8c: {  	[tilespmem:s11], [sflag:$0x2] =	stream.indirect.gather [hbm4b:s1+s10], $0x80, s3, s10, $0xb8;
	[tilespmem:$0x19400] =	vst v63  }
0x8d: {  	_ = 	snop  }
0x8e: {  	[tilespmem:s12], [sflag:$0x2] =	stream.indirect.gather [hbm4b:s4+s10], $0x80, s8, s10, $0xb8;
	[tilespmem:$0x19400] =	vst v63  }
0x8f: {  	_ = 	snop  }
0x90: {  	[tilespmem:s13], [sflag:$0x2] =	stream.indirect.gather [hbm4b:s1+s10], $0x80, s10, s10, $0xb8;
	[tilespmem:$0x19400] =	vst v63  }
0x91: {  	s29 =	rddreg [dreg:$0x6]  }
0x92: {  	[tilespmem:s14], [sflag:$0x2] =	stream.indirect.gather [hbm4b:s4+s10], $0x80, s29, s10, $0xb8;
	[tilespmem:$0x19400] =	vst v63  }
0x93: {  	s30 =	rddreg [dreg:$0x7]  }
0x94: {  	[tilespmem:s15], [sflag:$0x2] =	stream.indirect.gather [hbm4b:s1+s10], $0x80, s30, s10, $0xb8;
	[tilespmem:$0x19400] =	vst v63  }
0x95: {  	s31 =	rddreg [dreg:$0x8]  }
0x96: {  	[tilespmem:s16], [sflag:$0x2] =	stream.indirect.gather [hbm4b:s4+s10], $0x80, s31, s10, $0xb8;
	[tilespmem:$0x19400] =	vst v63  }
0x97: {  	s30 =	rddreg [dreg:$0x9]  }
0x98: {  	[tilespmem:s17], [sflag:$0x2] =	stream.indirect.gather [hbm4b:s1+s10], $0x80, s30, s10, $0xb8;
	[tilespmem:$0x19400] =	vst v63  }
0x99: {  	s31 =	rddreg [dreg:$0xa]  }
0x9a: {  	[tilespmem:s18], [sflag:$0x2] =	stream.indirect.gather [hbm4b:s4+s10], $0x80, s31, s10, $0xb8;
	[tilespmem:$0x19400] =	vst v63  }
0x9b: {  	s30 =	rddreg [dreg:$0xb]  }
0x9c: {  	[tilespmem:s19], [sflag:$0x2] =	stream.indirect.gather [hbm4b:s1+s10], $0x80, s30, s10, $0xb8;
	[tilespmem:$0x19400] =	vst v63  }
0x9d: {  	s31 =	rddreg [dreg:$0xc]  }
0x9e: {  	[tilespmem:s20], [sflag:$0x2] =	stream.indirect.gather [hbm4b:s4+s10], $0x80, s31, s10, $0xb8;
	[tilespmem:$0x19400] =	vst v63  }
0x9f: {  	_ =	swait.ge [sflag:s21], $0x2800  }
0xa0: {  	[sflag:s21] =	ssyncset.done $0x0  }
0xa1: {  	[sflag:s21] =	ssyncadd.s32 $0xFFFFD800  }
0xa2: {  	_ =	swait.ge [sflag:s21], $0x2800  }
0xa3: {  	[sflag:s21] =	ssyncset.done $0x0  }
0xa4: {  	[sflag:s21] =	ssyncadd.s32 $0xFFFFD800  }
0xa5: {  	_ =	swait.ge [sflag:s21], $0x2800  }
0xa6: {  	[sflag:s21] =	ssyncset.done $0x0  }
0xa7: {  	[sflag:s21] =	ssyncadd.s32 $0xFFFFD800  }
0xa8: {  	_ =	swait.ge [sflag:s21], $0x2800  }
0xa9: {  	[sflag:s21] =	ssyncset.done $0x0  }
0xaa: {  	[sflag:s21] =	ssyncadd.s32 $0xFFFFD800  }
0xab: {  	_ =	swait.ge [sflag:s21], $0x2800  }
0xac: {  	[sflag:s21] =	ssyncset.done $0x0  }
0xad: {  	[sflag:s21] =	ssyncadd.s32 $0xFFFFD800  }
0xae: {  	_ =	swait.ge [sflag:s21], $0x2800  }
0xaf: {  	[sflag:s21] =	ssyncset.done $0x0  }
0xb0: {  	[sflag:s21] =	ssyncadd.s32 $0xFFFFD800  }
0xb1: {  	_ =	swait.ge [sflag:s21], $0x2800  }
0xb2: {  	[sflag:s21] =	ssyncset.done $0x0  }
0xb3: {  	[sflag:s21] =	ssyncadd.s32 $0xFFFFD800  }
0xb4: {  	_ =	swait.ge [sflag:s21], $0x2800  }
0xb5: {  	[sflag:s21] =	ssyncset.done $0x0  }
0xb6: {  	[sflag:s21] =	ssyncadd.s32 $0xFFFFD800  }
0xb7: {  	_ =	swait.ge [sflag:s21], $0x2800  }
0xb8: {  	[sflag:s21] =	ssyncset.done $0x0  }
0xb9: {  	[sflag:s21] =	ssyncadd.s32 $0xFFFFD800  }
0xba: {  	_ =	swait.ge [sflag:s21], $0x2800  }
0xbb: {  	s28 =	smov.u32 s24;
	s29 =	rddreg [dreg:$0x4];
	[sflag:s21] =	ssyncset.done $0x0  }
0xbc: {  	s31 =	rddreg [dreg:$0x5];
	[sflag:s21] =	ssyncadd.s32 $0xFFFFD800;
	s29 =	sadd.s32 s28, s29  }
0xbd: {  	[hbm4b:s29+s3] =	stream.linear.scatter [tilespmem:s11], [sflag:$0x3], $0x2800, $0x38;
	[tilespmem:$0x19400] =	vst v63  }
0xbe: {  	s28 =	sadd.s32 s28, s31  }
0xbf: {  	[hbm4b:s28+s3] =	stream.linear.scatter [tilespmem:s12], [sflag:$0x3], $0x2800, $0x38;
	[tilespmem:$0x19400] =	vst v63  }
0xc0: {  	s31 =	sadd.s32 $0x500, s29  }
0xc1: {  	[hbm4b:s31+s3] =	stream.linear.scatter [tilespmem:s13], [sflag:$0x3], $0x2800, $0x38;
	[tilespmem:$0x19400] =	vst v63  }
0xc2: {  	s31 =	sadd.s32 $0x500, s28  }
0xc3: {  	[hbm4b:s31+s3] =	stream.linear.scatter [tilespmem:s14], [sflag:$0x3], $0x2800, $0x38;
	[tilespmem:$0x19400] =	vst v63  }
0xc4: {  	s31 =	sadd.s32 $0xA00, s29  }
0xc5: {  	[hbm4b:s31+s3] =	stream.linear.scatter [tilespmem:s15], [sflag:$0x3], $0x2800, $0x38;
	[tilespmem:$0x19400] =	vst v63  }
0xc6: {  	s31 =	sadd.s32 $0xA00, s28  }
0xc7: {  	[hbm4b:s31+s3] =	stream.linear.scatter [tilespmem:s16], [sflag:$0x3], $0x2800, $0x38;
	[tilespmem:$0x19400] =	vst v63  }
0xc8: {  	s31 =	sadd.s32 $0xF00, s29  }
0xc9: {  	[hbm4b:s31+s3] =	stream.linear.scatter [tilespmem:s17], [sflag:$0x3], $0x2800, $0x38;
	[tilespmem:$0x19400] =	vst v63  }
0xca: {  	s31 =	sadd.s32 $0xF00, s28  }
0xcb: {  	[hbm4b:s31+s3] =	stream.linear.scatter [tilespmem:s18], [sflag:$0x3], $0x2800, $0x38;
	[tilespmem:$0x19400] =	vst v63  }
0xcc: {  	s29 =	sadd.s32 $0x1400, s29  }
0xcd: {  	[hbm4b:s29+s3] =	stream.linear.scatter [tilespmem:s19], [sflag:$0x3], $0x2800, $0x38;
	[tilespmem:$0x19400] =	vst v63  }
0xce: {  	s28 =	sadd.s32 $0x1400, s28  }
0xcf: {  	[hbm4b:s28+s3] =	stream.linear.scatter [tilespmem:s20], [sflag:$0x3], $0x2800, $0x38;
	[tilespmem:$0x19400] =	vst v63  }
0xd0: {  	_ =	swait.ge [sflag:s22], $0x2800  }
0xd1: {  	[sflag:s22] =	ssyncset.done $0x0  }
0xd2: {  	[sflag:s22] =	ssyncadd.s32 $0xFFFFD800  }
0xd3: {  	_ =	swait.ge [sflag:s22], $0x2800  }
0xd4: {  	[sflag:s22] =	ssyncset.done $0x0  }
0xd5: {  	[sflag:s22] =	ssyncadd.s32 $0xFFFFD800  }
0xd6: {  	_ =	swait.ge [sflag:s22], $0x2800  }
0xd7: {  	[sflag:s22] =	ssyncset.done $0x0  }
0xd8: {  	[sflag:s22] =	ssyncadd.s32 $0xFFFFD800  }
0xd9: {  	_ =	swait.ge [sflag:s22], $0x2800  }
0xda: {  	[sflag:s22] =	ssyncset.done $0x0  }
0xdb: {  	[sflag:s22] =	ssyncadd.s32 $0xFFFFD800  }
0xdc: {  	_ =	swait.ge [sflag:s22], $0x2800  }
0xdd: {  	[sflag:s22] =	ssyncset.done $0x0  }
0xde: {  	[sflag:s22] =	ssyncadd.s32 $0xFFFFD800  }
0xdf: {  	_ =	swait.ge [sflag:s22], $0x2800  }
0xe0: {  	[sflag:s22] =	ssyncset.done $0x0  }
0xe1: {  	[sflag:s22] =	ssyncadd.s32 $0xFFFFD800  }
0xe2: {  	_ =	swait.ge [sflag:s22], $0x2800  }
0xe3: {  	[sflag:s22] =	ssyncset.done $0x0  }
0xe4: {  	[sflag:s22] =	ssyncadd.s32 $0xFFFFD800  }
0xe5: {  	_ =	swait.ge [sflag:s22], $0x2800  }
0xe6: {  	[sflag:s22] =	ssyncset.done $0x0  }
0xe7: {  	p0 =	sne.s32 s24, $0x25800;
	[sflag:s22] =	ssyncadd.s32 $0xFFFFD800  }
.Ltmp0:
0xe8: {  	_ =	swait.ge [sflag:s22], $0x2800;
	(pc) =	sbr.rel @p0 .LBB2_2-.Ltmp0, $4  }
0xe9: {  	[sflag:s22] =	ssyncset.done $0x0  }
0xea: {  	[sflag:s22] =	ssyncadd.s32 $0xFFFFD800  }
0xeb: {  	_ =	swait.ge [sflag:s22], $0x2800  }
0xec: {  	s24 =	sadd.s32 $0x1900, s24;
	[sflag:s22] =	ssyncset.done $0x0  }
0xed: {  	s23 =	sadd.s32 $0x1, s23  }
0xee: {  	p0 =	sne.s32 s23, s5  }
.Ltmp1:
0xef: {  	_ = 	snop;
	(pc) =	sbr.rel @p0 .LBB2_1-.Ltmp1, $2  }
0xf0: {  	_ =	sdelay $0x2  }
0xf1: {  	[sflag:s22] =	ssyncadd.s32 $0xFFFFD800  }
0xf2: {  	_ =	sfence.sel $0x180000  }
0xf3: {  	[bflag:$0x0] =	sbarrier.arrive $0xFFFF  }
0xf4: {  	p0 =	sne.s32 s2, $0x0;
	_ =	strace $0x90000053  }
0xf5: {  	s0 =	sadd.s32 @!p0 $0x100000, s0;
	[bflag:$0x2] =	sbarrier.arrive $0xFFFF  }
0xf6: {  	[sflag:s0] =	ssyncadd.tile.s32 @!p0 $0x1;
	_ =	shalt  }
.Lfunc_end2:
_tile_overlayer_lowered:
.L_overlay_start_2:
0xf7: {  	(tag) =	ssettag $0x2  }
0xf8: {  	s0 =	rddreg [dreg:$0x0];
	s2 =	stileid.u32  }
0xf9: {  	s1 =	rddreg [dreg:$0x1];
	p0 =	sne.s32 s2, $0x0  }
0xfa: {  	s3 =	rddreg [dreg:$0x2];
	[bflag:$0x3] =	sbarrier.arrive $0xFFFF;
	s2 =	simm.s32 @!p0 $0x1C04  }
0xfb: {  	[timem:s3], [sflag:s2] =	dma.local @!p0 [hbm:s0], s1  }
0xfc: {  	s0 =	simm.s32 @!p0 $0x4  }
0xfd: {  	_ =	swait.ge @!p0 [sflag:s0], s1  }
0xfe: {  	s1 =	ssub.s32 @!p0 $0x0, s1;
	[sflag:s0] =	ssyncset.done @!p0 $0x0  }
0xff: {  	[sflag:s0] =	ssyncadd.s32 @!p0 s1  }
0x100: {  	[bflag:$0x3] =	sbarrier.arrive $0xFFFF  }
0x101: {  	_ =	shalt  }

// kernel: kernel.30.cloned.1.call-start
scs
__scs_entry_jumppad:
0x0: {  	(pc) =	sbr.rel $0x88, $3  }
0x1: {  	(tag) =	ssettag $0x0;
	lr =	simm.s32 $0x1  }
0x2: {  	[smem:$0x3F67] =	sst lr;
	_ =	strace $0xD0000000  }
0x3: {  	_ = 	snop  }
0x4: {  	_ = 	snop  }
0x5: {  	_ = 	snop  }
0x6: {  	_ = 	snop  }
0x7: {  	_ = 	snop  }
__scs_overlays_trampoline_lowered:
0x8: {  	[smem:$0x3F76] =	sst s0  }
0x9: {  	[smem:$0x3F77] =	sst s1  }
0xa: {  	[smem:$0x3F78] =	sst s2  }
0xb: {  	[smem:$0x3F79] =	sst s3  }
0xc: {  	[smem:$0x3F7A] =	sst s4  }
0xd: {  	[smem:$0x3F7B] =	sst s5  }
0xe: {  	[smem:$0x3F7C] =	sst s6  }
0xf: {  	[smem:$0x3F7D] =	sst s7  }
0x10: {  	[smem:$0x3F7E] =	sst s8  }
0x11: {  	[smem:$0x3F7F] =	sst s9;
	s0 =	simm.s32 @!p0 $0x0  }
0x12: {  	s1 =	sld [smem:$0x3F65];
	s0 =	simm.s32 @p0 $0x1  }
0x13: {  	[smem:$0x3F80] =	sst s0;
	s0 =	simm.s32 @!p1 $0x0  }
0x14: {  	s2 =	sld [smem:$0x3F64];
	s0 =	simm.s32 @p1 $0x1  }
0x15: {  	[smem:$0x3F81] =	sst s0;
	s0 =	simm.s32 @!p2 $0x0  }
0x16: {  	s3 =	sld [smem:$0x3FDB];
	s0 =	simm.s32 @p2 $0x1  }
0x17: {  	s4 =	simm.s32 $0x1BF5;
	[smem:$0x3F83] =	sst s0  }
0x18: {  	s0 =	sld [smem:$0x3F66];
	_ =	swait.ge [sflag:s4], $0x0  }
0x19: {  	s7 =	sld [smem:$0x3F67]  }
0x1a: {  	s8 =	sadd.s32 $0xFFFFE003, lr  }
0x1b: {  	s9 =	sadd.s32 $0xFFFFFEF7, lr;
	s5 =	simm.s32 $0xFFFFFFFF;
	p2 =	slt.u32 s8, $0xFFFFF086  }
0x1c: {  	p1 =	slt.u32 s9, $0xF7A;
	s5 =	simm.s32 @!p2 $0x0  }
0x1d: {  	s5 =	simm.s32 @p1 $0x1;
	p0 =	seq.s32 s7, s2  }
0x1e: {  	s7 =	smul.u32 @!p0 $0xF7A, s2;
	p2 =	seq.s32 @!p0 s5, $0x0  }
0x1f: {  	s9 =	smul.u32 $0xF7A, s1;
	s8 =	simm.s32 @!p0 $0x1BF5;
	p2 =	por !p2, p0  }
0x20: {  	[sflag:s8] =	ssyncset.s32 @!p0 $0xFFFFF086;
	s6 =	sadd.s32 @!p0 s3, s7;
	s7 =	simm.s32 @!p0 $0x108  }
0x21: {  	s3 =	sadd.s32 s3, s9;
	s6 =	sadd.s32 @!p0 $0x88, s6;
	s7 =	simm.s32 @p2 $0x1082  }
0x22: {  	[simem:s7], [sflag:s8] =	dma.local @!p0 [hbm:s6], $0xF7A  }
0x23: {  	s9 =	sor.u32 $0xD0000000, s2;
	s6 =	simm.s32 $0x108;
	_ =	swait.ge @!p0 [sflag:s8], $0x0  }
0x24: {  	s3 =	sadd.s32 $0x88, s3;
	s6 =	simm.s32 @!p1 $0x1082;
	[sflag:s4] =	ssyncset.s32 $0xFFFFF086  }
0x25: {  	[simem:s6], [sflag:s4] =	dma.local [hbm:s3], $0xF7A  }
0x26: {  	[smem:$0x3F67] =	sst s1;
	(tag) =	ssettag s2;
	_ =	strace s9  }
0x27: {  	s1 =	sld [smem:$0x3F77]  }
0x28: {  	s2 =	sld [smem:$0x3F78]  }
0x29: {  	s4 =	sld [smem:$0x3F7A]  }
0x2a: {  	p0 =	seq.s32 s5, $0x0;
	s5 =	sld [smem:$0x3F7B]  }
0x2b: {  	s6 =	sld [smem:$0x3F7C]  }
0x2c: {  	s7 =	sld [smem:$0x3F7D]  }
0x2d: {  	s3 =	simm.s32 $0x108;
	s8 =	sld [smem:$0x3F7E]  }
0x2e: {  	s3 =	simm.s32 @!p0 $0x1082;
	s9 =	sld [smem:$0x3F7F]  }
0x2f: {  	lr =	sadd.s32 s0, s3;
	s0 =	sld [smem:$0x3F76]  }
0x30: {  	s3 =	sld [smem:$0x3F79]  }
0x31: {  	[smem:$0x3F82] =	sst s10  }
0x32: {  	s10 =	sld [smem:$0x3F80];
	_ =	sdelay $0x3  }
0x33: {  	p0 =	seq.s32 s10, $0x1;
	s10 =	sld [smem:$0x3F82];
	_ =	sdelay $0x3  }
0x34: {  	[smem:$0x3F82] =	sst s10  }
0x35: {  	s10 =	sld [smem:$0x3F81];
	_ =	sdelay $0x3  }
0x36: {  	p1 =	seq.s32 s10, $0x1;
	s10 =	sld [smem:$0x3F82];
	_ =	sdelay $0x3  }
0x37: {  	[smem:$0x3F82] =	sst s10  }
0x38: {  	s10 =	sld [smem:$0x3F83]  }
0x39: {  	_ = 	snop;
	(pc) =	sbr.ind lr, $3  }
0x3a: {  	_ = 	snop  }
0x3b: {  	_ = 	snop  }
0x3c: {  	p2 =	seq.s32 s10, $0x1;
	s10 =	sld [smem:$0x3F82]  }
0x3d: {  	_ =	shalt  }
0x3e: {  	_ =	shalt  }
0x3f: {  	_ =	shalt  }
0x40: {  	_ =	shalt  }
0x41: {  	_ =	shalt  }
0x42: {  	_ =	shalt  }
0x43: {  	_ =	shalt  }
0x44: {  	_ =	shalt  }
0x45: {  	_ =	shalt  }
0x46: {  	_ =	shalt  }
0x47: {  	_ =	shalt  }
0x48: {  	_ =	shalt  }
0x49: {  	_ =	shalt  }
0x4a: {  	_ =	shalt  }
0x4b: {  	_ =	shalt  }
0x4c: {  	_ =	shalt  }
0x4d: {  	_ =	shalt  }
0x4e: {  	_ =	shalt  }
0x4f: {  	_ =	shalt  }
0x50: {  	_ =	shalt  }
0x51: {  	_ =	shalt  }
0x52: {  	_ =	shalt  }
0x53: {  	_ =	shalt  }
0x54: {  	_ =	shalt  }
0x55: {  	_ =	shalt  }
0x56: {  	_ =	shalt  }
0x57: {  	_ =	shalt  }
0x58: {  	_ =	shalt  }
0x59: {  	_ =	shalt  }
0x5a: {  	_ =	shalt  }
0x5b: {  	_ =	shalt  }
0x5c: {  	_ =	shalt  }
0x5d: {  	_ =	shalt  }
0x5e: {  	_ =	shalt  }
0x5f: {  	_ =	shalt  }
0x60: {  	_ =	shalt  }
0x61: {  	_ =	shalt  }
0x62: {  	_ =	shalt  }
0x63: {  	_ =	shalt  }
0x64: {  	_ =	shalt  }
0x65: {  	_ =	shalt  }
0x66: {  	_ =	shalt  }
0x67: {  	_ =	shalt  }
0x68: {  	_ =	shalt  }
0x69: {  	_ =	shalt  }
0x6a: {  	_ =	shalt  }
0x6b: {  	_ =	shalt  }
0x6c: {  	_ =	shalt  }
0x6d: {  	_ =	shalt  }
0x6e: {  	_ =	shalt  }
0x6f: {  	_ =	shalt  }
0x70: {  	_ =	shalt  }
0x71: {  	_ =	shalt  }
0x72: {  	_ =	shalt  }
0x73: {  	_ =	shalt  }
0x74: {  	_ =	shalt  }
0x75: {  	_ =	shalt  }
0x76: {  	_ =	shalt  }
0x77: {  	_ =	shalt  }
0x78: {  	_ =	shalt  }
0x79: {  	_ =	shalt  }
0x7a: {  	_ =	shalt  }
0x7b: {  	_ =	shalt  }
0x7c: {  	_ =	shalt  }
0x7d: {  	_ =	shalt  }
0x7e: {  	_ =	shalt  }
0x7f: {  	_ =	shalt  }
0x80: {  	_ =	shalt  }
0x81: {  	_ =	shalt  }
0x82: {  	_ =	shalt  }
0x83: {  	_ =	shalt  }
0x84: {  	_ =	shalt  }
0x85: {  	_ =	shalt  }
0x86: {  	_ =	shalt  }
0x87: {  	_ =	shalt  }
.Lfunc_end0:
.L_simem_size_0:
called_computation.5_lowered:
.L_overlay_start_0:
0x88: {  	s2 =	sld [smem:$0x3FD9]  }
0x89: {  	s3 =	sld [smem:$0x3FFE];
	_ =	sdelay $0x1  }
0x8a: {  	s1 =	srdreg.scid  }
0x8b: {  	s0 =	sand.u32 $0x1, s1  }
0x8c: {  	s16 =	sshll.u32 s0, $0xA;
	s2 =	sadd.s32 s3, s2  }
0x8d: {  	s2 =	sadd.s32 s2, s16  }
0x8e: {  	[smem:$0x3F8E] =	sst s2  }
0x8f: {  	_ = 	snop  }
0x90: {  	(tm) =	ssettm $0x1  }
0x91: {  	s17 =	sld [smem:$0x3FFB];
	_ =	sdelay $0x3  }
0x92: {  	_ =	strace s17  }
0x93: {  	s2 =	sld [smem:$0x3FFC];
	_ =	sdelay $0x3  }
0x94: {  	_ =	strace s2  }
0x95: {  	s2 =	sld [smem:$0x3FFD];
	_ =	sdelay $0x3  }
0x96: {  	_ =	strace s2  }
0x97: {  	_ =	strace $0x8FFFFFFF  }
0x98: {  	s18 =	sld [smem:$0x3FDB];
	_ =	sdelay $0x1  }
0x99: {  	s19 =	simm.s32 $_scs_section_size  }
0x9a: {  	s4 =	simm.s32 $_size__tile_overlayer_lowered;
	s5 =	simm.s32 $_tile_overlayer_lowered  }
0x9b: {  	s22 =	simm.s32 $0x1BFF;
	s21 =	sshll.u32 s5, $0x1;
	s2 =	sadd.s32 s19, s18  }
0x9c: {  	s6 =	simm.s32 $0x0;
	s20 =	sshll.u32 s4, $0x1;
	s4 =	sadd.s32 s21, s2  }
0x9d: {  	[timem:s6], [sflag:s22] =	dma.local [hbm:s4], s20  }
0x9e: {  	_ =	swait.ge [sflag:s22], s20  }
0x9f: {  	s3 =	ssub.s32 $0x0, s20;
	[sflag:s22] =	ssyncset.done $0x0  }
0xa0: {  	[sflag:s22] =	ssyncadd.s32 s3;
	_ =	sdelay $0x1  }
0xa1: {  	s23 =	simm.s32 $0x1B8B  }
0xa2: {  	_ =	swait.ge [sflag:s23], $0x1  }
0xa3: {  	[sflag:s23] =	ssyncset.done $0x0  }
0xa4: {  	s25 =	simm.s32 $0x1B8E;
	s24 =	sld [smem:$0x3FFE];
	[sflag:s23] =	ssyncadd.s32 $0xFFFFFFFF  }
0xa5: {  	s26 =	simm.s32 $execute0_lowered;
	[smem:$0x3FD2] =	sst s25  }
0xa6: {  	s4 =	sshll.u32 s26, $0x1;
	_ =	strace $0x80000055;
	[dreg:$0x1] =	wrdreg $0xFFFFFFFF  }
0xa7: {  	s28 =	simm.s32 $_size_execute0_lowered;
	s2 =	sadd.s32 s2, s4;
	[dreg:$0x0] =	wrdreg $0x0  }
0xa8: {  	s4 =	sshll.u32 s28, $0x1;
	[dreg:$0x2] =	wrdreg s2  }
0xa9: {  	[dreg:$0x3] =	wrdreg s4  }
0xaa: {  	[dreg:$0x4] =	wrdreg $0xC0  }
0xab: {  	_ =	task [dreg:s6], $0x5FFFF  }
0xac: {  	[dreg:$0x1] =	wrdreg $0xFFFFFFFF  }
0xad: {  	[dreg:$0x0] =	wrdreg $0x60  }
0xae: {  	[dreg:$0x2] =	wrdreg s24  }
0xaf: {  	[dreg:$0x3] =	wrdreg $0x66800  }
0xb0: {  	[dreg:$0x4] =	wrdreg $0x9  }
0xb1: {  	_ =	task.clear_ibuf [dreg:s6], $0x5FFFF;
	_ =	strace $0x90000055  }
0xb2: {  	s29 =	simm.s32 $0x9;
	_ =	strace $0x80000057  }
0xb3: {  	_ =	swait.ge [sflag:s29], $0x1  }
0xb4: {  	[sflag:s29] =	ssyncadd.s32 $0xFFFFFFFF  }
0xb5: {  	_ =	strace $0x90000057  }
0xb6: {  	_ =	sfence  }
0xb7: {  	s30 =	sld [smem:$0x0];
	_ =	sdelay $0x2  }
0xb8: {  	s31 =	sshll.u32 s1, $0xD;
	s1 =	sshrl.u32 s1, $0x2  }
0xb9: {  	s3 =	sand.u32 $0x4000, s31;
	s1 =	sadd.s32 s1, s30  }
0xba: {  	s0 =	sor.u32 s3, s0;
	s1 =	sshll.u32 s1, $0x11  }
0xbb: {  	s0 =	sor.u32 s1, s0  }
0xbc: {  	s0 =	sadd.s32 $0x8F2B, s0  }
0xbd: {  	[sflag:s0] =	ssyncadd.remote.s32 $0x1  }
0xbe: {  	_ =	sfence.sel $0xFFFF  }
0xbf: {  	[dreg:$0x0] =	wrdreg $0xFFFFFFFF;
	(pc) =	sbr.abs _section_cstart, $3  }
0xc0: {  	[dreg:$0x1] =	wrdreg $0xFFFFFFFF  }
0xc1: {  	_ =	task.clear_ibuf [dreg:s6], $0x2FFFF;
	_ =	strace $0x9FFFFFFF  }
0xc2: {  	(tm) =	ssettm $0x7FFFFFFF  }
0xc3: {  	_ =	shalt  }
tec
execute0_lowered:
.L_overlay_start_1:
0x0: {  	(tag) =	ssettag $0x1  }
0x1: {  	s0 =	rddreg [dreg:$0x0]  }
0x2: {  	s2 =	rddreg [dreg:$0x1];
	s11 =	stileid.u32  }
0x3: {  	s4 =	srdreg.scid;
	s3 =	simm.s32 $0x0;
	s1 =	smul.u32 $0x4E200, s11  }
0x4: {  	s16 =	simm.s32 $0x80;
	s17 =	simm.s32 $0x100;
	s5 =	smul.u32 $0x14000, s11  }
0x5: {  	s28 =	simm.s32 $0x2;
	s29 =	simm.s32 $0x0;
	s8 =	smul.u32 $0x50000, s11  }
0x6: {  	s6 =	sand.u32 $0x1, s4;
	[smem:$0x7FF] =	sst s3;
	s9 =	smul.u32 $0x4E20, s11  }
0x7: {  	s13 =	sadd.s32 $0x10400, s0;
	s23 =	sshll.u32 s11, $0x6;
	s4 =	smul.u32 $0x140000, s6  }
0x8: {  	_ =	strace $0x80000056;
	s18 =	ssub.s32 $0x2, s6;
	s21 =	smul.u32 $0x2710, s6  }
0x9: {  	s24 =	smul.u32 $0x27100, s6;
	s1 =	sadd.s32 s1, s0;
	s7 =	sshrl.u32 s5, $0x3  }
0xa: {  	s19 =	sshrl.u32 s18, $0x1;
	s20 =	sshrl.u32 s8, $0x2;
	s7 =	sadd.s32 s7, s0  }
0xb: {  	s4 =	sadd.s32 s5, s4;
	s10 =	ssub.s32 s18, s19;
	s14 =	sadd.s32 s20, s2  }
0xc: {  	s5 =	sor.u32 $0x1C03, s23;
	s12 =	sadd.s32 s21, s9;
	s1 =	sadd.s32 s24, s1  }
0xd: {  	s18 =	simm.s32 $0x180;
	s19 =	simm.s32 $0x200;
	s20 =	simm.s32 $0x280  }
0xe: {  	s21 =	simm.s32 $0x1;
	s23 =	simm.s32 $0x1680;
	s24 =	simm.s32 $0x2A80  }
0xf: {  	s4 =	sshrl.u32 s4, $0x3;
	s22 =	sadd.s32 $0x1AA00, s7;
	s7 =	smax.u32 s10, $0x1  }
0x10: {  	s25 =	sadd.s32 $0xA0, s12;
	s9 =	sshrl.u32 s12, $0x3;
	s8 =	sadd.s32 $0x1D8E800, s1  }
0x11: {  	s26 =	sadd.s32 $0x78, s12;
	s30 =	sadd.s32 $0x50, s12;
	s31 =	sadd.s32 $0x28, s12  }
0x12: {  	s14 =	sshrl.u32 s14, $0x3;
	s0 =	sadd.s32 s4, s0;
	[dreg:$0x3] =	wrdreg s22  }
0x13: {  	s9 =	sadd.s32 s9, s13;
	s1 =	sshrl.u32 s30, $0x3;
	s15 =	sshrl.u32 s31, $0x3  }
0x14: {  	s22 =	simm.s32 $0x28;
	s0 =	sadd.s32 $0x43A00, s0;
	s12 =	sadd.s32 s1, s13  }
0x15: {  	[dreg:$0x4] =	wrdreg s0;
	s0 =	sshrl.u32 s25, $0x3;
	s25 =	simm.s32 $0x3E80  }
0x16: {  	s10 =	sadd.s32 s0, s13;
	s0 =	sshrl.u32 s26, $0x3;
	s26 =	simm.s32 $0x5280  }
0x17: {  	s11 =	sadd.s32 s0, s13;
	s13 =	sadd.s32 s15, s13;
	s15 =	simm.s32 $0x3  }
.LBB2_1:
0x18: {  	s0 =	rddreg [dreg:$0x3]  }
0x19: {  	[spmem:s14], [sflag:s5] =	dma.local [hbm:s0], $0x2800  }
0x1a: {  	_ =	swait.ge [sflag:s15], $0x2800  }
0x1b: {  	[sflag:s15] =	ssyncset.done $0x0  }
0x1c: {  	[sflag:s15] =	ssyncadd.s32 $0xFFFFD800  }
0x1d: {  	s4 =	sadd.s32 $0x0, s9;
	[bflag:$0x0] =	sbarrier.arrive $0xFFFF  }
0x1e: {  	[tilespmem:s3], [sflag:$0x1] =	stream.linear.gather [hbm4b:s4+s3], $0x28, $0x38;
	[tilespmem:$0x1A680] =	vst v63  }
0x1f: {  	s6 =	sadd.s32 $0x0, s13  }
0x20: {  	[tilespmem:s16], [sflag:$0x1] =	stream.linear.gather [hbm4b:s6+s3], $0x28, $0x38;
	[tilespmem:$0x1A680] =	vst v63  }
0x21: {  	s1 =	sadd.s32 $0x0, s12  }
0x22: {  	[tilespmem:s17], [sflag:$0x1] =	stream.linear.gather [hbm4b:s1+s3], $0x28, $0x38;
	[tilespmem:$0x1A680] =	vst v63  }
0x23: {  	s4 =	sadd.s32 $0x0, s11  }
0x24: {  	[tilespmem:s18], [sflag:$0x1] =	stream.linear.gather [hbm4b:s4+s3], $0x28, $0x38;
	[tilespmem:$0x1A680] =	vst v63  }
0x25: {  	s6 =	sadd.s32 $0x0, s10  }
0x26: {  	[tilespmem:s19], [sflag:$0x1] =	stream.linear.gather [hbm4b:s6+s3], $0x28, $0x38;
	[tilespmem:$0x1A680] =	vst v63  }
0x27: {  	_ = 	snop  }
0x28: {  	[tilespmem:s20], [sflag:$0x3] =	stream.linear.gather [hbm4b:s8+s3], $0x6400, $0x38;
	[tilespmem:$0x1A680] =	vst v63  }
0x29: {  	_ =	swait.ge [sflag:s15], $0x6400  }
0x2a: {  	[sflag:s15] =	ssyncset.done $0x0  }
0x2b: {  	[sflag:s15] =	ssyncadd.s32 $0xFFFF9C00  }
0x2c: {  	_ =	swait.ge [sflag:s21], $0x28  }
0x2d: {  	[sflag:s21] =	ssyncset.done $0x0  }
0x2e: {  	[sflag:s21] =	ssyncadd.s32 $0xFFFFFFD8  }
0x2f: {  	_ =	swait.ge [sflag:s21], $0x28  }
0x30: {  	[sflag:s21] =	ssyncset.done $0x0  }
0x31: {  	[sflag:s21] =	ssyncadd.s32 $0xFFFFFFD8  }
0x32: {  	_ =	swait.ge [sflag:s21], $0x28  }
0x33: {  	[sflag:s21] =	ssyncset.done $0x0  }
0x34: {  	[sflag:s21] =	ssyncadd.s32 $0xFFFFFFD8  }
0x35: {  	_ =	swait.ge [sflag:s21], $0x28  }
0x36: {  	[sflag:s21] =	ssyncset.done $0x0  }
0x37: {  	[sflag:s21] =	ssyncadd.s32 $0xFFFFFFD8  }
0x38: {  	_ =	swait.ge [sflag:s21], $0x28  }
0x39: {  	[sflag:s21] =	ssyncset.done $0x0  }
0x3a: {  	[sflag:s21] =	ssyncadd.s32 $0xFFFFFFD8  }
0x3b: {  	[spmem:s2] =	stream.indirect.scatter.add.f32 [tilespmem:s20], [sflag:$0x2], $0x80, s3, s22, $0xb8;
	[tilespmem:$0x1A680] =	vst v63  }
0x3c: {  	_ = 	snop  }
0x3d: {  	[spmem:s2] =	stream.indirect.scatter.add.f32 [tilespmem:s23], [sflag:$0x2], $0x80, s16, s22, $0xb8;
	[tilespmem:$0x1A680] =	vst v63  }
0x3e: {  	_ = 	snop  }
0x3f: {  	[spmem:s2] =	stream.indirect.scatter.add.f32 [tilespmem:s24], [sflag:$0x2], $0x80, s17, s22, $0xb8;
	[tilespmem:$0x1A680] =	vst v63  }
0x40: {  	_ = 	snop  }
0x41: {  	[spmem:s2] =	stream.indirect.scatter.add.f32 [tilespmem:s25], [sflag:$0x2], $0x80, s18, s22, $0xb8;
	[tilespmem:$0x1A680] =	vst v63  }
0x42: {  	_ = 	snop  }
0x43: {  	[spmem:s2] =	stream.indirect.scatter.add.f32 [tilespmem:s26], [sflag:$0x2], $0x80, s19, s22, $0xb8;
	[tilespmem:$0x1A680] =	vst v63  }
0x44: {  	_ =	swait.ge [sflag:s28], $0x1400  }
0x45: {  	[sflag:s28] =	ssyncset.done $0x0  }
0x46: {  	[sflag:s28] =	ssyncadd.s32 $0xFFFFEC00  }
0x47: {  	_ =	swait.ge [sflag:s28], $0x1400  }
0x48: {  	[sflag:s28] =	ssyncset.done $0x0  }
0x49: {  	[sflag:s28] =	ssyncadd.s32 $0xFFFFEC00  }
0x4a: {  	_ =	swait.ge [sflag:s28], $0x1400  }
0x4b: {  	[sflag:s28] =	ssyncset.done $0x0  }
0x4c: {  	[sflag:s28] =	ssyncadd.s32 $0xFFFFEC00  }
0x4d: {  	_ =	swait.ge [sflag:s28], $0x1400  }
0x4e: {  	[sflag:s28] =	ssyncset.done $0x0  }
0x4f: {  	[sflag:s28] =	ssyncadd.s32 $0xFFFFEC00  }
0x50: {  	s30 =	simm.s32 $0x19;
	_ =	swait.ge [sflag:s28], $0x1400  }
0x51: {  	s31 =	sadd.s32 $0xC80, s8;
	s0 =	simm.s32 $0x32;
	[sflag:s28] =	ssyncset.done $0x0  }
.LBB2_2:
0x52: {  	s4 =	sadd.s32 s30, s9  }
0x53: {  	[sflag:s28] =	ssyncadd.s32 $0xFFFFEC00;
	s6 =	smov.u32 s0;
	s1 =	sadd.s32 $0x19, s0  }
0x54: {  	[tilespmem:s3], [sflag:$0x1] =	stream.linear.gather [hbm4b:s4+s3], $0x28, $0x38;
	[tilespmem:$0x1A680] =	vst v63  }
0x55: {  	p0 =	sne.s32 s0, $0x4C9;
	s0 =	sadd.s32 s30, s13  }
0x56: {  	[tilespmem:s16], [sflag:$0x1] =	stream.linear.gather [hbm4b:s0+s3], $0x28, $0x38;
	[tilespmem:$0x1A680] =	vst v63  }
0x57: {  	s0 =	sadd.s32 s30, s12  }
0x58: {  	[tilespmem:s17], [sflag:$0x1] =	stream.linear.gather [hbm4b:s0+s3], $0x28, $0x38;
	[tilespmem:$0x1A680] =	vst v63  }
0x59: {  	s0 =	sadd.s32 s30, s11  }
0x5a: {  	[tilespmem:s18], [sflag:$0x1] =	stream.linear.gather [hbm4b:s0+s3], $0x28, $0x38;
	[tilespmem:$0x1A680] =	vst v63  }
0x5b: {  	s0 =	sadd.s32 s30, s10;
	s30 =	smov.u32 s6  }
0x5c: {  	[tilespmem:s19], [sflag:$0x1] =	stream.linear.gather [hbm4b:s0+s3], $0x28, $0x38;
	[tilespmem:$0x1A680] =	vst v63  }
0x5d: {  	_ = 	snop  }
0x5e: {  	[tilespmem:s20], [sflag:$0x3] =	stream.linear.gather [hbm4b:s31+s3], $0x6400, $0x38;
	[tilespmem:$0x1A680] =	vst v63  }
0x5f: {  	_ =	swait.ge [sflag:s15], $0x6400  }
0x60: {  	[sflag:s15] =	ssyncset.done $0x0  }
0x61: {  	[sflag:s15] =	ssyncadd.s32 $0xFFFF9C00  }
0x62: {  	_ =	swait.ge [sflag:s21], $0x28  }
0x63: {  	[sflag:s21] =	ssyncset.done $0x0  }
0x64: {  	[sflag:s21] =	ssyncadd.s32 $0xFFFFFFD8  }
0x65: {  	_ =	swait.ge [sflag:s21], $0x28  }
0x66: {  	[sflag:s21] =	ssyncset.done $0x0  }
0x67: {  	[sflag:s21] =	ssyncadd.s32 $0xFFFFFFD8  }
0x68: {  	_ =	swait.ge [sflag:s21], $0x28  }
0x69: {  	[sflag:s21] =	ssyncset.done $0x0  }
0x6a: {  	[sflag:s21] =	ssyncadd.s32 $0xFFFFFFD8  }
0x6b: {  	_ =	swait.ge [sflag:s21], $0x28  }
0x6c: {  	[sflag:s21] =	ssyncset.done $0x0  }
0x6d: {  	[sflag:s21] =	ssyncadd.s32 $0xFFFFFFD8  }
0x6e: {  	_ =	swait.ge [sflag:s21], $0x28  }
0x6f: {  	[sflag:s21] =	ssyncset.done $0x0  }
0x70: {  	[sflag:s21] =	ssyncadd.s32 $0xFFFFFFD8  }
0x71: {  	[spmem:s2] =	stream.indirect.scatter.add.f32 [tilespmem:s20], [sflag:$0x2], $0x80, s3, s22, $0xb8;
	[tilespmem:$0x1A680] =	vst v63  }
0x72: {  	_ = 	snop  }
0x73: {  	[spmem:s2] =	stream.indirect.scatter.add.f32 [tilespmem:s23], [sflag:$0x2], $0x80, s16, s22, $0xb8;
	[tilespmem:$0x1A680] =	vst v63  }
0x74: {  	_ = 	snop  }
0x75: {  	[spmem:s2] =	stream.indirect.scatter.add.f32 [tilespmem:s24], [sflag:$0x2], $0x80, s17, s22, $0xb8;
	[tilespmem:$0x1A680] =	vst v63  }
0x76: {  	_ = 	snop  }
0x77: {  	[spmem:s2] =	stream.indirect.scatter.add.f32 [tilespmem:s25], [sflag:$0x2], $0x80, s18, s22, $0xb8;
	[tilespmem:$0x1A680] =	vst v63  }
0x78: {  	_ = 	snop  }
0x79: {  	[spmem:s2] =	stream.indirect.scatter.add.f32 [tilespmem:s26], [sflag:$0x2], $0x80, s19, s22, $0xb8;
	[tilespmem:$0x1A680] =	vst v63  }
0x7a: {  	_ =	swait.ge [sflag:s28], $0x1400  }
0x7b: {  	[sflag:s28] =	ssyncset.done $0x0  }
0x7c: {  	[sflag:s28] =	ssyncadd.s32 $0xFFFFEC00  }
0x7d: {  	_ =	swait.ge [sflag:s28], $0x1400  }
0x7e: {  	[sflag:s28] =	ssyncset.done $0x0  }
0x7f: {  	[sflag:s28] =	ssyncadd.s32 $0xFFFFEC00  }
0x80: {  	_ =	swait.ge [sflag:s28], $0x1400  }
0x81: {  	[sflag:s28] =	ssyncset.done $0x0  }
0x82: {  	[sflag:s28] =	ssyncadd.s32 $0xFFFFEC00  }
.Ltmp0:
0x83: {  	_ =	swait.ge [sflag:s28], $0x1400;
	(pc) =	sbr.rel @p0 .LBB2_2-.Ltmp0, $4  }
0x84: {  	[sflag:s28] =	ssyncset.done $0x0  }
0x85: {  	[sflag:s28] =	ssyncadd.s32 $0xFFFFEC00  }
0x86: {  	_ =	swait.ge [sflag:s28], $0x1400  }
0x87: {  	s0 =	smov.u32 s1;
	s31 =	sadd.s32 $0xC80, s31;
	[sflag:s28] =	ssyncset.done $0x0  }
0x88: {  	s0 =	sadd.s32 s30, s9;
	[sflag:s28] =	ssyncadd.s32 $0xFFFFEC00  }
0x89: {  	[tilespmem:s3], [sflag:$0x1] =	stream.linear.gather [hbm4b:s0+s3], $0x28, $0x38;
	[tilespmem:$0x1A680] =	vst v63  }
0x8a: {  	s1 =	sadd.s32 s30, s13  }
0x8b: {  	[tilespmem:s16], [sflag:$0x1] =	stream.linear.gather [hbm4b:s1+s3], $0x28, $0x38;
	[tilespmem:$0x1A680] =	vst v63  }
0x8c: {  	s4 =	sadd.s32 s30, s12  }
0x8d: {  	[tilespmem:s17], [sflag:$0x1] =	stream.linear.gather [hbm4b:s4+s3], $0x28, $0x38;
	[tilespmem:$0x1A680] =	vst v63  }
0x8e: {  	s6 =	sadd.s32 s30, s11  }
0x8f: {  	[tilespmem:s18], [sflag:$0x1] =	stream.linear.gather [hbm4b:s6+s3], $0x28, $0x38;
	[tilespmem:$0x1A680] =	vst v63  }
0x90: {  	s30 =	sadd.s32 s30, s10  }
0x91: {  	[tilespmem:s19], [sflag:$0x1] =	stream.linear.gather [hbm4b:s30+s3], $0x28, $0x38;
	[tilespmem:$0x1A680] =	vst v63  }
0x92: {  	_ = 	snop  }
0x93: {  	[tilespmem:s20], [sflag:$0x3] =	stream.linear.gather [hbm4b:s31+s3], $0x6400, $0x38;
	[tilespmem:$0x1A680] =	vst v63  }
0x94: {  	_ =	swait.ge [sflag:s15], $0x6400  }
0x95: {  	[sflag:s15] =	ssyncset.done $0x0  }
0x96: {  	[sflag:s15] =	ssyncadd.s32 $0xFFFF9C00  }
0x97: {  	_ =	swait.ge [sflag:s21], $0x28  }
0x98: {  	[sflag:s21] =	ssyncset.done $0x0  }
0x99: {  	[sflag:s21] =	ssyncadd.s32 $0xFFFFFFD8  }
0x9a: {  	_ =	swait.ge [sflag:s21], $0x28  }
0x9b: {  	[sflag:s21] =	ssyncset.done $0x0  }
0x9c: {  	[sflag:s21] =	ssyncadd.s32 $0xFFFFFFD8  }
0x9d: {  	_ =	swait.ge [sflag:s21], $0x28  }
0x9e: {  	[sflag:s21] =	ssyncset.done $0x0  }
0x9f: {  	[sflag:s21] =	ssyncadd.s32 $0xFFFFFFD8  }
0xa0: {  	_ =	swait.ge [sflag:s21], $0x28  }
0xa1: {  	[sflag:s21] =	ssyncset.done $0x0  }
0xa2: {  	[sflag:s21] =	ssyncadd.s32 $0xFFFFFFD8  }
0xa3: {  	_ =	swait.ge [sflag:s21], $0x28  }
0xa4: {  	[sflag:s21] =	ssyncset.done $0x0  }
0xa5: {  	[sflag:s21] =	ssyncadd.s32 $0xFFFFFFD8  }
0xa6: {  	[spmem:s2] =	stream.indirect.scatter.add.f32 [tilespmem:s20], [sflag:$0x2], $0x80, s3, s22, $0xb8;
	[tilespmem:$0x1A680] =	vst v63  }
0xa7: {  	_ = 	snop  }
0xa8: {  	[spmem:s2] =	stream.indirect.scatter.add.f32 [tilespmem:s23], [sflag:$0x2], $0x80, s16, s22, $0xb8;
	[tilespmem:$0x1A680] =	vst v63  }
0xa9: {  	_ = 	snop  }
0xaa: {  	[spmem:s2] =	stream.indirect.scatter.add.f32 [tilespmem:s24], [sflag:$0x2], $0x80, s17, s22, $0xb8;
	[tilespmem:$0x1A680] =	vst v63  }
0xab: {  	_ = 	snop  }
0xac: {  	[spmem:s2] =	stream.indirect.scatter.add.f32 [tilespmem:s25], [sflag:$0x2], $0x80, s18, s22, $0xb8;
	[tilespmem:$0x1A680] =	vst v63  }
0xad: {  	_ = 	snop  }
0xae: {  	[spmem:s2] =	stream.indirect.scatter.add.f32 [tilespmem:s26], [sflag:$0x2], $0x80, s19, s22, $0xb8;
	[tilespmem:$0x1A680] =	vst v63  }
0xaf: {  	_ =	swait.ge [sflag:s28], $0x1400  }
0xb0: {  	[sflag:s28] =	ssyncset.done $0x0  }
0xb1: {  	[sflag:s28] =	ssyncadd.s32 $0xFFFFEC00  }
0xb2: {  	_ =	swait.ge [sflag:s28], $0x1400  }
0xb3: {  	[sflag:s28] =	ssyncset.done $0x0  }
0xb4: {  	[sflag:s28] =	ssyncadd.s32 $0xFFFFEC00  }
0xb5: {  	_ =	swait.ge [sflag:s28], $0x1400  }
0xb6: {  	[sflag:s28] =	ssyncset.done $0x0  }
0xb7: {  	[sflag:s28] =	ssyncadd.s32 $0xFFFFEC00  }
0xb8: {  	_ =	swait.ge [sflag:s28], $0x1400  }
0xb9: {  	[sflag:s28] =	ssyncset.done $0x0  }
0xba: {  	[sflag:s28] =	ssyncadd.s32 $0xFFFFEC00  }
0xbb: {  	_ =	swait.ge [sflag:s28], $0x1400  }
0xbc: {  	[sflag:s28] =	ssyncset.done $0x0  }
0xbd: {  	s29 =	sadd.s32 $0x1, s29;
	[sflag:s28] =	ssyncadd.s32 $0xFFFFEC00  }
0xbe: {  	p0 =	sne.s32 s29, s7;
	[bflag:$0x0] =	sbarrier.arrive $0xFFFF  }
.Ltmp1:
0xbf: {  	s31 =	rddreg [dreg:$0x4];
	(pc) =	sbr.rel @p0 .LBB2_1-.Ltmp1, $4  }
0xc0: {  	[hbm:s31], [sflag:s5] =	dma.local [spmem:s14], $0x2800  }
0xc1: {  	_ =	swait.ge [sflag:s15], $0x2800  }
0xc2: {  	[sflag:s15] =	ssyncset.done $0x0  }
0xc3: {  	[sflag:s15] =	ssyncadd.s32 $0xFFFFD800  }
0xc4: {  	_ =	sfence.sel $0x180000  }
0xc5: {  	[bflag:$0x0] =	sbarrier.arrive $0xFFFF  }
0xc6: {  	_ =	strace $0x90000056  }
0xc7: {  	s0 =	stileid.u32;
	[bflag:$0x2] =	sbarrier.arrive $0xFFFF  }
0xc8: {  	p0 =	sne.s32 s0, $0x0;
	s0 =	rddreg [dreg:$0x2]  }
0xc9: {  	s0 =	sadd.s32 @!p0 $0x100000, s0  }
0xca: {  	[sflag:s0] =	ssyncadd.tile.s32 @!p0 $0x1;
	_ =	shalt  }
.Lfunc_end2:
_tile_overlayer_lowered:
.L_overlay_start_2:
0xcb: {  	(tag) =	ssettag $0x2  }
0xcc: {  	s0 =	rddreg [dreg:$0x0];
	s2 =	stileid.u32  }
0xcd: {  	s1 =	rddreg [dreg:$0x1];
	p0 =	sne.s32 s2, $0x0  }
0xce: {  	s3 =	rddreg [dreg:$0x2];
	[bflag:$0x3] =	sbarrier.arrive $0xFFFF;
	s2 =	simm.s32 @!p0 $0x1C03  }
0xcf: {  	[timem:s3], [sflag:s2] =	dma.local @!p0 [hbm:s0], s1  }
0xd0: {  	s0 =	simm.s32 @!p0 $0x3  }
0xd1: {  	_ =	swait.ge @!p0 [sflag:s0], s1  }
0xd2: {  	s1 =	ssub.s32 @!p0 $0x0, s1;
	[sflag:s0] =	ssyncset.done @!p0 $0x0  }
0xd3: {  	[sflag:s0] =	ssyncadd.s32 @!p0 s1  }
0xd4: {  	[bflag:$0x3] =	sbarrier.arrive $0xFFFF  }
0xd5: {  	_ =	shalt  }

</sc_bundles>
